<compile_context>
chip_gen: v7x
topology: tpu7x:2x2x1
jax: 0.10.2.dev20260603
libtpu: 0.0.44.dev20260713+nightly
codegen_flags: <defaults>
</compile_context>

<pallas_src>
import functools
import math

import jax
import jax.numpy as jnp
from jax import lax
from jax.experimental import pallas as pl
from jax.experimental.pallas import tpu as pltpu
from jax.experimental.pallas import tpu_sc as plsc

VOCAB = 100000
D = 64
MAX_LEN = 1024
LANES = 16
NC, NS = 2, 16
NW = NC * NS
ROWS = 1024 * 1024
ROWS_PER_W = ROWS // NW
CHUNK = 128
N_CHUNKS = ROWS_PER_W // CHUNK
IDX_HALF = N_CHUNKS // 2
ST = MAX_LEN // CHUNK
DT = D // 8


def _sin_pe(max_len, d_model):
    pos = jnp.arange(0, max_len, dtype=jnp.float32)[:, None]
    div = jnp.exp(jnp.arange(0, d_model, 2, dtype=jnp.float32)
                  * (-(math.log(10000.0) / d_model)))
    pe = jnp.zeros((max_len, d_model), dtype=jnp.float32)
    pe = pe.at[:, 0::2].set(jnp.sin(pos * div))
    pe = pe.at[:, 1::2].set(jnp.cos(pos * div))
    return pe


def _sc_body(table_hbm, ids_hbm, pe_hbm, out_hbm,
             idx_v, rows0, rows1, tb0, tb1, pet_v, gsem, osem):
    wid = lax.axis_index("s") * NC + lax.axis_index("c")
    c0 = wid * N_CHUNKS
    pltpu.sync_copy(ids_hbm.at[pl.ds(c0, IDX_HALF)], idx_v)
    pltpu.sync_copy(pe_hbm, pet_v)

    iot = lax.iota(jnp.int32, LANES)
    fd = [iot + (LANES * j4) for j4 in range(D // LANES)]

    def g_issue(c, buf):
        pltpu.async_copy(table_hbm.at[idx_v.at[lax.rem(c, IDX_HALF)]],
                         buf, gsem)

    def g_wait(buf):
        pltpu.make_async_copy(table_hbm.at[idx_v.at[0]], buf, gsem).wait()

    def s_issue(c, tb):
        g = c0 + c
        b, st = g // ST, lax.rem(g, ST)
        for dt in range(DT):
            pltpu.async_copy(tb.at[pl.ds(8 * dt, 8), pl.ds(0, CHUNK)],
                             out_hbm.at[b, dt, st], osem)

    def s_wait(tb):
        for dt in range(DT):
            pltpu.make_async_copy(tb.at[pl.ds(0, 8), pl.ds(0, CHUNK)],
                                  out_hbm.at[0, 0, 0], osem).wait()

    def trans_add(c, rows, tb):
        sb = lax.rem(c0 + c, ST) * CHUNK

        def sloop(sc, scv):
            for j4 in range(D // LANES):
                ds = pl.ds(LANES * j4, LANES)
                v = rows[sc, ds] + pet_v[sb + sc, ds]
                plsc.store_scatter(tb, [fd[j4], scv], v)
            return scv + 1

        lax.fori_loop(0, CHUNK, sloop, jnp.zeros((LANES,), jnp.int32),
                      unroll=4)

    g_issue(0, rows0)
    g_wait(rows0)
    g_issue(1, rows1)
    trans_add(0, rows0, tb0)
    s_issue(0, tb0)
    g_wait(rows1)
    g_issue(2, rows0)
    trans_add(1, rows1, tb1)
    s_issue(1, tb1)

    def body(C, carry):
        e = 2 * C
        g_wait(rows0)
        s_wait(tb0)
        g_issue(e + 1, rows1)
        trans_add(e, rows0, tb0)
        s_issue(e, tb0)
        g_wait(rows1)
        s_wait(tb1)

        @pl.when(C == IDX_HALF // 2 - 1)
        def _():
            pltpu.sync_copy(ids_hbm.at[pl.ds(c0 + IDX_HALF, IDX_HALF)],
                            idx_v)

        @pl.when(C < N_CHUNKS // 2 - 1)
        def _():
            g_issue(e + 2, rows0)

        trans_add(e + 1, rows1, tb1)
        s_issue(e + 1, tb1)
        return carry

    lax.fori_loop(1, N_CHUNKS // 2, body, 0)
    s_wait(tb0)
    s_wait(tb1)


@jax.jit
def _tpe_sc(ids_flat2d, table, pe_t):
    mesh = plsc.VectorSubcoreMesh(core_axis_name="c", subcore_axis_name="s")
    k = functools.partial(
        pl.kernel,
        out_type=jax.ShapeDtypeStruct((ROWS // MAX_LEN, DT, ST, 8, CHUNK),
                                      jnp.float32),
        mesh=mesh,
        scratch_types=[
            pltpu.VMEM((IDX_HALF, CHUNK), jnp.int32),
            pltpu.VMEM((CHUNK, D), jnp.float32),
            pltpu.VMEM((CHUNK, D), jnp.float32),
            pltpu.VMEM((D, CHUNK + 5), jnp.float32),
            pltpu.VMEM((D, CHUNK + 5), jnp.float32),
            pltpu.VMEM((MAX_LEN, D), jnp.float32),
            pltpu.SemaphoreType.DMA,
            pltpu.SemaphoreType.DMA,
        ],
        compiler_params=pltpu.CompilerParams(use_tc_tiling_on_sc=False,
                                             needs_layout_passes=False),
    )(_sc_body)
    return k(table, ids_flat2d, pe_t)


def kernel(input_ids, table):
    ids = input_ids.reshape(ROWS // CHUNK, CHUNK).astype(jnp.int32)
    pe = _sin_pe(MAX_LEN, D)
    out5 = _tpe_sc(ids, table, pe)
    return out5.transpose(0, 2, 4, 1, 3).reshape(ROWS // MAX_LEN, MAX_LEN, D)

# --- scband reference (transcript-rebuilt; emitter-appended) ---
"""Pipeline reference for scband-token-positional-embedding-58317065945298 (READ-ONLY COPY).

The authoritative reference and input builder live on the scoring server;
editing this copy changes nothing except your own understanding.
"""

import jax, jax.numpy as jnp
import numpy as np
import math

VOCAB = 100000
D_MODEL = 64
MAX_LEN = 1024
BATCH = 1024
SEQ_LEN = 1024


def _sinusoidal_pe(max_len, d_model):
    position = jnp.arange(0, max_len, dtype=jnp.float32)[:, None]
    div_term = jnp.exp(jnp.arange(0, d_model, 2, dtype=jnp.float32) * (-(math.log(10000.0) / d_model)))
    pe = jnp.zeros((max_len, d_model), dtype=jnp.float32)
    pe = pe.at[:, 0::2].set(jnp.sin(position * div_term))
    pe = pe.at[:, 1::2].set(jnp.cos(position * div_term))
    return pe[None, :, :]  # (1, max_len, d_model)


def setup_inputs(seed: int = 0) -> dict:
    key = jax.random.key(seed)
    k1, k2 = jax.random.split(key)
    input_ids = jax.random.randint(k1, (BATCH, SEQ_LEN), 0, VOCAB, dtype=jnp.int64 if jax.config.jax_enable_x64 else jnp.int32)
    table = 0.02 * jax.random.normal(k2, (VOCAB, D_MODEL), dtype=jnp.float32)
    return {"input_ids": input_ids, "table": table}


def reference(input_ids, table):
    # token embedding gather
    token_emb = jnp.take(table, input_ids, axis=0)  # (B, S, D)
    seq_len = input_ids.shape[1]
    pe = _sinusoidal_pe(MAX_LEN, D_MODEL)[:, :seq_len, :]
    embeddings = token_emb + pe
    # dropout p=0.0 (eval / identity)
    return embeddings

if __name__ == "__main__":
    import jax
    _d = setup_inputs()
    print(jax.jit(kernel)(*tuple(_d.values())))

</pallas_src>

<mosaic_0001>
#map = affine_map<(d0, d1) -> (0, 0)>
#map1 = affine_map<(d0, d1) -> (0, 0, 0, 0, 0)>
module attributes {stable_mosaic.version = 14 : i64} {
  func.func @_sc_body(%arg0: i32, %arg1: i32, %arg2: memref<100000x64xf32, #tpu.memory_space<hbm>>, %arg3: memref<8192x128xi32, #tpu.memory_space<hbm>>, %arg4: memref<1024x64xf32, #tpu.memory_space<hbm>>, %arg5: memref<1024x8x8x8x128xf32, #tpu.memory_space<hbm>>, %arg6: memref<128x128xi32, #tpu.memory_space<vmem>>, %arg7: memref<128x64xf32, #tpu.memory_space<vmem>>, %arg8: memref<128x64xf32, #tpu.memory_space<vmem>>, %arg9: memref<64x133xf32, #tpu.memory_space<vmem>>, %arg10: memref<64x133xf32, #tpu.memory_space<vmem>>, %arg11: memref<1024x64xf32, #tpu.memory_space<vmem>>, %arg12: memref<!tpu.dma_semaphore, #tpu.memory_space<semaphore_mem>>, %arg13: memref<!tpu.dma_semaphore, #tpu.memory_space<semaphore_mem>>) attributes {dimension_semantics = [#tpu.dimension_semantics<core_parallel>, #tpu.dimension_semantics<subcore_parallel>], iteration_bounds = array<i64: 2, 16>, scalar_prefetch = 0 : i64, scratch_operands = 8 : i64, tpu.core_type = #tpu.core_type<sc_vector_subcore>, window_params = [{transform_indices = #map}, {transform_indices = #map}, {transform_indices = #map}, {transform_indices = #map1}]} {
    %mul3A = arith.constant 2 : i32
    %mul3A_0 = arith.muli %arg1, %mul3A : i32
    %add3A = arith.addi %mul3A_0, %arg0 : i32
    %mul3A_1 = arith.constant 256 : i32
    %mul3A_2 = arith.muli %add3A, %mul3A_1 : i32
    "tpu.region"() ({
      %run_scoped3A = tpu.sem_alloc : memref<!tpu.dma_semaphore, #tpu.memory_space<semaphore_mem>>
      %dma_start3A_646 = arith.constant 0 : i32
      %dma_start3A_647 = tpu.memref_slice %arg3[%mul3A_2, %dma_start3A_646] : memref<8192x128xi32, #tpu.memory_space<hbm>> -> memref<128x128xi32, #tpu.memory_space<hbm>>
      %dma_start3A_648 = arith.constant 0 : i32
      %dma_start3A_649 = tpu.memref_slice %arg3[%mul3A_2, %dma_start3A_648] : memref<8192x128xi32, #tpu.memory_space<hbm>> -> memref<128x128xi32, #tpu.memory_space<hbm>>
      tpu.enqueue_dma source(%dma_start3A_649 : memref<128x128xi32, #tpu.memory_space<hbm>>) target(%arg6 : memref<128x128xi32, #tpu.memory_space<vmem>>) target_semaphore(%run_scoped3A : memref<!tpu.dma_semaphore, #tpu.memory_space<semaphore_mem>>)
      %dma_wait3A_650 = arith.constant 0 : i32
      %dma_wait3A_651 = tpu.memref_slice %arg3[%mul3A_2, %dma_wait3A_650] : memref<8192x128xi32, #tpu.memory_space<hbm>> -> memref<128x128xi32, #tpu.memory_space<hbm>>
      %dma_wait3A_652 = arith.constant 0 : i32
      %dma_wait3A_653 = tpu.memref_slice %arg3[%mul3A_2, %dma_wait3A_652] : memref<8192x128xi32, #tpu.memory_space<hbm>> -> memref<128x128xi32, #tpu.memory_space<hbm>>
      tpu.wait_dma2 semaphore(%run_scoped3A : memref<!tpu.dma_semaphore, #tpu.memory_space<semaphore_mem>>) src(%dma_wait3A_653 : memref<128x128xi32, #tpu.memory_space<hbm>>) dst(%arg6 : memref<128x128xi32, #tpu.memory_space<vmem>>)
      tpu.yield
    }) : () -> ()
    "tpu.region"() ({
      %run_scoped3A = tpu.sem_alloc : memref<!tpu.dma_semaphore, #tpu.memory_space<semaphore_mem>>
      tpu.enqueue_dma source(%arg4 : memref<1024x64xf32, #tpu.memory_space<hbm>>) target(%arg11 : memref<1024x64xf32, #tpu.memory_space<vmem>>) target_semaphore(%run_scoped3A : memref<!tpu.dma_semaphore, #tpu.memory_space<semaphore_mem>>)
      tpu.wait_dma2 semaphore(%run_scoped3A : memref<!tpu.dma_semaphore, #tpu.memory_space<semaphore_mem>>) src(%arg4 : memref<1024x64xf32, #tpu.memory_space<hbm>>) dst(%arg11 : memref<1024x64xf32, #tpu.memory_space<vmem>>)
      tpu.yield
    }) : () -> ()
    %iota3A = tpu.iota {dimensions = array<i32: 0>} : vector<16xi32>
    %add3A_3 = arith.constant 0 : i32
    %add3A_4 = vector.broadcast %add3A_3 : i32 to vector<16xi32>
    %add3A_5 = arith.addi %iota3A, %add3A_4 : vector<16xi32>
    %add3A_6 = arith.constant 16 : i32
    %add3A_7 = vector.broadcast %add3A_6 : i32 to vector<16xi32>
    %add3A_8 = arith.addi %iota3A, %add3A_7 : vector<16xi32>
    %add3A_9 = arith.constant 32 : i32
    %add3A_10 = vector.broadcast %add3A_9 : i32 to vector<16xi32>
    %add3A_11 = arith.addi %iota3A, %add3A_10 : vector<16xi32>
    %add3A_12 = arith.constant 48 : i32
    %add3A_13 = vector.broadcast %add3A_12 : i32 to vector<16xi32>
    %add3A_14 = arith.addi %iota3A, %add3A_13 : vector<16xi32>
    %rem3A = arith.constant 0 : i32
    %rem3A_15 = arith.constant 128 : i32
    %rem3A_16 = arith.remsi %rem3A, %rem3A_15 : i32
    %dma_start3A = arith.constant 0 : i32
    %dma_start3A_17 = tpu.memref_slice %arg6[%rem3A_16, %dma_start3A] : memref<128x128xi32, #tpu.memory_space<vmem>> -> memref<1x128xi32, #tpu.memory_space<vmem>>
    %dma_start3A_18 = tpu.memref_squeeze %dma_start3A_17 : memref<1x128xi32, #tpu.memory_space<vmem>> -> memref<128xi32, #tpu.memory_space<vmem>>
    %dma_start3A_19 = arith.constant 0 : i32
    %dma_start3A_20 = arith.constant 0 : i32
    %dma_start3A_21 = tpu.memref_slice %arg2[%dma_start3A_19, %dma_start3A_20] : memref<100000x64xf32, #tpu.memory_space<hbm>> -> memref<100000x64xf32, #tpu.memory_space<hbm>>
    tpu.enqueue_indirect_dma source(%dma_start3A_21 : memref<100000x64xf32, #tpu.memory_space<hbm>>) target(%arg7 : memref<128x64xf32, #tpu.memory_space<vmem>>) offsets(%dma_start3A_18 : memref<128xi32, #tpu.memory_space<vmem>>) semaphore(%arg12 : memref<!tpu.dma_semaphore, #tpu.memory_space<semaphore_mem>>)
    %dma_wait3A = arith.constant 0 : i32
    %dma_wait3A_22 = arith.constant 0 : i32
    %dma_wait3A_23 = tpu.memref_slice %arg6[%dma_wait3A, %dma_wait3A_22] : memref<128x128xi32, #tpu.memory_space<vmem>> -> memref<1x128xi32, #tpu.memory_space<vmem>>
    %dma_wait3A_24 = tpu.memref_squeeze %dma_wait3A_23 : memref<1x128xi32, #tpu.memory_space<vmem>> -> memref<128xi32, #tpu.memory_space<vmem>>
    %dma_wait3A_25 = arith.constant 0 : i32
    %dma_wait3A_26 = arith.constant 0 : i32
    %dma_wait3A_27 = tpu.memref_slice %arg2[%dma_wait3A_25, %dma_wait3A_26] : memref<100000x64xf32, #tpu.memory_space<hbm>> -> memref<100000x64xf32, #tpu.memory_space<hbm>>
    tpu.wait_indirect_dma semaphore(%arg12 : memref<!tpu.dma_semaphore, #tpu.memory_space<semaphore_mem>>) src(%dma_wait3A_27 : memref<100000x64xf32, #tpu.memory_space<hbm>>) dst(%arg7 : memref<128x64xf32, #tpu.memory_space<vmem>>)
    %rem3A_28 = arith.constant 1 : i32
    %rem3A_29 = arith.constant 128 : i32
    %rem3A_30 = arith.remsi %rem3A_28, %rem3A_29 : i32
    %dma_start3A_31 = arith.constant 0 : i32
    %dma_start3A_32 = tpu.memref_slice %arg6[%rem3A_30, %dma_start3A_31] : memref<128x128xi32, #tpu.memory_space<vmem>> -> memref<1x128xi32, #tpu.memory_space<vmem>>
    %dma_start3A_33 = tpu.memref_squeeze %dma_start3A_32 : memref<1x128xi32, #tpu.memory_space<vmem>> -> memref<128xi32, #tpu.memory_space<vmem>>
    %dma_start3A_34 = arith.constant 0 : i32
    %dma_start3A_35 = arith.constant 0 : i32
    %dma_start3A_36 = tpu.memref_slice %arg2[%dma_start3A_34, %dma_start3A_35] : memref<100000x64xf32, #tpu.memory_space<hbm>> -> memref<100000x64xf32, #tpu.memory_space<hbm>>
    tpu.enqueue_indirect_dma source(%dma_start3A_36 : memref<100000x64xf32, #tpu.memory_space<hbm>>) target(%arg8 : memref<128x64xf32, #tpu.memory_space<vmem>>) offsets(%dma_start3A_33 : memref<128xi32, #tpu.memory_space<vmem>>) semaphore(%arg12 : memref<!tpu.dma_semaphore, #tpu.memory_space<semaphore_mem>>)
    %add3A_37 = arith.constant 0 : i32
    %add3A_38 = arith.addi %mul3A_2, %add3A_37 : i32
    %rem3A_39 = arith.constant 8 : i32
    %rem3A_40 = arith.remsi %add3A_38, %rem3A_39 : i32
    %mul3A_41 = arith.constant 128 : i32
    %mul3A_42 = arith.muli %rem3A_40, %mul3A_41 : i32
    %broadcast_in_dim3A = arith.constant 0 : i32
    %broadcast_in_dim3A_43 = vector.broadcast %broadcast_in_dim3A : i32 to vector<16xi32>
    %scan3A = arith.constant 0 : i32
    %scan3A_44 = arith.constant 128 : i32
    %scan3A_45 = arith.addi %scan3A, %scan3A_44 : i32
    %scan3A_46 = arith.constant 4 : i32
    %scan3A_47 = scf.for %scan3A_646 = %scan3A to %scan3A_45 step %scan3A_46 iter_args(%scan3A_647 = %broadcast_in_dim3A_43) -> (vector<16xi32>)  : i32 {
      %get3A = arith.index_cast %scan3A_646 : i32 to index
      %get3A_648 = arith.constant 0 : index
      %get3A_649 = tpu.vector_load %arg7[%get3A, %get3A_648] {strides = array<i32>} : memref<128x64xf32, #tpu.memory_space<vmem>>, vector<16xf32>,
      %add3A_650 = arith.addi %mul3A_42, %scan3A_646 : i32
      %get3A_651 = arith.index_cast %add3A_650 : i32 to index
      %get3A_652 = arith.constant 0 : index
      %get3A_653 = tpu.vector_load %arg11[%get3A_651, %get3A_652] {strides = array<i32>} : memref<1024x64xf32, #tpu.memory_space<vmem>>, vector<16xf32>,
      %add3A_654 = arith.addf %get3A_649, %get3A_653 : vector<16xf32>
      tpu.vector_store_idx %arg9[%add3A_5, %scan3A_647], %add3A_654 : memref<64x133xf32, #tpu.memory_space<vmem>>[vector<16xi32>, vector<16xi32>], vector<16xf32>,
      %get3A_655 = arith.index_cast %scan3A_646 : i32 to index
      %get3A_656 = arith.constant 16 : index
      %get3A_657 = tpu.vector_load %arg7[%get3A_655, %get3A_656] {strides = array<i32>} : memref<128x64xf32, #tpu.memory_space<vmem>>, vector<16xf32>,
      %add3A_658 = arith.addi %mul3A_42, %scan3A_646 : i32
      %get3A_659 = arith.index_cast %add3A_658 : i32 to index
      %get3A_660 = arith.constant 16 : index
      %get3A_661 = tpu.vector_load %arg11[%get3A_659, %get3A_660] {strides = array<i32>} : memref<1024x64xf32, #tpu.memory_space<vmem>>, vector<16xf32>,
      %add3A_662 = arith.addf %get3A_657, %get3A_661 : vector<16xf32>
      tpu.vector_store_idx %arg9[%add3A_8, %scan3A_647], %add3A_662 : memref<64x133xf32, #tpu.memory_space<vmem>>[vector<16xi32>, vector<16xi32>], vector<16xf32>,
      %get3A_663 = arith.index_cast %scan3A_646 : i32 to index
      %get3A_664 = arith.constant 32 : index
      %get3A_665 = tpu.vector_load %arg7[%get3A_663, %get3A_664] {strides = array<i32>} : memref<128x64xf32, #tpu.memory_space<vmem>>, vector<16xf32>,
      %add3A_666 = arith.addi %mul3A_42, %scan3A_646 : i32
      %get3A_667 = arith.index_cast %add3A_666 : i32 to index
      %get3A_668 = arith.constant 32 : index
      %get3A_669 = tpu.vector_load %arg11[%get3A_667, %get3A_668] {strides = array<i32>} : memref<1024x64xf32, #tpu.memory_space<vmem>>, vector<16xf32>,
      %add3A_670 = arith.addf %get3A_665, %get3A_669 : vector<16xf32>
      tpu.vector_store_idx %arg9[%add3A_11, %scan3A_647], %add3A_670 : memref<64x133xf32, #tpu.memory_space<vmem>>[vector<16xi32>, vector<16xi32>], vector<16xf32>,
      %get3A_671 = arith.index_cast %scan3A_646 : i32 to index
      %get3A_672 = arith.constant 48 : index
      %get3A_673 = tpu.vector_load %arg7[%get3A_671, %get3A_672] {strides = array<i32>} : memref<128x64xf32, #tpu.memory_space<vmem>>, vector<16xf32>,
      %add3A_674 = arith.addi %mul3A_42, %scan3A_646 : i32
      %get3A_675 = arith.index_cast %add3A_674 : i32 to index
      %get3A_676 = arith.constant 48 : index
      %get3A_677 = tpu.vector_load %arg11[%get3A_675, %get3A_676] {strides = array<i32>} : memref<1024x64xf32, #tpu.memory_space<vmem>>, vector<16xf32>,
      %add3A_678 = arith.addf %get3A_673, %get3A_677 : vector<16xf32>
      tpu.vector_store_idx %arg9[%add3A_14, %scan3A_647], %add3A_678 : memref<64x133xf32, #tpu.memory_space<vmem>>[vector<16xi32>, vector<16xi32>], vector<16xf32>,
      %add3A_679 = arith.constant 1 : i32
      %add3A_680 = vector.broadcast %add3A_679 : i32 to vector<16xi32>
      %add3A_681 = arith.addi %scan3A_647, %add3A_680 : vector<16xi32>
      %scan3A_682 = arith.constant 1 : i32
      %scan3A_683 = arith.addi %scan3A_646, %scan3A_682 : i32
      %get3A_684 = arith.index_cast %scan3A_683 : i32 to index
      %get3A_685 = arith.constant 0 : index
      %get3A_686 = tpu.vector_load %arg7[%get3A_684, %get3A_685] {strides = array<i32>} : memref<128x64xf32, #tpu.memory_space<vmem>>, vector<16xf32>,
      %add3A_687 = arith.addi %mul3A_42, %scan3A_683 : i32
      %get3A_688 = arith.index_cast %add3A_687 : i32 to index
      %get3A_689 = arith.constant 0 : index
      %get3A_690 = tpu.vector_load %arg11[%get3A_688, %get3A_689] {strides = array<i32>} : memref<1024x64xf32, #tpu.memory_space<vmem>>, vector<16xf32>,
      %add3A_691 = arith.addf %get3A_686, %get3A_690 : vector<16xf32>
      tpu.vector_store_idx %arg9[%add3A_5, %add3A_681], %add3A_691 : memref<64x133xf32, #tpu.memory_space<vmem>>[vector<16xi32>, vector<16xi32>], vector<16xf32>,
      %get3A_692 = arith.index_cast %scan3A_683 : i32 to index
      %get3A_693 = arith.constant 16 : index
      %get3A_694 = tpu.vector_load %arg7[%get3A_692, %get3A_693] {strides = array<i32>} : memref<128x64xf32, #tpu.memory_space<vmem>>, vector<16xf32>,
      %add3A_695 = arith.addi %mul3A_42, %scan3A_683 : i32
      %get3A_696 = arith.index_cast %add3A_695 : i32 to index
      %get3A_697 = arith.constant 16 : index
      %get3A_698 = tpu.vector_load %arg11[%get3A_696, %get3A_697] {strides = array<i32>} : memref<1024x64xf32, #tpu.memory_space<vmem>>, vector<16xf32>,
      %add3A_699 = arith.addf %get3A_694, %get3A_698 : vector<16xf32>
      tpu.vector_store_idx %arg9[%add3A_8, %add3A_681], %add3A_699 : memref<64x133xf32, #tpu.memory_space<vmem>>[vector<16xi32>, vector<16xi32>], vector<16xf32>,
      %get3A_700 = arith.index_cast %scan3A_683 : i32 to index
      %get3A_701 = arith.constant 32 : index
      %get3A_702 = tpu.vector_load %arg7[%get3A_700, %get3A_701] {strides = array<i32>} : memref<128x64xf32, #tpu.memory_space<vmem>>, vector<16xf32>,
      %add3A_703 = arith.addi %mul3A_42, %scan3A_683 : i32
      %get3A_704 = arith.index_cast %add3A_703 : i32 to index
      %get3A_705 = arith.constant 32 : index
      %get3A_706 = tpu.vector_load %arg11[%get3A_704, %get3A_705] {strides = array<i32>} : memref<1024x64xf32, #tpu.memory_space<vmem>>, vector<16xf32>,
      %add3A_707 = arith.addf %get3A_702, %get3A_706 : vector<16xf32>
      tpu.vector_store_idx %arg9[%add3A_11, %add3A_681], %add3A_707 : memref<64x133xf32, #tpu.memory_space<vmem>>[vector<16xi32>, vector<16xi32>], vector<16xf32>,
      %get3A_708 = arith.index_cast %scan3A_683 : i32 to index
      %get3A_709 = arith.constant 48 : index
      %get3A_710 = tpu.vector_load %arg7[%get3A_708, %get3A_709] {strides = array<i32>} : memref<128x64xf32, #tpu.memory_space<vmem>>, vector<16xf32>,
      %add3A_711 = arith.addi %mul3A_42, %scan3A_683 : i32
      %get3A_712 = arith.index_cast %add3A_711 : i32 to index
      %get3A_713 = arith.constant 48 : index
      %get3A_714 = tpu.vector_load %arg11[%get3A_712, %get3A_713] {strides = array<i32>} : memref<1024x64xf32, #tpu.memory_space<vmem>>, vector<16xf32>,
      %add3A_715 = arith.addf %get3A_710, %get3A_714 : vector<16xf32>
      tpu.vector_store_idx %arg9[%add3A_14, %add3A_681], %add3A_715 : memref<64x133xf32, #tpu.memory_space<vmem>>[vector<16xi32>, vector<16xi32>], vector<16xf32>,
      %add3A_716 = arith.constant 1 : i32
      %add3A_717 = vector.broadcast %add3A_716 : i32 to vector<16xi32>
      %add3A_718 = arith.addi %add3A_681, %add3A_717 : vector<16xi32>
      %scan3A_719 = arith.constant 2 : i32
      %scan3A_720 = arith.addi %scan3A_646, %scan3A_719 : i32
      %get3A_721 = arith.index_cast %scan3A_720 : i32 to index
      %get3A_722 = arith.constant 0 : index
      %get3A_723 = tpu.vector_load %arg7[%get3A_721, %get3A_722] {strides = array<i32>} : memref<128x64xf32, #tpu.memory_space<vmem>>, vector<16xf32>,
      %add3A_724 = arith.addi %mul3A_42, %scan3A_720 : i32
      %get3A_725 = arith.index_cast %add3A_724 : i32 to index
      %get3A_726 = arith.constant 0 : index
      %get3A_727 = tpu.vector_load %arg11[%get3A_725, %get3A_726] {strides = array<i32>} : memref<1024x64xf32, #tpu.memory_space<vmem>>, vector<16xf32>,
      %add3A_728 = arith.addf %get3A_723, %get3A_727 : vector<16xf32>
      tpu.vector_store_idx %arg9[%add3A_5, %add3A_718], %add3A_728 : memref<64x133xf32, #tpu.memory_space<vmem>>[vector<16xi32>, vector<16xi32>], vector<16xf32>,
      %get3A_729 = arith.index_cast %scan3A_720 : i32 to index
      %get3A_730 = arith.constant 16 : index
      %get3A_731 = tpu.vector_load %arg7[%get3A_729, %get3A_730] {strides = array<i32>} : memref<128x64xf32, #tpu.memory_space<vmem>>, vector<16xf32>,
      %add3A_732 = arith.addi %mul3A_42, %scan3A_720 : i32
      %get3A_733 = arith.index_cast %add3A_732 : i32 to index
      %get3A_734 = arith.constant 16 : index
      %get3A_735 = tpu.vector_load %arg11[%get3A_733, %get3A_734] {strides = array<i32>} : memref<1024x64xf32, #tpu.memory_space<vmem>>, vector<16xf32>,
      %add3A_736 = arith.addf %get3A_731, %get3A_735 : vector<16xf32>
      tpu.vector_store_idx %arg9[%add3A_8, %add3A_718], %add3A_736 : memref<64x133xf32, #tpu.memory_space<vmem>>[vector<16xi32>, vector<16xi32>], vector<16xf32>,
      %get3A_737 = arith.index_cast %scan3A_720 : i32 to index
      %get3A_738 = arith.constant 32 : index
      %get3A_739 = tpu.vector_load %arg7[%get3A_737, %get3A_738] {strides = array<i32>} : memref<128x64xf32, #tpu.memory_space<vmem>>, vector<16xf32>,
      %add3A_740 = arith.addi %mul3A_42, %scan3A_720 : i32
      %get3A_741 = arith.index_cast %add3A_740 : i32 to index
      %get3A_742 = arith.constant 32 : index
      %get3A_743 = tpu.vector_load %arg11[%get3A_741, %get3A_742] {strides = array<i32>} : memref<1024x64xf32, #tpu.memory_space<vmem>>, vector<16xf32>,
      %add3A_744 = arith.addf %get3A_739, %get3A_743 : vector<16xf32>
      tpu.vector_store_idx %arg9[%add3A_11, %add3A_718], %add3A_744 : memref<64x133xf32, #tpu.memory_space<vmem>>[vector<16xi32>, vector<16xi32>], vector<16xf32>,
      %get3A_745 = arith.index_cast %scan3A_720 : i32 to index
      %get3A_746 = arith.constant 48 : index
      %get3A_747 = tpu.vector_load %arg7[%get3A_745, %get3A_746] {strides = array<i32>} : memref<128x64xf32, #tpu.memory_space<vmem>>, vector<16xf32>,
      %add3A_748 = arith.addi %mul3A_42, %scan3A_720 : i32
      %get3A_749 = arith.index_cast %add3A_748 : i32 to index
      %get3A_750 = arith.constant 48 : index
      %get3A_751 = tpu.vector_load %arg11[%get3A_749, %get3A_750] {strides = array<i32>} : memref<1024x64xf32, #tpu.memory_space<vmem>>, vector<16xf32>,
      %add3A_752 = arith.addf %get3A_747, %get3A_751 : vector<16xf32>
      tpu.vector_store_idx %arg9[%add3A_14, %add3A_718], %add3A_752 : memref<64x133xf32, #tpu.memory_space<vmem>>[vector<16xi32>, vector<16xi32>], vector<16xf32>,
      %add3A_753 = arith.constant 1 : i32
      %add3A_754 = vector.broadcast %add3A_753 : i32 to vector<16xi32>
      %add3A_755 = arith.addi %add3A_718, %add3A_754 : vector<16xi32>
      %scan3A_756 = arith.constant 3 : i32
      %scan3A_757 = arith.addi %scan3A_646, %scan3A_756 : i32
      %get3A_758 = arith.index_cast %scan3A_757 : i32 to index
      %get3A_759 = arith.constant 0 : index
      %get3A_760 = tpu.vector_load %arg7[%get3A_758, %get3A_759] {strides = array<i32>} : memref<128x64xf32, #tpu.memory_space<vmem>>, vector<16xf32>,
      %add3A_761 = arith.addi %mul3A_42, %scan3A_757 : i32
      %get3A_762 = arith.index_cast %add3A_761 : i32 to index
      %get3A_763 = arith.constant 0 : index
      %get3A_764 = tpu.vector_load %arg11[%get3A_762, %get3A_763] {strides = array<i32>} : memref<1024x64xf32, #tpu.memory_space<vmem>>, vector<16xf32>,
      %add3A_765 = arith.addf %get3A_760, %get3A_764 : vector<16xf32>
      tpu.vector_store_idx %arg9[%add3A_5, %add3A_755], %add3A_765 : memref<64x133xf32, #tpu.memory_space<vmem>>[vector<16xi32>, vector<16xi32>], vector<16xf32>,
      %get3A_766 = arith.index_cast %scan3A_757 : i32 to index
      %get3A_767 = arith.constant 16 : index
      %get3A_768 = tpu.vector_load %arg7[%get3A_766, %get3A_767] {strides = array<i32>} : memref<128x64xf32, #tpu.memory_space<vmem>>, vector<16xf32>,
      %add3A_769 = arith.addi %mul3A_42, %scan3A_757 : i32
      %get3A_770 = arith.index_cast %add3A_769 : i32 to index
      %get3A_771 = arith.constant 16 : index
      %get3A_772 = tpu.vector_load %arg11[%get3A_770, %get3A_771] {strides = array<i32>} : memref<1024x64xf32, #tpu.memory_space<vmem>>, vector<16xf32>,
      %add3A_773 = arith.addf %get3A_768, %get3A_772 : vector<16xf32>
      tpu.vector_store_idx %arg9[%add3A_8, %add3A_755], %add3A_773 : memref<64x133xf32, #tpu.memory_space<vmem>>[vector<16xi32>, vector<16xi32>], vector<16xf32>,
      %get3A_774 = arith.index_cast %scan3A_757 : i32 to index
      %get3A_775 = arith.constant 32 : index
      %get3A_776 = tpu.vector_load %arg7[%get3A_774, %get3A_775] {strides = array<i32>} : memref<128x64xf32, #tpu.memory_space<vmem>>, vector<16xf32>,
      %add3A_777 = arith.addi %mul3A_42, %scan3A_757 : i32
      %get3A_778 = arith.index_cast %add3A_777 : i32 to index
      %get3A_779 = arith.constant 32 : index
      %get3A_780 = tpu.vector_load %arg11[%get3A_778, %get3A_779] {strides = array<i32>} : memref<1024x64xf32, #tpu.memory_space<vmem>>, vector<16xf32>,
      %add3A_781 = arith.addf %get3A_776, %get3A_780 : vector<16xf32>
      tpu.vector_store_idx %arg9[%add3A_11, %add3A_755], %add3A_781 : memref<64x133xf32, #tpu.memory_space<vmem>>[vector<16xi32>, vector<16xi32>], vector<16xf32>,
      %get3A_782 = arith.index_cast %scan3A_757 : i32 to index
      %get3A_783 = arith.constant 48 : index
      %get3A_784 = tpu.vector_load %arg7[%get3A_782, %get3A_783] {strides = array<i32>} : memref<128x64xf32, #tpu.memory_space<vmem>>, vector<16xf32>,
      %add3A_785 = arith.addi %mul3A_42, %scan3A_757 : i32
      %get3A_786 = arith.index_cast %add3A_785 : i32 to index
      %get3A_787 = arith.constant 48 : index
      %get3A_788 = tpu.vector_load %arg11[%get3A_786, %get3A_787] {strides = array<i32>} : memref<1024x64xf32, #tpu.memory_space<vmem>>, vector<16xf32>,
      %add3A_789 = arith.addf %get3A_784, %get3A_788 : vector<16xf32>
      tpu.vector_store_idx %arg9[%add3A_14, %add3A_755], %add3A_789 : memref<64x133xf32, #tpu.memory_space<vmem>>[vector<16xi32>, vector<16xi32>], vector<16xf32>,
      %add3A_790 = arith.constant 1 : i32
      %add3A_791 = vector.broadcast %add3A_790 : i32 to vector<16xi32>
      %add3A_792 = arith.addi %add3A_755, %add3A_791 : vector<16xi32>
      scf.yield %add3A_792 : vector<16xi32>
    }
    %scan3A_48 = arith.constant 128 : i32
    %add3A_49 = arith.constant 0 : i32
    %add3A_50 = arith.addi %mul3A_2, %add3A_49 : i32
    %jit3A = arith.constant 8 : i32
    %div3A = arith.divsi %add3A_50, %jit3A : i32
    %sign3A = arith.constant 0 : i32
    %sign3A_51 = arith.cmpi sgt, %add3A_50, %sign3A : i32
    %sign3A_52 = arith.extui %sign3A_51 : i1 to i32
    %sign3A_53 = arith.constant 0 : i32
    %sign3A_54 = arith.cmpi slt, %add3A_50, %sign3A_53 : i32
    %sign3A_55 = arith.extui %sign3A_54 : i1 to i32
    %sign3A_56 = arith.subi %sign3A_52, %sign3A_55 : i32
    %sign3A_57 = arith.constant 0 : i32
    %sign3A_58 = arith.cmpi sgt, %jit3A, %sign3A_57 : i32
    %sign3A_59 = arith.extui %sign3A_58 : i1 to i32
    %sign3A_60 = arith.constant 0 : i32
    %sign3A_61 = arith.cmpi slt, %jit3A, %sign3A_60 : i32
    %sign3A_62 = arith.extui %sign3A_61 : i1 to i32
    %sign3A_63 = arith.subi %sign3A_59, %sign3A_62 : i32
    %ne3A = arith.cmpi ne, %sign3A_56, %sign3A_63 : i32
    %rem3A_64 = arith.remsi %add3A_50, %jit3A : i32
    %ne3A_65 = arith.constant 0 : i32
    %ne3A_66 = arith.cmpi ne, %rem3A_64, %ne3A_65 : i32
    %and3A = arith.andi %ne3A, %ne3A_66 : i1
    %sub3A = arith.constant 1 : i32
    %sub3A_67 = arith.subi %div3A, %sub3A : i32
    %select_n3A = arith.select %and3A, %sub3A_67, %div3A : i32
    %rem3A_68 = arith.constant 8 : i32
    %rem3A_69 = arith.remsi %add3A_50, %rem3A_68 : i32
    %dma_start3A_70 = arith.constant 0 : i32
    %dma_start3A_71 = arith.constant 0 : i32
    %dma_start3A_72 = arith.constant 0 : i32
    %dma_start3A_73 = tpu.memref_slice %arg9[%dma_start3A_71, %dma_start3A_72] : memref<64x133xf32, #tpu.memory_space<vmem>> -> memref<8x128xf32, #tpu.memory_space<vmem>>
    %dma_start3A_74 = arith.constant 0 : i32
    %dma_start3A_75 = arith.constant 0 : i32
    %dma_start3A_76 = tpu.memref_slice %arg5[%select_n3A, %dma_start3A_70, %rem3A_69, %dma_start3A_74, %dma_start3A_75] : memref<1024x8x8x8x128xf32, #tpu.memory_space<hbm>> -> memref<1x1x1x8x128xf32, #tpu.memory_space<hbm>>
    %dma_start3A_77 = tpu.memref_squeeze %dma_start3A_76 : memref<1x1x1x8x128xf32, #tpu.memory_space<hbm>> -> memref<8x128xf32, #tpu.memory_space<hbm>>
    %dma_start3A_78 = arith.constant 0 : i32
    %dma_start3A_79 = arith.constant 0 : i32
    %dma_start3A_80 = tpu.memref_slice %arg5[%select_n3A, %dma_start3A_70, %rem3A_69, %dma_start3A_78, %dma_start3A_79] : memref<1024x8x8x8x128xf32, #tpu.memory_space<hbm>> -> memref<1x1x1x8x128xf32, #tpu.memory_space<hbm>>
    %dma_start3A_81 = tpu.memref_squeeze %dma_start3A_80 : memref<1x1x1x8x128xf32, #tpu.memory_space<hbm>> -> memref<8x128xf32, #tpu.memory_space<hbm>>
    %dma_start3A_82 = arith.constant 0 : i32
    %dma_start3A_83 = arith.constant 0 : i32
    %dma_start3A_84 = tpu.memref_slice %arg9[%dma_start3A_82, %dma_start3A_83] : memref<64x133xf32, #tpu.memory_space<vmem>> -> memref<8x128xf32, #tpu.memory_space<vmem>>
    tpu.enqueue_dma source(%dma_start3A_84 : memref<8x128xf32, #tpu.memory_space<vmem>>) target(%dma_start3A_81 : memref<8x128xf32, #tpu.memory_space<hbm>>) target_semaphore(%arg13 : memref<!tpu.dma_semaphore, #tpu.memory_space<semaphore_mem>>)
    %dma_start3A_85 = arith.constant 1 : i32
    %dma_start3A_86 = arith.constant 8 : i32
    %dma_start3A_87 = arith.constant 0 : i32
    %dma_start3A_88 = tpu.memref_slice %arg9[%dma_start3A_86, %dma_start3A_87] : memref<64x133xf32, #tpu.memory_space<vmem>> -> memref<8x128xf32, #tpu.memory_space<vmem>>
    %dma_start3A_89 = arith.constant 0 : i32
    %dma_start3A_90 = arith.constant 0 : i32
    %dma_start3A_91 = tpu.memref_slice %arg5[%select_n3A, %dma_start3A_85, %rem3A_69, %dma_start3A_89, %dma_start3A_90] : memref<1024x8x8x8x128xf32, #tpu.memory_space<hbm>> -> memref<1x1x1x8x128xf32, #tpu.memory_space<hbm>>
    %dma_start3A_92 = tpu.memref_squeeze %dma_start3A_91 : memref<1x1x1x8x128xf32, #tpu.memory_space<hbm>> -> memref<8x128xf32, #tpu.memory_space<hbm>>
    %dma_start3A_93 = arith.constant 0 : i32
    %dma_start3A_94 = arith.constant 0 : i32
    %dma_start3A_95 = tpu.memref_slice %arg5[%select_n3A, %dma_start3A_85, %rem3A_69, %dma_start3A_93, %dma_start3A_94] : memref<1024x8x8x8x128xf32, #tpu.memory_space<hbm>> -> memref<1x1x1x8x128xf32, #tpu.memory_space<hbm>>
    %dma_start3A_96 = tpu.memref_squeeze %dma_start3A_95 : memref<1x1x1x8x128xf32, #tpu.memory_space<hbm>> -> memref<8x128xf32, #tpu.memory_space<hbm>>
    %dma_start3A_97 = arith.constant 8 : i32
    %dma_start3A_98 = arith.constant 0 : i32
    %dma_start3A_99 = tpu.memref_slice %arg9[%dma_start3A_97, %dma_start3A_98] : memref<64x133xf32, #tpu.memory_space<vmem>> -> memref<8x128xf32, #tpu.memory_space<vmem>>
    tpu.enqueue_dma source(%dma_start3A_99 : memref<8x128xf32, #tpu.memory_space<vmem>>) target(%dma_start3A_96 : memref<8x128xf32, #tpu.memory_space<hbm>>) target_semaphore(%arg13 : memref<!tpu.dma_semaphore, #tpu.memory_space<semaphore_mem>>)
    %dma_start3A_100 = arith.constant 2 : i32
    %dma_start3A_101 = arith.constant 16 : i32
    %dma_start3A_102 = arith.constant 0 : i32
    %dma_start3A_103 = tpu.memref_slice %arg9[%dma_start3A_101, %dma_start3A_102] : memref<64x133xf32, #tpu.memory_space<vmem>> -> memref<8x128xf32, #tpu.memory_space<vmem>>
    %dma_start3A_104 = arith.constant 0 : i32
    %dma_start3A_105 = arith.constant 0 : i32
    %dma_start3A_106 = tpu.memref_slice %arg5[%select_n3A, %dma_start3A_100, %rem3A_69, %dma_start3A_104, %dma_start3A_105] : memref<1024x8x8x8x128xf32, #tpu.memory_space<hbm>> -> memref<1x1x1x8x128xf32, #tpu.memory_space<hbm>>
    %dma_start3A_107 = tpu.memref_squeeze %dma_start3A_106 : memref<1x1x1x8x128xf32, #tpu.memory_space<hbm>> -> memref<8x128xf32, #tpu.memory_space<hbm>>
    %dma_start3A_108 = arith.constant 0 : i32
    %dma_start3A_109 = arith.constant 0 : i32
    %dma_start3A_110 = tpu.memref_slice %arg5[%select_n3A, %dma_start3A_100, %rem3A_69, %dma_start3A_108, %dma_start3A_109] : memref<1024x8x8x8x128xf32, #tpu.memory_space<hbm>> -> memref<1x1x1x8x128xf32, #tpu.memory_space<hbm>>
    %dma_start3A_111 = tpu.memref_squeeze %dma_start3A_110 : memref<1x1x1x8x128xf32, #tpu.memory_space<hbm>> -> memref<8x128xf32, #tpu.memory_space<hbm>>
    %dma_start3A_112 = arith.constant 16 : i32
    %dma_start3A_113 = arith.constant 0 : i32
    %dma_start3A_114 = tpu.memref_slice %arg9[%dma_start3A_112, %dma_start3A_113] : memref<64x133xf32, #tpu.memory_space<vmem>> -> memref<8x128xf32, #tpu.memory_space<vmem>>
    tpu.enqueue_dma source(%dma_start3A_114 : memref<8x128xf32, #tpu.memory_space<vmem>>) target(%dma_start3A_111 : memref<8x128xf32, #tpu.memory_space<hbm>>) target_semaphore(%arg13 : memref<!tpu.dma_semaphore, #tpu.memory_space<semaphore_mem>>)
    %dma_start3A_115 = arith.constant 3 : i32
    %dma_start3A_116 = arith.constant 24 : i32
    %dma_start3A_117 = arith.constant 0 : i32
    %dma_start3A_118 = tpu.memref_slice %arg9[%dma_start3A_116, %dma_start3A_117] : memref<64x133xf32, #tpu.memory_space<vmem>> -> memref<8x128xf32, #tpu.memory_space<vmem>>
    %dma_start3A_119 = arith.constant 0 : i32
    %dma_start3A_120 = arith.constant 0 : i32
    %dma_start3A_121 = tpu.memref_slice %arg5[%select_n3A, %dma_start3A_115, %rem3A_69, %dma_start3A_119, %dma_start3A_120] : memref<1024x8x8x8x128xf32, #tpu.memory_space<hbm>> -> memref<1x1x1x8x128xf32, #tpu.memory_space<hbm>>
    %dma_start3A_122 = tpu.memref_squeeze %dma_start3A_121 : memref<1x1x1x8x128xf32, #tpu.memory_space<hbm>> -> memref<8x128xf32, #tpu.memory_space<hbm>>
    %dma_start3A_123 = arith.constant 0 : i32
    %dma_start3A_124 = arith.constant 0 : i32
    %dma_start3A_125 = tpu.memref_slice %arg5[%select_n3A, %dma_start3A_115, %rem3A_69, %dma_start3A_123, %dma_start3A_124] : memref<1024x8x8x8x128xf32, #tpu.memory_space<hbm>> -> memref<1x1x1x8x128xf32, #tpu.memory_space<hbm>>
    %dma_start3A_126 = tpu.memref_squeeze %dma_start3A_125 : memref<1x1x1x8x128xf32, #tpu.memory_space<hbm>> -> memref<8x128xf32, #tpu.memory_space<hbm>>
    %dma_start3A_127 = arith.constant 24 : i32
    %dma_start3A_128 = arith.constant 0 : i32
    %dma_start3A_129 = tpu.memref_slice %arg9[%dma_start3A_127, %dma_start3A_128] : memref<64x133xf32, #tpu.memory_space<vmem>> -> memref<8x128xf32, #tpu.memory_space<vmem>>
    tpu.enqueue_dma source(%dma_start3A_129 : memref<8x128xf32, #tpu.memory_space<vmem>>) target(%dma_start3A_126 : memref<8x128xf32, #tpu.memory_space<hbm>>) target_semaphore(%arg13 : memref<!tpu.dma_semaphore, #tpu.memory_space<semaphore_mem>>)
    %dma_start3A_130 = arith.constant 4 : i32
    %dma_start3A_131 = arith.constant 32 : i32
    %dma_start3A_132 = arith.constant 0 : i32
    %dma_start3A_133 = tpu.memref_slice %arg9[%dma_start3A_131, %dma_start3A_132] : memref<64x133xf32, #tpu.memory_space<vmem>> -> memref<8x128xf32, #tpu.memory_space<vmem>>
    %dma_start3A_134 = arith.constant 0 : i32
    %dma_start3A_135 = arith.constant 0 : i32
    %dma_start3A_136 = tpu.memref_slice %arg5[%select_n3A, %dma_start3A_130, %rem3A_69, %dma_start3A_134, %dma_start3A_135] : memref<1024x8x8x8x128xf32, #tpu.memory_space<hbm>> -> memref<1x1x1x8x128xf32, #tpu.memory_space<hbm>>
    %dma_start3A_137 = tpu.memref_squeeze %dma_start3A_136 : memref<1x1x1x8x128xf32, #tpu.memory_space<hbm>> -> memref<8x128xf32, #tpu.memory_space<hbm>>
    %dma_start3A_138 = arith.constant 0 : i32
    %dma_start3A_139 = arith.constant 0 : i32
    %dma_start3A_140 = tpu.memref_slice %arg5[%select_n3A, %dma_start3A_130, %rem3A_69, %dma_start3A_138, %dma_start3A_139] : memref<1024x8x8x8x128xf32, #tpu.memory_space<hbm>> -> memref<1x1x1x8x128xf32, #tpu.memory_space<hbm>>
    %dma_start3A_141 = tpu.memref_squeeze %dma_start3A_140 : memref<1x1x1x8x128xf32, #tpu.memory_space<hbm>> -> memref<8x128xf32, #tpu.memory_space<hbm>>
    %dma_start3A_142 = arith.constant 32 : i32
    %dma_start3A_143 = arith.constant 0 : i32
    %dma_start3A_144 = tpu.memref_slice %arg9[%dma_start3A_142, %dma_start3A_143] : memref<64x133xf32, #tpu.memory_space<vmem>> -> memref<8x128xf32, #tpu.memory_space<vmem>>
    tpu.enqueue_dma source(%dma_start3A_144 : memref<8x128xf32, #tpu.memory_space<vmem>>) target(%dma_start3A_141 : memref<8x128xf32, #tpu.memory_space<hbm>>) target_semaphore(%arg13 : memref<!tpu.dma_semaphore, #tpu.memory_space<semaphore_mem>>)
    %dma_start3A_145 = arith.constant 5 : i32
    %dma_start3A_146 = arith.constant 40 : i32
    %dma_start3A_147 = arith.constant 0 : i32
    %dma_start3A_148 = tpu.memref_slice %arg9[%dma_start3A_146, %dma_start3A_147] : memref<64x133xf32, #tpu.memory_space<vmem>> -> memref<8x128xf32, #tpu.memory_space<vmem>>
    %dma_start3A_149 = arith.constant 0 : i32
    %dma_start3A_150 = arith.constant 0 : i32
    %dma_start3A_151 = tpu.memref_slice %arg5[%select_n3A, %dma_start3A_145, %rem3A_69, %dma_start3A_149, %dma_start3A_150] : memref<1024x8x8x8x128xf32, #tpu.memory_space<hbm>> -> memref<1x1x1x8x128xf32, #tpu.memory_space<hbm>>
    %dma_start3A_152 = tpu.memref_squeeze %dma_start3A_151 : memref<1x1x1x8x128xf32, #tpu.memory_space<hbm>> -> memref<8x128xf32, #tpu.memory_space<hbm>>
    %dma_start3A_153 = arith.constant 0 : i32
    %dma_start3A_154 = arith.constant 0 : i32
    %dma_start3A_155 = tpu.memref_slice %arg5[%select_n3A, %dma_start3A_145, %rem3A_69, %dma_start3A_153, %dma_start3A_154] : memref<1024x8x8x8x128xf32, #tpu.memory_space<hbm>> -> memref<1x1x1x8x128xf32, #tpu.memory_space<hbm>>
    %dma_start3A_156 = tpu.memref_squeeze %dma_start3A_155 : memref<1x1x1x8x128xf32, #tpu.memory_space<hbm>> -> memref<8x128xf32, #tpu.memory_space<hbm>>
    %dma_start3A_157 = arith.constant 40 : i32
    %dma_start3A_158 = arith.constant 0 : i32
    %dma_start3A_159 = tpu.memref_slice %arg9[%dma_start3A_157, %dma_start3A_158] : memref<64x133xf32, #tpu.memory_space<vmem>> -> memref<8x128xf32, #tpu.memory_space<vmem>>
    tpu.enqueue_dma source(%dma_start3A_159 : memref<8x128xf32, #tpu.memory_space<vmem>>) target(%dma_start3A_156 : memref<8x128xf32, #tpu.memory_space<hbm>>) target_semaphore(%arg13 : memref<!tpu.dma_semaphore, #tpu.memory_space<semaphore_mem>>)
    %dma_start3A_160 = arith.constant 6 : i32
    %dma_start3A_161 = arith.constant 48 : i32
    %dma_start3A_162 = arith.constant 0 : i32
    %dma_start3A_163 = tpu.memref_slice %arg9[%dma_start3A_161, %dma_start3A_162] : memref<64x133xf32, #tpu.memory_space<vmem>> -> memref<8x128xf32, #tpu.memory_space<vmem>>
    %dma_start3A_164 = arith.constant 0 : i32
    %dma_start3A_165 = arith.constant 0 : i32
    %dma_start3A_166 = tpu.memref_slice %arg5[%select_n3A, %dma_start3A_160, %rem3A_69, %dma_start3A_164, %dma_start3A_165] : memref<1024x8x8x8x128xf32, #tpu.memory_space<hbm>> -> memref<1x1x1x8x128xf32, #tpu.memory_space<hbm>>
    %dma_start3A_167 = tpu.memref_squeeze %dma_start3A_166 : memref<1x1x1x8x128xf32, #tpu.memory_space<hbm>> -> memref<8x128xf32, #tpu.memory_space<hbm>>
    %dma_start3A_168 = arith.constant 0 : i32
    %dma_start3A_169 = arith.constant 0 : i32
    %dma_start3A_170 = tpu.memref_slice %arg5[%select_n3A, %dma_start3A_160, %rem3A_69, %dma_start3A_168, %dma_start3A_169] : memref<1024x8x8x8x128xf32, #tpu.memory_space<hbm>> -> memref<1x1x1x8x128xf32, #tpu.memory_space<hbm>>
    %dma_start3A_171 = tpu.memref_squeeze %dma_start3A_170 : memref<1x1x1x8x128xf32, #tpu.memory_space<hbm>> -> memref<8x128xf32, #tpu.memory_space<hbm>>
    %dma_start3A_172 = arith.constant 48 : i32
    %dma_start3A_173 = arith.constant 0 : i32
    %dma_start3A_174 = tpu.memref_slice %arg9[%dma_start3A_172, %dma_start3A_173] : memref<64x133xf32, #tpu.memory_space<vmem>> -> memref<8x128xf32, #tpu.memory_space<vmem>>
    tpu.enqueue_dma source(%dma_start3A_174 : memref<8x128xf32, #tpu.memory_space<vmem>>) target(%dma_start3A_171 : memref<8x128xf32, #tpu.memory_space<hbm>>) target_semaphore(%arg13 : memref<!tpu.dma_semaphore, #tpu.memory_space<semaphore_mem>>)
    %dma_start3A_175 = arith.constant 7 : i32
    %dma_start3A_176 = arith.constant 56 : i32
    %dma_start3A_177 = arith.constant 0 : i32
    %dma_start3A_178 = tpu.memref_slice %arg9[%dma_start3A_176, %dma_start3A_177] : memref<64x133xf32, #tpu.memory_space<vmem>> -> memref<8x128xf32, #tpu.memory_space<vmem>>
    %dma_start3A_179 = arith.constant 0 : i32
    %dma_start3A_180 = arith.constant 0 : i32
    %dma_start3A_181 = tpu.memref_slice %arg5[%select_n3A, %dma_start3A_175, %rem3A_69, %dma_start3A_179, %dma_start3A_180] : memref<1024x8x8x8x128xf32, #tpu.memory_space<hbm>> -> memref<1x1x1x8x128xf32, #tpu.memory_space<hbm>>
    %dma_start3A_182 = tpu.memref_squeeze %dma_start3A_181 : memref<1x1x1x8x128xf32, #tpu.memory_space<hbm>> -> memref<8x128xf32, #tpu.memory_space<hbm>>
    %dma_start3A_183 = arith.constant 0 : i32
    %dma_start3A_184 = arith.constant 0 : i32
    %dma_start3A_185 = tpu.memref_slice %arg5[%select_n3A, %dma_start3A_175, %rem3A_69, %dma_start3A_183, %dma_start3A_184] : memref<1024x8x8x8x128xf32, #tpu.memory_space<hbm>> -> memref<1x1x1x8x128xf32, #tpu.memory_space<hbm>>
    %dma_start3A_186 = tpu.memref_squeeze %dma_start3A_185 : memref<1x1x1x8x128xf32, #tpu.memory_space<hbm>> -> memref<8x128xf32, #tpu.memory_space<hbm>>
    %dma_start3A_187 = arith.constant 56 : i32
    %dma_start3A_188 = arith.constant 0 : i32
    %dma_start3A_189 = tpu.memref_slice %arg9[%dma_start3A_187, %dma_start3A_188] : memref<64x133xf32, #tpu.memory_space<vmem>> -> memref<8x128xf32, #tpu.memory_space<vmem>>
    tpu.enqueue_dma source(%dma_start3A_189 : memref<8x128xf32, #tpu.memory_space<vmem>>) target(%dma_start3A_186 : memref<8x128xf32, #tpu.memory_space<hbm>>) target_semaphore(%arg13 : memref<!tpu.dma_semaphore, #tpu.memory_space<semaphore_mem>>)
    %dma_wait3A_190 = arith.constant 0 : i32
    %dma_wait3A_191 = arith.constant 0 : i32
    %dma_wait3A_192 = tpu.memref_slice %arg6[%dma_wait3A_190, %dma_wait3A_191] : memref<128x128xi32, #tpu.memory_space<vmem>> -> memref<1x128xi32, #tpu.memory_space<vmem>>
    %dma_wait3A_193 = tpu.memref_squeeze %dma_wait3A_192 : memref<1x128xi32, #tpu.memory_space<vmem>> -> memref<128xi32, #tpu.memory_space<vmem>>
    %dma_wait3A_194 = arith.constant 0 : i32
    %dma_wait3A_195 = arith.constant 0 : i32
    %dma_wait3A_196 = tpu.memref_slice %arg2[%dma_wait3A_194, %dma_wait3A_195] : memref<100000x64xf32, #tpu.memory_space<hbm>> -> memref<100000x64xf32, #tpu.memory_space<hbm>>
    tpu.wait_indirect_dma semaphore(%arg12 : memref<!tpu.dma_semaphore, #tpu.memory_space<semaphore_mem>>) src(%dma_wait3A_196 : memref<100000x64xf32, #tpu.memory_space<hbm>>) dst(%arg8 : memref<128x64xf32, #tpu.memory_space<vmem>>)
    %rem3A_197 = arith.constant 2 : i32
    %rem3A_198 = arith.constant 128 : i32
    %rem3A_199 = arith.remsi %rem3A_197, %rem3A_198 : i32
    %dma_start3A_200 = arith.constant 0 : i32
    %dma_start3A_201 = tpu.memref_slice %arg6[%rem3A_199, %dma_start3A_200] : memref<128x128xi32, #tpu.memory_space<vmem>> -> memref<1x128xi32, #tpu.memory_space<vmem>>
    %dma_start3A_202 = tpu.memref_squeeze %dma_start3A_201 : memref<1x128xi32, #tpu.memory_space<vmem>> -> memref<128xi32, #tpu.memory_space<vmem>>
    %dma_start3A_203 = arith.constant 0 : i32
    %dma_start3A_204 = arith.constant 0 : i32
    %dma_start3A_205 = tpu.memref_slice %arg2[%dma_start3A_203, %dma_start3A_204] : memref<100000x64xf32, #tpu.memory_space<hbm>> -> memref<100000x64xf32, #tpu.memory_space<hbm>>
    tpu.enqueue_indirect_dma source(%dma_start3A_205 : memref<100000x64xf32, #tpu.memory_space<hbm>>) target(%arg7 : memref<128x64xf32, #tpu.memory_space<vmem>>) offsets(%dma_start3A_202 : memref<128xi32, #tpu.memory_space<vmem>>) semaphore(%arg12 : memref<!tpu.dma_semaphore, #tpu.memory_space<semaphore_mem>>)
    %add3A_206 = arith.constant 1 : i32
    %add3A_207 = arith.addi %mul3A_2, %add3A_206 : i32
    %rem3A_208 = arith.constant 8 : i32
    %rem3A_209 = arith.remsi %add3A_207, %rem3A_208 : i32
    %mul3A_210 = arith.constant 128 : i32
    %mul3A_211 = arith.muli %rem3A_209, %mul3A_210 : i32
    %broadcast_in_dim3A_212 = arith.constant 0 : i32
    %broadcast_in_dim3A_213 = vector.broadcast %broadcast_in_dim3A_212 : i32 to vector<16xi32>
    %scan3A_214 = arith.constant 0 : i32
    %scan3A_215 = arith.constant 128 : i32
    %scan3A_216 = arith.addi %scan3A_214, %scan3A_215 : i32
    %scan3A_217 = arith.constant 4 : i32
    %scan3A_218 = scf.for %scan3A_646 = %scan3A_214 to %scan3A_216 step %scan3A_217 iter_args(%scan3A_647 = %broadcast_in_dim3A_213) -> (vector<16xi32>)  : i32 {
      %get3A = arith.index_cast %scan3A_646 : i32 to index
      %get3A_648 = arith.constant 0 : index
      %get3A_649 = tpu.vector_load %arg8[%get3A, %get3A_648] {strides = array<i32>} : memref<128x64xf32, #tpu.memory_space<vmem>>, vector<16xf32>,
      %add3A_650 = arith.addi %mul3A_211, %scan3A_646 : i32
      %get3A_651 = arith.index_cast %add3A_650 : i32 to index
      %get3A_652 = arith.constant 0 : index
      %get3A_653 = tpu.vector_load %arg11[%get3A_651, %get3A_652] {strides = array<i32>} : memref<1024x64xf32, #tpu.memory_space<vmem>>, vector<16xf32>,
      %add3A_654 = arith.addf %get3A_649, %get3A_653 : vector<16xf32>
      tpu.vector_store_idx %arg10[%add3A_5, %scan3A_647], %add3A_654 : memref<64x133xf32, #tpu.memory_space<vmem>>[vector<16xi32>, vector<16xi32>], vector<16xf32>,
      %get3A_655 = arith.index_cast %scan3A_646 : i32 to index
      %get3A_656 = arith.constant 16 : index
      %get3A_657 = tpu.vector_load %arg8[%get3A_655, %get3A_656] {strides = array<i32>} : memref<128x64xf32, #tpu.memory_space<vmem>>, vector<16xf32>,
      %add3A_658 = arith.addi %mul3A_211, %scan3A_646 : i32
      %get3A_659 = arith.index_cast %add3A_658 : i32 to index
      %get3A_660 = arith.constant 16 : index
      %get3A_661 = tpu.vector_load %arg11[%get3A_659, %get3A_660] {strides = array<i32>} : memref<1024x64xf32, #tpu.memory_space<vmem>>, vector<16xf32>,
      %add3A_662 = arith.addf %get3A_657, %get3A_661 : vector<16xf32>
      tpu.vector_store_idx %arg10[%add3A_8, %scan3A_647], %add3A_662 : memref<64x133xf32, #tpu.memory_space<vmem>>[vector<16xi32>, vector<16xi32>], vector<16xf32>,
      %get3A_663 = arith.index_cast %scan3A_646 : i32 to index
      %get3A_664 = arith.constant 32 : index
      %get3A_665 = tpu.vector_load %arg8[%get3A_663, %get3A_664] {strides = array<i32>} : memref<128x64xf32, #tpu.memory_space<vmem>>, vector<16xf32>,
      %add3A_666 = arith.addi %mul3A_211, %scan3A_646 : i32
      %get3A_667 = arith.index_cast %add3A_666 : i32 to index
      %get3A_668 = arith.constant 32 : index
      %get3A_669 = tpu.vector_load %arg11[%get3A_667, %get3A_668] {strides = array<i32>} : memref<1024x64xf32, #tpu.memory_space<vmem>>, vector<16xf32>,
      %add3A_670 = arith.addf %get3A_665, %get3A_669 : vector<16xf32>
      tpu.vector_store_idx %arg10[%add3A_11, %scan3A_647], %add3A_670 : memref<64x133xf32, #tpu.memory_space<vmem>>[vector<16xi32>, vector<16xi32>], vector<16xf32>,
      %get3A_671 = arith.index_cast %scan3A_646 : i32 to index
      %get3A_672 = arith.constant 48 : index
      %get3A_673 = tpu.vector_load %arg8[%get3A_671, %get3A_672] {strides = array<i32>} : memref<128x64xf32, #tpu.memory_space<vmem>>, vector<16xf32>,
      %add3A_674 = arith.addi %mul3A_211, %scan3A_646 : i32
      %get3A_675 = arith.index_cast %add3A_674 : i32 to index
      %get3A_676 = arith.constant 48 : index
      %get3A_677 = tpu.vector_load %arg11[%get3A_675, %get3A_676] {strides = array<i32>} : memref<1024x64xf32, #tpu.memory_space<vmem>>, vector<16xf32>,
      %add3A_678 = arith.addf %get3A_673, %get3A_677 : vector<16xf32>
      tpu.vector_store_idx %arg10[%add3A_14, %scan3A_647], %add3A_678 : memref<64x133xf32, #tpu.memory_space<vmem>>[vector<16xi32>, vector<16xi32>], vector<16xf32>,
      %add3A_679 = arith.constant 1 : i32
      %add3A_680 = vector.broadcast %add3A_679 : i32 to vector<16xi32>
      %add3A_681 = arith.addi %scan3A_647, %add3A_680 : vector<16xi32>
      %scan3A_682 = arith.constant 1 : i32
      %scan3A_683 = arith.addi %scan3A_646, %scan3A_682 : i32
      %get3A_684 = arith.index_cast %scan3A_683 : i32 to index
      %get3A_685 = arith.constant 0 : index
      %get3A_686 = tpu.vector_load %arg8[%get3A_684, %get3A_685] {strides = array<i32>} : memref<128x64xf32, #tpu.memory_space<vmem>>, vector<16xf32>,
      %add3A_687 = arith.addi %mul3A_211, %scan3A_683 : i32
      %get3A_688 = arith.index_cast %add3A_687 : i32 to index
      %get3A_689 = arith.constant 0 : index
      %get3A_690 = tpu.vector_load %arg11[%get3A_688, %get3A_689] {strides = array<i32>} : memref<1024x64xf32, #tpu.memory_space<vmem>>, vector<16xf32>,
      %add3A_691 = arith.addf %get3A_686, %get3A_690 : vector<16xf32>
      tpu.vector_store_idx %arg10[%add3A_5, %add3A_681], %add3A_691 : memref<64x133xf32, #tpu.memory_space<vmem>>[vector<16xi32>, vector<16xi32>], vector<16xf32>,
      %get3A_692 = arith.index_cast %scan3A_683 : i32 to index
      %get3A_693 = arith.constant 16 : index
      %get3A_694 = tpu.vector_load %arg8[%get3A_692, %get3A_693] {strides = array<i32>} : memref<128x64xf32, #tpu.memory_space<vmem>>, vector<16xf32>,
      %add3A_695 = arith.addi %mul3A_211, %scan3A_683 : i32
      %get3A_696 = arith.index_cast %add3A_695 : i32 to index
      %get3A_697 = arith.constant 16 : index
      %get3A_698 = tpu.vector_load %arg11[%get3A_696, %get3A_697] {strides = array<i32>} : memref<1024x64xf32, #tpu.memory_space<vmem>>, vector<16xf32>,
      %add3A_699 = arith.addf %get3A_694, %get3A_698 : vector<16xf32>
      tpu.vector_store_idx %arg10[%add3A_8, %add3A_681], %add3A_699 : memref<64x133xf32, #tpu.memory_space<vmem>>[vector<16xi32>, vector<16xi32>], vector<16xf32>,
      %get3A_700 = arith.index_cast %scan3A_683 : i32 to index
      %get3A_701 = arith.constant 32 : index
      %get3A_702 = tpu.vector_load %arg8[%get3A_700, %get3A_701] {strides = array<i32>} : memref<128x64xf32, #tpu.memory_space<vmem>>, vector<16xf32>,
      %add3A_703 = arith.addi %mul3A_211, %scan3A_683 : i32
      %get3A_704 = arith.index_cast %add3A_703 : i32 to index
      %get3A_705 = arith.constant 32 : index
      %get3A_706 = tpu.vector_load %arg11[%get3A_704, %get3A_705] {strides = array<i32>} : memref<1024x64xf32, #tpu.memory_space<vmem>>, vector<16xf32>,
      %add3A_707 = arith.addf %get3A_702, %get3A_706 : vector<16xf32>
      tpu.vector_store_idx %arg10[%add3A_11, %add3A_681], %add3A_707 : memref<64x133xf32, #tpu.memory_space<vmem>>[vector<16xi32>, vector<16xi32>], vector<16xf32>,
      %get3A_708 = arith.index_cast %scan3A_683 : i32 to index
      %get3A_709 = arith.constant 48 : index
      %get3A_710 = tpu.vector_load %arg8[%get3A_708, %get3A_709] {strides = array<i32>} : memref<128x64xf32, #tpu.memory_space<vmem>>, vector<16xf32>,
      %add3A_711 = arith.addi %mul3A_211, %scan3A_683 : i32
      %get3A_712 = arith.index_cast %add3A_711 : i32 to index
      %get3A_713 = arith.constant 48 : index
      %get3A_714 = tpu.vector_load %arg11[%get3A_712, %get3A_713] {strides = array<i32>} : memref<1024x64xf32, #tpu.memory_space<vmem>>, vector<16xf32>,
      %add3A_715 = arith.addf %get3A_710, %get3A_714 : vector<16xf32>
      tpu.vector_store_idx %arg10[%add3A_14, %add3A_681], %add3A_715 : memref<64x133xf32, #tpu.memory_space<vmem>>[vector<16xi32>, vector<16xi32>], vector<16xf32>,
      %add3A_716 = arith.constant 1 : i32
      %add3A_717 = vector.broadcast %add3A_716 : i32 to vector<16xi32>
      %add3A_718 = arith.addi %add3A_681, %add3A_717 : vector<16xi32>
      %scan3A_719 = arith.constant 2 : i32
      %scan3A_720 = arith.addi %scan3A_646, %scan3A_719 : i32
      %get3A_721 = arith.index_cast %scan3A_720 : i32 to index
      %get3A_722 = arith.constant 0 : index
      %get3A_723 = tpu.vector_load %arg8[%get3A_721, %get3A_722] {strides = array<i32>} : memref<128x64xf32, #tpu.memory_space<vmem>>, vector<16xf32>,
      %add3A_724 = arith.addi %mul3A_211, %scan3A_720 : i32
      %get3A_725 = arith.index_cast %add3A_724 : i32 to index
      %get3A_726 = arith.constant 0 : index
      %get3A_727 = tpu.vector_load %arg11[%get3A_725, %get3A_726] {strides = array<i32>} : memref<1024x64xf32, #tpu.memory_space<vmem>>, vector<16xf32>,
      %add3A_728 = arith.addf %get3A_723, %get3A_727 : vector<16xf32>
      tpu.vector_store_idx %arg10[%add3A_5, %add3A_718], %add3A_728 : memref<64x133xf32, #tpu.memory_space<vmem>>[vector<16xi32>, vector<16xi32>], vector<16xf32>,
      %get3A_729 = arith.index_cast %scan3A_720 : i32 to index
      %get3A_730 = arith.constant 16 : index
      %get3A_731 = tpu.vector_load %arg8[%get3A_729, %get3A_730] {strides = array<i32>} : memref<128x64xf32, #tpu.memory_space<vmem>>, vector<16xf32>,
      %add3A_732 = arith.addi %mul3A_211, %scan3A_720 : i32
      %get3A_733 = arith.index_cast %add3A_732 : i32 to index
      %get3A_734 = arith.constant 16 : index
      %get3A_735 = tpu.vector_load %arg11[%get3A_733, %get3A_734] {strides = array<i32>} : memref<1024x64xf32, #tpu.memory_space<vmem>>, vector<16xf32>,
      %add3A_736 = arith.addf %get3A_731, %get3A_735 : vector<16xf32>
      tpu.vector_store_idx %arg10[%add3A_8, %add3A_718], %add3A_736 : memref<64x133xf32, #tpu.memory_space<vmem>>[vector<16xi32>, vector<16xi32>], vector<16xf32>,
      %get3A_737 = arith.index_cast %scan3A_720 : i32 to index
      %get3A_738 = arith.constant 32 : index
      %get3A_739 = tpu.vector_load %arg8[%get3A_737, %get3A_738] {strides = array<i32>} : memref<128x64xf32, #tpu.memory_space<vmem>>, vector<16xf32>,
      %add3A_740 = arith.addi %mul3A_211, %scan3A_720 : i32
      %get3A_741 = arith.index_cast %add3A_740 : i32 to index
      %get3A_742 = arith.constant 32 : index
      %get3A_743 = tpu.vector_load %arg11[%get3A_741, %get3A_742] {strides = array<i32>} : memref<1024x64xf32, #tpu.memory_space<vmem>>, vector<16xf32>,
      %add3A_744 = arith.addf %get3A_739, %get3A_743 : vector<16xf32>
      tpu.vector_store_idx %arg10[%add3A_11, %add3A_718], %add3A_744 : memref<64x133xf32, #tpu.memory_space<vmem>>[vector<16xi32>, vector<16xi32>], vector<16xf32>,
      %get3A_745 = arith.index_cast %scan3A_720 : i32 to index
      %get3A_746 = arith.constant 48 : index
      %get3A_747 = tpu.vector_load %arg8[%get3A_745, %get3A_746] {strides = array<i32>} : memref<128x64xf32, #tpu.memory_space<vmem>>, vector<16xf32>,
      %add3A_748 = arith.addi %mul3A_211, %scan3A_720 : i32
      %get3A_749 = arith.index_cast %add3A_748 : i32 to index
      %get3A_750 = arith.constant 48 : index
      %get3A_751 = tpu.vector_load %arg11[%get3A_749, %get3A_750] {strides = array<i32>} : memref<1024x64xf32, #tpu.memory_space<vmem>>, vector<16xf32>,
      %add3A_752 = arith.addf %get3A_747, %get3A_751 : vector<16xf32>
      tpu.vector_store_idx %arg10[%add3A_14, %add3A_718], %add3A_752 : memref<64x133xf32, #tpu.memory_space<vmem>>[vector<16xi32>, vector<16xi32>], vector<16xf32>,
      %add3A_753 = arith.constant 1 : i32
      %add3A_754 = vector.broadcast %add3A_753 : i32 to vector<16xi32>
      %add3A_755 = arith.addi %add3A_718, %add3A_754 : vector<16xi32>
      %scan3A_756 = arith.constant 3 : i32
      %scan3A_757 = arith.addi %scan3A_646, %scan3A_756 : i32
      %get3A_758 = arith.index_cast %scan3A_757 : i32 to index
      %get3A_759 = arith.constant 0 : index
      %get3A_760 = tpu.vector_load %arg8[%get3A_758, %get3A_759] {strides = array<i32>} : memref<128x64xf32, #tpu.memory_space<vmem>>, vector<16xf32>,
      %add3A_761 = arith.addi %mul3A_211, %scan3A_757 : i32
      %get3A_762 = arith.index_cast %add3A_761 : i32 to index
      %get3A_763 = arith.constant 0 : index
      %get3A_764 = tpu.vector_load %arg11[%get3A_762, %get3A_763] {strides = array<i32>} : memref<1024x64xf32, #tpu.memory_space<vmem>>, vector<16xf32>,
      %add3A_765 = arith.addf %get3A_760, %get3A_764 : vector<16xf32>
      tpu.vector_store_idx %arg10[%add3A_5, %add3A_755], %add3A_765 : memref<64x133xf32, #tpu.memory_space<vmem>>[vector<16xi32>, vector<16xi32>], vector<16xf32>,
      %get3A_766 = arith.index_cast %scan3A_757 : i32 to index
      %get3A_767 = arith.constant 16 : index
      %get3A_768 = tpu.vector_load %arg8[%get3A_766, %get3A_767] {strides = array<i32>} : memref<128x64xf32, #tpu.memory_space<vmem>>, vector<16xf32>,
      %add3A_769 = arith.addi %mul3A_211, %scan3A_757 : i32
      %get3A_770 = arith.index_cast %add3A_769 : i32 to index
      %get3A_771 = arith.constant 16 : index
      %get3A_772 = tpu.vector_load %arg11[%get3A_770, %get3A_771] {strides = array<i32>} : memref<1024x64xf32, #tpu.memory_space<vmem>>, vector<16xf32>,
      %add3A_773 = arith.addf %get3A_768, %get3A_772 : vector<16xf32>
      tpu.vector_store_idx %arg10[%add3A_8, %add3A_755], %add3A_773 : memref<64x133xf32, #tpu.memory_space<vmem>>[vector<16xi32>, vector<16xi32>], vector<16xf32>,
      %get3A_774 = arith.index_cast %scan3A_757 : i32 to index
      %get3A_775 = arith.constant 32 : index
      %get3A_776 = tpu.vector_load %arg8[%get3A_774, %get3A_775] {strides = array<i32>} : memref<128x64xf32, #tpu.memory_space<vmem>>, vector<16xf32>,
      %add3A_777 = arith.addi %mul3A_211, %scan3A_757 : i32
      %get3A_778 = arith.index_cast %add3A_777 : i32 to index
      %get3A_779 = arith.constant 32 : index
      %get3A_780 = tpu.vector_load %arg11[%get3A_778, %get3A_779] {strides = array<i32>} : memref<1024x64xf32, #tpu.memory_space<vmem>>, vector<16xf32>,
      %add3A_781 = arith.addf %get3A_776, %get3A_780 : vector<16xf32>
      tpu.vector_store_idx %arg10[%add3A_11, %add3A_755], %add3A_781 : memref<64x133xf32, #tpu.memory_space<vmem>>[vector<16xi32>, vector<16xi32>], vector<16xf32>,
      %get3A_782 = arith.index_cast %scan3A_757 : i32 to index
      %get3A_783 = arith.constant 48 : index
      %get3A_784 = tpu.vector_load %arg8[%get3A_782, %get3A_783] {strides = array<i32>} : memref<128x64xf32, #tpu.memory_space<vmem>>, vector<16xf32>,
      %add3A_785 = arith.addi %mul3A_211, %scan3A_757 : i32
      %get3A_786 = arith.index_cast %add3A_785 : i32 to index
      %get3A_787 = arith.constant 48 : index
      %get3A_788 = tpu.vector_load %arg11[%get3A_786, %get3A_787] {strides = array<i32>} : memref<1024x64xf32, #tpu.memory_space<vmem>>, vector<16xf32>,
      %add3A_789 = arith.addf %get3A_784, %get3A_788 : vector<16xf32>
      tpu.vector_store_idx %arg10[%add3A_14, %add3A_755], %add3A_789 : memref<64x133xf32, #tpu.memory_space<vmem>>[vector<16xi32>, vector<16xi32>], vector<16xf32>,
      %add3A_790 = arith.constant 1 : i32
      %add3A_791 = vector.broadcast %add3A_790 : i32 to vector<16xi32>
      %add3A_792 = arith.addi %add3A_755, %add3A_791 : vector<16xi32>
      scf.yield %add3A_792 : vector<16xi32>
    }
    %scan3A_219 = arith.constant 128 : i32
    %add3A_220 = arith.constant 1 : i32
    %add3A_221 = arith.addi %mul3A_2, %add3A_220 : i32
    %jit3A_222 = arith.constant 8 : i32
    %div3A_223 = arith.divsi %add3A_221, %jit3A_222 : i32
    %sign3A_224 = arith.constant 0 : i32
    %sign3A_225 = arith.cmpi sgt, %add3A_221, %sign3A_224 : i32
    %sign3A_226 = arith.extui %sign3A_225 : i1 to i32
    %sign3A_227 = arith.constant 0 : i32
    %sign3A_228 = arith.cmpi slt, %add3A_221, %sign3A_227 : i32
    %sign3A_229 = arith.extui %sign3A_228 : i1 to i32
    %sign3A_230 = arith.subi %sign3A_226, %sign3A_229 : i32
    %sign3A_231 = arith.constant 0 : i32
    %sign3A_232 = arith.cmpi sgt, %jit3A_222, %sign3A_231 : i32
    %sign3A_233 = arith.extui %sign3A_232 : i1 to i32
    %sign3A_234 = arith.constant 0 : i32
    %sign3A_235 = arith.cmpi slt, %jit3A_222, %sign3A_234 : i32
    %sign3A_236 = arith.extui %sign3A_235 : i1 to i32
    %sign3A_237 = arith.subi %sign3A_233, %sign3A_236 : i32
    %ne3A_238 = arith.cmpi ne, %sign3A_230, %sign3A_237 : i32
    %rem3A_239 = arith.remsi %add3A_221, %jit3A_222 : i32
    %ne3A_240 = arith.constant 0 : i32
    %ne3A_241 = arith.cmpi ne, %rem3A_239, %ne3A_240 : i32
    %and3A_242 = arith.andi %ne3A_238, %ne3A_241 : i1
    %sub3A_243 = arith.constant 1 : i32
    %sub3A_244 = arith.subi %div3A_223, %sub3A_243 : i32
    %select_n3A_245 = arith.select %and3A_242, %sub3A_244, %div3A_223 : i32
    %rem3A_246 = arith.constant 8 : i32
    %rem3A_247 = arith.remsi %add3A_221, %rem3A_246 : i32
    %dma_start3A_248 = arith.constant 0 : i32
    %dma_start3A_249 = arith.constant 0 : i32
    %dma_start3A_250 = arith.constant 0 : i32
    %dma_start3A_251 = tpu.memref_slice %arg10[%dma_start3A_249, %dma_start3A_250] : memref<64x133xf32, #tpu.memory_space<vmem>> -> memref<8x128xf32, #tpu.memory_space<vmem>>
    %dma_start3A_252 = arith.constant 0 : i32
    %dma_start3A_253 = arith.constant 0 : i32
    %dma_start3A_254 = tpu.memref_slice %arg5[%select_n3A_245, %dma_start3A_248, %rem3A_247, %dma_start3A_252, %dma_start3A_253] : memref<1024x8x8x8x128xf32, #tpu.memory_space<hbm>> -> memref<1x1x1x8x128xf32, #tpu.memory_space<hbm>>
    %dma_start3A_255 = tpu.memref_squeeze %dma_start3A_254 : memref<1x1x1x8x128xf32, #tpu.memory_space<hbm>> -> memref<8x128xf32, #tpu.memory_space<hbm>>
    %dma_start3A_256 = arith.constant 0 : i32
    %dma_start3A_257 = arith.constant 0 : i32
    %dma_start3A_258 = tpu.memref_slice %arg5[%select_n3A_245, %dma_start3A_248, %rem3A_247, %dma_start3A_256, %dma_start3A_257] : memref<1024x8x8x8x128xf32, #tpu.memory_space<hbm>> -> memref<1x1x1x8x128xf32, #tpu.memory_space<hbm>>
    %dma_start3A_259 = tpu.memref_squeeze %dma_start3A_258 : memref<1x1x1x8x128xf32, #tpu.memory_space<hbm>> -> memref<8x128xf32, #tpu.memory_space<hbm>>
    %dma_start3A_260 = arith.constant 0 : i32
    %dma_start3A_261 = arith.constant 0 : i32
    %dma_start3A_262 = tpu.memref_slice %arg10[%dma_start3A_260, %dma_start3A_261] : memref<64x133xf32, #tpu.memory_space<vmem>> -> memref<8x128xf32, #tpu.memory_space<vmem>>
    tpu.enqueue_dma source(%dma_start3A_262 : memref<8x128xf32, #tpu.memory_space<vmem>>) target(%dma_start3A_259 : memref<8x128xf32, #tpu.memory_space<hbm>>) target_semaphore(%arg13 : memref<!tpu.dma_semaphore, #tpu.memory_space<semaphore_mem>>)
    %dma_start3A_263 = arith.constant 1 : i32
    %dma_start3A_264 = arith.constant 8 : i32
    %dma_start3A_265 = arith.constant 0 : i32
    %dma_start3A_266 = tpu.memref_slice %arg10[%dma_start3A_264, %dma_start3A_265] : memref<64x133xf32, #tpu.memory_space<vmem>> -> memref<8x128xf32, #tpu.memory_space<vmem>>
    %dma_start3A_267 = arith.constant 0 : i32
    %dma_start3A_268 = arith.constant 0 : i32
    %dma_start3A_269 = tpu.memref_slice %arg5[%select_n3A_245, %dma_start3A_263, %rem3A_247, %dma_start3A_267, %dma_start3A_268] : memref<1024x8x8x8x128xf32, #tpu.memory_space<hbm>> -> memref<1x1x1x8x128xf32, #tpu.memory_space<hbm>>
    %dma_start3A_270 = tpu.memref_squeeze %dma_start3A_269 : memref<1x1x1x8x128xf32, #tpu.memory_space<hbm>> -> memref<8x128xf32, #tpu.memory_space<hbm>>
    %dma_start3A_271 = arith.constant 0 : i32
    %dma_start3A_272 = arith.constant 0 : i32
    %dma_start3A_273 = tpu.memref_slice %arg5[%select_n3A_245, %dma_start3A_263, %rem3A_247, %dma_start3A_271, %dma_start3A_272] : memref<1024x8x8x8x128xf32, #tpu.memory_space<hbm>> -> memref<1x1x1x8x128xf32, #tpu.memory_space<hbm>>
    %dma_start3A_274 = tpu.memref_squeeze %dma_start3A_273 : memref<1x1x1x8x128xf32, #tpu.memory_space<hbm>> -> memref<8x128xf32, #tpu.memory_space<hbm>>
    %dma_start3A_275 = arith.constant 8 : i32
    %dma_start3A_276 = arith.constant 0 : i32
    %dma_start3A_277 = tpu.memref_slice %arg10[%dma_start3A_275, %dma_start3A_276] : memref<64x133xf32, #tpu.memory_space<vmem>> -> memref<8x128xf32, #tpu.memory_space<vmem>>
    tpu.enqueue_dma source(%dma_start3A_277 : memref<8x128xf32, #tpu.memory_space<vmem>>) target(%dma_start3A_274 : memref<8x128xf32, #tpu.memory_space<hbm>>) target_semaphore(%arg13 : memref<!tpu.dma_semaphore, #tpu.memory_space<semaphore_mem>>)
    %dma_start3A_278 = arith.constant 2 : i32
    %dma_start3A_279 = arith.constant 16 : i32
    %dma_start3A_280 = arith.constant 0 : i32
    %dma_start3A_281 = tpu.memref_slice %arg10[%dma_start3A_279, %dma_start3A_280] : memref<64x133xf32, #tpu.memory_space<vmem>> -> memref<8x128xf32, #tpu.memory_space<vmem>>
    %dma_start3A_282 = arith.constant 0 : i32
    %dma_start3A_283 = arith.constant 0 : i32
    %dma_start3A_284 = tpu.memref_slice %arg5[%select_n3A_245, %dma_start3A_278, %rem3A_247, %dma_start3A_282, %dma_start3A_283] : memref<1024x8x8x8x128xf32, #tpu.memory_space<hbm>> -> memref<1x1x1x8x128xf32, #tpu.memory_space<hbm>>
    %dma_start3A_285 = tpu.memref_squeeze %dma_start3A_284 : memref<1x1x1x8x128xf32, #tpu.memory_space<hbm>> -> memref<8x128xf32, #tpu.memory_space<hbm>>
    %dma_start3A_286 = arith.constant 0 : i32
    %dma_start3A_287 = arith.constant 0 : i32
    %dma_start3A_288 = tpu.memref_slice %arg5[%select_n3A_245, %dma_start3A_278, %rem3A_247, %dma_start3A_286, %dma_start3A_287] : memref<1024x8x8x8x128xf32, #tpu.memory_space<hbm>> -> memref<1x1x1x8x128xf32, #tpu.memory_space<hbm>>
    %dma_start3A_289 = tpu.memref_squeeze %dma_start3A_288 : memref<1x1x1x8x128xf32, #tpu.memory_space<hbm>> -> memref<8x128xf32, #tpu.memory_space<hbm>>
    %dma_start3A_290 = arith.constant 16 : i32
    %dma_start3A_291 = arith.constant 0 : i32
    %dma_start3A_292 = tpu.memref_slice %arg10[%dma_start3A_290, %dma_start3A_291] : memref<64x133xf32, #tpu.memory_space<vmem>> -> memref<8x128xf32, #tpu.memory_space<vmem>>
    tpu.enqueue_dma source(%dma_start3A_292 : memref<8x128xf32, #tpu.memory_space<vmem>>) target(%dma_start3A_289 : memref<8x128xf32, #tpu.memory_space<hbm>>) target_semaphore(%arg13 : memref<!tpu.dma_semaphore, #tpu.memory_space<semaphore_mem>>)
    %dma_start3A_293 = arith.constant 3 : i32
    %dma_start3A_294 = arith.constant 24 : i32
    %dma_start3A_295 = arith.constant 0 : i32
    %dma_start3A_296 = tpu.memref_slice %arg10[%dma_start3A_294, %dma_start3A_295] : memref<64x133xf32, #tpu.memory_space<vmem>> -> memref<8x128xf32, #tpu.memory_space<vmem>>
    %dma_start3A_297 = arith.constant 0 : i32
    %dma_start3A_298 = arith.constant 0 : i32
    %dma_start3A_299 = tpu.memref_slice %arg5[%select_n3A_245, %dma_start3A_293, %rem3A_247, %dma_start3A_297, %dma_start3A_298] : memref<1024x8x8x8x128xf32, #tpu.memory_space<hbm>> -> memref<1x1x1x8x128xf32, #tpu.memory_space<hbm>>
    %dma_start3A_300 = tpu.memref_squeeze %dma_start3A_299 : memref<1x1x1x8x128xf32, #tpu.memory_space<hbm>> -> memref<8x128xf32, #tpu.memory_space<hbm>>
    %dma_start3A_301 = arith.constant 0 : i32
    %dma_start3A_302 = arith.constant 0 : i32
    %dma_start3A_303 = tpu.memref_slice %arg5[%select_n3A_245, %dma_start3A_293, %rem3A_247, %dma_start3A_301, %dma_start3A_302] : memref<1024x8x8x8x128xf32, #tpu.memory_space<hbm>> -> memref<1x1x1x8x128xf32, #tpu.memory_space<hbm>>
    %dma_start3A_304 = tpu.memref_squeeze %dma_start3A_303 : memref<1x1x1x8x128xf32, #tpu.memory_space<hbm>> -> memref<8x128xf32, #tpu.memory_space<hbm>>
    %dma_start3A_305 = arith.constant 24 : i32
    %dma_start3A_306 = arith.constant 0 : i32
    %dma_start3A_307 = tpu.memref_slice %arg10[%dma_start3A_305, %dma_start3A_306] : memref<64x133xf32, #tpu.memory_space<vmem>> -> memref<8x128xf32, #tpu.memory_space<vmem>>
    tpu.enqueue_dma source(%dma_start3A_307 : memref<8x128xf32, #tpu.memory_space<vmem>>) target(%dma_start3A_304 : memref<8x128xf32, #tpu.memory_space<hbm>>) target_semaphore(%arg13 : memref<!tpu.dma_semaphore, #tpu.memory_space<semaphore_mem>>)
    %dma_start3A_308 = arith.constant 4 : i32
    %dma_start3A_309 = arith.constant 32 : i32
    %dma_start3A_310 = arith.constant 0 : i32
    %dma_start3A_311 = tpu.memref_slice %arg10[%dma_start3A_309, %dma_start3A_310] : memref<64x133xf32, #tpu.memory_space<vmem>> -> memref<8x128xf32, #tpu.memory_space<vmem>>
    %dma_start3A_312 = arith.constant 0 : i32
    %dma_start3A_313 = arith.constant 0 : i32
    %dma_start3A_314 = tpu.memref_slice %arg5[%select_n3A_245, %dma_start3A_308, %rem3A_247, %dma_start3A_312, %dma_start3A_313] : memref<1024x8x8x8x128xf32, #tpu.memory_space<hbm>> -> memref<1x1x1x8x128xf32, #tpu.memory_space<hbm>>
    %dma_start3A_315 = tpu.memref_squeeze %dma_start3A_314 : memref<1x1x1x8x128xf32, #tpu.memory_space<hbm>> -> memref<8x128xf32, #tpu.memory_space<hbm>>
    %dma_start3A_316 = arith.constant 0 : i32
    %dma_start3A_317 = arith.constant 0 : i32
    %dma_start3A_318 = tpu.memref_slice %arg5[%select_n3A_245, %dma_start3A_308, %rem3A_247, %dma_start3A_316, %dma_start3A_317] : memref<1024x8x8x8x128xf32, #tpu.memory_space<hbm>> -> memref<1x1x1x8x128xf32, #tpu.memory_space<hbm>>
    %dma_start3A_319 = tpu.memref_squeeze %dma_start3A_318 : memref<1x1x1x8x128xf32, #tpu.memory_space<hbm>> -> memref<8x128xf32, #tpu.memory_space<hbm>>
    %dma_start3A_320 = arith.constant 32 : i32
    %dma_start3A_321 = arith.constant 0 : i32
    %dma_start3A_322 = tpu.memref_slice %arg10[%dma_start3A_320, %dma_start3A_321] : memref<64x133xf32, #tpu.memory_space<vmem>> -> memref<8x128xf32, #tpu.memory_space<vmem>>
    tpu.enqueue_dma source(%dma_start3A_322 : memref<8x128xf32, #tpu.memory_space<vmem>>) target(%dma_start3A_319 : memref<8x128xf32, #tpu.memory_space<hbm>>) target_semaphore(%arg13 : memref<!tpu.dma_semaphore, #tpu.memory_space<semaphore_mem>>)
    %dma_start3A_323 = arith.constant 5 : i32
    %dma_start3A_324 = arith.constant 40 : i32
    %dma_start3A_325 = arith.constant 0 : i32
    %dma_start3A_326 = tpu.memref_slice %arg10[%dma_start3A_324, %dma_start3A_325] : memref<64x133xf32, #tpu.memory_space<vmem>> -> memref<8x128xf32, #tpu.memory_space<vmem>>
    %dma_start3A_327 = arith.constant 0 : i32
    %dma_start3A_328 = arith.constant 0 : i32
    %dma_start3A_329 = tpu.memref_slice %arg5[%select_n3A_245, %dma_start3A_323, %rem3A_247, %dma_start3A_327, %dma_start3A_328] : memref<1024x8x8x8x128xf32, #tpu.memory_space<hbm>> -> memref<1x1x1x8x128xf32, #tpu.memory_space<hbm>>
    %dma_start3A_330 = tpu.memref_squeeze %dma_start3A_329 : memref<1x1x1x8x128xf32, #tpu.memory_space<hbm>> -> memref<8x128xf32, #tpu.memory_space<hbm>>
    %dma_start3A_331 = arith.constant 0 : i32
    %dma_start3A_332 = arith.constant 0 : i32
    %dma_start3A_333 = tpu.memref_slice %arg5[%select_n3A_245, %dma_start3A_323, %rem3A_247, %dma_start3A_331, %dma_start3A_332] : memref<1024x8x8x8x128xf32, #tpu.memory_space<hbm>> -> memref<1x1x1x8x128xf32, #tpu.memory_space<hbm>>
    %dma_start3A_334 = tpu.memref_squeeze %dma_start3A_333 : memref<1x1x1x8x128xf32, #tpu.memory_space<hbm>> -> memref<8x128xf32, #tpu.memory_space<hbm>>
    %dma_start3A_335 = arith.constant 40 : i32
    %dma_start3A_336 = arith.constant 0 : i32
    %dma_start3A_337 = tpu.memref_slice %arg10[%dma_start3A_335, %dma_start3A_336] : memref<64x133xf32, #tpu.memory_space<vmem>> -> memref<8x128xf32, #tpu.memory_space<vmem>>
    tpu.enqueue_dma source(%dma_start3A_337 : memref<8x128xf32, #tpu.memory_space<vmem>>) target(%dma_start3A_334 : memref<8x128xf32, #tpu.memory_space<hbm>>) target_semaphore(%arg13 : memref<!tpu.dma_semaphore, #tpu.memory_space<semaphore_mem>>)
    %dma_start3A_338 = arith.constant 6 : i32
    %dma_start3A_339 = arith.constant 48 : i32
    %dma_start3A_340 = arith.constant 0 : i32
    %dma_start3A_341 = tpu.memref_slice %arg10[%dma_start3A_339, %dma_start3A_340] : memref<64x133xf32, #tpu.memory_space<vmem>> -> memref<8x128xf32, #tpu.memory_space<vmem>>
    %dma_start3A_342 = arith.constant 0 : i32
    %dma_start3A_343 = arith.constant 0 : i32
    %dma_start3A_344 = tpu.memref_slice %arg5[%select_n3A_245, %dma_start3A_338, %rem3A_247, %dma_start3A_342, %dma_start3A_343] : memref<1024x8x8x8x128xf32, #tpu.memory_space<hbm>> -> memref<1x1x1x8x128xf32, #tpu.memory_space<hbm>>
    %dma_start3A_345 = tpu.memref_squeeze %dma_start3A_344 : memref<1x1x1x8x128xf32, #tpu.memory_space<hbm>> -> memref<8x128xf32, #tpu.memory_space<hbm>>
    %dma_start3A_346 = arith.constant 0 : i32
    %dma_start3A_347 = arith.constant 0 : i32
    %dma_start3A_348 = tpu.memref_slice %arg5[%select_n3A_245, %dma_start3A_338, %rem3A_247, %dma_start3A_346, %dma_start3A_347] : memref<1024x8x8x8x128xf32, #tpu.memory_space<hbm>> -> memref<1x1x1x8x128xf32, #tpu.memory_space<hbm>>
    %dma_start3A_349 = tpu.memref_squeeze %dma_start3A_348 : memref<1x1x1x8x128xf32, #tpu.memory_space<hbm>> -> memref<8x128xf32, #tpu.memory_space<hbm>>
    %dma_start3A_350 = arith.constant 48 : i32
    %dma_start3A_351 = arith.constant 0 : i32
    %dma_start3A_352 = tpu.memref_slice %arg10[%dma_start3A_350, %dma_start3A_351] : memref<64x133xf32, #tpu.memory_space<vmem>> -> memref<8x128xf32, #tpu.memory_space<vmem>>
    tpu.enqueue_dma source(%dma_start3A_352 : memref<8x128xf32, #tpu.memory_space<vmem>>) target(%dma_start3A_349 : memref<8x128xf32, #tpu.memory_space<hbm>>) target_semaphore(%arg13 : memref<!tpu.dma_semaphore, #tpu.memory_space<semaphore_mem>>)
    %dma_start3A_353 = arith.constant 7 : i32
    %dma_start3A_354 = arith.constant 56 : i32
    %dma_start3A_355 = arith.constant 0 : i32
    %dma_start3A_356 = tpu.memref_slice %arg10[%dma_start3A_354, %dma_start3A_355] : memref<64x133xf32, #tpu.memory_space<vmem>> -> memref<8x128xf32, #tpu.memory_space<vmem>>
    %dma_start3A_357 = arith.constant 0 : i32
    %dma_start3A_358 = arith.constant 0 : i32
    %dma_start3A_359 = tpu.memref_slice %arg5[%select_n3A_245, %dma_start3A_353, %rem3A_247, %dma_start3A_357, %dma_start3A_358] : memref<1024x8x8x8x128xf32, #tpu.memory_space<hbm>> -> memref<1x1x1x8x128xf32, #tpu.memory_space<hbm>>
    %dma_start3A_360 = tpu.memref_squeeze %dma_start3A_359 : memref<1x1x1x8x128xf32, #tpu.memory_space<hbm>> -> memref<8x128xf32, #tpu.memory_space<hbm>>
    %dma_start3A_361 = arith.constant 0 : i32
    %dma_start3A_362 = arith.constant 0 : i32
    %dma_start3A_363 = tpu.memref_slice %arg5[%select_n3A_245, %dma_start3A_353, %rem3A_247, %dma_start3A_361, %dma_start3A_362] : memref<1024x8x8x8x128xf32, #tpu.memory_space<hbm>> -> memref<1x1x1x8x128xf32, #tpu.memory_space<hbm>>
    %dma_start3A_364 = tpu.memref_squeeze %dma_start3A_363 : memref<1x1x1x8x128xf32, #tpu.memory_space<hbm>> -> memref<8x128xf32, #tpu.memory_space<hbm>>
    %dma_start3A_365 = arith.constant 56 : i32
    %dma_start3A_366 = arith.constant 0 : i32
    %dma_start3A_367 = tpu.memref_slice %arg10[%dma_start3A_365, %dma_start3A_366] : memref<64x133xf32, #tpu.memory_space<vmem>> -> memref<8x128xf32, #tpu.memory_space<vmem>>
    tpu.enqueue_dma source(%dma_start3A_367 : memref<8x128xf32, #tpu.memory_space<vmem>>) target(%dma_start3A_364 : memref<8x128xf32, #tpu.memory_space<hbm>>) target_semaphore(%arg13 : memref<!tpu.dma_semaphore, #tpu.memory_space<semaphore_mem>>)
    %scan3A_368 = arith.constant 0 : i32
    %scan3A_369 = arith.constant 1 : i32
    %scan3A_370 = arith.constant 127 : i32
    %scan3A_371 = arith.addi %scan3A_369, %scan3A_370 : i32
    %scan3A_372 = arith.constant 1 : i32
    scf.for %scan3A_646 = %scan3A_369 to %scan3A_371 step %scan3A_372  : i32 {
      %mul3A_647 = arith.constant 2 : i32
      %mul3A_648 = arith.muli %mul3A_647, %scan3A_646 : i32
      %dma_wait3A_649 = arith.constant 0 : i32
      %dma_wait3A_650 = arith.constant 0 : i32
      %dma_wait3A_651 = tpu.memref_slice %arg6[%dma_wait3A_649, %dma_wait3A_650] : memref<128x128xi32, #tpu.memory_space<vmem>> -> memref<1x128xi32, #tpu.memory_space<vmem>>
      %dma_wait3A_652 = tpu.memref_squeeze %dma_wait3A_651 : memref<1x128xi32, #tpu.memory_space<vmem>> -> memref<128xi32, #tpu.memory_space<vmem>>
      %dma_wait3A_653 = arith.constant 0 : i32
      %dma_wait3A_654 = arith.constant 0 : i32
      %dma_wait3A_655 = tpu.memref_slice %arg2[%dma_wait3A_653, %dma_wait3A_654] : memref<100000x64xf32, #tpu.memory_space<hbm>> -> memref<100000x64xf32, #tpu.memory_space<hbm>>
      tpu.wait_indirect_dma semaphore(%arg12 : memref<!tpu.dma_semaphore, #tpu.memory_space<semaphore_mem>>) src(%dma_wait3A_655 : memref<100000x64xf32, #tpu.memory_space<hbm>>) dst(%arg7 : memref<128x64xf32, #tpu.memory_space<vmem>>)
      %dma_wait3A_656 = arith.constant 0 : i32
      %dma_wait3A_657 = arith.constant 0 : i32
      %dma_wait3A_658 = arith.constant 0 : i32
      %dma_wait3A_659 = arith.constant 0 : i32
      %dma_wait3A_660 = arith.constant 0 : i32
      %dma_wait3A_661 = tpu.memref_slice %arg9[%dma_wait3A_659, %dma_wait3A_660] : memref<64x133xf32, #tpu.memory_space<vmem>> -> memref<8x128xf32, #tpu.memory_space<vmem>>
      %dma_wait3A_662 = arith.constant 0 : i32
      %dma_wait3A_663 = arith.constant 0 : i32
      %dma_wait3A_664 = tpu.memref_slice %arg5[%dma_wait3A_656, %dma_wait3A_657, %dma_wait3A_658, %dma_wait3A_662, %dma_wait3A_663] : memref<1024x8x8x8x128xf32, #tpu.memory_space<hbm>> -> memref<1x1x1x8x128xf32, #tpu.memory_space<hbm>>
      %dma_wait3A_665 = tpu.memref_squeeze %dma_wait3A_664 : memref<1x1x1x8x128xf32, #tpu.memory_space<hbm>> -> memref<8x128xf32, #tpu.memory_space<hbm>>
      %dma_wait3A_666 = arith.constant 0 : i32
      %dma_wait3A_667 = arith.constant 0 : i32
      %dma_wait3A_668 = tpu.memref_slice %arg5[%dma_wait3A_656, %dma_wait3A_657, %dma_wait3A_658, %dma_wait3A_666, %dma_wait3A_667] : memref<1024x8x8x8x128xf32, #tpu.memory_space<hbm>> -> memref<1x1x1x8x128xf32, #tpu.memory_space<hbm>>
      %dma_wait3A_669 = tpu.memref_squeeze %dma_wait3A_668 : memref<1x1x1x8x128xf32, #tpu.memory_space<hbm>> -> memref<8x128xf32, #tpu.memory_space<hbm>>
      %dma_wait3A_670 = arith.constant 0 : i32
      %dma_wait3A_671 = arith.constant 0 : i32
      %dma_wait3A_672 = tpu.memref_slice %arg9[%dma_wait3A_670, %dma_wait3A_671] : memref<64x133xf32, #tpu.memory_space<vmem>> -> memref<8x128xf32, #tpu.memory_space<vmem>>
      tpu.wait_dma2 semaphore(%arg13 : memref<!tpu.dma_semaphore, #tpu.memory_space<semaphore_mem>>) src(%dma_wait3A_672 : memref<8x128xf32, #tpu.memory_space<vmem>>) dst(%dma_wait3A_669 : memref<8x128xf32, #tpu.memory_space<hbm>>)
      %dma_wait3A_673 = arith.constant 0 : i32
      %dma_wait3A_674 = arith.constant 0 : i32
      %dma_wait3A_675 = arith.constant 0 : i32
      %dma_wait3A_676 = arith.constant 0 : i32
      %dma_wait3A_677 = arith.constant 0 : i32
      %dma_wait3A_678 = tpu.memref_slice %arg9[%dma_wait3A_676, %dma_wait3A_677] : memref<64x133xf32, #tpu.memory_space<vmem>> -> memref<8x128xf32, #tpu.memory_space<vmem>>
      %dma_wait3A_679 = arith.constant 0 : i32
      %dma_wait3A_680 = arith.constant 0 : i32
      %dma_wait3A_681 = tpu.memref_slice %arg5[%dma_wait3A_673, %dma_wait3A_674, %dma_wait3A_675, %dma_wait3A_679, %dma_wait3A_680] : memref<1024x8x8x8x128xf32, #tpu.memory_space<hbm>> -> memref<1x1x1x8x128xf32, #tpu.memory_space<hbm>>
      %dma_wait3A_682 = tpu.memref_squeeze %dma_wait3A_681 : memref<1x1x1x8x128xf32, #tpu.memory_space<hbm>> -> memref<8x128xf32, #tpu.memory_space<hbm>>
      %dma_wait3A_683 = arith.constant 0 : i32
      %dma_wait3A_684 = arith.constant 0 : i32
      %dma_wait3A_685 = tpu.memref_slice %arg5[%dma_wait3A_673, %dma_wait3A_674, %dma_wait3A_675, %dma_wait3A_683, %dma_wait3A_684] : memref<1024x8x8x8x128xf32, #tpu.memory_space<hbm>> -> memref<1x1x1x8x128xf32, #tpu.memory_space<hbm>>
      %dma_wait3A_686 = tpu.memref_squeeze %dma_wait3A_685 : memref<1x1x1x8x128xf32, #tpu.memory_space<hbm>> -> memref<8x128xf32, #tpu.memory_space<hbm>>
      %dma_wait3A_687 = arith.constant 0 : i32
      %dma_wait3A_688 = arith.constant 0 : i32
      %dma_wait3A_689 = tpu.memref_slice %arg9[%dma_wait3A_687, %dma_wait3A_688] : memref<64x133xf32, #tpu.memory_space<vmem>> -> memref<8x128xf32, #tpu.memory_space<vmem>>
      tpu.wait_dma2 semaphore(%arg13 : memref<!tpu.dma_semaphore, #tpu.memory_space<semaphore_mem>>) src(%dma_wait3A_689 : memref<8x128xf32, #tpu.memory_space<vmem>>) dst(%dma_wait3A_686 : memref<8x128xf32, #tpu.memory_space<hbm>>)
      %dma_wait3A_690 = arith.constant 0 : i32
      %dma_wait3A_691 = arith.constant 0 : i32
      %dma_wait3A_692 = arith.constant 0 : i32
      %dma_wait3A_693 = arith.constant 0 : i32
      %dma_wait3A_694 = arith.constant 0 : i32
      %dma_wait3A_695 = tpu.memref_slice %arg9[%dma_wait3A_693, %dma_wait3A_694] : memref<64x133xf32, #tpu.memory_space<vmem>> -> memref<8x128xf32, #tpu.memory_space<vmem>>
      %dma_wait3A_696 = arith.constant 0 : i32
      %dma_wait3A_697 = arith.constant 0 : i32
      %dma_wait3A_698 = tpu.memref_slice %arg5[%dma_wait3A_690, %dma_wait3A_691, %dma_wait3A_692, %dma_wait3A_696, %dma_wait3A_697] : memref<1024x8x8x8x128xf32, #tpu.memory_space<hbm>> -> memref<1x1x1x8x128xf32, #tpu.memory_space<hbm>>
      %dma_wait3A_699 = tpu.memref_squeeze %dma_wait3A_698 : memref<1x1x1x8x128xf32, #tpu.memory_space<hbm>> -> memref<8x128xf32, #tpu.memory_space<hbm>>
      %dma_wait3A_700 = arith.constant 0 : i32
      %dma_wait3A_701 = arith.constant 0 : i32
      %dma_wait3A_702 = tpu.memref_slice %arg5[%dma_wait3A_690, %dma_wait3A_691, %dma_wait3A_692, %dma_wait3A_700, %dma_wait3A_701] : memref<1024x8x8x8x128xf32, #tpu.memory_space<hbm>> -> memref<1x1x1x8x128xf32, #tpu.memory_space<hbm>>
      %dma_wait3A_703 = tpu.memref_squeeze %dma_wait3A_702 : memref<1x1x1x8x128xf32, #tpu.memory_space<hbm>> -> memref<8x128xf32, #tpu.memory_space<hbm>>
      %dma_wait3A_704 = arith.constant 0 : i32
      %dma_wait3A_705 = arith.constant 0 : i32
      %dma_wait3A_706 = tpu.memref_slice %arg9[%dma_wait3A_704, %dma_wait3A_705] : memref<64x133xf32, #tpu.memory_space<vmem>> -> memref<8x128xf32, #tpu.memory_space<vmem>>
      tpu.wait_dma2 semaphore(%arg13 : memref<!tpu.dma_semaphore, #tpu.memory_space<semaphore_mem>>) src(%dma_wait3A_706 : memref<8x128xf32, #tpu.memory_space<vmem>>) dst(%dma_wait3A_703 : memref<8x128xf32, #tpu.memory_space<hbm>>)
      %dma_wait3A_707 = arith.constant 0 : i32
      %dma_wait3A_708 = arith.constant 0 : i32
      %dma_wait3A_709 = arith.constant 0 : i32
      %dma_wait3A_710 = arith.constant 0 : i32
      %dma_wait3A_711 = arith.constant 0 : i32
      %dma_wait3A_712 = tpu.memref_slice %arg9[%dma_wait3A_710, %dma_wait3A_711] : memref<64x133xf32, #tpu.memory_space<vmem>> -> memref<8x128xf32, #tpu.memory_space<vmem>>
      %dma_wait3A_713 = arith.constant 0 : i32
      %dma_wait3A_714 = arith.constant 0 : i32
      %dma_wait3A_715 = tpu.memref_slice %arg5[%dma_wait3A_707, %dma_wait3A_708, %dma_wait3A_709, %dma_wait3A_713, %dma_wait3A_714] : memref<1024x8x8x8x128xf32, #tpu.memory_space<hbm>> -> memref<1x1x1x8x128xf32, #tpu.memory_space<hbm>>
      %dma_wait3A_716 = tpu.memref_squeeze %dma_wait3A_715 : memref<1x1x1x8x128xf32, #tpu.memory_space<hbm>> -> memref<8x128xf32, #tpu.memory_space<hbm>>
      %dma_wait3A_717 = arith.constant 0 : i32
      %dma_wait3A_718 = arith.constant 0 : i32
      %dma_wait3A_719 = tpu.memref_slice %arg5[%dma_wait3A_707, %dma_wait3A_708, %dma_wait3A_709, %dma_wait3A_717, %dma_wait3A_718] : memref<1024x8x8x8x128xf32, #tpu.memory_space<hbm>> -> memref<1x1x1x8x128xf32, #tpu.memory_space<hbm>>
      %dma_wait3A_720 = tpu.memref_squeeze %dma_wait3A_719 : memref<1x1x1x8x128xf32, #tpu.memory_space<hbm>> -> memref<8x128xf32, #tpu.memory_space<hbm>>
      %dma_wait3A_721 = arith.constant 0 : i32
      %dma_wait3A_722 = arith.constant 0 : i32
      %dma_wait3A_723 = tpu.memref_slice %arg9[%dma_wait3A_721, %dma_wait3A_722] : memref<64x133xf32, #tpu.memory_space<vmem>> -> memref<8x128xf32, #tpu.memory_space<vmem>>
      tpu.wait_dma2 semaphore(%arg13 : memref<!tpu.dma_semaphore, #tpu.memory_space<semaphore_mem>>) src(%dma_wait3A_723 : memref<8x128xf32, #tpu.memory_space<vmem>>) dst(%dma_wait3A_720 : memref<8x128xf32, #tpu.memory_space<hbm>>)
      %dma_wait3A_724 = arith.constant 0 : i32
      %dma_wait3A_725 = arith.constant 0 : i32
      %dma_wait3A_726 = arith.constant 0 : i32
      %dma_wait3A_727 = arith.constant 0 : i32
      %dma_wait3A_728 = arith.constant 0 : i32
      %dma_wait3A_729 = tpu.memref_slice %arg9[%dma_wait3A_727, %dma_wait3A_728] : memref<64x133xf32, #tpu.memory_space<vmem>> -> memref<8x128xf32, #tpu.memory_space<vmem>>
      %dma_wait3A_730 = arith.constant 0 : i32
      %dma_wait3A_731 = arith.constant 0 : i32
      %dma_wait3A_732 = tpu.memref_slice %arg5[%dma_wait3A_724, %dma_wait3A_725, %dma_wait3A_726, %dma_wait3A_730, %dma_wait3A_731] : memref<1024x8x8x8x128xf32, #tpu.memory_space<hbm>> -> memref<1x1x1x8x128xf32, #tpu.memory_space<hbm>>
      %dma_wait3A_733 = tpu.memref_squeeze %dma_wait3A_732 : memref<1x1x1x8x128xf32, #tpu.memory_space<hbm>> -> memref<8x128xf32, #tpu.memory_space<hbm>>
      %dma_wait3A_734 = arith.constant 0 : i32
      %dma_wait3A_735 = arith.constant 0 : i32
      %dma_wait3A_736 = tpu.memref_slice %arg5[%dma_wait3A_724, %dma_wait3A_725, %dma_wait3A_726, %dma_wait3A_734, %dma_wait3A_735] : memref<1024x8x8x8x128xf32, #tpu.memory_space<hbm>> -> memref<1x1x1x8x128xf32, #tpu.memory_space<hbm>>
      %dma_wait3A_737 = tpu.memref_squeeze %dma_wait3A_736 : memref<1x1x1x8x128xf32, #tpu.memory_space<hbm>> -> memref<8x128xf32, #tpu.memory_space<hbm>>
      %dma_wait3A_738 = arith.constant 0 : i32
      %dma_wait3A_739 = arith.constant 0 : i32
      %dma_wait3A_740 = tpu.memref_slice %arg9[%dma_wait3A_738, %dma_wait3A_739] : memref<64x133xf32, #tpu.memory_space<vmem>> -> memref<8x128xf32, #tpu.memory_space<vmem>>
      tpu.wait_dma2 semaphore(%arg13 : memref<!tpu.dma_semaphore, #tpu.memory_space<semaphore_mem>>) src(%dma_wait3A_740 : memref<8x128xf32, #tpu.memory_space<vmem>>) dst(%dma_wait3A_737 : memref<8x128xf32, #tpu.memory_space<hbm>>)
      %dma_wait3A_741 = arith.constant 0 : i32
      %dma_wait3A_742 = arith.constant 0 : i32
      %dma_wait3A_743 = arith.constant 0 : i32
      %dma_wait3A_744 = arith.constant 0 : i32
      %dma_wait3A_745 = arith.constant 0 : i32
      %dma_wait3A_746 = tpu.memref_slice %arg9[%dma_wait3A_744, %dma_wait3A_745] : memref<64x133xf32, #tpu.memory_space<vmem>> -> memref<8x128xf32, #tpu.memory_space<vmem>>
      %dma_wait3A_747 = arith.constant 0 : i32
      %dma_wait3A_748 = arith.constant 0 : i32
      %dma_wait3A_749 = tpu.memref_slice %arg5[%dma_wait3A_741, %dma_wait3A_742, %dma_wait3A_743, %dma_wait3A_747, %dma_wait3A_748] : memref<1024x8x8x8x128xf32, #tpu.memory_space<hbm>> -> memref<1x1x1x8x128xf32, #tpu.memory_space<hbm>>
      %dma_wait3A_750 = tpu.memref_squeeze %dma_wait3A_749 : memref<1x1x1x8x128xf32, #tpu.memory_space<hbm>> -> memref<8x128xf32, #tpu.memory_space<hbm>>
      %dma_wait3A_751 = arith.constant 0 : i32
      %dma_wait3A_752 = arith.constant 0 : i32
      %dma_wait3A_753 = tpu.memref_slice %arg5[%dma_wait3A_741, %dma_wait3A_742, %dma_wait3A_743, %dma_wait3A_751, %dma_wait3A_752] : memref<1024x8x8x8x128xf32, #tpu.memory_space<hbm>> -> memref<1x1x1x8x128xf32, #tpu.memory_space<hbm>>
      %dma_wait3A_754 = tpu.memref_squeeze %dma_wait3A_753 : memref<1x1x1x8x128xf32, #tpu.memory_space<hbm>> -> memref<8x128xf32, #tpu.memory_space<hbm>>
      %dma_wait3A_755 = arith.constant 0 : i32
      %dma_wait3A_756 = arith.constant 0 : i32
      %dma_wait3A_757 = tpu.memref_slice %arg9[%dma_wait3A_755, %dma_wait3A_756] : memref<64x133xf32, #tpu.memory_space<vmem>> -> memref<8x128xf32, #tpu.memory_space<vmem>>
      tpu.wait_dma2 semaphore(%arg13 : memref<!tpu.dma_semaphore, #tpu.memory_space<semaphore_mem>>) src(%dma_wait3A_757 : memref<8x128xf32, #tpu.memory_space<vmem>>) dst(%dma_wait3A_754 : memref<8x128xf32, #tpu.memory_space<hbm>>)
      %dma_wait3A_758 = arith.constant 0 : i32
      %dma_wait3A_759 = arith.constant 0 : i32
      %dma_wait3A_760 = arith.constant 0 : i32
      %dma_wait3A_761 = arith.constant 0 : i32
      %dma_wait3A_762 = arith.constant 0 : i32
      %dma_wait3A_763 = tpu.memref_slice %arg9[%dma_wait3A_761, %dma_wait3A_762] : memref<64x133xf32, #tpu.memory_space<vmem>> -> memref<8x128xf32, #tpu.memory_space<vmem>>
      %dma_wait3A_764 = arith.constant 0 : i32
      %dma_wait3A_765 = arith.constant 0 : i32
      %dma_wait3A_766 = tpu.memref_slice %arg5[%dma_wait3A_758, %dma_wait3A_759, %dma_wait3A_760, %dma_wait3A_764, %dma_wait3A_765] : memref<1024x8x8x8x128xf32, #tpu.memory_space<hbm>> -> memref<1x1x1x8x128xf32, #tpu.memory_space<hbm>>
      %dma_wait3A_767 = tpu.memref_squeeze %dma_wait3A_766 : memref<1x1x1x8x128xf32, #tpu.memory_space<hbm>> -> memref<8x128xf32, #tpu.memory_space<hbm>>
      %dma_wait3A_768 = arith.constant 0 : i32
      %dma_wait3A_769 = arith.constant 0 : i32
      %dma_wait3A_770 = tpu.memref_slice %arg5[%dma_wait3A_758, %dma_wait3A_759, %dma_wait3A_760, %dma_wait3A_768, %dma_wait3A_769] : memref<1024x8x8x8x128xf32, #tpu.memory_space<hbm>> -> memref<1x1x1x8x128xf32, #tpu.memory_space<hbm>>
      %dma_wait3A_771 = tpu.memref_squeeze %dma_wait3A_770 : memref<1x1x1x8x128xf32, #tpu.memory_space<hbm>> -> memref<8x128xf32, #tpu.memory_space<hbm>>
      %dma_wait3A_772 = arith.constant 0 : i32
      %dma_wait3A_773 = arith.constant 0 : i32
      %dma_wait3A_774 = tpu.memref_slice %arg9[%dma_wait3A_772, %dma_wait3A_773] : memref<64x133xf32, #tpu.memory_space<vmem>> -> memref<8x128xf32, #tpu.memory_space<vmem>>
      tpu.wait_dma2 semaphore(%arg13 : memref<!tpu.dma_semaphore, #tpu.memory_space<semaphore_mem>>) src(%dma_wait3A_774 : memref<8x128xf32, #tpu.memory_space<vmem>>) dst(%dma_wait3A_771 : memref<8x128xf32, #tpu.memory_space<hbm>>)
      %dma_wait3A_775 = arith.constant 0 : i32
      %dma_wait3A_776 = arith.constant 0 : i32
      %dma_wait3A_777 = arith.constant 0 : i32
      %dma_wait3A_778 = arith.constant 0 : i32
      %dma_wait3A_779 = arith.constant 0 : i32
      %dma_wait3A_780 = tpu.memref_slice %arg9[%dma_wait3A_778, %dma_wait3A_779] : memref<64x133xf32, #tpu.memory_space<vmem>> -> memref<8x128xf32, #tpu.memory_space<vmem>>
      %dma_wait3A_781 = arith.constant 0 : i32
      %dma_wait3A_782 = arith.constant 0 : i32
      %dma_wait3A_783 = tpu.memref_slice %arg5[%dma_wait3A_775, %dma_wait3A_776, %dma_wait3A_777, %dma_wait3A_781, %dma_wait3A_782] : memref<1024x8x8x8x128xf32, #tpu.memory_space<hbm>> -> memref<1x1x1x8x128xf32, #tpu.memory_space<hbm>>
      %dma_wait3A_784 = tpu.memref_squeeze %dma_wait3A_783 : memref<1x1x1x8x128xf32, #tpu.memory_space<hbm>> -> memref<8x128xf32, #tpu.memory_space<hbm>>
      %dma_wait3A_785 = arith.constant 0 : i32
      %dma_wait3A_786 = arith.constant 0 : i32
      %dma_wait3A_787 = tpu.memref_slice %arg5[%dma_wait3A_775, %dma_wait3A_776, %dma_wait3A_777, %dma_wait3A_785, %dma_wait3A_786] : memref<1024x8x8x8x128xf32, #tpu.memory_space<hbm>> -> memref<1x1x1x8x128xf32, #tpu.memory_space<hbm>>
      %dma_wait3A_788 = tpu.memref_squeeze %dma_wait3A_787 : memref<1x1x1x8x128xf32, #tpu.memory_space<hbm>> -> memref<8x128xf32, #tpu.memory_space<hbm>>
      %dma_wait3A_789 = arith.constant 0 : i32
      %dma_wait3A_790 = arith.constant 0 : i32
      %dma_wait3A_791 = tpu.memref_slice %arg9[%dma_wait3A_789, %dma_wait3A_790] : memref<64x133xf32, #tpu.memory_space<vmem>> -> memref<8x128xf32, #tpu.memory_space<vmem>>
      tpu.wait_dma2 semaphore(%arg13 : memref<!tpu.dma_semaphore, #tpu.memory_space<semaphore_mem>>) src(%dma_wait3A_791 : memref<8x128xf32, #tpu.memory_space<vmem>>) dst(%dma_wait3A_788 : memref<8x128xf32, #tpu.memory_space<hbm>>)
      %add3A_792 = arith.constant 1 : i32
      %add3A_793 = arith.addi %mul3A_648, %add3A_792 : i32
      %rem3A_794 = arith.constant 128 : i32
      %rem3A_795 = arith.remsi %add3A_793, %rem3A_794 : i32
      %dma_start3A_796 = arith.constant 0 : i32
      %dma_start3A_797 = tpu.memref_slice %arg6[%rem3A_795, %dma_start3A_796] : memref<128x128xi32, #tpu.memory_space<vmem>> -> memref<1x128xi32, #tpu.memory_space<vmem>>
      %dma_start3A_798 = tpu.memref_squeeze %dma_start3A_797 : memref<1x128xi32, #tpu.memory_space<vmem>> -> memref<128xi32, #tpu.memory_space<vmem>>
      %dma_start3A_799 = arith.constant 0 : i32
      %dma_start3A_800 = arith.constant 0 : i32
      %dma_start3A_801 = tpu.memref_slice %arg2[%dma_start3A_799, %dma_start3A_800] : memref<100000x64xf32, #tpu.memory_space<hbm>> -> memref<100000x64xf32, #tpu.memory_space<hbm>>
      tpu.enqueue_indirect_dma source(%dma_start3A_801 : memref<100000x64xf32, #tpu.memory_space<hbm>>) target(%arg8 : memref<128x64xf32, #tpu.memory_space<vmem>>) offsets(%dma_start3A_798 : memref<128xi32, #tpu.memory_space<vmem>>) semaphore(%arg12 : memref<!tpu.dma_semaphore, #tpu.memory_space<semaphore_mem>>)
      %add3A_802 = arith.addi %mul3A_2, %mul3A_648 : i32
      %rem3A_803 = arith.constant 8 : i32
      %rem3A_804 = arith.remsi %add3A_802, %rem3A_803 : i32
      %mul3A_805 = arith.constant 128 : i32
      %mul3A_806 = arith.muli %rem3A_804, %mul3A_805 : i32
      %broadcast_in_dim3A_807 = arith.constant 0 : i32
      %broadcast_in_dim3A_808 = vector.broadcast %broadcast_in_dim3A_807 : i32 to vector<16xi32>
      %scan3A_809 = arith.constant 0 : i32
      %scan3A_810 = arith.constant 128 : i32
      %scan3A_811 = arith.addi %scan3A_809, %scan3A_810 : i32
      %scan3A_812 = arith.constant 4 : i32
      %scan3A_813 = scf.for %scan3A_1275 = %scan3A_809 to %scan3A_811 step %scan3A_812 iter_args(%scan3A_1276 = %broadcast_in_dim3A_808) -> (vector<16xi32>)  : i32 {
        %get3A = arith.index_cast %scan3A_1275 : i32 to index
        %get3A_1277 = arith.constant 0 : index
        %get3A_1278 = tpu.vector_load %arg7[%get3A, %get3A_1277] {strides = array<i32>} : memref<128x64xf32, #tpu.memory_space<vmem>>, vector<16xf32>,
        %add3A_1279 = arith.addi %mul3A_806, %scan3A_1275 : i32
        %get3A_1280 = arith.index_cast %add3A_1279 : i32 to index
        %get3A_1281 = arith.constant 0 : index
        %get3A_1282 = tpu.vector_load %arg11[%get3A_1280, %get3A_1281] {strides = array<i32>} : memref<1024x64xf32, #tpu.memory_space<vmem>>, vector<16xf32>,
        %add3A_1283 = arith.addf %get3A_1278, %get3A_1282 : vector<16xf32>
        tpu.vector_store_idx %arg9[%add3A_5, %scan3A_1276], %add3A_1283 : memref<64x133xf32, #tpu.memory_space<vmem>>[vector<16xi32>, vector<16xi32>], vector<16xf32>,
        %get3A_1284 = arith.index_cast %scan3A_1275 : i32 to index
        %get3A_1285 = arith.constant 16 : index
        %get3A_1286 = tpu.vector_load %arg7[%get3A_1284, %get3A_1285] {strides = array<i32>} : memref<128x64xf32, #tpu.memory_space<vmem>>, vector<16xf32>,
        %add3A_1287 = arith.addi %mul3A_806, %scan3A_1275 : i32
        %get3A_1288 = arith.index_cast %add3A_1287 : i32 to index
        %get3A_1289 = arith.constant 16 : index
        %get3A_1290 = tpu.vector_load %arg11[%get3A_1288, %get3A_1289] {strides = array<i32>} : memref<1024x64xf32, #tpu.memory_space<vmem>>, vector<16xf32>,
        %add3A_1291 = arith.addf %get3A_1286, %get3A_1290 : vector<16xf32>
        tpu.vector_store_idx %arg9[%add3A_8, %scan3A_1276], %add3A_1291 : memref<64x133xf32, #tpu.memory_space<vmem>>[vector<16xi32>, vector<16xi32>], vector<16xf32>,
        %get3A_1292 = arith.index_cast %scan3A_1275 : i32 to index
        %get3A_1293 = arith.constant 32 : index
        %get3A_1294 = tpu.vector_load %arg7[%get3A_1292, %get3A_1293] {strides = array<i32>} : memref<128x64xf32, #tpu.memory_space<vmem>>, vector<16xf32>,
        %add3A_1295 = arith.addi %mul3A_806, %scan3A_1275 : i32
        %get3A_1296 = arith.index_cast %add3A_1295 : i32 to index
        %get3A_1297 = arith.constant 32 : index
        %get3A_1298 = tpu.vector_load %arg11[%get3A_1296, %get3A_1297] {strides = array<i32>} : memref<1024x64xf32, #tpu.memory_space<vmem>>, vector<16xf32>,
        %add3A_1299 = arith.addf %get3A_1294, %get3A_1298 : vector<16xf32>
        tpu.vector_store_idx %arg9[%add3A_11, %scan3A_1276], %add3A_1299 : memref<64x133xf32, #tpu.memory_space<vmem>>[vector<16xi32>, vector<16xi32>], vector<16xf32>,
        %get3A_1300 = arith.index_cast %scan3A_1275 : i32 to index
        %get3A_1301 = arith.constant 48 : index
        %get3A_1302 = tpu.vector_load %arg7[%get3A_1300, %get3A_1301] {strides = array<i32>} : memref<128x64xf32, #tpu.memory_space<vmem>>, vector<16xf32>,
        %add3A_1303 = arith.addi %mul3A_806, %scan3A_1275 : i32
        %get3A_1304 = arith.index_cast %add3A_1303 : i32 to index
        %get3A_1305 = arith.constant 48 : index
        %get3A_1306 = tpu.vector_load %arg11[%get3A_1304, %get3A_1305] {strides = array<i32>} : memref<1024x64xf32, #tpu.memory_space<vmem>>, vector<16xf32>,
        %add3A_1307 = arith.addf %get3A_1302, %get3A_1306 : vector<16xf32>
        tpu.vector_store_idx %arg9[%add3A_14, %scan3A_1276], %add3A_1307 : memref<64x133xf32, #tpu.memory_space<vmem>>[vector<16xi32>, vector<16xi32>], vector<16xf32>,
        %add3A_1308 = arith.constant 1 : i32
        %add3A_1309 = vector.broadcast %add3A_1308 : i32 to vector<16xi32>
        %add3A_1310 = arith.addi %scan3A_1276, %add3A_1309 : vector<16xi32>
        %scan3A_1311 = arith.constant 1 : i32
        %scan3A_1312 = arith.addi %scan3A_1275, %scan3A_1311 : i32
        %get3A_1313 = arith.index_cast %scan3A_1312 : i32 to index
        %get3A_1314 = arith.constant 0 : index
        %get3A_1315 = tpu.vector_load %arg7[%get3A_1313, %get3A_1314] {strides = array<i32>} : memref<128x64xf32, #tpu.memory_space<vmem>>, vector<16xf32>,
        %add3A_1316 = arith.addi %mul3A_806, %scan3A_1312 : i32
        %get3A_1317 = arith.index_cast %add3A_1316 : i32 to index
        %get3A_1318 = arith.constant 0 : index
        %get3A_1319 = tpu.vector_load %arg11[%get3A_1317, %get3A_1318] {strides = array<i32>} : memref<1024x64xf32, #tpu.memory_space<vmem>>, vector<16xf32>,
        %add3A_1320 = arith.addf %get3A_1315, %get3A_1319 : vector<16xf32>
        tpu.vector_store_idx %arg9[%add3A_5, %add3A_1310], %add3A_1320 : memref<64x133xf32, #tpu.memory_space<vmem>>[vector<16xi32>, vector<16xi32>], vector<16xf32>,
        %get3A_1321 = arith.index_cast %scan3A_1312 : i32 to index
        %get3A_1322 = arith.constant 16 : index
        %get3A_1323 = tpu.vector_load %arg7[%get3A_1321, %get3A_1322] {strides = array<i32>} : memref<128x64xf32, #tpu.memory_space<vmem>>, vector<16xf32>,
        %add3A_1324 = arith.addi %mul3A_806, %scan3A_1312 : i32
        %get3A_1325 = arith.index_cast %add3A_1324 : i32 to index
        %get3A_1326 = arith.constant 16 : index
        %get3A_1327 = tpu.vector_load %arg11[%get3A_1325, %get3A_1326] {strides = array<i32>} : memref<1024x64xf32, #tpu.memory_space<vmem>>, vector<16xf32>,
        %add3A_1328 = arith.addf %get3A_1323, %get3A_1327 : vector<16xf32>
        tpu.vector_store_idx %arg9[%add3A_8, %add3A_1310], %add3A_1328 : memref<64x133xf32, #tpu.memory_space<vmem>>[vector<16xi32>, vector<16xi32>], vector<16xf32>,
        %get3A_1329 = arith.index_cast %scan3A_1312 : i32 to index
        %get3A_1330 = arith.constant 32 : index
        %get3A_1331 = tpu.vector_load %arg7[%get3A_1329, %get3A_1330] {strides = array<i32>} : memref<128x64xf32, #tpu.memory_space<vmem>>, vector<16xf32>,
        %add3A_1332 = arith.addi %mul3A_806, %scan3A_1312 : i32
        %get3A_1333 = arith.index_cast %add3A_1332 : i32 to index
        %get3A_1334 = arith.constant 32 : index
        %get3A_1335 = tpu.vector_load %arg11[%get3A_1333, %get3A_1334] {strides = array<i32>} : memref<1024x64xf32, #tpu.memory_space<vmem>>, vector<16xf32>,
        %add3A_1336 = arith.addf %get3A_1331, %get3A_1335 : vector<16xf32>
        tpu.vector_store_idx %arg9[%add3A_11, %add3A_1310], %add3A_1336 : memref<64x133xf32, #tpu.memory_space<vmem>>[vector<16xi32>, vector<16xi32>], vector<16xf32>,
        %get3A_1337 = arith.index_cast %scan3A_1312 : i32 to index
        %get3A_1338 = arith.constant 48 : index
        %get3A_1339 = tpu.vector_load %arg7[%get3A_1337, %get3A_1338] {strides = array<i32>} : memref<128x64xf32, #tpu.memory_space<vmem>>, vector<16xf32>,
        %add3A_1340 = arith.addi %mul3A_806, %scan3A_1312 : i32
        %get3A_1341 = arith.index_cast %add3A_1340 : i32 to index
        %get3A_1342 = arith.constant 48 : index
        %get3A_1343 = tpu.vector_load %arg11[%get3A_1341, %get3A_1342] {strides = array<i32>} : memref<1024x64xf32, #tpu.memory_space<vmem>>, vector<16xf32>,
        %add3A_1344 = arith.addf %get3A_1339, %get3A_1343 : vector<16xf32>
        tpu.vector_store_idx %arg9[%add3A_14, %add3A_1310], %add3A_1344 : memref<64x133xf32, #tpu.memory_space<vmem>>[vector<16xi32>, vector<16xi32>], vector<16xf32>,
        %add3A_1345 = arith.constant 1 : i32
        %add3A_1346 = vector.broadcast %add3A_1345 : i32 to vector<16xi32>
        %add3A_1347 = arith.addi %add3A_1310, %add3A_1346 : vector<16xi32>
        %scan3A_1348 = arith.constant 2 : i32
        %scan3A_1349 = arith.addi %scan3A_1275, %scan3A_1348 : i32
        %get3A_1350 = arith.index_cast %scan3A_1349 : i32 to index
        %get3A_1351 = arith.constant 0 : index
        %get3A_1352 = tpu.vector_load %arg7[%get3A_1350, %get3A_1351] {strides = array<i32>} : memref<128x64xf32, #tpu.memory_space<vmem>>, vector<16xf32>,
        %add3A_1353 = arith.addi %mul3A_806, %scan3A_1349 : i32
        %get3A_1354 = arith.index_cast %add3A_1353 : i32 to index
        %get3A_1355 = arith.constant 0 : index
        %get3A_1356 = tpu.vector_load %arg11[%get3A_1354, %get3A_1355] {strides = array<i32>} : memref<1024x64xf32, #tpu.memory_space<vmem>>, vector<16xf32>,
        %add3A_1357 = arith.addf %get3A_1352, %get3A_1356 : vector<16xf32>
        tpu.vector_store_idx %arg9[%add3A_5, %add3A_1347], %add3A_1357 : memref<64x133xf32, #tpu.memory_space<vmem>>[vector<16xi32>, vector<16xi32>], vector<16xf32>,
        %get3A_1358 = arith.index_cast %scan3A_1349 : i32 to index
        %get3A_1359 = arith.constant 16 : index
        %get3A_1360 = tpu.vector_load %arg7[%get3A_1358, %get3A_1359] {strides = array<i32>} : memref<128x64xf32, #tpu.memory_space<vmem>>, vector<16xf32>,
        %add3A_1361 = arith.addi %mul3A_806, %scan3A_1349 : i32
        %get3A_1362 = arith.index_cast %add3A_1361 : i32 to index
        %get3A_1363 = arith.constant 16 : index
        %get3A_1364 = tpu.vector_load %arg11[%get3A_1362, %get3A_1363] {strides = array<i32>} : memref<1024x64xf32, #tpu.memory_space<vmem>>, vector<16xf32>,
        %add3A_1365 = arith.addf %get3A_1360, %get3A_1364 : vector<16xf32>
        tpu.vector_store_idx %arg9[%add3A_8, %add3A_1347], %add3A_1365 : memref<64x133xf32, #tpu.memory_space<vmem>>[vector<16xi32>, vector<16xi32>], vector<16xf32>,
        %get3A_1366 = arith.index_cast %scan3A_1349 : i32 to index
        %get3A_1367 = arith.constant 32 : index
        %get3A_1368 = tpu.vector_load %arg7[%get3A_1366, %get3A_1367] {strides = array<i32>} : memref<128x64xf32, #tpu.memory_space<vmem>>, vector<16xf32>,
        %add3A_1369 = arith.addi %mul3A_806, %scan3A_1349 : i32
        %get3A_1370 = arith.index_cast %add3A_1369 : i32 to index
        %get3A_1371 = arith.constant 32 : index
        %get3A_1372 = tpu.vector_load %arg11[%get3A_1370, %get3A_1371] {strides = array<i32>} : memref<1024x64xf32, #tpu.memory_space<vmem>>, vector<16xf32>,
        %add3A_1373 = arith.addf %get3A_1368, %get3A_1372 : vector<16xf32>
        tpu.vector_store_idx %arg9[%add3A_11, %add3A_1347], %add3A_1373 : memref<64x133xf32, #tpu.memory_space<vmem>>[vector<16xi32>, vector<16xi32>], vector<16xf32>,
        %get3A_1374 = arith.index_cast %scan3A_1349 : i32 to index
        %get3A_1375 = arith.constant 48 : index
        %get3A_1376 = tpu.vector_load %arg7[%get3A_1374, %get3A_1375] {strides = array<i32>} : memref<128x64xf32, #tpu.memory_space<vmem>>, vector<16xf32>,
        %add3A_1377 = arith.addi %mul3A_806, %scan3A_1349 : i32
        %get3A_1378 = arith.index_cast %add3A_1377 : i32 to index
        %get3A_1379 = arith.constant 48 : index
        %get3A_1380 = tpu.vector_load %arg11[%get3A_1378, %get3A_1379] {strides = array<i32>} : memref<1024x64xf32, #tpu.memory_space<vmem>>, vector<16xf32>,
        %add3A_1381 = arith.addf %get3A_1376, %get3A_1380 : vector<16xf32>
        tpu.vector_store_idx %arg9[%add3A_14, %add3A_1347], %add3A_1381 : memref<64x133xf32, #tpu.memory_space<vmem>>[vector<16xi32>, vector<16xi32>], vector<16xf32>,
        %add3A_1382 = arith.constant 1 : i32
        %add3A_1383 = vector.broadcast %add3A_1382 : i32 to vector<16xi32>
        %add3A_1384 = arith.addi %add3A_1347, %add3A_1383 : vector<16xi32>
        %scan3A_1385 = arith.constant 3 : i32
        %scan3A_1386 = arith.addi %scan3A_1275, %scan3A_1385 : i32
        %get3A_1387 = arith.index_cast %scan3A_1386 : i32 to index
        %get3A_1388 = arith.constant 0 : index
        %get3A_1389 = tpu.vector_load %arg7[%get3A_1387, %get3A_1388] {strides = array<i32>} : memref<128x64xf32, #tpu.memory_space<vmem>>, vector<16xf32>,
        %add3A_1390 = arith.addi %mul3A_806, %scan3A_1386 : i32
        %get3A_1391 = arith.index_cast %add3A_1390 : i32 to index
        %get3A_1392 = arith.constant 0 : index
        %get3A_1393 = tpu.vector_load %arg11[%get3A_1391, %get3A_1392] {strides = array<i32>} : memref<1024x64xf32, #tpu.memory_space<vmem>>, vector<16xf32>,
        %add3A_1394 = arith.addf %get3A_1389, %get3A_1393 : vector<16xf32>
        tpu.vector_store_idx %arg9[%add3A_5, %add3A_1384], %add3A_1394 : memref<64x133xf32, #tpu.memory_space<vmem>>[vector<16xi32>, vector<16xi32>], vector<16xf32>,
        %get3A_1395 = arith.index_cast %scan3A_1386 : i32 to index
        %get3A_1396 = arith.constant 16 : index
        %get3A_1397 = tpu.vector_load %arg7[%get3A_1395, %get3A_1396] {strides = array<i32>} : memref<128x64xf32, #tpu.memory_space<vmem>>, vector<16xf32>,
        %add3A_1398 = arith.addi %mul3A_806, %scan3A_1386 : i32
        %get3A_1399 = arith.index_cast %add3A_1398 : i32 to index
        %get3A_1400 = arith.constant 16 : index
        %get3A_1401 = tpu.vector_load %arg11[%get3A_1399, %get3A_1400] {strides = array<i32>} : memref<1024x64xf32, #tpu.memory_space<vmem>>, vector<16xf32>,
        %add3A_1402 = arith.addf %get3A_1397, %get3A_1401 : vector<16xf32>
        tpu.vector_store_idx %arg9[%add3A_8, %add3A_1384], %add3A_1402 : memref<64x133xf32, #tpu.memory_space<vmem>>[vector<16xi32>, vector<16xi32>], vector<16xf32>,
        %get3A_1403 = arith.index_cast %scan3A_1386 : i32 to index
        %get3A_1404 = arith.constant 32 : index
        %get3A_1405 = tpu.vector_load %arg7[%get3A_1403, %get3A_1404] {strides = array<i32>} : memref<128x64xf32, #tpu.memory_space<vmem>>, vector<16xf32>,
        %add3A_1406 = arith.addi %mul3A_806, %scan3A_1386 : i32
        %get3A_1407 = arith.index_cast %add3A_1406 : i32 to index
        %get3A_1408 = arith.constant 32 : index
        %get3A_1409 = tpu.vector_load %arg11[%get3A_1407, %get3A_1408] {strides = array<i32>} : memref<1024x64xf32, #tpu.memory_space<vmem>>, vector<16xf32>,
        %add3A_1410 = arith.addf %get3A_1405, %get3A_1409 : vector<16xf32>
        tpu.vector_store_idx %arg9[%add3A_11, %add3A_1384], %add3A_1410 : memref<64x133xf32, #tpu.memory_space<vmem>>[vector<16xi32>, vector<16xi32>], vector<16xf32>,
        %get3A_1411 = arith.index_cast %scan3A_1386 : i32 to index
        %get3A_1412 = arith.constant 48 : index
        %get3A_1413 = tpu.vector_load %arg7[%get3A_1411, %get3A_1412] {strides = array<i32>} : memref<128x64xf32, #tpu.memory_space<vmem>>, vector<16xf32>,
        %add3A_1414 = arith.addi %mul3A_806, %scan3A_1386 : i32
        %get3A_1415 = arith.index_cast %add3A_1414 : i32 to index
        %get3A_1416 = arith.constant 48 : index
        %get3A_1417 = tpu.vector_load %arg11[%get3A_1415, %get3A_1416] {strides = array<i32>} : memref<1024x64xf32, #tpu.memory_space<vmem>>, vector<16xf32>,
        %add3A_1418 = arith.addf %get3A_1413, %get3A_1417 : vector<16xf32>
        tpu.vector_store_idx %arg9[%add3A_14, %add3A_1384], %add3A_1418 : memref<64x133xf32, #tpu.memory_space<vmem>>[vector<16xi32>, vector<16xi32>], vector<16xf32>,
        %add3A_1419 = arith.constant 1 : i32
        %add3A_1420 = vector.broadcast %add3A_1419 : i32 to vector<16xi32>
        %add3A_1421 = arith.addi %add3A_1384, %add3A_1420 : vector<16xi32>
        scf.yield %add3A_1421 : vector<16xi32>
      }
      %scan3A_814 = arith.constant 128 : i32
      %add3A_815 = arith.addi %mul3A_2, %mul3A_648 : i32
      %jit3A_816 = arith.constant 8 : i32
      %div3A_817 = arith.divsi %add3A_815, %jit3A_816 : i32
      %sign3A_818 = arith.constant 0 : i32
      %sign3A_819 = arith.cmpi sgt, %add3A_815, %sign3A_818 : i32
      %sign3A_820 = arith.extui %sign3A_819 : i1 to i32
      %sign3A_821 = arith.constant 0 : i32
      %sign3A_822 = arith.cmpi slt, %add3A_815, %sign3A_821 : i32
      %sign3A_823 = arith.extui %sign3A_822 : i1 to i32
      %sign3A_824 = arith.subi %sign3A_820, %sign3A_823 : i32
      %sign3A_825 = arith.constant 0 : i32
      %sign3A_826 = arith.cmpi sgt, %jit3A_816, %sign3A_825 : i32
      %sign3A_827 = arith.extui %sign3A_826 : i1 to i32
      %sign3A_828 = arith.constant 0 : i32
      %sign3A_829 = arith.cmpi slt, %jit3A_816, %sign3A_828 : i32
      %sign3A_830 = arith.extui %sign3A_829 : i1 to i32
      %sign3A_831 = arith.subi %sign3A_827, %sign3A_830 : i32
      %ne3A_832 = arith.cmpi ne, %sign3A_824, %sign3A_831 : i32
      %rem3A_833 = arith.remsi %add3A_815, %jit3A_816 : i32
      %ne3A_834 = arith.constant 0 : i32
      %ne3A_835 = arith.cmpi ne, %rem3A_833, %ne3A_834 : i32
      %and3A_836 = arith.andi %ne3A_832, %ne3A_835 : i1
      %sub3A_837 = arith.constant 1 : i32
      %sub3A_838 = arith.subi %div3A_817, %sub3A_837 : i32
      %select_n3A_839 = arith.select %and3A_836, %sub3A_838, %div3A_817 : i32
      %rem3A_840 = arith.constant 8 : i32
      %rem3A_841 = arith.remsi %add3A_815, %rem3A_840 : i32
      %dma_start3A_842 = arith.constant 0 : i32
      %dma_start3A_843 = arith.constant 0 : i32
      %dma_start3A_844 = arith.constant 0 : i32
      %dma_start3A_845 = tpu.memref_slice %arg9[%dma_start3A_843, %dma_start3A_844] : memref<64x133xf32, #tpu.memory_space<vmem>> -> memref<8x128xf32, #tpu.memory_space<vmem>>
      %dma_start3A_846 = arith.constant 0 : i32
      %dma_start3A_847 = arith.constant 0 : i32
      %dma_start3A_848 = tpu.memref_slice %arg5[%select_n3A_839, %dma_start3A_842, %rem3A_841, %dma_start3A_846, %dma_start3A_847] : memref<1024x8x8x8x128xf32, #tpu.memory_space<hbm>> -> memref<1x1x1x8x128xf32, #tpu.memory_space<hbm>>
      %dma_start3A_849 = tpu.memref_squeeze %dma_start3A_848 : memref<1x1x1x8x128xf32, #tpu.memory_space<hbm>> -> memref<8x128xf32, #tpu.memory_space<hbm>>
      %dma_start3A_850 = arith.constant 0 : i32
      %dma_start3A_851 = arith.constant 0 : i32
      %dma_start3A_852 = tpu.memref_slice %arg5[%select_n3A_839, %dma_start3A_842, %rem3A_841, %dma_start3A_850, %dma_start3A_851] : memref<1024x8x8x8x128xf32, #tpu.memory_space<hbm>> -> memref<1x1x1x8x128xf32, #tpu.memory_space<hbm>>
      %dma_start3A_853 = tpu.memref_squeeze %dma_start3A_852 : memref<1x1x1x8x128xf32, #tpu.memory_space<hbm>> -> memref<8x128xf32, #tpu.memory_space<hbm>>
      %dma_start3A_854 = arith.constant 0 : i32
      %dma_start3A_855 = arith.constant 0 : i32
      %dma_start3A_856 = tpu.memref_slice %arg9[%dma_start3A_854, %dma_start3A_855] : memref<64x133xf32, #tpu.memory_space<vmem>> -> memref<8x128xf32, #tpu.memory_space<vmem>>
      tpu.enqueue_dma source(%dma_start3A_856 : memref<8x128xf32, #tpu.memory_space<vmem>>) target(%dma_start3A_853 : memref<8x128xf32, #tpu.memory_space<hbm>>) target_semaphore(%arg13 : memref<!tpu.dma_semaphore, #tpu.memory_space<semaphore_mem>>)
      %dma_start3A_857 = arith.constant 1 : i32
      %dma_start3A_858 = arith.constant 8 : i32
      %dma_start3A_859 = arith.constant 0 : i32
      %dma_start3A_860 = tpu.memref_slice %arg9[%dma_start3A_858, %dma_start3A_859] : memref<64x133xf32, #tpu.memory_space<vmem>> -> memref<8x128xf32, #tpu.memory_space<vmem>>
      %dma_start3A_861 = arith.constant 0 : i32
      %dma_start3A_862 = arith.constant 0 : i32
      %dma_start3A_863 = tpu.memref_slice %arg5[%select_n3A_839, %dma_start3A_857, %rem3A_841, %dma_start3A_861, %dma_start3A_862] : memref<1024x8x8x8x128xf32, #tpu.memory_space<hbm>> -> memref<1x1x1x8x128xf32, #tpu.memory_space<hbm>>
      %dma_start3A_864 = tpu.memref_squeeze %dma_start3A_863 : memref<1x1x1x8x128xf32, #tpu.memory_space<hbm>> -> memref<8x128xf32, #tpu.memory_space<hbm>>
      %dma_start3A_865 = arith.constant 0 : i32
      %dma_start3A_866 = arith.constant 0 : i32
      %dma_start3A_867 = tpu.memref_slice %arg5[%select_n3A_839, %dma_start3A_857, %rem3A_841, %dma_start3A_865, %dma_start3A_866] : memref<1024x8x8x8x128xf32, #tpu.memory_space<hbm>> -> memref<1x1x1x8x128xf32, #tpu.memory_space<hbm>>
      %dma_start3A_868 = tpu.memref_squeeze %dma_start3A_867 : memref<1x1x1x8x128xf32, #tpu.memory_space<hbm>> -> memref<8x128xf32, #tpu.memory_space<hbm>>
      %dma_start3A_869 = arith.constant 8 : i32
      %dma_start3A_870 = arith.constant 0 : i32
      %dma_start3A_871 = tpu.memref_slice %arg9[%dma_start3A_869, %dma_start3A_870] : memref<64x133xf32, #tpu.memory_space<vmem>> -> memref<8x128xf32, #tpu.memory_space<vmem>>
      tpu.enqueue_dma source(%dma_start3A_871 : memref<8x128xf32, #tpu.memory_space<vmem>>) target(%dma_start3A_868 : memref<8x128xf32, #tpu.memory_space<hbm>>) target_semaphore(%arg13 : memref<!tpu.dma_semaphore, #tpu.memory_space<semaphore_mem>>)
      %dma_start3A_872 = arith.constant 2 : i32
      %dma_start3A_873 = arith.constant 16 : i32
      %dma_start3A_874 = arith.constant 0 : i32
      %dma_start3A_875 = tpu.memref_slice %arg9[%dma_start3A_873, %dma_start3A_874] : memref<64x133xf32, #tpu.memory_space<vmem>> -> memref<8x128xf32, #tpu.memory_space<vmem>>
      %dma_start3A_876 = arith.constant 0 : i32
      %dma_start3A_877 = arith.constant 0 : i32
      %dma_start3A_878 = tpu.memref_slice %arg5[%select_n3A_839, %dma_start3A_872, %rem3A_841, %dma_start3A_876, %dma_start3A_877] : memref<1024x8x8x8x128xf32, #tpu.memory_space<hbm>> -> memref<1x1x1x8x128xf32, #tpu.memory_space<hbm>>
      %dma_start3A_879 = tpu.memref_squeeze %dma_start3A_878 : memref<1x1x1x8x128xf32, #tpu.memory_space<hbm>> -> memref<8x128xf32, #tpu.memory_space<hbm>>
      %dma_start3A_880 = arith.constant 0 : i32
      %dma_start3A_881 = arith.constant 0 : i32
      %dma_start3A_882 = tpu.memref_slice %arg5[%select_n3A_839, %dma_start3A_872, %rem3A_841, %dma_start3A_880, %dma_start3A_881] : memref<1024x8x8x8x128xf32, #tpu.memory_space<hbm>> -> memref<1x1x1x8x128xf32, #tpu.memory_space<hbm>>
      %dma_start3A_883 = tpu.memref_squeeze %dma_start3A_882 : memref<1x1x1x8x128xf32, #tpu.memory_space<hbm>> -> memref<8x128xf32, #tpu.memory_space<hbm>>
      %dma_start3A_884 = arith.constant 16 : i32
      %dma_start3A_885 = arith.constant 0 : i32
      %dma_start3A_886 = tpu.memref_slice %arg9[%dma_start3A_884, %dma_start3A_885] : memref<64x133xf32, #tpu.memory_space<vmem>> -> memref<8x128xf32, #tpu.memory_space<vmem>>
      tpu.enqueue_dma source(%dma_start3A_886 : memref<8x128xf32, #tpu.memory_space<vmem>>) target(%dma_start3A_883 : memref<8x128xf32, #tpu.memory_space<hbm>>) target_semaphore(%arg13 : memref<!tpu.dma_semaphore, #tpu.memory_space<semaphore_mem>>)
      %dma_start3A_887 = arith.constant 3 : i32
      %dma_start3A_888 = arith.constant 24 : i32
      %dma_start3A_889 = arith.constant 0 : i32
      %dma_start3A_890 = tpu.memref_slice %arg9[%dma_start3A_888, %dma_start3A_889] : memref<64x133xf32, #tpu.memory_space<vmem>> -> memref<8x128xf32, #tpu.memory_space<vmem>>
      %dma_start3A_891 = arith.constant 0 : i32
      %dma_start3A_892 = arith.constant 0 : i32
      %dma_start3A_893 = tpu.memref_slice %arg5[%select_n3A_839, %dma_start3A_887, %rem3A_841, %dma_start3A_891, %dma_start3A_892] : memref<1024x8x8x8x128xf32, #tpu.memory_space<hbm>> -> memref<1x1x1x8x128xf32, #tpu.memory_space<hbm>>
      %dma_start3A_894 = tpu.memref_squeeze %dma_start3A_893 : memref<1x1x1x8x128xf32, #tpu.memory_space<hbm>> -> memref<8x128xf32, #tpu.memory_space<hbm>>
      %dma_start3A_895 = arith.constant 0 : i32
      %dma_start3A_896 = arith.constant 0 : i32
      %dma_start3A_897 = tpu.memref_slice %arg5[%select_n3A_839, %dma_start3A_887, %rem3A_841, %dma_start3A_895, %dma_start3A_896] : memref<1024x8x8x8x128xf32, #tpu.memory_space<hbm>> -> memref<1x1x1x8x128xf32, #tpu.memory_space<hbm>>
      %dma_start3A_898 = tpu.memref_squeeze %dma_start3A_897 : memref<1x1x1x8x128xf32, #tpu.memory_space<hbm>> -> memref<8x128xf32, #tpu.memory_space<hbm>>
      %dma_start3A_899 = arith.constant 24 : i32
      %dma_start3A_900 = arith.constant 0 : i32
      %dma_start3A_901 = tpu.memref_slice %arg9[%dma_start3A_899, %dma_start3A_900] : memref<64x133xf32, #tpu.memory_space<vmem>> -> memref<8x128xf32, #tpu.memory_space<vmem>>
      tpu.enqueue_dma source(%dma_start3A_901 : memref<8x128xf32, #tpu.memory_space<vmem>>) target(%dma_start3A_898 : memref<8x128xf32, #tpu.memory_space<hbm>>) target_semaphore(%arg13 : memref<!tpu.dma_semaphore, #tpu.memory_space<semaphore_mem>>)
      %dma_start3A_902 = arith.constant 4 : i32
      %dma_start3A_903 = arith.constant 32 : i32
      %dma_start3A_904 = arith.constant 0 : i32
      %dma_start3A_905 = tpu.memref_slice %arg9[%dma_start3A_903, %dma_start3A_904] : memref<64x133xf32, #tpu.memory_space<vmem>> -> memref<8x128xf32, #tpu.memory_space<vmem>>
      %dma_start3A_906 = arith.constant 0 : i32
      %dma_start3A_907 = arith.constant 0 : i32
      %dma_start3A_908 = tpu.memref_slice %arg5[%select_n3A_839, %dma_start3A_902, %rem3A_841, %dma_start3A_906, %dma_start3A_907] : memref<1024x8x8x8x128xf32, #tpu.memory_space<hbm>> -> memref<1x1x1x8x128xf32, #tpu.memory_space<hbm>>
      %dma_start3A_909 = tpu.memref_squeeze %dma_start3A_908 : memref<1x1x1x8x128xf32, #tpu.memory_space<hbm>> -> memref<8x128xf32, #tpu.memory_space<hbm>>
      %dma_start3A_910 = arith.constant 0 : i32
      %dma_start3A_911 = arith.constant 0 : i32
      %dma_start3A_912 = tpu.memref_slice %arg5[%select_n3A_839, %dma_start3A_902, %rem3A_841, %dma_start3A_910, %dma_start3A_911] : memref<1024x8x8x8x128xf32, #tpu.memory_space<hbm>> -> memref<1x1x1x8x128xf32, #tpu.memory_space<hbm>>
      %dma_start3A_913 = tpu.memref_squeeze %dma_start3A_912 : memref<1x1x1x8x128xf32, #tpu.memory_space<hbm>> -> memref<8x128xf32, #tpu.memory_space<hbm>>
      %dma_start3A_914 = arith.constant 32 : i32
      %dma_start3A_915 = arith.constant 0 : i32
      %dma_start3A_916 = tpu.memref_slice %arg9[%dma_start3A_914, %dma_start3A_915] : memref<64x133xf32, #tpu.memory_space<vmem>> -> memref<8x128xf32, #tpu.memory_space<vmem>>
      tpu.enqueue_dma source(%dma_start3A_916 : memref<8x128xf32, #tpu.memory_space<vmem>>) target(%dma_start3A_913 : memref<8x128xf32, #tpu.memory_space<hbm>>) target_semaphore(%arg13 : memref<!tpu.dma_semaphore, #tpu.memory_space<semaphore_mem>>)
      %dma_start3A_917 = arith.constant 5 : i32
      %dma_start3A_918 = arith.constant 40 : i32
      %dma_start3A_919 = arith.constant 0 : i32
      %dma_start3A_920 = tpu.memref_slice %arg9[%dma_start3A_918, %dma_start3A_919] : memref<64x133xf32, #tpu.memory_space<vmem>> -> memref<8x128xf32, #tpu.memory_space<vmem>>
      %dma_start3A_921 = arith.constant 0 : i32
      %dma_start3A_922 = arith.constant 0 : i32
      %dma_start3A_923 = tpu.memref_slice %arg5[%select_n3A_839, %dma_start3A_917, %rem3A_841, %dma_start3A_921, %dma_start3A_922] : memref<1024x8x8x8x128xf32, #tpu.memory_space<hbm>> -> memref<1x1x1x8x128xf32, #tpu.memory_space<hbm>>
      %dma_start3A_924 = tpu.memref_squeeze %dma_start3A_923 : memref<1x1x1x8x128xf32, #tpu.memory_space<hbm>> -> memref<8x128xf32, #tpu.memory_space<hbm>>
      %dma_start3A_925 = arith.constant 0 : i32
      %dma_start3A_926 = arith.constant 0 : i32
      %dma_start3A_927 = tpu.memref_slice %arg5[%select_n3A_839, %dma_start3A_917, %rem3A_841, %dma_start3A_925, %dma_start3A_926] : memref<1024x8x8x8x128xf32, #tpu.memory_space<hbm>> -> memref<1x1x1x8x128xf32, #tpu.memory_space<hbm>>
      %dma_start3A_928 = tpu.memref_squeeze %dma_start3A_927 : memref<1x1x1x8x128xf32, #tpu.memory_space<hbm>> -> memref<8x128xf32, #tpu.memory_space<hbm>>
      %dma_start3A_929 = arith.constant 40 : i32
      %dma_start3A_930 = arith.constant 0 : i32
      %dma_start3A_931 = tpu.memref_slice %arg9[%dma_start3A_929, %dma_start3A_930] : memref<64x133xf32, #tpu.memory_space<vmem>> -> memref<8x128xf32, #tpu.memory_space<vmem>>
      tpu.enqueue_dma source(%dma_start3A_931 : memref<8x128xf32, #tpu.memory_space<vmem>>) target(%dma_start3A_928 : memref<8x128xf32, #tpu.memory_space<hbm>>) target_semaphore(%arg13 : memref<!tpu.dma_semaphore, #tpu.memory_space<semaphore_mem>>)
      %dma_start3A_932 = arith.constant 6 : i32
      %dma_start3A_933 = arith.constant 48 : i32
      %dma_start3A_934 = arith.constant 0 : i32
      %dma_start3A_935 = tpu.memref_slice %arg9[%dma_start3A_933, %dma_start3A_934] : memref<64x133xf32, #tpu.memory_space<vmem>> -> memref<8x128xf32, #tpu.memory_space<vmem>>
      %dma_start3A_936 = arith.constant 0 : i32
      %dma_start3A_937 = arith.constant 0 : i32
      %dma_start3A_938 = tpu.memref_slice %arg5[%select_n3A_839, %dma_start3A_932, %rem3A_841, %dma_start3A_936, %dma_start3A_937] : memref<1024x8x8x8x128xf32, #tpu.memory_space<hbm>> -> memref<1x1x1x8x128xf32, #tpu.memory_space<hbm>>
      %dma_start3A_939 = tpu.memref_squeeze %dma_start3A_938 : memref<1x1x1x8x128xf32, #tpu.memory_space<hbm>> -> memref<8x128xf32, #tpu.memory_space<hbm>>
      %dma_start3A_940 = arith.constant 0 : i32
      %dma_start3A_941 = arith.constant 0 : i32
      %dma_start3A_942 = tpu.memref_slice %arg5[%select_n3A_839, %dma_start3A_932, %rem3A_841, %dma_start3A_940, %dma_start3A_941] : memref<1024x8x8x8x128xf32, #tpu.memory_space<hbm>> -> memref<1x1x1x8x128xf32, #tpu.memory_space<hbm>>
      %dma_start3A_943 = tpu.memref_squeeze %dma_start3A_942 : memref<1x1x1x8x128xf32, #tpu.memory_space<hbm>> -> memref<8x128xf32, #tpu.memory_space<hbm>>
      %dma_start3A_944 = arith.constant 48 : i32
      %dma_start3A_945 = arith.constant 0 : i32
      %dma_start3A_946 = tpu.memref_slice %arg9[%dma_start3A_944, %dma_start3A_945] : memref<64x133xf32, #tpu.memory_space<vmem>> -> memref<8x128xf32, #tpu.memory_space<vmem>>
      tpu.enqueue_dma source(%dma_start3A_946 : memref<8x128xf32, #tpu.memory_space<vmem>>) target(%dma_start3A_943 : memref<8x128xf32, #tpu.memory_space<hbm>>) target_semaphore(%arg13 : memref<!tpu.dma_semaphore, #tpu.memory_space<semaphore_mem>>)
      %dma_start3A_947 = arith.constant 7 : i32
      %dma_start3A_948 = arith.constant 56 : i32
      %dma_start3A_949 = arith.constant 0 : i32
      %dma_start3A_950 = tpu.memref_slice %arg9[%dma_start3A_948, %dma_start3A_949] : memref<64x133xf32, #tpu.memory_space<vmem>> -> memref<8x128xf32, #tpu.memory_space<vmem>>
      %dma_start3A_951 = arith.constant 0 : i32
      %dma_start3A_952 = arith.constant 0 : i32
      %dma_start3A_953 = tpu.memref_slice %arg5[%select_n3A_839, %dma_start3A_947, %rem3A_841, %dma_start3A_951, %dma_start3A_952] : memref<1024x8x8x8x128xf32, #tpu.memory_space<hbm>> -> memref<1x1x1x8x128xf32, #tpu.memory_space<hbm>>
      %dma_start3A_954 = tpu.memref_squeeze %dma_start3A_953 : memref<1x1x1x8x128xf32, #tpu.memory_space<hbm>> -> memref<8x128xf32, #tpu.memory_space<hbm>>
      %dma_start3A_955 = arith.constant 0 : i32
      %dma_start3A_956 = arith.constant 0 : i32
      %dma_start3A_957 = tpu.memref_slice %arg5[%select_n3A_839, %dma_start3A_947, %rem3A_841, %dma_start3A_955, %dma_start3A_956] : memref<1024x8x8x8x128xf32, #tpu.memory_space<hbm>> -> memref<1x1x1x8x128xf32, #tpu.memory_space<hbm>>
      %dma_start3A_958 = tpu.memref_squeeze %dma_start3A_957 : memref<1x1x1x8x128xf32, #tpu.memory_space<hbm>> -> memref<8x128xf32, #tpu.memory_space<hbm>>
      %dma_start3A_959 = arith.constant 56 : i32
      %dma_start3A_960 = arith.constant 0 : i32
      %dma_start3A_961 = tpu.memref_slice %arg9[%dma_start3A_959, %dma_start3A_960] : memref<64x133xf32, #tpu.memory_space<vmem>> -> memref<8x128xf32, #tpu.memory_space<vmem>>
      tpu.enqueue_dma source(%dma_start3A_961 : memref<8x128xf32, #tpu.memory_space<vmem>>) target(%dma_start3A_958 : memref<8x128xf32, #tpu.memory_space<hbm>>) target_semaphore(%arg13 : memref<!tpu.dma_semaphore, #tpu.memory_space<semaphore_mem>>)
      %dma_wait3A_962 = arith.constant 0 : i32
      %dma_wait3A_963 = arith.constant 0 : i32
      %dma_wait3A_964 = tpu.memref_slice %arg6[%dma_wait3A_962, %dma_wait3A_963] : memref<128x128xi32, #tpu.memory_space<vmem>> -> memref<1x128xi32, #tpu.memory_space<vmem>>
      %dma_wait3A_965 = tpu.memref_squeeze %dma_wait3A_964 : memref<1x128xi32, #tpu.memory_space<vmem>> -> memref<128xi32, #tpu.memory_space<vmem>>
      %dma_wait3A_966 = arith.constant 0 : i32
      %dma_wait3A_967 = arith.constant 0 : i32
      %dma_wait3A_968 = tpu.memref_slice %arg2[%dma_wait3A_966, %dma_wait3A_967] : memref<100000x64xf32, #tpu.memory_space<hbm>> -> memref<100000x64xf32, #tpu.memory_space<hbm>>
      tpu.wait_indirect_dma semaphore(%arg12 : memref<!tpu.dma_semaphore, #tpu.memory_space<semaphore_mem>>) src(%dma_wait3A_968 : memref<100000x64xf32, #tpu.memory_space<hbm>>) dst(%arg8 : memref<128x64xf32, #tpu.memory_space<vmem>>)
      %dma_wait3A_969 = arith.constant 0 : i32
      %dma_wait3A_970 = arith.constant 0 : i32
      %dma_wait3A_971 = arith.constant 0 : i32
      %dma_wait3A_972 = arith.constant 0 : i32
      %dma_wait3A_973 = arith.constant 0 : i32
      %dma_wait3A_974 = tpu.memref_slice %arg10[%dma_wait3A_972, %dma_wait3A_973] : memref<64x133xf32, #tpu.memory_space<vmem>> -> memref<8x128xf32, #tpu.memory_space<vmem>>
      %dma_wait3A_975 = arith.constant 0 : i32
      %dma_wait3A_976 = arith.constant 0 : i32
      %dma_wait3A_977 = tpu.memref_slice %arg5[%dma_wait3A_969, %dma_wait3A_970, %dma_wait3A_971, %dma_wait3A_975, %dma_wait3A_976] : memref<1024x8x8x8x128xf32, #tpu.memory_space<hbm>> -> memref<1x1x1x8x128xf32, #tpu.memory_space<hbm>>
      %dma_wait3A_978 = tpu.memref_squeeze %dma_wait3A_977 : memref<1x1x1x8x128xf32, #tpu.memory_space<hbm>> -> memref<8x128xf32, #tpu.memory_space<hbm>>
      %dma_wait3A_979 = arith.constant 0 : i32
      %dma_wait3A_980 = arith.constant 0 : i32
      %dma_wait3A_981 = tpu.memref_slice %arg5[%dma_wait3A_969, %dma_wait3A_970, %dma_wait3A_971, %dma_wait3A_979, %dma_wait3A_980] : memref<1024x8x8x8x128xf32, #tpu.memory_space<hbm>> -> memref<1x1x1x8x128xf32, #tpu.memory_space<hbm>>
      %dma_wait3A_982 = tpu.memref_squeeze %dma_wait3A_981 : memref<1x1x1x8x128xf32, #tpu.memory_space<hbm>> -> memref<8x128xf32, #tpu.memory_space<hbm>>
      %dma_wait3A_983 = arith.constant 0 : i32
      %dma_wait3A_984 = arith.constant 0 : i32
      %dma_wait3A_985 = tpu.memref_slice %arg10[%dma_wait3A_983, %dma_wait3A_984] : memref<64x133xf32, #tpu.memory_space<vmem>> -> memref<8x128xf32, #tpu.memory_space<vmem>>
      tpu.wait_dma2 semaphore(%arg13 : memref<!tpu.dma_semaphore, #tpu.memory_space<semaphore_mem>>) src(%dma_wait3A_985 : memref<8x128xf32, #tpu.memory_space<vmem>>) dst(%dma_wait3A_982 : memref<8x128xf32, #tpu.memory_space<hbm>>)
      %dma_wait3A_986 = arith.constant 0 : i32
      %dma_wait3A_987 = arith.constant 0 : i32
      %dma_wait3A_988 = arith.constant 0 : i32
      %dma_wait3A_989 = arith.constant 0 : i32
      %dma_wait3A_990 = arith.constant 0 : i32
      %dma_wait3A_991 = tpu.memref_slice %arg10[%dma_wait3A_989, %dma_wait3A_990] : memref<64x133xf32, #tpu.memory_space<vmem>> -> memref<8x128xf32, #tpu.memory_space<vmem>>
      %dma_wait3A_992 = arith.constant 0 : i32
      %dma_wait3A_993 = arith.constant 0 : i32
      %dma_wait3A_994 = tpu.memref_slice %arg5[%dma_wait3A_986, %dma_wait3A_987, %dma_wait3A_988, %dma_wait3A_992, %dma_wait3A_993] : memref<1024x8x8x8x128xf32, #tpu.memory_space<hbm>> -> memref<1x1x1x8x128xf32, #tpu.memory_space<hbm>>
      %dma_wait3A_995 = tpu.memref_squeeze %dma_wait3A_994 : memref<1x1x1x8x128xf32, #tpu.memory_space<hbm>> -> memref<8x128xf32, #tpu.memory_space<hbm>>
      %dma_wait3A_996 = arith.constant 0 : i32
      %dma_wait3A_997 = arith.constant 0 : i32
      %dma_wait3A_998 = tpu.memref_slice %arg5[%dma_wait3A_986, %dma_wait3A_987, %dma_wait3A_988, %dma_wait3A_996, %dma_wait3A_997] : memref<1024x8x8x8x128xf32, #tpu.memory_space<hbm>> -> memref<1x1x1x8x128xf32, #tpu.memory_space<hbm>>
      %dma_wait3A_999 = tpu.memref_squeeze %dma_wait3A_998 : memref<1x1x1x8x128xf32, #tpu.memory_space<hbm>> -> memref<8x128xf32, #tpu.memory_space<hbm>>
      %dma_wait3A_1000 = arith.constant 0 : i32
      %dma_wait3A_1001 = arith.constant 0 : i32
      %dma_wait3A_1002 = tpu.memref_slice %arg10[%dma_wait3A_1000, %dma_wait3A_1001] : memref<64x133xf32, #tpu.memory_space<vmem>> -> memref<8x128xf32, #tpu.memory_space<vmem>>
      tpu.wait_dma2 semaphore(%arg13 : memref<!tpu.dma_semaphore, #tpu.memory_space<semaphore_mem>>) src(%dma_wait3A_1002 : memref<8x128xf32, #tpu.memory_space<vmem>>) dst(%dma_wait3A_999 : memref<8x128xf32, #tpu.memory_space<hbm>>)
      %dma_wait3A_1003 = arith.constant 0 : i32
      %dma_wait3A_1004 = arith.constant 0 : i32
      %dma_wait3A_1005 = arith.constant 0 : i32
      %dma_wait3A_1006 = arith.constant 0 : i32
      %dma_wait3A_1007 = arith.constant 0 : i32
      %dma_wait3A_1008 = tpu.memref_slice %arg10[%dma_wait3A_1006, %dma_wait3A_1007] : memref<64x133xf32, #tpu.memory_space<vmem>> -> memref<8x128xf32, #tpu.memory_space<vmem>>
      %dma_wait3A_1009 = arith.constant 0 : i32
      %dma_wait3A_1010 = arith.constant 0 : i32
      %dma_wait3A_1011 = tpu.memref_slice %arg5[%dma_wait3A_1003, %dma_wait3A_1004, %dma_wait3A_1005, %dma_wait3A_1009, %dma_wait3A_1010] : memref<1024x8x8x8x128xf32, #tpu.memory_space<hbm>> -> memref<1x1x1x8x128xf32, #tpu.memory_space<hbm>>
      %dma_wait3A_1012 = tpu.memref_squeeze %dma_wait3A_1011 : memref<1x1x1x8x128xf32, #tpu.memory_space<hbm>> -> memref<8x128xf32, #tpu.memory_space<hbm>>
      %dma_wait3A_1013 = arith.constant 0 : i32
      %dma_wait3A_1014 = arith.constant 0 : i32
      %dma_wait3A_1015 = tpu.memref_slice %arg5[%dma_wait3A_1003, %dma_wait3A_1004, %dma_wait3A_1005, %dma_wait3A_1013, %dma_wait3A_1014] : memref<1024x8x8x8x128xf32, #tpu.memory_space<hbm>> -> memref<1x1x1x8x128xf32, #tpu.memory_space<hbm>>
      %dma_wait3A_1016 = tpu.memref_squeeze %dma_wait3A_1015 : memref<1x1x1x8x128xf32, #tpu.memory_space<hbm>> -> memref<8x128xf32, #tpu.memory_space<hbm>>
      %dma_wait3A_1017 = arith.constant 0 : i32
      %dma_wait3A_1018 = arith.constant 0 : i32
      %dma_wait3A_1019 = tpu.memref_slice %arg10[%dma_wait3A_1017, %dma_wait3A_1018] : memref<64x133xf32, #tpu.memory_space<vmem>> -> memref<8x128xf32, #tpu.memory_space<vmem>>
      tpu.wait_dma2 semaphore(%arg13 : memref<!tpu.dma_semaphore, #tpu.memory_space<semaphore_mem>>) src(%dma_wait3A_1019 : memref<8x128xf32, #tpu.memory_space<vmem>>) dst(%dma_wait3A_1016 : memref<8x128xf32, #tpu.memory_space<hbm>>)
      %dma_wait3A_1020 = arith.constant 0 : i32
      %dma_wait3A_1021 = arith.constant 0 : i32
      %dma_wait3A_1022 = arith.constant 0 : i32
      %dma_wait3A_1023 = arith.constant 0 : i32
      %dma_wait3A_1024 = arith.constant 0 : i32
      %dma_wait3A_1025 = tpu.memref_slice %arg10[%dma_wait3A_1023, %dma_wait3A_1024] : memref<64x133xf32, #tpu.memory_space<vmem>> -> memref<8x128xf32, #tpu.memory_space<vmem>>
      %dma_wait3A_1026 = arith.constant 0 : i32
      %dma_wait3A_1027 = arith.constant 0 : i32
      %dma_wait3A_1028 = tpu.memref_slice %arg5[%dma_wait3A_1020, %dma_wait3A_1021, %dma_wait3A_1022, %dma_wait3A_1026, %dma_wait3A_1027] : memref<1024x8x8x8x128xf32, #tpu.memory_space<hbm>> -> memref<1x1x1x8x128xf32, #tpu.memory_space<hbm>>
      %dma_wait3A_1029 = tpu.memref_squeeze %dma_wait3A_1028 : memref<1x1x1x8x128xf32, #tpu.memory_space<hbm>> -> memref<8x128xf32, #tpu.memory_space<hbm>>
      %dma_wait3A_1030 = arith.constant 0 : i32
      %dma_wait3A_1031 = arith.constant 0 : i32
      %dma_wait3A_1032 = tpu.memref_slice %arg5[%dma_wait3A_1020, %dma_wait3A_1021, %dma_wait3A_1022, %dma_wait3A_1030, %dma_wait3A_1031] : memref<1024x8x8x8x128xf32, #tpu.memory_space<hbm>> -> memref<1x1x1x8x128xf32, #tpu.memory_space<hbm>>
      %dma_wait3A_1033 = tpu.memref_squeeze %dma_wait3A_1032 : memref<1x1x1x8x128xf32, #tpu.memory_space<hbm>> -> memref<8x128xf32, #tpu.memory_space<hbm>>
      %dma_wait3A_1034 = arith.constant 0 : i32
      %dma_wait3A_1035 = arith.constant 0 : i32
      %dma_wait3A_1036 = tpu.memref_slice %arg10[%dma_wait3A_1034, %dma_wait3A_1035] : memref<64x133xf32, #tpu.memory_space<vmem>> -> memref<8x128xf32, #tpu.memory_space<vmem>>
      tpu.wait_dma2 semaphore(%arg13 : memref<!tpu.dma_semaphore, #tpu.memory_space<semaphore_mem>>) src(%dma_wait3A_1036 : memref<8x128xf32, #tpu.memory_space<vmem>>) dst(%dma_wait3A_1033 : memref<8x128xf32, #tpu.memory_space<hbm>>)
      %dma_wait3A_1037 = arith.constant 0 : i32
      %dma_wait3A_1038 = arith.constant 0 : i32
      %dma_wait3A_1039 = arith.constant 0 : i32
      %dma_wait3A_1040 = arith.constant 0 : i32
      %dma_wait3A_1041 = arith.constant 0 : i32
      %dma_wait3A_1042 = tpu.memref_slice %arg10[%dma_wait3A_1040, %dma_wait3A_1041] : memref<64x133xf32, #tpu.memory_space<vmem>> -> memref<8x128xf32, #tpu.memory_space<vmem>>
      %dma_wait3A_1043 = arith.constant 0 : i32
      %dma_wait3A_1044 = arith.constant 0 : i32
      %dma_wait3A_1045 = tpu.memref_slice %arg5[%dma_wait3A_1037, %dma_wait3A_1038, %dma_wait3A_1039, %dma_wait3A_1043, %dma_wait3A_1044] : memref<1024x8x8x8x128xf32, #tpu.memory_space<hbm>> -> memref<1x1x1x8x128xf32, #tpu.memory_space<hbm>>
      %dma_wait3A_1046 = tpu.memref_squeeze %dma_wait3A_1045 : memref<1x1x1x8x128xf32, #tpu.memory_space<hbm>> -> memref<8x128xf32, #tpu.memory_space<hbm>>
      %dma_wait3A_1047 = arith.constant 0 : i32
      %dma_wait3A_1048 = arith.constant 0 : i32
      %dma_wait3A_1049 = tpu.memref_slice %arg5[%dma_wait3A_1037, %dma_wait3A_1038, %dma_wait3A_1039, %dma_wait3A_1047, %dma_wait3A_1048] : memref<1024x8x8x8x128xf32, #tpu.memory_space<hbm>> -> memref<1x1x1x8x128xf32, #tpu.memory_space<hbm>>
      %dma_wait3A_1050 = tpu.memref_squeeze %dma_wait3A_1049 : memref<1x1x1x8x128xf32, #tpu.memory_space<hbm>> -> memref<8x128xf32, #tpu.memory_space<hbm>>
      %dma_wait3A_1051 = arith.constant 0 : i32
      %dma_wait3A_1052 = arith.constant 0 : i32
      %dma_wait3A_1053 = tpu.memref_slice %arg10[%dma_wait3A_1051, %dma_wait3A_1052] : memref<64x133xf32, #tpu.memory_space<vmem>> -> memref<8x128xf32, #tpu.memory_space<vmem>>
      tpu.wait_dma2 semaphore(%arg13 : memref<!tpu.dma_semaphore, #tpu.memory_space<semaphore_mem>>) src(%dma_wait3A_1053 : memref<8x128xf32, #tpu.memory_space<vmem>>) dst(%dma_wait3A_1050 : memref<8x128xf32, #tpu.memory_space<hbm>>)
      %dma_wait3A_1054 = arith.constant 0 : i32
      %dma_wait3A_1055 = arith.constant 0 : i32
      %dma_wait3A_1056 = arith.constant 0 : i32
      %dma_wait3A_1057 = arith.constant 0 : i32
      %dma_wait3A_1058 = arith.constant 0 : i32
      %dma_wait3A_1059 = tpu.memref_slice %arg10[%dma_wait3A_1057, %dma_wait3A_1058] : memref<64x133xf32, #tpu.memory_space<vmem>> -> memref<8x128xf32, #tpu.memory_space<vmem>>
      %dma_wait3A_1060 = arith.constant 0 : i32
      %dma_wait3A_1061 = arith.constant 0 : i32
      %dma_wait3A_1062 = tpu.memref_slice %arg5[%dma_wait3A_1054, %dma_wait3A_1055, %dma_wait3A_1056, %dma_wait3A_1060, %dma_wait3A_1061] : memref<1024x8x8x8x128xf32, #tpu.memory_space<hbm>> -> memref<1x1x1x8x128xf32, #tpu.memory_space<hbm>>
      %dma_wait3A_1063 = tpu.memref_squeeze %dma_wait3A_1062 : memref<1x1x1x8x128xf32, #tpu.memory_space<hbm>> -> memref<8x128xf32, #tpu.memory_space<hbm>>
      %dma_wait3A_1064 = arith.constant 0 : i32
      %dma_wait3A_1065 = arith.constant 0 : i32
      %dma_wait3A_1066 = tpu.memref_slice %arg5[%dma_wait3A_1054, %dma_wait3A_1055, %dma_wait3A_1056, %dma_wait3A_1064, %dma_wait3A_1065] : memref<1024x8x8x8x128xf32, #tpu.memory_space<hbm>> -> memref<1x1x1x8x128xf32, #tpu.memory_space<hbm>>
      %dma_wait3A_1067 = tpu.memref_squeeze %dma_wait3A_1066 : memref<1x1x1x8x128xf32, #tpu.memory_space<hbm>> -> memref<8x128xf32, #tpu.memory_space<hbm>>
      %dma_wait3A_1068 = arith.constant 0 : i32
      %dma_wait3A_1069 = arith.constant 0 : i32
      %dma_wait3A_1070 = tpu.memref_slice %arg10[%dma_wait3A_1068, %dma_wait3A_1069] : memref<64x133xf32, #tpu.memory_space<vmem>> -> memref<8x128xf32, #tpu.memory_space<vmem>>
      tpu.wait_dma2 semaphore(%arg13 : memref<!tpu.dma_semaphore, #tpu.memory_space<semaphore_mem>>) src(%dma_wait3A_1070 : memref<8x128xf32, #tpu.memory_space<vmem>>) dst(%dma_wait3A_1067 : memref<8x128xf32, #tpu.memory_space<hbm>>)
      %dma_wait3A_1071 = arith.constant 0 : i32
      %dma_wait3A_1072 = arith.constant 0 : i32
      %dma_wait3A_1073 = arith.constant 0 : i32
      %dma_wait3A_1074 = arith.constant 0 : i32
      %dma_wait3A_1075 = arith.constant 0 : i32
      %dma_wait3A_1076 = tpu.memref_slice %arg10[%dma_wait3A_1074, %dma_wait3A_1075] : memref<64x133xf32, #tpu.memory_space<vmem>> -> memref<8x128xf32, #tpu.memory_space<vmem>>
      %dma_wait3A_1077 = arith.constant 0 : i32
      %dma_wait3A_1078 = arith.constant 0 : i32
      %dma_wait3A_1079 = tpu.memref_slice %arg5[%dma_wait3A_1071, %dma_wait3A_1072, %dma_wait3A_1073, %dma_wait3A_1077, %dma_wait3A_1078] : memref<1024x8x8x8x128xf32, #tpu.memory_space<hbm>> -> memref<1x1x1x8x128xf32, #tpu.memory_space<hbm>>
      %dma_wait3A_1080 = tpu.memref_squeeze %dma_wait3A_1079 : memref<1x1x1x8x128xf32, #tpu.memory_space<hbm>> -> memref<8x128xf32, #tpu.memory_space<hbm>>
      %dma_wait3A_1081 = arith.constant 0 : i32
      %dma_wait3A_1082 = arith.constant 0 : i32
      %dma_wait3A_1083 = tpu.memref_slice %arg5[%dma_wait3A_1071, %dma_wait3A_1072, %dma_wait3A_1073, %dma_wait3A_1081, %dma_wait3A_1082] : memref<1024x8x8x8x128xf32, #tpu.memory_space<hbm>> -> memref<1x1x1x8x128xf32, #tpu.memory_space<hbm>>
      %dma_wait3A_1084 = tpu.memref_squeeze %dma_wait3A_1083 : memref<1x1x1x8x128xf32, #tpu.memory_space<hbm>> -> memref<8x128xf32, #tpu.memory_space<hbm>>
      %dma_wait3A_1085 = arith.constant 0 : i32
      %dma_wait3A_1086 = arith.constant 0 : i32
      %dma_wait3A_1087 = tpu.memref_slice %arg10[%dma_wait3A_1085, %dma_wait3A_1086] : memref<64x133xf32, #tpu.memory_space<vmem>> -> memref<8x128xf32, #tpu.memory_space<vmem>>
      tpu.wait_dma2 semaphore(%arg13 : memref<!tpu.dma_semaphore, #tpu.memory_space<semaphore_mem>>) src(%dma_wait3A_1087 : memref<8x128xf32, #tpu.memory_space<vmem>>) dst(%dma_wait3A_1084 : memref<8x128xf32, #tpu.memory_space<hbm>>)
      %dma_wait3A_1088 = arith.constant 0 : i32
      %dma_wait3A_1089 = arith.constant 0 : i32
      %dma_wait3A_1090 = arith.constant 0 : i32
      %dma_wait3A_1091 = arith.constant 0 : i32
      %dma_wait3A_1092 = arith.constant 0 : i32
      %dma_wait3A_1093 = tpu.memref_slice %arg10[%dma_wait3A_1091, %dma_wait3A_1092] : memref<64x133xf32, #tpu.memory_space<vmem>> -> memref<8x128xf32, #tpu.memory_space<vmem>>
      %dma_wait3A_1094 = arith.constant 0 : i32
      %dma_wait3A_1095 = arith.constant 0 : i32
      %dma_wait3A_1096 = tpu.memref_slice %arg5[%dma_wait3A_1088, %dma_wait3A_1089, %dma_wait3A_1090, %dma_wait3A_1094, %dma_wait3A_1095] : memref<1024x8x8x8x128xf32, #tpu.memory_space<hbm>> -> memref<1x1x1x8x128xf32, #tpu.memory_space<hbm>>
      %dma_wait3A_1097 = tpu.memref_squeeze %dma_wait3A_1096 : memref<1x1x1x8x128xf32, #tpu.memory_space<hbm>> -> memref<8x128xf32, #tpu.memory_space<hbm>>
      %dma_wait3A_1098 = arith.constant 0 : i32
      %dma_wait3A_1099 = arith.constant 0 : i32
      %dma_wait3A_1100 = tpu.memref_slice %arg5[%dma_wait3A_1088, %dma_wait3A_1089, %dma_wait3A_1090, %dma_wait3A_1098, %dma_wait3A_1099] : memref<1024x8x8x8x128xf32, #tpu.memory_space<hbm>> -> memref<1x1x1x8x128xf32, #tpu.memory_space<hbm>>
      %dma_wait3A_1101 = tpu.memref_squeeze %dma_wait3A_1100 : memref<1x1x1x8x128xf32, #tpu.memory_space<hbm>> -> memref<8x128xf32, #tpu.memory_space<hbm>>
      %dma_wait3A_1102 = arith.constant 0 : i32
      %dma_wait3A_1103 = arith.constant 0 : i32
      %dma_wait3A_1104 = tpu.memref_slice %arg10[%dma_wait3A_1102, %dma_wait3A_1103] : memref<64x133xf32, #tpu.memory_space<vmem>> -> memref<8x128xf32, #tpu.memory_space<vmem>>
      tpu.wait_dma2 semaphore(%arg13 : memref<!tpu.dma_semaphore, #tpu.memory_space<semaphore_mem>>) src(%dma_wait3A_1104 : memref<8x128xf32, #tpu.memory_space<vmem>>) dst(%dma_wait3A_1101 : memref<8x128xf32, #tpu.memory_space<hbm>>)
      %eq3A = arith.constant 63 : i32
      %eq3A_1105 = arith.cmpi eq, %scan3A_646, %eq3A : i32
      %convert_element_type3A = arith.extui %eq3A_1105 : i1 to i32
      %cond3A = arith.constant 0 : i32
      %cond3A_1106 = arith.cmpi ne, %convert_element_type3A, %cond3A : i32
      scf.if %cond3A_1106 {
        %add3A_1275 = arith.constant 128 : i32
        %add3A_1276 = arith.addi %mul3A_2, %add3A_1275 : i32
        "tpu.region"() ({
          %run_scoped3A = tpu.sem_alloc : memref<!tpu.dma_semaphore, #tpu.memory_space<semaphore_mem>>
          %dma_start3A_1277 = arith.constant 0 : i32
          %dma_start3A_1278 = tpu.memref_slice %arg3[%add3A_1276, %dma_start3A_1277] : memref<8192x128xi32, #tpu.memory_space<hbm>> -> memref<128x128xi32, #tpu.memory_space<hbm>>
          %dma_start3A_1279 = arith.constant 0 : i32
          %dma_start3A_1280 = tpu.memref_slice %arg3[%add3A_1276, %dma_start3A_1279] : memref<8192x128xi32, #tpu.memory_space<hbm>> -> memref<128x128xi32, #tpu.memory_space<hbm>>
          tpu.enqueue_dma source(%dma_start3A_1280 : memref<128x128xi32, #tpu.memory_space<hbm>>) target(%arg6 : memref<128x128xi32, #tpu.memory_space<vmem>>) target_semaphore(%run_scoped3A : memref<!tpu.dma_semaphore, #tpu.memory_space<semaphore_mem>>)
          %dma_wait3A_1281 = arith.constant 0 : i32
          %dma_wait3A_1282 = tpu.memref_slice %arg3[%add3A_1276, %dma_wait3A_1281] : memref<8192x128xi32, #tpu.memory_space<hbm>> -> memref<128x128xi32, #tpu.memory_space<hbm>>
          %dma_wait3A_1283 = arith.constant 0 : i32
          %dma_wait3A_1284 = tpu.memref_slice %arg3[%add3A_1276, %dma_wait3A_1283] : memref<8192x128xi32, #tpu.memory_space<hbm>> -> memref<128x128xi32, #tpu.memory_space<hbm>>
          tpu.wait_dma2 semaphore(%run_scoped3A : memref<!tpu.dma_semaphore, #tpu.memory_space<semaphore_mem>>) src(%dma_wait3A_1284 : memref<128x128xi32, #tpu.memory_space<hbm>>) dst(%arg6 : memref<128x128xi32, #tpu.memory_space<vmem>>)
          tpu.yield
        }) : () -> ()
      } else {
      }
      %lt3A = arith.constant 127 : i32
      %lt3A_1107 = arith.cmpi slt, %scan3A_646, %lt3A : i32
      %convert_element_type3A_1108 = arith.extui %lt3A_1107 : i1 to i32
      %cond3A_1109 = arith.constant 0 : i32
      %cond3A_1110 = arith.cmpi ne, %convert_element_type3A_1108, %cond3A_1109 : i32
      scf.if %cond3A_1110 {
        %add3A_1275 = arith.constant 2 : i32
        %add3A_1276 = arith.addi %mul3A_648, %add3A_1275 : i32
        %rem3A_1277 = arith.constant 128 : i32
        %rem3A_1278 = arith.remsi %add3A_1276, %rem3A_1277 : i32
        %dma_start3A_1279 = arith.constant 0 : i32
        %dma_start3A_1280 = tpu.memref_slice %arg6[%rem3A_1278, %dma_start3A_1279] : memref<128x128xi32, #tpu.memory_space<vmem>> -> memref<1x128xi32, #tpu.memory_space<vmem>>
        %dma_start3A_1281 = tpu.memref_squeeze %dma_start3A_1280 : memref<1x128xi32, #tpu.memory_space<vmem>> -> memref<128xi32, #tpu.memory_space<vmem>>
        %dma_start3A_1282 = arith.constant 0 : i32
        %dma_start3A_1283 = arith.constant 0 : i32
        %dma_start3A_1284 = tpu.memref_slice %arg2[%dma_start3A_1282, %dma_start3A_1283] : memref<100000x64xf32, #tpu.memory_space<hbm>> -> memref<100000x64xf32, #tpu.memory_space<hbm>>
        tpu.enqueue_indirect_dma source(%dma_start3A_1284 : memref<100000x64xf32, #tpu.memory_space<hbm>>) target(%arg7 : memref<128x64xf32, #tpu.memory_space<vmem>>) offsets(%dma_start3A_1281 : memref<128xi32, #tpu.memory_space<vmem>>) semaphore(%arg12 : memref<!tpu.dma_semaphore, #tpu.memory_space<semaphore_mem>>)
      } else {
      }
      %add3A_1111 = arith.constant 1 : i32
      %add3A_1112 = arith.addi %mul3A_648, %add3A_1111 : i32
      %add3A_1113 = arith.addi %mul3A_2, %add3A_1112 : i32
      %rem3A_1114 = arith.constant 8 : i32
      %rem3A_1115 = arith.remsi %add3A_1113, %rem3A_1114 : i32
      %mul3A_1116 = arith.constant 128 : i32
      %mul3A_1117 = arith.muli %rem3A_1115, %mul3A_1116 : i32
      %broadcast_in_dim3A_1118 = arith.constant 0 : i32
      %broadcast_in_dim3A_1119 = vector.broadcast %broadcast_in_dim3A_1118 : i32 to vector<16xi32>
      %scan3A_1120 = arith.constant 0 : i32
      %scan3A_1121 = arith.constant 128 : i32
      %scan3A_1122 = arith.addi %scan3A_1120, %scan3A_1121 : i32
      %scan3A_1123 = arith.constant 4 : i32
      %scan3A_1124 = scf.for %scan3A_1275 = %scan3A_1120 to %scan3A_1122 step %scan3A_1123 iter_args(%scan3A_1276 = %broadcast_in_dim3A_1119) -> (vector<16xi32>)  : i32 {
        %get3A = arith.index_cast %scan3A_1275 : i32 to index
        %get3A_1277 = arith.constant 0 : index
        %get3A_1278 = tpu.vector_load %arg8[%get3A, %get3A_1277] {strides = array<i32>} : memref<128x64xf32, #tpu.memory_space<vmem>>, vector<16xf32>,
        %add3A_1279 = arith.addi %mul3A_1117, %scan3A_1275 : i32
        %get3A_1280 = arith.index_cast %add3A_1279 : i32 to index
        %get3A_1281 = arith.constant 0 : index
        %get3A_1282 = tpu.vector_load %arg11[%get3A_1280, %get3A_1281] {strides = array<i32>} : memref<1024x64xf32, #tpu.memory_space<vmem>>, vector<16xf32>,
        %add3A_1283 = arith.addf %get3A_1278, %get3A_1282 : vector<16xf32>
        tpu.vector_store_idx %arg10[%add3A_5, %scan3A_1276], %add3A_1283 : memref<64x133xf32, #tpu.memory_space<vmem>>[vector<16xi32>, vector<16xi32>], vector<16xf32>,
        %get3A_1284 = arith.index_cast %scan3A_1275 : i32 to index
        %get3A_1285 = arith.constant 16 : index
        %get3A_1286 = tpu.vector_load %arg8[%get3A_1284, %get3A_1285] {strides = array<i32>} : memref<128x64xf32, #tpu.memory_space<vmem>>, vector<16xf32>,
        %add3A_1287 = arith.addi %mul3A_1117, %scan3A_1275 : i32
        %get3A_1288 = arith.index_cast %add3A_1287 : i32 to index
        %get3A_1289 = arith.constant 16 : index
        %get3A_1290 = tpu.vector_load %arg11[%get3A_1288, %get3A_1289] {strides = array<i32>} : memref<1024x64xf32, #tpu.memory_space<vmem>>, vector<16xf32>,
        %add3A_1291 = arith.addf %get3A_1286, %get3A_1290 : vector<16xf32>
        tpu.vector_store_idx %arg10[%add3A_8, %scan3A_1276], %add3A_1291 : memref<64x133xf32, #tpu.memory_space<vmem>>[vector<16xi32>, vector<16xi32>], vector<16xf32>,
        %get3A_1292 = arith.index_cast %scan3A_1275 : i32 to index
        %get3A_1293 = arith.constant 32 : index
        %get3A_1294 = tpu.vector_load %arg8[%get3A_1292, %get3A_1293] {strides = array<i32>} : memref<128x64xf32, #tpu.memory_space<vmem>>, vector<16xf32>,
        %add3A_1295 = arith.addi %mul3A_1117, %scan3A_1275 : i32
        %get3A_1296 = arith.index_cast %add3A_1295 : i32 to index
        %get3A_1297 = arith.constant 32 : index
        %get3A_1298 = tpu.vector_load %arg11[%get3A_1296, %get3A_1297] {strides = array<i32>} : memref<1024x64xf32, #tpu.memory_space<vmem>>, vector<16xf32>,
        %add3A_1299 = arith.addf %get3A_1294, %get3A_1298 : vector<16xf32>
        tpu.vector_store_idx %arg10[%add3A_11, %scan3A_1276], %add3A_1299 : memref<64x133xf32, #tpu.memory_space<vmem>>[vector<16xi32>, vector<16xi32>], vector<16xf32>,
        %get3A_1300 = arith.index_cast %scan3A_1275 : i32 to index
        %get3A_1301 = arith.constant 48 : index
        %get3A_1302 = tpu.vector_load %arg8[%get3A_1300, %get3A_1301] {strides = array<i32>} : memref<128x64xf32, #tpu.memory_space<vmem>>, vector<16xf32>,
        %add3A_1303 = arith.addi %mul3A_1117, %scan3A_1275 : i32
        %get3A_1304 = arith.index_cast %add3A_1303 : i32 to index
        %get3A_1305 = arith.constant 48 : index
        %get3A_1306 = tpu.vector_load %arg11[%get3A_1304, %get3A_1305] {strides = array<i32>} : memref<1024x64xf32, #tpu.memory_space<vmem>>, vector<16xf32>,
        %add3A_1307 = arith.addf %get3A_1302, %get3A_1306 : vector<16xf32>
        tpu.vector_store_idx %arg10[%add3A_14, %scan3A_1276], %add3A_1307 : memref<64x133xf32, #tpu.memory_space<vmem>>[vector<16xi32>, vector<16xi32>], vector<16xf32>,
        %add3A_1308 = arith.constant 1 : i32
        %add3A_1309 = vector.broadcast %add3A_1308 : i32 to vector<16xi32>
        %add3A_1310 = arith.addi %scan3A_1276, %add3A_1309 : vector<16xi32>
        %scan3A_1311 = arith.constant 1 : i32
        %scan3A_1312 = arith.addi %scan3A_1275, %scan3A_1311 : i32
        %get3A_1313 = arith.index_cast %scan3A_1312 : i32 to index
        %get3A_1314 = arith.constant 0 : index
        %get3A_1315 = tpu.vector_load %arg8[%get3A_1313, %get3A_1314] {strides = array<i32>} : memref<128x64xf32, #tpu.memory_space<vmem>>, vector<16xf32>,
        %add3A_1316 = arith.addi %mul3A_1117, %scan3A_1312 : i32
        %get3A_1317 = arith.index_cast %add3A_1316 : i32 to index
        %get3A_1318 = arith.constant 0 : index
        %get3A_1319 = tpu.vector_load %arg11[%get3A_1317, %get3A_1318] {strides = array<i32>} : memref<1024x64xf32, #tpu.memory_space<vmem>>, vector<16xf32>,
        %add3A_1320 = arith.addf %get3A_1315, %get3A_1319 : vector<16xf32>
        tpu.vector_store_idx %arg10[%add3A_5, %add3A_1310], %add3A_1320 : memref<64x133xf32, #tpu.memory_space<vmem>>[vector<16xi32>, vector<16xi32>], vector<16xf32>,
        %get3A_1321 = arith.index_cast %scan3A_1312 : i32 to index
        %get3A_1322 = arith.constant 16 : index
        %get3A_1323 = tpu.vector_load %arg8[%get3A_1321, %get3A_1322] {strides = array<i32>} : memref<128x64xf32, #tpu.memory_space<vmem>>, vector<16xf32>,
        %add3A_1324 = arith.addi %mul3A_1117, %scan3A_1312 : i32
        %get3A_1325 = arith.index_cast %add3A_1324 : i32 to index
        %get3A_1326 = arith.constant 16 : index
        %get3A_1327 = tpu.vector_load %arg11[%get3A_1325, %get3A_1326] {strides = array<i32>} : memref<1024x64xf32, #tpu.memory_space<vmem>>, vector<16xf32>,
        %add3A_1328 = arith.addf %get3A_1323, %get3A_1327 : vector<16xf32>
        tpu.vector_store_idx %arg10[%add3A_8, %add3A_1310], %add3A_1328 : memref<64x133xf32, #tpu.memory_space<vmem>>[vector<16xi32>, vector<16xi32>], vector<16xf32>,
        %get3A_1329 = arith.index_cast %scan3A_1312 : i32 to index
        %get3A_1330 = arith.constant 32 : index
        %get3A_1331 = tpu.vector_load %arg8[%get3A_1329, %get3A_1330] {strides = array<i32>} : memref<128x64xf32, #tpu.memory_space<vmem>>, vector<16xf32>,
        %add3A_1332 = arith.addi %mul3A_1117, %scan3A_1312 : i32
        %get3A_1333 = arith.index_cast %add3A_1332 : i32 to index
        %get3A_1334 = arith.constant 32 : index
        %get3A_1335 = tpu.vector_load %arg11[%get3A_1333, %get3A_1334] {strides = array<i32>} : memref<1024x64xf32, #tpu.memory_space<vmem>>, vector<16xf32>,
        %add3A_1336 = arith.addf %get3A_1331, %get3A_1335 : vector<16xf32>
        tpu.vector_store_idx %arg10[%add3A_11, %add3A_1310], %add3A_1336 : memref<64x133xf32, #tpu.memory_space<vmem>>[vector<16xi32>, vector<16xi32>], vector<16xf32>,
        %get3A_1337 = arith.index_cast %scan3A_1312 : i32 to index
        %get3A_1338 = arith.constant 48 : index
        %get3A_1339 = tpu.vector_load %arg8[%get3A_1337, %get3A_1338] {strides = array<i32>} : memref<128x64xf32, #tpu.memory_space<vmem>>, vector<16xf32>,
        %add3A_1340 = arith.addi %mul3A_1117, %scan3A_1312 : i32
        %get3A_1341 = arith.index_cast %add3A_1340 : i32 to index
        %get3A_1342 = arith.constant 48 : index
        %get3A_1343 = tpu.vector_load %arg11[%get3A_1341, %get3A_1342] {strides = array<i32>} : memref<1024x64xf32, #tpu.memory_space<vmem>>, vector<16xf32>,
        %add3A_1344 = arith.addf %get3A_1339, %get3A_1343 : vector<16xf32>
        tpu.vector_store_idx %arg10[%add3A_14, %add3A_1310], %add3A_1344 : memref<64x133xf32, #tpu.memory_space<vmem>>[vector<16xi32>, vector<16xi32>], vector<16xf32>,
        %add3A_1345 = arith.constant 1 : i32
        %add3A_1346 = vector.broadcast %add3A_1345 : i32 to vector<16xi32>
        %add3A_1347 = arith.addi %add3A_1310, %add3A_1346 : vector<16xi32>
        %scan3A_1348 = arith.constant 2 : i32
        %scan3A_1349 = arith.addi %scan3A_1275, %scan3A_1348 : i32
        %get3A_1350 = arith.index_cast %scan3A_1349 : i32 to index
        %get3A_1351 = arith.constant 0 : index
        %get3A_1352 = tpu.vector_load %arg8[%get3A_1350, %get3A_1351] {strides = array<i32>} : memref<128x64xf32, #tpu.memory_space<vmem>>, vector<16xf32>,
        %add3A_1353 = arith.addi %mul3A_1117, %scan3A_1349 : i32
        %get3A_1354 = arith.index_cast %add3A_1353 : i32 to index
        %get3A_1355 = arith.constant 0 : index
        %get3A_1356 = tpu.vector_load %arg11[%get3A_1354, %get3A_1355] {strides = array<i32>} : memref<1024x64xf32, #tpu.memory_space<vmem>>, vector<16xf32>,
        %add3A_1357 = arith.addf %get3A_1352, %get3A_1356 : vector<16xf32>
        tpu.vector_store_idx %arg10[%add3A_5, %add3A_1347], %add3A_1357 : memref<64x133xf32, #tpu.memory_space<vmem>>[vector<16xi32>, vector<16xi32>], vector<16xf32>,
        %get3A_1358 = arith.index_cast %scan3A_1349 : i32 to index
        %get3A_1359 = arith.constant 16 : index
        %get3A_1360 = tpu.vector_load %arg8[%get3A_1358, %get3A_1359] {strides = array<i32>} : memref<128x64xf32, #tpu.memory_space<vmem>>, vector<16xf32>,
        %add3A_1361 = arith.addi %mul3A_1117, %scan3A_1349 : i32
        %get3A_1362 = arith.index_cast %add3A_1361 : i32 to index
        %get3A_1363 = arith.constant 16 : index
        %get3A_1364 = tpu.vector_load %arg11[%get3A_1362, %get3A_1363] {strides = array<i32>} : memref<1024x64xf32, #tpu.memory_space<vmem>>, vector<16xf32>,
        %add3A_1365 = arith.addf %get3A_1360, %get3A_1364 : vector<16xf32>
        tpu.vector_store_idx %arg10[%add3A_8, %add3A_1347], %add3A_1365 : memref<64x133xf32, #tpu.memory_space<vmem>>[vector<16xi32>, vector<16xi32>], vector<16xf32>,
        %get3A_1366 = arith.index_cast %scan3A_1349 : i32 to index
        %get3A_1367 = arith.constant 32 : index
        %get3A_1368 = tpu.vector_load %arg8[%get3A_1366, %get3A_1367] {strides = array<i32>} : memref<128x64xf32, #tpu.memory_space<vmem>>, vector<16xf32>,
        %add3A_1369 = arith.addi %mul3A_1117, %scan3A_1349 : i32
        %get3A_1370 = arith.index_cast %add3A_1369 : i32 to index
        %get3A_1371 = arith.constant 32 : index
        %get3A_1372 = tpu.vector_load %arg11[%get3A_1370, %get3A_1371] {strides = array<i32>} : memref<1024x64xf32, #tpu.memory_space<vmem>>, vector<16xf32>,
        %add3A_1373 = arith.addf %get3A_1368, %get3A_1372 : vector<16xf32>
        tpu.vector_store_idx %arg10[%add3A_11, %add3A_1347], %add3A_1373 : memref<64x133xf32, #tpu.memory_space<vmem>>[vector<16xi32>, vector<16xi32>], vector<16xf32>,
        %get3A_1374 = arith.index_cast %scan3A_1349 : i32 to index
        %get3A_1375 = arith.constant 48 : index
        %get3A_1376 = tpu.vector_load %arg8[%get3A_1374, %get3A_1375] {strides = array<i32>} : memref<128x64xf32, #tpu.memory_space<vmem>>, vector<16xf32>,
        %add3A_1377 = arith.addi %mul3A_1117, %scan3A_1349 : i32
        %get3A_1378 = arith.index_cast %add3A_1377 : i32 to index
        %get3A_1379 = arith.constant 48 : index
        %get3A_1380 = tpu.vector_load %arg11[%get3A_1378, %get3A_1379] {strides = array<i32>} : memref<1024x64xf32, #tpu.memory_space<vmem>>, vector<16xf32>,
        %add3A_1381 = arith.addf %get3A_1376, %get3A_1380 : vector<16xf32>
        tpu.vector_store_idx %arg10[%add3A_14, %add3A_1347], %add3A_1381 : memref<64x133xf32, #tpu.memory_space<vmem>>[vector<16xi32>, vector<16xi32>], vector<16xf32>,
        %add3A_1382 = arith.constant 1 : i32
        %add3A_1383 = vector.broadcast %add3A_1382 : i32 to vector<16xi32>
        %add3A_1384 = arith.addi %add3A_1347, %add3A_1383 : vector<16xi32>
        %scan3A_1385 = arith.constant 3 : i32
        %scan3A_1386 = arith.addi %scan3A_1275, %scan3A_1385 : i32
        %get3A_1387 = arith.index_cast %scan3A_1386 : i32 to index
        %get3A_1388 = arith.constant 0 : index
        %get3A_1389 = tpu.vector_load %arg8[%get3A_1387, %get3A_1388] {strides = array<i32>} : memref<128x64xf32, #tpu.memory_space<vmem>>, vector<16xf32>,
        %add3A_1390 = arith.addi %mul3A_1117, %scan3A_1386 : i32
        %get3A_1391 = arith.index_cast %add3A_1390 : i32 to index
        %get3A_1392 = arith.constant 0 : index
        %get3A_1393 = tpu.vector_load %arg11[%get3A_1391, %get3A_1392] {strides = array<i32>} : memref<1024x64xf32, #tpu.memory_space<vmem>>, vector<16xf32>,
        %add3A_1394 = arith.addf %get3A_1389, %get3A_1393 : vector<16xf32>
        tpu.vector_store_idx %arg10[%add3A_5, %add3A_1384], %add3A_1394 : memref<64x133xf32, #tpu.memory_space<vmem>>[vector<16xi32>, vector<16xi32>], vector<16xf32>,
        %get3A_1395 = arith.index_cast %scan3A_1386 : i32 to index
        %get3A_1396 = arith.constant 16 : index
        %get3A_1397 = tpu.vector_load %arg8[%get3A_1395, %get3A_1396] {strides = array<i32>} : memref<128x64xf32, #tpu.memory_space<vmem>>, vector<16xf32>,
        %add3A_1398 = arith.addi %mul3A_1117, %scan3A_1386 : i32
        %get3A_1399 = arith.index_cast %add3A_1398 : i32 to index
        %get3A_1400 = arith.constant 16 : index
        %get3A_1401 = tpu.vector_load %arg11[%get3A_1399, %get3A_1400] {strides = array<i32>} : memref<1024x64xf32, #tpu.memory_space<vmem>>, vector<16xf32>,
        %add3A_1402 = arith.addf %get3A_1397, %get3A_1401 : vector<16xf32>
        tpu.vector_store_idx %arg10[%add3A_8, %add3A_1384], %add3A_1402 : memref<64x133xf32, #tpu.memory_space<vmem>>[vector<16xi32>, vector<16xi32>], vector<16xf32>,
        %get3A_1403 = arith.index_cast %scan3A_1386 : i32 to index
        %get3A_1404 = arith.constant 32 : index
        %get3A_1405 = tpu.vector_load %arg8[%get3A_1403, %get3A_1404] {strides = array<i32>} : memref<128x64xf32, #tpu.memory_space<vmem>>, vector<16xf32>,
        %add3A_1406 = arith.addi %mul3A_1117, %scan3A_1386 : i32
        %get3A_1407 = arith.index_cast %add3A_1406 : i32 to index
        %get3A_1408 = arith.constant 32 : index
        %get3A_1409 = tpu.vector_load %arg11[%get3A_1407, %get3A_1408] {strides = array<i32>} : memref<1024x64xf32, #tpu.memory_space<vmem>>, vector<16xf32>,
        %add3A_1410 = arith.addf %get3A_1405, %get3A_1409 : vector<16xf32>
        tpu.vector_store_idx %arg10[%add3A_11, %add3A_1384], %add3A_1410 : memref<64x133xf32, #tpu.memory_space<vmem>>[vector<16xi32>, vector<16xi32>], vector<16xf32>,
        %get3A_1411 = arith.index_cast %scan3A_1386 : i32 to index
        %get3A_1412 = arith.constant 48 : index
        %get3A_1413 = tpu.vector_load %arg8[%get3A_1411, %get3A_1412] {strides = array<i32>} : memref<128x64xf32, #tpu.memory_space<vmem>>, vector<16xf32>,
        %add3A_1414 = arith.addi %mul3A_1117, %scan3A_1386 : i32
        %get3A_1415 = arith.index_cast %add3A_1414 : i32 to index
        %get3A_1416 = arith.constant 48 : index
        %get3A_1417 = tpu.vector_load %arg11[%get3A_1415, %get3A_1416] {strides = array<i32>} : memref<1024x64xf32, #tpu.memory_space<vmem>>, vector<16xf32>,
        %add3A_1418 = arith.addf %get3A_1413, %get3A_1417 : vector<16xf32>
        tpu.vector_store_idx %arg10[%add3A_14, %add3A_1384], %add3A_1418 : memref<64x133xf32, #tpu.memory_space<vmem>>[vector<16xi32>, vector<16xi32>], vector<16xf32>,
        %add3A_1419 = arith.constant 1 : i32
        %add3A_1420 = vector.broadcast %add3A_1419 : i32 to vector<16xi32>
        %add3A_1421 = arith.addi %add3A_1384, %add3A_1420 : vector<16xi32>
        scf.yield %add3A_1421 : vector<16xi32>
      }
      %scan3A_1125 = arith.constant 128 : i32
      %add3A_1126 = arith.constant 1 : i32
      %add3A_1127 = arith.addi %mul3A_648, %add3A_1126 : i32
      %add3A_1128 = arith.addi %mul3A_2, %add3A_1127 : i32
      %jit3A_1129 = arith.constant 8 : i32
      %div3A_1130 = arith.divsi %add3A_1128, %jit3A_1129 : i32
      %sign3A_1131 = arith.constant 0 : i32
      %sign3A_1132 = arith.cmpi sgt, %add3A_1128, %sign3A_1131 : i32
      %sign3A_1133 = arith.extui %sign3A_1132 : i1 to i32
      %sign3A_1134 = arith.constant 0 : i32
      %sign3A_1135 = arith.cmpi slt, %add3A_1128, %sign3A_1134 : i32
      %sign3A_1136 = arith.extui %sign3A_1135 : i1 to i32
      %sign3A_1137 = arith.subi %sign3A_1133, %sign3A_1136 : i32
      %sign3A_1138 = arith.constant 0 : i32
      %sign3A_1139 = arith.cmpi sgt, %jit3A_1129, %sign3A_1138 : i32
      %sign3A_1140 = arith.extui %sign3A_1139 : i1 to i32
      %sign3A_1141 = arith.constant 0 : i32
      %sign3A_1142 = arith.cmpi slt, %jit3A_1129, %sign3A_1141 : i32
      %sign3A_1143 = arith.extui %sign3A_1142 : i1 to i32
      %sign3A_1144 = arith.subi %sign3A_1140, %sign3A_1143 : i32
      %ne3A_1145 = arith.cmpi ne, %sign3A_1137, %sign3A_1144 : i32
      %rem3A_1146 = arith.remsi %add3A_1128, %jit3A_1129 : i32
      %ne3A_1147 = arith.constant 0 : i32
      %ne3A_1148 = arith.cmpi ne, %rem3A_1146, %ne3A_1147 : i32
      %and3A_1149 = arith.andi %ne3A_1145, %ne3A_1148 : i1
      %sub3A_1150 = arith.constant 1 : i32
      %sub3A_1151 = arith.subi %div3A_1130, %sub3A_1150 : i32
      %select_n3A_1152 = arith.select %and3A_1149, %sub3A_1151, %div3A_1130 : i32
      %rem3A_1153 = arith.constant 8 : i32
      %rem3A_1154 = arith.remsi %add3A_1128, %rem3A_1153 : i32
      %dma_start3A_1155 = arith.constant 0 : i32
      %dma_start3A_1156 = arith.constant 0 : i32
      %dma_start3A_1157 = arith.constant 0 : i32
      %dma_start3A_1158 = tpu.memref_slice %arg10[%dma_start3A_1156, %dma_start3A_1157] : memref<64x133xf32, #tpu.memory_space<vmem>> -> memref<8x128xf32, #tpu.memory_space<vmem>>
      %dma_start3A_1159 = arith.constant 0 : i32
      %dma_start3A_1160 = arith.constant 0 : i32
      %dma_start3A_1161 = tpu.memref_slice %arg5[%select_n3A_1152, %dma_start3A_1155, %rem3A_1154, %dma_start3A_1159, %dma_start3A_1160] : memref<1024x8x8x8x128xf32, #tpu.memory_space<hbm>> -> memref<1x1x1x8x128xf32, #tpu.memory_space<hbm>>
      %dma_start3A_1162 = tpu.memref_squeeze %dma_start3A_1161 : memref<1x1x1x8x128xf32, #tpu.memory_space<hbm>> -> memref<8x128xf32, #tpu.memory_space<hbm>>
      %dma_start3A_1163 = arith.constant 0 : i32
      %dma_start3A_1164 = arith.constant 0 : i32
      %dma_start3A_1165 = tpu.memref_slice %arg5[%select_n3A_1152, %dma_start3A_1155, %rem3A_1154, %dma_start3A_1163, %dma_start3A_1164] : memref<1024x8x8x8x128xf32, #tpu.memory_space<hbm>> -> memref<1x1x1x8x128xf32, #tpu.memory_space<hbm>>
      %dma_start3A_1166 = tpu.memref_squeeze %dma_start3A_1165 : memref<1x1x1x8x128xf32, #tpu.memory_space<hbm>> -> memref<8x128xf32, #tpu.memory_space<hbm>>
      %dma_start3A_1167 = arith.constant 0 : i32
      %dma_start3A_1168 = arith.constant 0 : i32
      %dma_start3A_1169 = tpu.memref_slice %arg10[%dma_start3A_1167, %dma_start3A_1168] : memref<64x133xf32, #tpu.memory_space<vmem>> -> memref<8x128xf32, #tpu.memory_space<vmem>>
      tpu.enqueue_dma source(%dma_start3A_1169 : memref<8x128xf32, #tpu.memory_space<vmem>>) target(%dma_start3A_1166 : memref<8x128xf32, #tpu.memory_space<hbm>>) target_semaphore(%arg13 : memref<!tpu.dma_semaphore, #tpu.memory_space<semaphore_mem>>)
      %dma_start3A_1170 = arith.constant 1 : i32
      %dma_start3A_1171 = arith.constant 8 : i32
      %dma_start3A_1172 = arith.constant 0 : i32
      %dma_start3A_1173 = tpu.memref_slice %arg10[%dma_start3A_1171, %dma_start3A_1172] : memref<64x133xf32, #tpu.memory_space<vmem>> -> memref<8x128xf32, #tpu.memory_space<vmem>>
      %dma_start3A_1174 = arith.constant 0 : i32
      %dma_start3A_1175 = arith.constant 0 : i32
      %dma_start3A_1176 = tpu.memref_slice %arg5[%select_n3A_1152, %dma_start3A_1170, %rem3A_1154, %dma_start3A_1174, %dma_start3A_1175] : memref<1024x8x8x8x128xf32, #tpu.memory_space<hbm>> -> memref<1x1x1x8x128xf32, #tpu.memory_space<hbm>>
      %dma_start3A_1177 = tpu.memref_squeeze %dma_start3A_1176 : memref<1x1x1x8x128xf32, #tpu.memory_space<hbm>> -> memref<8x128xf32, #tpu.memory_space<hbm>>
      %dma_start3A_1178 = arith.constant 0 : i32
      %dma_start3A_1179 = arith.constant 0 : i32
      %dma_start3A_1180 = tpu.memref_slice %arg5[%select_n3A_1152, %dma_start3A_1170, %rem3A_1154, %dma_start3A_1178, %dma_start3A_1179] : memref<1024x8x8x8x128xf32, #tpu.memory_space<hbm>> -> memref<1x1x1x8x128xf32, #tpu.memory_space<hbm>>
      %dma_start3A_1181 = tpu.memref_squeeze %dma_start3A_1180 : memref<1x1x1x8x128xf32, #tpu.memory_space<hbm>> -> memref<8x128xf32, #tpu.memory_space<hbm>>
      %dma_start3A_1182 = arith.constant 8 : i32
      %dma_start3A_1183 = arith.constant 0 : i32
      %dma_start3A_1184 = tpu.memref_slice %arg10[%dma_start3A_1182, %dma_start3A_1183] : memref<64x133xf32, #tpu.memory_space<vmem>> -> memref<8x128xf32, #tpu.memory_space<vmem>>
      tpu.enqueue_dma source(%dma_start3A_1184 : memref<8x128xf32, #tpu.memory_space<vmem>>) target(%dma_start3A_1181 : memref<8x128xf32, #tpu.memory_space<hbm>>) target_semaphore(%arg13 : memref<!tpu.dma_semaphore, #tpu.memory_space<semaphore_mem>>)
      %dma_start3A_1185 = arith.constant 2 : i32
      %dma_start3A_1186 = arith.constant 16 : i32
      %dma_start3A_1187 = arith.constant 0 : i32
      %dma_start3A_1188 = tpu.memref_slice %arg10[%dma_start3A_1186, %dma_start3A_1187] : memref<64x133xf32, #tpu.memory_space<vmem>> -> memref<8x128xf32, #tpu.memory_space<vmem>>
      %dma_start3A_1189 = arith.constant 0 : i32
      %dma_start3A_1190 = arith.constant 0 : i32
      %dma_start3A_1191 = tpu.memref_slice %arg5[%select_n3A_1152, %dma_start3A_1185, %rem3A_1154, %dma_start3A_1189, %dma_start3A_1190] : memref<1024x8x8x8x128xf32, #tpu.memory_space<hbm>> -> memref<1x1x1x8x128xf32, #tpu.memory_space<hbm>>
      %dma_start3A_1192 = tpu.memref_squeeze %dma_start3A_1191 : memref<1x1x1x8x128xf32, #tpu.memory_space<hbm>> -> memref<8x128xf32, #tpu.memory_space<hbm>>
      %dma_start3A_1193 = arith.constant 0 : i32
      %dma_start3A_1194 = arith.constant 0 : i32
      %dma_start3A_1195 = tpu.memref_slice %arg5[%select_n3A_1152, %dma_start3A_1185, %rem3A_1154, %dma_start3A_1193, %dma_start3A_1194] : memref<1024x8x8x8x128xf32, #tpu.memory_space<hbm>> -> memref<1x1x1x8x128xf32, #tpu.memory_space<hbm>>
      %dma_start3A_1196 = tpu.memref_squeeze %dma_start3A_1195 : memref<1x1x1x8x128xf32, #tpu.memory_space<hbm>> -> memref<8x128xf32, #tpu.memory_space<hbm>>
      %dma_start3A_1197 = arith.constant 16 : i32
      %dma_start3A_1198 = arith.constant 0 : i32
      %dma_start3A_1199 = tpu.memref_slice %arg10[%dma_start3A_1197, %dma_start3A_1198] : memref<64x133xf32, #tpu.memory_space<vmem>> -> memref<8x128xf32, #tpu.memory_space<vmem>>
      tpu.enqueue_dma source(%dma_start3A_1199 : memref<8x128xf32, #tpu.memory_space<vmem>>) target(%dma_start3A_1196 : memref<8x128xf32, #tpu.memory_space<hbm>>) target_semaphore(%arg13 : memref<!tpu.dma_semaphore, #tpu.memory_space<semaphore_mem>>)
      %dma_start3A_1200 = arith.constant 3 : i32
      %dma_start3A_1201 = arith.constant 24 : i32
      %dma_start3A_1202 = arith.constant 0 : i32
      %dma_start3A_1203 = tpu.memref_slice %arg10[%dma_start3A_1201, %dma_start3A_1202] : memref<64x133xf32, #tpu.memory_space<vmem>> -> memref<8x128xf32, #tpu.memory_space<vmem>>
      %dma_start3A_1204 = arith.constant 0 : i32
      %dma_start3A_1205 = arith.constant 0 : i32
      %dma_start3A_1206 = tpu.memref_slice %arg5[%select_n3A_1152, %dma_start3A_1200, %rem3A_1154, %dma_start3A_1204, %dma_start3A_1205] : memref<1024x8x8x8x128xf32, #tpu.memory_space<hbm>> -> memref<1x1x1x8x128xf32, #tpu.memory_space<hbm>>
      %dma_start3A_1207 = tpu.memref_squeeze %dma_start3A_1206 : memref<1x1x1x8x128xf32, #tpu.memory_space<hbm>> -> memref<8x128xf32, #tpu.memory_space<hbm>>
      %dma_start3A_1208 = arith.constant 0 : i32
      %dma_start3A_1209 = arith.constant 0 : i32
      %dma_start3A_1210 = tpu.memref_slice %arg5[%select_n3A_1152, %dma_start3A_1200, %rem3A_1154, %dma_start3A_1208, %dma_start3A_1209] : memref<1024x8x8x8x128xf32, #tpu.memory_space<hbm>> -> memref<1x1x1x8x128xf32, #tpu.memory_space<hbm>>
      %dma_start3A_1211 = tpu.memref_squeeze %dma_start3A_1210 : memref<1x1x1x8x128xf32, #tpu.memory_space<hbm>> -> memref<8x128xf32, #tpu.memory_space<hbm>>
      %dma_start3A_1212 = arith.constant 24 : i32
      %dma_start3A_1213 = arith.constant 0 : i32
      %dma_start3A_1214 = tpu.memref_slice %arg10[%dma_start3A_1212, %dma_start3A_1213] : memref<64x133xf32, #tpu.memory_space<vmem>> -> memref<8x128xf32, #tpu.memory_space<vmem>>
      tpu.enqueue_dma source(%dma_start3A_1214 : memref<8x128xf32, #tpu.memory_space<vmem>>) target(%dma_start3A_1211 : memref<8x128xf32, #tpu.memory_space<hbm>>) target_semaphore(%arg13 : memref<!tpu.dma_semaphore, #tpu.memory_space<semaphore_mem>>)
      %dma_start3A_1215 = arith.constant 4 : i32
      %dma_start3A_1216 = arith.constant 32 : i32
      %dma_start3A_1217 = arith.constant 0 : i32
      %dma_start3A_1218 = tpu.memref_slice %arg10[%dma_start3A_1216, %dma_start3A_1217] : memref<64x133xf32, #tpu.memory_space<vmem>> -> memref<8x128xf32, #tpu.memory_space<vmem>>
      %dma_start3A_1219 = arith.constant 0 : i32
      %dma_start3A_1220 = arith.constant 0 : i32
      %dma_start3A_1221 = tpu.memref_slice %arg5[%select_n3A_1152, %dma_start3A_1215, %rem3A_1154, %dma_start3A_1219, %dma_start3A_1220] : memref<1024x8x8x8x128xf32, #tpu.memory_space<hbm>> -> memref<1x1x1x8x128xf32, #tpu.memory_space<hbm>>
      %dma_start3A_1222 = tpu.memref_squeeze %dma_start3A_1221 : memref<1x1x1x8x128xf32, #tpu.memory_space<hbm>> -> memref<8x128xf32, #tpu.memory_space<hbm>>
      %dma_start3A_1223 = arith.constant 0 : i32
      %dma_start3A_1224 = arith.constant 0 : i32
      %dma_start3A_1225 = tpu.memref_slice %arg5[%select_n3A_1152, %dma_start3A_1215, %rem3A_1154, %dma_start3A_1223, %dma_start3A_1224] : memref<1024x8x8x8x128xf32, #tpu.memory_space<hbm>> -> memref<1x1x1x8x128xf32, #tpu.memory_space<hbm>>
      %dma_start3A_1226 = tpu.memref_squeeze %dma_start3A_1225 : memref<1x1x1x8x128xf32, #tpu.memory_space<hbm>> -> memref<8x128xf32, #tpu.memory_space<hbm>>
      %dma_start3A_1227 = arith.constant 32 : i32
      %dma_start3A_1228 = arith.constant 0 : i32
      %dma_start3A_1229 = tpu.memref_slice %arg10[%dma_start3A_1227, %dma_start3A_1228] : memref<64x133xf32, #tpu.memory_space<vmem>> -> memref<8x128xf32, #tpu.memory_space<vmem>>
      tpu.enqueue_dma source(%dma_start3A_1229 : memref<8x128xf32, #tpu.memory_space<vmem>>) target(%dma_start3A_1226 : memref<8x128xf32, #tpu.memory_space<hbm>>) target_semaphore(%arg13 : memref<!tpu.dma_semaphore, #tpu.memory_space<semaphore_mem>>)
      %dma_start3A_1230 = arith.constant 5 : i32
      %dma_start3A_1231 = arith.constant 40 : i32
      %dma_start3A_1232 = arith.constant 0 : i32
      %dma_start3A_1233 = tpu.memref_slice %arg10[%dma_start3A_1231, %dma_start3A_1232] : memref<64x133xf32, #tpu.memory_space<vmem>> -> memref<8x128xf32, #tpu.memory_space<vmem>>
      %dma_start3A_1234 = arith.constant 0 : i32
      %dma_start3A_1235 = arith.constant 0 : i32
      %dma_start3A_1236 = tpu.memref_slice %arg5[%select_n3A_1152, %dma_start3A_1230, %rem3A_1154, %dma_start3A_1234, %dma_start3A_1235] : memref<1024x8x8x8x128xf32, #tpu.memory_space<hbm>> -> memref<1x1x1x8x128xf32, #tpu.memory_space<hbm>>
      %dma_start3A_1237 = tpu.memref_squeeze %dma_start3A_1236 : memref<1x1x1x8x128xf32, #tpu.memory_space<hbm>> -> memref<8x128xf32, #tpu.memory_space<hbm>>
      %dma_start3A_1238 = arith.constant 0 : i32
      %dma_start3A_1239 = arith.constant 0 : i32
      %dma_start3A_1240 = tpu.memref_slice %arg5[%select_n3A_1152, %dma_start3A_1230, %rem3A_1154, %dma_start3A_1238, %dma_start3A_1239] : memref<1024x8x8x8x128xf32, #tpu.memory_space<hbm>> -> memref<1x1x1x8x128xf32, #tpu.memory_space<hbm>>
      %dma_start3A_1241 = tpu.memref_squeeze %dma_start3A_1240 : memref<1x1x1x8x128xf32, #tpu.memory_space<hbm>> -> memref<8x128xf32, #tpu.memory_space<hbm>>
      %dma_start3A_1242 = arith.constant 40 : i32
      %dma_start3A_1243 = arith.constant 0 : i32
      %dma_start3A_1244 = tpu.memref_slice %arg10[%dma_start3A_1242, %dma_start3A_1243] : memref<64x133xf32, #tpu.memory_space<vmem>> -> memref<8x128xf32, #tpu.memory_space<vmem>>
      tpu.enqueue_dma source(%dma_start3A_1244 : memref<8x128xf32, #tpu.memory_space<vmem>>) target(%dma_start3A_1241 : memref<8x128xf32, #tpu.memory_space<hbm>>) target_semaphore(%arg13 : memref<!tpu.dma_semaphore, #tpu.memory_space<semaphore_mem>>)
      %dma_start3A_1245 = arith.constant 6 : i32
      %dma_start3A_1246 = arith.constant 48 : i32
      %dma_start3A_1247 = arith.constant 0 : i32
      %dma_start3A_1248 = tpu.memref_slice %arg10[%dma_start3A_1246, %dma_start3A_1247] : memref<64x133xf32, #tpu.memory_space<vmem>> -> memref<8x128xf32, #tpu.memory_space<vmem>>
      %dma_start3A_1249 = arith.constant 0 : i32
      %dma_start3A_1250 = arith.constant 0 : i32
      %dma_start3A_1251 = tpu.memref_slice %arg5[%select_n3A_1152, %dma_start3A_1245, %rem3A_1154, %dma_start3A_1249, %dma_start3A_1250] : memref<1024x8x8x8x128xf32, #tpu.memory_space<hbm>> -> memref<1x1x1x8x128xf32, #tpu.memory_space<hbm>>
      %dma_start3A_1252 = tpu.memref_squeeze %dma_start3A_1251 : memref<1x1x1x8x128xf32, #tpu.memory_space<hbm>> -> memref<8x128xf32, #tpu.memory_space<hbm>>
      %dma_start3A_1253 = arith.constant 0 : i32
      %dma_start3A_1254 = arith.constant 0 : i32
      %dma_start3A_1255 = tpu.memref_slice %arg5[%select_n3A_1152, %dma_start3A_1245, %rem3A_1154, %dma_start3A_1253, %dma_start3A_1254] : memref<1024x8x8x8x128xf32, #tpu.memory_space<hbm>> -> memref<1x1x1x8x128xf32, #tpu.memory_space<hbm>>
      %dma_start3A_1256 = tpu.memref_squeeze %dma_start3A_1255 : memref<1x1x1x8x128xf32, #tpu.memory_space<hbm>> -> memref<8x128xf32, #tpu.memory_space<hbm>>
      %dma_start3A_1257 = arith.constant 48 : i32
      %dma_start3A_1258 = arith.constant 0 : i32
      %dma_start3A_1259 = tpu.memref_slice %arg10[%dma_start3A_1257, %dma_start3A_1258] : memref<64x133xf32, #tpu.memory_space<vmem>> -> memref<8x128xf32, #tpu.memory_space<vmem>>
      tpu.enqueue_dma source(%dma_start3A_1259 : memref<8x128xf32, #tpu.memory_space<vmem>>) target(%dma_start3A_1256 : memref<8x128xf32, #tpu.memory_space<hbm>>) target_semaphore(%arg13 : memref<!tpu.dma_semaphore, #tpu.memory_space<semaphore_mem>>)
      %dma_start3A_1260 = arith.constant 7 : i32
      %dma_start3A_1261 = arith.constant 56 : i32
      %dma_start3A_1262 = arith.constant 0 : i32
      %dma_start3A_1263 = tpu.memref_slice %arg10[%dma_start3A_1261, %dma_start3A_1262] : memref<64x133xf32, #tpu.memory_space<vmem>> -> memref<8x128xf32, #tpu.memory_space<vmem>>
      %dma_start3A_1264 = arith.constant 0 : i32
      %dma_start3A_1265 = arith.constant 0 : i32
      %dma_start3A_1266 = tpu.memref_slice %arg5[%select_n3A_1152, %dma_start3A_1260, %rem3A_1154, %dma_start3A_1264, %dma_start3A_1265] : memref<1024x8x8x8x128xf32, #tpu.memory_space<hbm>> -> memref<1x1x1x8x128xf32, #tpu.memory_space<hbm>>
      %dma_start3A_1267 = tpu.memref_squeeze %dma_start3A_1266 : memref<1x1x1x8x128xf32, #tpu.memory_space<hbm>> -> memref<8x128xf32, #tpu.memory_space<hbm>>
      %dma_start3A_1268 = arith.constant 0 : i32
      %dma_start3A_1269 = arith.constant 0 : i32
      %dma_start3A_1270 = tpu.memref_slice %arg5[%select_n3A_1152, %dma_start3A_1260, %rem3A_1154, %dma_start3A_1268, %dma_start3A_1269] : memref<1024x8x8x8x128xf32, #tpu.memory_space<hbm>> -> memref<1x1x1x8x128xf32, #tpu.memory_space<hbm>>
      %dma_start3A_1271 = tpu.memref_squeeze %dma_start3A_1270 : memref<1x1x1x8x128xf32, #tpu.memory_space<hbm>> -> memref<8x128xf32, #tpu.memory_space<hbm>>
      %dma_start3A_1272 = arith.constant 56 : i32
      %dma_start3A_1273 = arith.constant 0 : i32
      %dma_start3A_1274 = tpu.memref_slice %arg10[%dma_start3A_1272, %dma_start3A_1273] : memref<64x133xf32, #tpu.memory_space<vmem>> -> memref<8x128xf32, #tpu.memory_space<vmem>>
      tpu.enqueue_dma source(%dma_start3A_1274 : memref<8x128xf32, #tpu.memory_space<vmem>>) target(%dma_start3A_1271 : memref<8x128xf32, #tpu.memory_space<hbm>>) target_semaphore(%arg13 : memref<!tpu.dma_semaphore, #tpu.memory_space<semaphore_mem>>)
    }
    %scan3A_373 = arith.constant 127 : i32
    %dma_wait3A_374 = arith.constant 0 : i32
    %dma_wait3A_375 = arith.constant 0 : i32
    %dma_wait3A_376 = arith.constant 0 : i32
    %dma_wait3A_377 = arith.constant 0 : i32
    %dma_wait3A_378 = arith.constant 0 : i32
    %dma_wait3A_379 = tpu.memref_slice %arg9[%dma_wait3A_377, %dma_wait3A_378] : memref<64x133xf32, #tpu.memory_space<vmem>> -> memref<8x128xf32, #tpu.memory_space<vmem>>
    %dma_wait3A_380 = arith.constant 0 : i32
    %dma_wait3A_381 = arith.constant 0 : i32
    %dma_wait3A_382 = tpu.memref_slice %arg5[%dma_wait3A_374, %dma_wait3A_375, %dma_wait3A_376, %dma_wait3A_380, %dma_wait3A_381] : memref<1024x8x8x8x128xf32, #tpu.memory_space<hbm>> -> memref<1x1x1x8x128xf32, #tpu.memory_space<hbm>>
    %dma_wait3A_383 = tpu.memref_squeeze %dma_wait3A_382 : memref<1x1x1x8x128xf32, #tpu.memory_space<hbm>> -> memref<8x128xf32, #tpu.memory_space<hbm>>
    %dma_wait3A_384 = arith.constant 0 : i32
    %dma_wait3A_385 = arith.constant 0 : i32
    %dma_wait3A_386 = tpu.memref_slice %arg5[%dma_wait3A_374, %dma_wait3A_375, %dma_wait3A_376, %dma_wait3A_384, %dma_wait3A_385] : memref<1024x8x8x8x128xf32, #tpu.memory_space<hbm>> -> memref<1x1x1x8x128xf32, #tpu.memory_space<hbm>>
    %dma_wait3A_387 = tpu.memref_squeeze %dma_wait3A_386 : memref<1x1x1x8x128xf32, #tpu.memory_space<hbm>> -> memref<8x128xf32, #tpu.memory_space<hbm>>
    %dma_wait3A_388 = arith.constant 0 : i32
    %dma_wait3A_389 = arith.constant 0 : i32
    %dma_wait3A_390 = tpu.memref_slice %arg9[%dma_wait3A_388, %dma_wait3A_389] : memref<64x133xf32, #tpu.memory_space<vmem>> -> memref<8x128xf32, #tpu.memory_space<vmem>>
    tpu.wait_dma2 semaphore(%arg13 : memref<!tpu.dma_semaphore, #tpu.memory_space<semaphore_mem>>) src(%dma_wait3A_390 : memref<8x128xf32, #tpu.memory_space<vmem>>) dst(%dma_wait3A_387 : memref<8x128xf32, #tpu.memory_space<hbm>>)
    %dma_wait3A_391 = arith.constant 0 : i32
    %dma_wait3A_392 = arith.constant 0 : i32
    %dma_wait3A_393 = arith.constant 0 : i32
    %dma_wait3A_394 = arith.constant 0 : i32
    %dma_wait3A_395 = arith.constant 0 : i32
    %dma_wait3A_396 = tpu.memref_slice %arg9[%dma_wait3A_394, %dma_wait3A_395] : memref<64x133xf32, #tpu.memory_space<vmem>> -> memref<8x128xf32, #tpu.memory_space<vmem>>
    %dma_wait3A_397 = arith.constant 0 : i32
    %dma_wait3A_398 = arith.constant 0 : i32
    %dma_wait3A_399 = tpu.memref_slice %arg5[%dma_wait3A_391, %dma_wait3A_392, %dma_wait3A_393, %dma_wait3A_397, %dma_wait3A_398] : memref<1024x8x8x8x128xf32, #tpu.memory_space<hbm>> -> memref<1x1x1x8x128xf32, #tpu.memory_space<hbm>>
    %dma_wait3A_400 = tpu.memref_squeeze %dma_wait3A_399 : memref<1x1x1x8x128xf32, #tpu.memory_space<hbm>> -> memref<8x128xf32, #tpu.memory_space<hbm>>
    %dma_wait3A_401 = arith.constant 0 : i32
    %dma_wait3A_402 = arith.constant 0 : i32
    %dma_wait3A_403 = tpu.memref_slice %arg5[%dma_wait3A_391, %dma_wait3A_392, %dma_wait3A_393, %dma_wait3A_401, %dma_wait3A_402] : memref<1024x8x8x8x128xf32, #tpu.memory_space<hbm>> -> memref<1x1x1x8x128xf32, #tpu.memory_space<hbm>>
    %dma_wait3A_404 = tpu.memref_squeeze %dma_wait3A_403 : memref<1x1x1x8x128xf32, #tpu.memory_space<hbm>> -> memref<8x128xf32, #tpu.memory_space<hbm>>
    %dma_wait3A_405 = arith.constant 0 : i32
    %dma_wait3A_406 = arith.constant 0 : i32
    %dma_wait3A_407 = tpu.memref_slice %arg9[%dma_wait3A_405, %dma_wait3A_406] : memref<64x133xf32, #tpu.memory_space<vmem>> -> memref<8x128xf32, #tpu.memory_space<vmem>>
    tpu.wait_dma2 semaphore(%arg13 : memref<!tpu.dma_semaphore, #tpu.memory_space<semaphore_mem>>) src(%dma_wait3A_407 : memref<8x128xf32, #tpu.memory_space<vmem>>) dst(%dma_wait3A_404 : memref<8x128xf32, #tpu.memory_space<hbm>>)
    %dma_wait3A_408 = arith.constant 0 : i32
    %dma_wait3A_409 = arith.constant 0 : i32
    %dma_wait3A_410 = arith.constant 0 : i32
    %dma_wait3A_411 = arith.constant 0 : i32
    %dma_wait3A_412 = arith.constant 0 : i32
    %dma_wait3A_413 = tpu.memref_slice %arg9[%dma_wait3A_411, %dma_wait3A_412] : memref<64x133xf32, #tpu.memory_space<vmem>> -> memref<8x128xf32, #tpu.memory_space<vmem>>
    %dma_wait3A_414 = arith.constant 0 : i32
    %dma_wait3A_415 = arith.constant 0 : i32
    %dma_wait3A_416 = tpu.memref_slice %arg5[%dma_wait3A_408, %dma_wait3A_409, %dma_wait3A_410, %dma_wait3A_414, %dma_wait3A_415] : memref<1024x8x8x8x128xf32, #tpu.memory_space<hbm>> -> memref<1x1x1x8x128xf32, #tpu.memory_space<hbm>>
    %dma_wait3A_417 = tpu.memref_squeeze %dma_wait3A_416 : memref<1x1x1x8x128xf32, #tpu.memory_space<hbm>> -> memref<8x128xf32, #tpu.memory_space<hbm>>
    %dma_wait3A_418 = arith.constant 0 : i32
    %dma_wait3A_419 = arith.constant 0 : i32
    %dma_wait3A_420 = tpu.memref_slice %arg5[%dma_wait3A_408, %dma_wait3A_409, %dma_wait3A_410, %dma_wait3A_418, %dma_wait3A_419] : memref<1024x8x8x8x128xf32, #tpu.memory_space<hbm>> -> memref<1x1x1x8x128xf32, #tpu.memory_space<hbm>>
    %dma_wait3A_421 = tpu.memref_squeeze %dma_wait3A_420 : memref<1x1x1x8x128xf32, #tpu.memory_space<hbm>> -> memref<8x128xf32, #tpu.memory_space<hbm>>
    %dma_wait3A_422 = arith.constant 0 : i32
    %dma_wait3A_423 = arith.constant 0 : i32
    %dma_wait3A_424 = tpu.memref_slice %arg9[%dma_wait3A_422, %dma_wait3A_423] : memref<64x133xf32, #tpu.memory_space<vmem>> -> memref<8x128xf32, #tpu.memory_space<vmem>>
    tpu.wait_dma2 semaphore(%arg13 : memref<!tpu.dma_semaphore, #tpu.memory_space<semaphore_mem>>) src(%dma_wait3A_424 : memref<8x128xf32, #tpu.memory_space<vmem>>) dst(%dma_wait3A_421 : memref<8x128xf32, #tpu.memory_space<hbm>>)
    %dma_wait3A_425 = arith.constant 0 : i32
    %dma_wait3A_426 = arith.constant 0 : i32
    %dma_wait3A_427 = arith.constant 0 : i32
    %dma_wait3A_428 = arith.constant 0 : i32
    %dma_wait3A_429 = arith.constant 0 : i32
    %dma_wait3A_430 = tpu.memref_slice %arg9[%dma_wait3A_428, %dma_wait3A_429] : memref<64x133xf32, #tpu.memory_space<vmem>> -> memref<8x128xf32, #tpu.memory_space<vmem>>
    %dma_wait3A_431 = arith.constant 0 : i32
    %dma_wait3A_432 = arith.constant 0 : i32
    %dma_wait3A_433 = tpu.memref_slice %arg5[%dma_wait3A_425, %dma_wait3A_426, %dma_wait3A_427, %dma_wait3A_431, %dma_wait3A_432] : memref<1024x8x8x8x128xf32, #tpu.memory_space<hbm>> -> memref<1x1x1x8x128xf32, #tpu.memory_space<hbm>>
    %dma_wait3A_434 = tpu.memref_squeeze %dma_wait3A_433 : memref<1x1x1x8x128xf32, #tpu.memory_space<hbm>> -> memref<8x128xf32, #tpu.memory_space<hbm>>
    %dma_wait3A_435 = arith.constant 0 : i32
    %dma_wait3A_436 = arith.constant 0 : i32
    %dma_wait3A_437 = tpu.memref_slice %arg5[%dma_wait3A_425, %dma_wait3A_426, %dma_wait3A_427, %dma_wait3A_435, %dma_wait3A_436] : memref<1024x8x8x8x128xf32, #tpu.memory_space<hbm>> -> memref<1x1x1x8x128xf32, #tpu.memory_space<hbm>>
    %dma_wait3A_438 = tpu.memref_squeeze %dma_wait3A_437 : memref<1x1x1x8x128xf32, #tpu.memory_space<hbm>> -> memref<8x128xf32, #tpu.memory_space<hbm>>
    %dma_wait3A_439 = arith.constant 0 : i32
    %dma_wait3A_440 = arith.constant 0 : i32
    %dma_wait3A_441 = tpu.memref_slice %arg9[%dma_wait3A_439, %dma_wait3A_440] : memref<64x133xf32, #tpu.memory_space<vmem>> -> memref<8x128xf32, #tpu.memory_space<vmem>>
    tpu.wait_dma2 semaphore(%arg13 : memref<!tpu.dma_semaphore, #tpu.memory_space<semaphore_mem>>) src(%dma_wait3A_441 : memref<8x128xf32, #tpu.memory_space<vmem>>) dst(%dma_wait3A_438 : memref<8x128xf32, #tpu.memory_space<hbm>>)
    %dma_wait3A_442 = arith.constant 0 : i32
    %dma_wait3A_443 = arith.constant 0 : i32
    %dma_wait3A_444 = arith.constant 0 : i32
    %dma_wait3A_445 = arith.constant 0 : i32
    %dma_wait3A_446 = arith.constant 0 : i32
    %dma_wait3A_447 = tpu.memref_slice %arg9[%dma_wait3A_445, %dma_wait3A_446] : memref<64x133xf32, #tpu.memory_space<vmem>> -> memref<8x128xf32, #tpu.memory_space<vmem>>
    %dma_wait3A_448 = arith.constant 0 : i32
    %dma_wait3A_449 = arith.constant 0 : i32
    %dma_wait3A_450 = tpu.memref_slice %arg5[%dma_wait3A_442, %dma_wait3A_443, %dma_wait3A_444, %dma_wait3A_448, %dma_wait3A_449] : memref<1024x8x8x8x128xf32, #tpu.memory_space<hbm>> -> memref<1x1x1x8x128xf32, #tpu.memory_space<hbm>>
    %dma_wait3A_451 = tpu.memref_squeeze %dma_wait3A_450 : memref<1x1x1x8x128xf32, #tpu.memory_space<hbm>> -> memref<8x128xf32, #tpu.memory_space<hbm>>
    %dma_wait3A_452 = arith.constant 0 : i32
    %dma_wait3A_453 = arith.constant 0 : i32
    %dma_wait3A_454 = tpu.memref_slice %arg5[%dma_wait3A_442, %dma_wait3A_443, %dma_wait3A_444, %dma_wait3A_452, %dma_wait3A_453] : memref<1024x8x8x8x128xf32, #tpu.memory_space<hbm>> -> memref<1x1x1x8x128xf32, #tpu.memory_space<hbm>>
    %dma_wait3A_455 = tpu.memref_squeeze %dma_wait3A_454 : memref<1x1x1x8x128xf32, #tpu.memory_space<hbm>> -> memref<8x128xf32, #tpu.memory_space<hbm>>
    %dma_wait3A_456 = arith.constant 0 : i32
    %dma_wait3A_457 = arith.constant 0 : i32
    %dma_wait3A_458 = tpu.memref_slice %arg9[%dma_wait3A_456, %dma_wait3A_457] : memref<64x133xf32, #tpu.memory_space<vmem>> -> memref<8x128xf32, #tpu.memory_space<vmem>>
    tpu.wait_dma2 semaphore(%arg13 : memref<!tpu.dma_semaphore, #tpu.memory_space<semaphore_mem>>) src(%dma_wait3A_458 : memref<8x128xf32, #tpu.memory_space<vmem>>) dst(%dma_wait3A_455 : memref<8x128xf32, #tpu.memory_space<hbm>>)
    %dma_wait3A_459 = arith.constant 0 : i32
    %dma_wait3A_460 = arith.constant 0 : i32
    %dma_wait3A_461 = arith.constant 0 : i32
    %dma_wait3A_462 = arith.constant 0 : i32
    %dma_wait3A_463 = arith.constant 0 : i32
    %dma_wait3A_464 = tpu.memref_slice %arg9[%dma_wait3A_462, %dma_wait3A_463] : memref<64x133xf32, #tpu.memory_space<vmem>> -> memref<8x128xf32, #tpu.memory_space<vmem>>
    %dma_wait3A_465 = arith.constant 0 : i32
    %dma_wait3A_466 = arith.constant 0 : i32
    %dma_wait3A_467 = tpu.memref_slice %arg5[%dma_wait3A_459, %dma_wait3A_460, %dma_wait3A_461, %dma_wait3A_465, %dma_wait3A_466] : memref<1024x8x8x8x128xf32, #tpu.memory_space<hbm>> -> memref<1x1x1x8x128xf32, #tpu.memory_space<hbm>>
    %dma_wait3A_468 = tpu.memref_squeeze %dma_wait3A_467 : memref<1x1x1x8x128xf32, #tpu.memory_space<hbm>> -> memref<8x128xf32, #tpu.memory_space<hbm>>
    %dma_wait3A_469 = arith.constant 0 : i32
    %dma_wait3A_470 = arith.constant 0 : i32
    %dma_wait3A_471 = tpu.memref_slice %arg5[%dma_wait3A_459, %dma_wait3A_460, %dma_wait3A_461, %dma_wait3A_469, %dma_wait3A_470] : memref<1024x8x8x8x128xf32, #tpu.memory_space<hbm>> -> memref<1x1x1x8x128xf32, #tpu.memory_space<hbm>>
    %dma_wait3A_472 = tpu.memref_squeeze %dma_wait3A_471 : memref<1x1x1x8x128xf32, #tpu.memory_space<hbm>> -> memref<8x128xf32, #tpu.memory_space<hbm>>
    %dma_wait3A_473 = arith.constant 0 : i32
    %dma_wait3A_474 = arith.constant 0 : i32
    %dma_wait3A_475 = tpu.memref_slice %arg9[%dma_wait3A_473, %dma_wait3A_474] : memref<64x133xf32, #tpu.memory_space<vmem>> -> memref<8x128xf32, #tpu.memory_space<vmem>>
    tpu.wait_dma2 semaphore(%arg13 : memref<!tpu.dma_semaphore, #tpu.memory_space<semaphore_mem>>) src(%dma_wait3A_475 : memref<8x128xf32, #tpu.memory_space<vmem>>) dst(%dma_wait3A_472 : memref<8x128xf32, #tpu.memory_space<hbm>>)
    %dma_wait3A_476 = arith.constant 0 : i32
    %dma_wait3A_477 = arith.constant 0 : i32
    %dma_wait3A_478 = arith.constant 0 : i32
    %dma_wait3A_479 = arith.constant 0 : i32
    %dma_wait3A_480 = arith.constant 0 : i32
    %dma_wait3A_481 = tpu.memref_slice %arg9[%dma_wait3A_479, %dma_wait3A_480] : memref<64x133xf32, #tpu.memory_space<vmem>> -> memref<8x128xf32, #tpu.memory_space<vmem>>
    %dma_wait3A_482 = arith.constant 0 : i32
    %dma_wait3A_483 = arith.constant 0 : i32
    %dma_wait3A_484 = tpu.memref_slice %arg5[%dma_wait3A_476, %dma_wait3A_477, %dma_wait3A_478, %dma_wait3A_482, %dma_wait3A_483] : memref<1024x8x8x8x128xf32, #tpu.memory_space<hbm>> -> memref<1x1x1x8x128xf32, #tpu.memory_space<hbm>>
    %dma_wait3A_485 = tpu.memref_squeeze %dma_wait3A_484 : memref<1x1x1x8x128xf32, #tpu.memory_space<hbm>> -> memref<8x128xf32, #tpu.memory_space<hbm>>
    %dma_wait3A_486 = arith.constant 0 : i32
    %dma_wait3A_487 = arith.constant 0 : i32
    %dma_wait3A_488 = tpu.memref_slice %arg5[%dma_wait3A_476, %dma_wait3A_477, %dma_wait3A_478, %dma_wait3A_486, %dma_wait3A_487] : memref<1024x8x8x8x128xf32, #tpu.memory_space<hbm>> -> memref<1x1x1x8x128xf32, #tpu.memory_space<hbm>>
    %dma_wait3A_489 = tpu.memref_squeeze %dma_wait3A_488 : memref<1x1x1x8x128xf32, #tpu.memory_space<hbm>> -> memref<8x128xf32, #tpu.memory_space<hbm>>
    %dma_wait3A_490 = arith.constant 0 : i32
    %dma_wait3A_491 = arith.constant 0 : i32
    %dma_wait3A_492 = tpu.memref_slice %arg9[%dma_wait3A_490, %dma_wait3A_491] : memref<64x133xf32, #tpu.memory_space<vmem>> -> memref<8x128xf32, #tpu.memory_space<vmem>>
    tpu.wait_dma2 semaphore(%arg13 : memref<!tpu.dma_semaphore, #tpu.memory_space<semaphore_mem>>) src(%dma_wait3A_492 : memref<8x128xf32, #tpu.memory_space<vmem>>) dst(%dma_wait3A_489 : memref<8x128xf32, #tpu.memory_space<hbm>>)
    %dma_wait3A_493 = arith.constant 0 : i32
    %dma_wait3A_494 = arith.constant 0 : i32
    %dma_wait3A_495 = arith.constant 0 : i32
    %dma_wait3A_496 = arith.constant 0 : i32
    %dma_wait3A_497 = arith.constant 0 : i32
    %dma_wait3A_498 = tpu.memref_slice %arg9[%dma_wait3A_496, %dma_wait3A_497] : memref<64x133xf32, #tpu.memory_space<vmem>> -> memref<8x128xf32, #tpu.memory_space<vmem>>
    %dma_wait3A_499 = arith.constant 0 : i32
    %dma_wait3A_500 = arith.constant 0 : i32
    %dma_wait3A_501 = tpu.memref_slice %arg5[%dma_wait3A_493, %dma_wait3A_494, %dma_wait3A_495, %dma_wait3A_499, %dma_wait3A_500] : memref<1024x8x8x8x128xf32, #tpu.memory_space<hbm>> -> memref<1x1x1x8x128xf32, #tpu.memory_space<hbm>>
    %dma_wait3A_502 = tpu.memref_squeeze %dma_wait3A_501 : memref<1x1x1x8x128xf32, #tpu.memory_space<hbm>> -> memref<8x128xf32, #tpu.memory_space<hbm>>
    %dma_wait3A_503 = arith.constant 0 : i32
    %dma_wait3A_504 = arith.constant 0 : i32
    %dma_wait3A_505 = tpu.memref_slice %arg5[%dma_wait3A_493, %dma_wait3A_494, %dma_wait3A_495, %dma_wait3A_503, %dma_wait3A_504] : memref<1024x8x8x8x128xf32, #tpu.memory_space<hbm>> -> memref<1x1x1x8x128xf32, #tpu.memory_space<hbm>>
    %dma_wait3A_506 = tpu.memref_squeeze %dma_wait3A_505 : memref<1x1x1x8x128xf32, #tpu.memory_space<hbm>> -> memref<8x128xf32, #tpu.memory_space<hbm>>
    %dma_wait3A_507 = arith.constant 0 : i32
    %dma_wait3A_508 = arith.constant 0 : i32
    %dma_wait3A_509 = tpu.memref_slice %arg9[%dma_wait3A_507, %dma_wait3A_508] : memref<64x133xf32, #tpu.memory_space<vmem>> -> memref<8x128xf32, #tpu.memory_space<vmem>>
    tpu.wait_dma2 semaphore(%arg13 : memref<!tpu.dma_semaphore, #tpu.memory_space<semaphore_mem>>) src(%dma_wait3A_509 : memref<8x128xf32, #tpu.memory_space<vmem>>) dst(%dma_wait3A_506 : memref<8x128xf32, #tpu.memory_space<hbm>>)
    %dma_wait3A_510 = arith.constant 0 : i32
    %dma_wait3A_511 = arith.constant 0 : i32
    %dma_wait3A_512 = arith.constant 0 : i32
    %dma_wait3A_513 = arith.constant 0 : i32
    %dma_wait3A_514 = arith.constant 0 : i32
    %dma_wait3A_515 = tpu.memref_slice %arg10[%dma_wait3A_513, %dma_wait3A_514] : memref<64x133xf32, #tpu.memory_space<vmem>> -> memref<8x128xf32, #tpu.memory_space<vmem>>
    %dma_wait3A_516 = arith.constant 0 : i32
    %dma_wait3A_517 = arith.constant 0 : i32
    %dma_wait3A_518 = tpu.memref_slice %arg5[%dma_wait3A_510, %dma_wait3A_511, %dma_wait3A_512, %dma_wait3A_516, %dma_wait3A_517] : memref<1024x8x8x8x128xf32, #tpu.memory_space<hbm>> -> memref<1x1x1x8x128xf32, #tpu.memory_space<hbm>>
    %dma_wait3A_519 = tpu.memref_squeeze %dma_wait3A_518 : memref<1x1x1x8x128xf32, #tpu.memory_space<hbm>> -> memref<8x128xf32, #tpu.memory_space<hbm>>
    %dma_wait3A_520 = arith.constant 0 : i32
    %dma_wait3A_521 = arith.constant 0 : i32
    %dma_wait3A_522 = tpu.memref_slice %arg5[%dma_wait3A_510, %dma_wait3A_511, %dma_wait3A_512, %dma_wait3A_520, %dma_wait3A_521] : memref<1024x8x8x8x128xf32, #tpu.memory_space<hbm>> -> memref<1x1x1x8x128xf32, #tpu.memory_space<hbm>>
    %dma_wait3A_523 = tpu.memref_squeeze %dma_wait3A_522 : memref<1x1x1x8x128xf32, #tpu.memory_space<hbm>> -> memref<8x128xf32, #tpu.memory_space<hbm>>
    %dma_wait3A_524 = arith.constant 0 : i32
    %dma_wait3A_525 = arith.constant 0 : i32
    %dma_wait3A_526 = tpu.memref_slice %arg10[%dma_wait3A_524, %dma_wait3A_525] : memref<64x133xf32, #tpu.memory_space<vmem>> -> memref<8x128xf32, #tpu.memory_space<vmem>>
    tpu.wait_dma2 semaphore(%arg13 : memref<!tpu.dma_semaphore, #tpu.memory_space<semaphore_mem>>) src(%dma_wait3A_526 : memref<8x128xf32, #tpu.memory_space<vmem>>) dst(%dma_wait3A_523 : memref<8x128xf32, #tpu.memory_space<hbm>>)
    %dma_wait3A_527 = arith.constant 0 : i32
    %dma_wait3A_528 = arith.constant 0 : i32
    %dma_wait3A_529 = arith.constant 0 : i32
    %dma_wait3A_530 = arith.constant 0 : i32
    %dma_wait3A_531 = arith.constant 0 : i32
    %dma_wait3A_532 = tpu.memref_slice %arg10[%dma_wait3A_530, %dma_wait3A_531] : memref<64x133xf32, #tpu.memory_space<vmem>> -> memref<8x128xf32, #tpu.memory_space<vmem>>
    %dma_wait3A_533 = arith.constant 0 : i32
    %dma_wait3A_534 = arith.constant 0 : i32
    %dma_wait3A_535 = tpu.memref_slice %arg5[%dma_wait3A_527, %dma_wait3A_528, %dma_wait3A_529, %dma_wait3A_533, %dma_wait3A_534] : memref<1024x8x8x8x128xf32, #tpu.memory_space<hbm>> -> memref<1x1x1x8x128xf32, #tpu.memory_space<hbm>>
    %dma_wait3A_536 = tpu.memref_squeeze %dma_wait3A_535 : memref<1x1x1x8x128xf32, #tpu.memory_space<hbm>> -> memref<8x128xf32, #tpu.memory_space<hbm>>
    %dma_wait3A_537 = arith.constant 0 : i32
    %dma_wait3A_538 = arith.constant 0 : i32
    %dma_wait3A_539 = tpu.memref_slice %arg5[%dma_wait3A_527, %dma_wait3A_528, %dma_wait3A_529, %dma_wait3A_537, %dma_wait3A_538] : memref<1024x8x8x8x128xf32, #tpu.memory_space<hbm>> -> memref<1x1x1x8x128xf32, #tpu.memory_space<hbm>>
    %dma_wait3A_540 = tpu.memref_squeeze %dma_wait3A_539 : memref<1x1x1x8x128xf32, #tpu.memory_space<hbm>> -> memref<8x128xf32, #tpu.memory_space<hbm>>
    %dma_wait3A_541 = arith.constant 0 : i32
    %dma_wait3A_542 = arith.constant 0 : i32
    %dma_wait3A_543 = tpu.memref_slice %arg10[%dma_wait3A_541, %dma_wait3A_542] : memref<64x133xf32, #tpu.memory_space<vmem>> -> memref<8x128xf32, #tpu.memory_space<vmem>>
    tpu.wait_dma2 semaphore(%arg13 : memref<!tpu.dma_semaphore, #tpu.memory_space<semaphore_mem>>) src(%dma_wait3A_543 : memref<8x128xf32, #tpu.memory_space<vmem>>) dst(%dma_wait3A_540 : memref<8x128xf32, #tpu.memory_space<hbm>>)
    %dma_wait3A_544 = arith.constant 0 : i32
    %dma_wait3A_545 = arith.constant 0 : i32
    %dma_wait3A_546 = arith.constant 0 : i32
    %dma_wait3A_547 = arith.constant 0 : i32
    %dma_wait3A_548 = arith.constant 0 : i32
    %dma_wait3A_549 = tpu.memref_slice %arg10[%dma_wait3A_547, %dma_wait3A_548] : memref<64x133xf32, #tpu.memory_space<vmem>> -> memref<8x128xf32, #tpu.memory_space<vmem>>
    %dma_wait3A_550 = arith.constant 0 : i32
    %dma_wait3A_551 = arith.constant 0 : i32
    %dma_wait3A_552 = tpu.memref_slice %arg5[%dma_wait3A_544, %dma_wait3A_545, %dma_wait3A_546, %dma_wait3A_550, %dma_wait3A_551] : memref<1024x8x8x8x128xf32, #tpu.memory_space<hbm>> -> memref<1x1x1x8x128xf32, #tpu.memory_space<hbm>>
    %dma_wait3A_553 = tpu.memref_squeeze %dma_wait3A_552 : memref<1x1x1x8x128xf32, #tpu.memory_space<hbm>> -> memref<8x128xf32, #tpu.memory_space<hbm>>
    %dma_wait3A_554 = arith.constant 0 : i32
    %dma_wait3A_555 = arith.constant 0 : i32
    %dma_wait3A_556 = tpu.memref_slice %arg5[%dma_wait3A_544, %dma_wait3A_545, %dma_wait3A_546, %dma_wait3A_554, %dma_wait3A_555] : memref<1024x8x8x8x128xf32, #tpu.memory_space<hbm>> -> memref<1x1x1x8x128xf32, #tpu.memory_space<hbm>>
    %dma_wait3A_557 = tpu.memref_squeeze %dma_wait3A_556 : memref<1x1x1x8x128xf32, #tpu.memory_space<hbm>> -> memref<8x128xf32, #tpu.memory_space<hbm>>
    %dma_wait3A_558 = arith.constant 0 : i32
    %dma_wait3A_559 = arith.constant 0 : i32
    %dma_wait3A_560 = tpu.memref_slice %arg10[%dma_wait3A_558, %dma_wait3A_559] : memref<64x133xf32, #tpu.memory_space<vmem>> -> memref<8x128xf32, #tpu.memory_space<vmem>>
    tpu.wait_dma2 semaphore(%arg13 : memref<!tpu.dma_semaphore, #tpu.memory_space<semaphore_mem>>) src(%dma_wait3A_560 : memref<8x128xf32, #tpu.memory_space<vmem>>) dst(%dma_wait3A_557 : memref<8x128xf32, #tpu.memory_space<hbm>>)
    %dma_wait3A_561 = arith.constant 0 : i32
    %dma_wait3A_562 = arith.constant 0 : i32
    %dma_wait3A_563 = arith.constant 0 : i32
    %dma_wait3A_564 = arith.constant 0 : i32
    %dma_wait3A_565 = arith.constant 0 : i32
    %dma_wait3A_566 = tpu.memref_slice %arg10[%dma_wait3A_564, %dma_wait3A_565] : memref<64x133xf32, #tpu.memory_space<vmem>> -> memref<8x128xf32, #tpu.memory_space<vmem>>
    %dma_wait3A_567 = arith.constant 0 : i32
    %dma_wait3A_568 = arith.constant 0 : i32
    %dma_wait3A_569 = tpu.memref_slice %arg5[%dma_wait3A_561, %dma_wait3A_562, %dma_wait3A_563, %dma_wait3A_567, %dma_wait3A_568] : memref<1024x8x8x8x128xf32, #tpu.memory_space<hbm>> -> memref<1x1x1x8x128xf32, #tpu.memory_space<hbm>>
    %dma_wait3A_570 = tpu.memref_squeeze %dma_wait3A_569 : memref<1x1x1x8x128xf32, #tpu.memory_space<hbm>> -> memref<8x128xf32, #tpu.memory_space<hbm>>
    %dma_wait3A_571 = arith.constant 0 : i32
    %dma_wait3A_572 = arith.constant 0 : i32
    %dma_wait3A_573 = tpu.memref_slice %arg5[%dma_wait3A_561, %dma_wait3A_562, %dma_wait3A_563, %dma_wait3A_571, %dma_wait3A_572] : memref<1024x8x8x8x128xf32, #tpu.memory_space<hbm>> -> memref<1x1x1x8x128xf32, #tpu.memory_space<hbm>>
    %dma_wait3A_574 = tpu.memref_squeeze %dma_wait3A_573 : memref<1x1x1x8x128xf32, #tpu.memory_space<hbm>> -> memref<8x128xf32, #tpu.memory_space<hbm>>
    %dma_wait3A_575 = arith.constant 0 : i32
    %dma_wait3A_576 = arith.constant 0 : i32
    %dma_wait3A_577 = tpu.memref_slice %arg10[%dma_wait3A_575, %dma_wait3A_576] : memref<64x133xf32, #tpu.memory_space<vmem>> -> memref<8x128xf32, #tpu.memory_space<vmem>>
    tpu.wait_dma2 semaphore(%arg13 : memref<!tpu.dma_semaphore, #tpu.memory_space<semaphore_mem>>) src(%dma_wait3A_577 : memref<8x128xf32, #tpu.memory_space<vmem>>) dst(%dma_wait3A_574 : memref<8x128xf32, #tpu.memory_space<hbm>>)
    %dma_wait3A_578 = arith.constant 0 : i32
    %dma_wait3A_579 = arith.constant 0 : i32
    %dma_wait3A_580 = arith.constant 0 : i32
    %dma_wait3A_581 = arith.constant 0 : i32
    %dma_wait3A_582 = arith.constant 0 : i32
    %dma_wait3A_583 = tpu.memref_slice %arg10[%dma_wait3A_581, %dma_wait3A_582] : memref<64x133xf32, #tpu.memory_space<vmem>> -> memref<8x128xf32, #tpu.memory_space<vmem>>
    %dma_wait3A_584 = arith.constant 0 : i32
    %dma_wait3A_585 = arith.constant 0 : i32
    %dma_wait3A_586 = tpu.memref_slice %arg5[%dma_wait3A_578, %dma_wait3A_579, %dma_wait3A_580, %dma_wait3A_584, %dma_wait3A_585] : memref<1024x8x8x8x128xf32, #tpu.memory_space<hbm>> -> memref<1x1x1x8x128xf32, #tpu.memory_space<hbm>>
    %dma_wait3A_587 = tpu.memref_squeeze %dma_wait3A_586 : memref<1x1x1x8x128xf32, #tpu.memory_space<hbm>> -> memref<8x128xf32, #tpu.memory_space<hbm>>
    %dma_wait3A_588 = arith.constant 0 : i32
    %dma_wait3A_589 = arith.constant 0 : i32
    %dma_wait3A_590 = tpu.memref_slice %arg5[%dma_wait3A_578, %dma_wait3A_579, %dma_wait3A_580, %dma_wait3A_588, %dma_wait3A_589] : memref<1024x8x8x8x128xf32, #tpu.memory_space<hbm>> -> memref<1x1x1x8x128xf32, #tpu.memory_space<hbm>>
    %dma_wait3A_591 = tpu.memref_squeeze %dma_wait3A_590 : memref<1x1x1x8x128xf32, #tpu.memory_space<hbm>> -> memref<8x128xf32, #tpu.memory_space<hbm>>
    %dma_wait3A_592 = arith.constant 0 : i32
    %dma_wait3A_593 = arith.constant 0 : i32
    %dma_wait3A_594 = tpu.memref_slice %arg10[%dma_wait3A_592, %dma_wait3A_593] : memref<64x133xf32, #tpu.memory_space<vmem>> -> memref<8x128xf32, #tpu.memory_space<vmem>>
    tpu.wait_dma2 semaphore(%arg13 : memref<!tpu.dma_semaphore, #tpu.memory_space<semaphore_mem>>) src(%dma_wait3A_594 : memref<8x128xf32, #tpu.memory_space<vmem>>) dst(%dma_wait3A_591 : memref<8x128xf32, #tpu.memory_space<hbm>>)
    %dma_wait3A_595 = arith.constant 0 : i32
    %dma_wait3A_596 = arith.constant 0 : i32
    %dma_wait3A_597 = arith.constant 0 : i32
    %dma_wait3A_598 = arith.constant 0 : i32
    %dma_wait3A_599 = arith.constant 0 : i32
    %dma_wait3A_600 = tpu.memref_slice %arg10[%dma_wait3A_598, %dma_wait3A_599] : memref<64x133xf32, #tpu.memory_space<vmem>> -> memref<8x128xf32, #tpu.memory_space<vmem>>
    %dma_wait3A_601 = arith.constant 0 : i32
    %dma_wait3A_602 = arith.constant 0 : i32
    %dma_wait3A_603 = tpu.memref_slice %arg5[%dma_wait3A_595, %dma_wait3A_596, %dma_wait3A_597, %dma_wait3A_601, %dma_wait3A_602] : memref<1024x8x8x8x128xf32, #tpu.memory_space<hbm>> -> memref<1x1x1x8x128xf32, #tpu.memory_space<hbm>>
    %dma_wait3A_604 = tpu.memref_squeeze %dma_wait3A_603 : memref<1x1x1x8x128xf32, #tpu.memory_space<hbm>> -> memref<8x128xf32, #tpu.memory_space<hbm>>
    %dma_wait3A_605 = arith.constant 0 : i32
    %dma_wait3A_606 = arith.constant 0 : i32
    %dma_wait3A_607 = tpu.memref_slice %arg5[%dma_wait3A_595, %dma_wait3A_596, %dma_wait3A_597, %dma_wait3A_605, %dma_wait3A_606] : memref<1024x8x8x8x128xf32, #tpu.memory_space<hbm>> -> memref<1x1x1x8x128xf32, #tpu.memory_space<hbm>>
    %dma_wait3A_608 = tpu.memref_squeeze %dma_wait3A_607 : memref<1x1x1x8x128xf32, #tpu.memory_space<hbm>> -> memref<8x128xf32, #tpu.memory_space<hbm>>
    %dma_wait3A_609 = arith.constant 0 : i32
    %dma_wait3A_610 = arith.constant 0 : i32
    %dma_wait3A_611 = tpu.memref_slice %arg10[%dma_wait3A_609, %dma_wait3A_610] : memref<64x133xf32, #tpu.memory_space<vmem>> -> memref<8x128xf32, #tpu.memory_space<vmem>>
    tpu.wait_dma2 semaphore(%arg13 : memref<!tpu.dma_semaphore, #tpu.memory_space<semaphore_mem>>) src(%dma_wait3A_611 : memref<8x128xf32, #tpu.memory_space<vmem>>) dst(%dma_wait3A_608 : memref<8x128xf32, #tpu.memory_space<hbm>>)
    %dma_wait3A_612 = arith.constant 0 : i32
    %dma_wait3A_613 = arith.constant 0 : i32
    %dma_wait3A_614 = arith.constant 0 : i32
    %dma_wait3A_615 = arith.constant 0 : i32
    %dma_wait3A_616 = arith.constant 0 : i32
    %dma_wait3A_617 = tpu.memref_slice %arg10[%dma_wait3A_615, %dma_wait3A_616] : memref<64x133xf32, #tpu.memory_space<vmem>> -> memref<8x128xf32, #tpu.memory_space<vmem>>
    %dma_wait3A_618 = arith.constant 0 : i32
    %dma_wait3A_619 = arith.constant 0 : i32
    %dma_wait3A_620 = tpu.memref_slice %arg5[%dma_wait3A_612, %dma_wait3A_613, %dma_wait3A_614, %dma_wait3A_618, %dma_wait3A_619] : memref<1024x8x8x8x128xf32, #tpu.memory_space<hbm>> -> memref<1x1x1x8x128xf32, #tpu.memory_space<hbm>>
    %dma_wait3A_621 = tpu.memref_squeeze %dma_wait3A_620 : memref<1x1x1x8x128xf32, #tpu.memory_space<hbm>> -> memref<8x128xf32, #tpu.memory_space<hbm>>
    %dma_wait3A_622 = arith.constant 0 : i32
    %dma_wait3A_623 = arith.constant 0 : i32
    %dma_wait3A_624 = tpu.memref_slice %arg5[%dma_wait3A_612, %dma_wait3A_613, %dma_wait3A_614, %dma_wait3A_622, %dma_wait3A_623] : memref<1024x8x8x8x128xf32, #tpu.memory_space<hbm>> -> memref<1x1x1x8x128xf32, #tpu.memory_space<hbm>>
    %dma_wait3A_625 = tpu.memref_squeeze %dma_wait3A_624 : memref<1x1x1x8x128xf32, #tpu.memory_space<hbm>> -> memref<8x128xf32, #tpu.memory_space<hbm>>
    %dma_wait3A_626 = arith.constant 0 : i32
    %dma_wait3A_627 = arith.constant 0 : i32
    %dma_wait3A_628 = tpu.memref_slice %arg10[%dma_wait3A_626, %dma_wait3A_627] : memref<64x133xf32, #tpu.memory_space<vmem>> -> memref<8x128xf32, #tpu.memory_space<vmem>>
    tpu.wait_dma2 semaphore(%arg13 : memref<!tpu.dma_semaphore, #tpu.memory_space<semaphore_mem>>) src(%dma_wait3A_628 : memref<8x128xf32, #tpu.memory_space<vmem>>) dst(%dma_wait3A_625 : memref<8x128xf32, #tpu.memory_space<hbm>>)
    %dma_wait3A_629 = arith.constant 0 : i32
    %dma_wait3A_630 = arith.constant 0 : i32
    %dma_wait3A_631 = arith.constant 0 : i32
    %dma_wait3A_632 = arith.constant 0 : i32
    %dma_wait3A_633 = arith.constant 0 : i32
    %dma_wait3A_634 = tpu.memref_slice %arg10[%dma_wait3A_632, %dma_wait3A_633] : memref<64x133xf32, #tpu.memory_space<vmem>> -> memref<8x128xf32, #tpu.memory_space<vmem>>
    %dma_wait3A_635 = arith.constant 0 : i32
    %dma_wait3A_636 = arith.constant 0 : i32
    %dma_wait3A_637 = tpu.memref_slice %arg5[%dma_wait3A_629, %dma_wait3A_630, %dma_wait3A_631, %dma_wait3A_635, %dma_wait3A_636] : memref<1024x8x8x8x128xf32, #tpu.memory_space<hbm>> -> memref<1x1x1x8x128xf32, #tpu.memory_space<hbm>>
    %dma_wait3A_638 = tpu.memref_squeeze %dma_wait3A_637 : memref<1x1x1x8x128xf32, #tpu.memory_space<hbm>> -> memref<8x128xf32, #tpu.memory_space<hbm>>
    %dma_wait3A_639 = arith.constant 0 : i32
    %dma_wait3A_640 = arith.constant 0 : i32
    %dma_wait3A_641 = tpu.memref_slice %arg5[%dma_wait3A_629, %dma_wait3A_630, %dma_wait3A_631, %dma_wait3A_639, %dma_wait3A_640] : memref<1024x8x8x8x128xf32, #tpu.memory_space<hbm>> -> memref<1x1x1x8x128xf32, #tpu.memory_space<hbm>>
    %dma_wait3A_642 = tpu.memref_squeeze %dma_wait3A_641 : memref<1x1x1x8x128xf32, #tpu.memory_space<hbm>> -> memref<8x128xf32, #tpu.memory_space<hbm>>
    %dma_wait3A_643 = arith.constant 0 : i32
    %dma_wait3A_644 = arith.constant 0 : i32
    %dma_wait3A_645 = tpu.memref_slice %arg10[%dma_wait3A_643, %dma_wait3A_644] : memref<64x133xf32, #tpu.memory_space<vmem>> -> memref<8x128xf32, #tpu.memory_space<vmem>>
    tpu.wait_dma2 semaphore(%arg13 : memref<!tpu.dma_semaphore, #tpu.memory_space<semaphore_mem>>) src(%dma_wait3A_645 : memref<8x128xf32, #tpu.memory_space<vmem>>) dst(%dma_wait3A_642 : memref<8x128xf32, #tpu.memory_space<hbm>>)
    return
  }
}

</mosaic_0001>

<sc_bundles>
// kernel: _tpe_sc.3.cloned.1.call-start
scs
__scs_entry_jumppad:
0x0: {  	(pc) =	sbr.rel $0x88, $3  }
0x1: {  	(tag) =	ssettag $0x0;
	lr =	simm.s32 $0x1  }
0x2: {  	[smem:$0x3F9E] =	sst lr;
	_ =	strace $0xD0000000  }
0x3: {  	_ = 	snop  }
0x4: {  	_ = 	snop  }
0x5: {  	_ = 	snop  }
0x6: {  	_ = 	snop  }
0x7: {  	_ = 	snop  }
__scs_overlays_trampoline_lowered:
0x8: {  	[smem:$0x3FAD] =	sst s0  }
0x9: {  	[smem:$0x3FAE] =	sst s1  }
0xa: {  	[smem:$0x3FAF] =	sst s2  }
0xb: {  	[smem:$0x3FB0] =	sst s3  }
0xc: {  	[smem:$0x3FB1] =	sst s4  }
0xd: {  	[smem:$0x3FB2] =	sst s5  }
0xe: {  	[smem:$0x3FB3] =	sst s6  }
0xf: {  	[smem:$0x3FB4] =	sst s7  }
0x10: {  	[smem:$0x3FB5] =	sst s8  }
0x11: {  	[smem:$0x3FB6] =	sst s9;
	s0 =	simm.s32 @!p0 $0x0  }
0x12: {  	s1 =	sld [smem:$0x3F9C];
	s0 =	simm.s32 @p0 $0x1  }
0x13: {  	[smem:$0x3FB7] =	sst s0;
	s0 =	simm.s32 @!p1 $0x0  }
0x14: {  	s2 =	sld [smem:$0x3F9B];
	s0 =	simm.s32 @p1 $0x1  }
0x15: {  	[smem:$0x3FB8] =	sst s0;
	s0 =	simm.s32 @!p2 $0x0  }
0x16: {  	s3 =	sld [smem:$0x3FDB];
	s0 =	simm.s32 @p2 $0x1  }
0x17: {  	s4 =	simm.s32 $0x1BF5;
	[smem:$0x3FBA] =	sst s0  }
0x18: {  	s0 =	sld [smem:$0x3F9D];
	_ =	swait.ge [sflag:s4], $0x0  }
0x19: {  	s7 =	sld [smem:$0x3F9E]  }
0x1a: {  	s8 =	sadd.s32 $0xFFFFE003, lr  }
0x1b: {  	s9 =	sadd.s32 $0xFFFFFEF7, lr;
	s5 =	simm.s32 $0xFFFFFFFF;
	p2 =	slt.u32 s8, $0xFFFFF086  }
0x1c: {  	p1 =	slt.u32 s9, $0xF7A;
	s5 =	simm.s32 @!p2 $0x0  }
0x1d: {  	s5 =	simm.s32 @p1 $0x1;
	p0 =	seq.s32 s7, s2  }
0x1e: {  	s7 =	smul.u32 @!p0 $0xF7A, s2;
	p2 =	seq.s32 @!p0 s5, $0x0  }
0x1f: {  	s9 =	smul.u32 $0xF7A, s1;
	s8 =	simm.s32 @!p0 $0x1BF5;
	p2 =	por !p2, p0  }
0x20: {  	[sflag:s8] =	ssyncset.s32 @!p0 $0xFFFFF086;
	s6 =	sadd.s32 @!p0 s3, s7;
	s7 =	simm.s32 @!p0 $0x108  }
0x21: {  	s3 =	sadd.s32 s3, s9;
	s6 =	sadd.s32 @!p0 $0x88, s6;
	s7 =	simm.s32 @p2 $0x1082  }
0x22: {  	[simem:s7], [sflag:s8] =	dma.local @!p0 [hbm:s6], $0xF7A  }
0x23: {  	s9 =	sor.u32 $0xD0000000, s2;
	s6 =	simm.s32 $0x108;
	_ =	swait.ge @!p0 [sflag:s8], $0x0  }
0x24: {  	s3 =	sadd.s32 $0x88, s3;
	s6 =	simm.s32 @!p1 $0x1082;
	[sflag:s4] =	ssyncset.s32 $0xFFFFF086  }
0x25: {  	[simem:s6], [sflag:s4] =	dma.local [hbm:s3], $0xF7A  }
0x26: {  	[smem:$0x3F9E] =	sst s1;
	(tag) =	ssettag s2;
	_ =	strace s9  }
0x27: {  	s1 =	sld [smem:$0x3FAE]  }
0x28: {  	s2 =	sld [smem:$0x3FAF]  }
0x29: {  	s4 =	sld [smem:$0x3FB1]  }
0x2a: {  	p0 =	seq.s32 s5, $0x0;
	s5 =	sld [smem:$0x3FB2]  }
0x2b: {  	s6 =	sld [smem:$0x3FB3]  }
0x2c: {  	s7 =	sld [smem:$0x3FB4]  }
0x2d: {  	s3 =	simm.s32 $0x108;
	s8 =	sld [smem:$0x3FB5]  }
0x2e: {  	s3 =	simm.s32 @!p0 $0x1082;
	s9 =	sld [smem:$0x3FB6]  }
0x2f: {  	lr =	sadd.s32 s0, s3;
	s0 =	sld [smem:$0x3FAD]  }
0x30: {  	s3 =	sld [smem:$0x3FB0]  }
0x31: {  	[smem:$0x3FB9] =	sst s10  }
0x32: {  	s10 =	sld [smem:$0x3FB7];
	_ =	sdelay $0x3  }
0x33: {  	p0 =	seq.s32 s10, $0x1;
	s10 =	sld [smem:$0x3FB9];
	_ =	sdelay $0x3  }
0x34: {  	[smem:$0x3FB9] =	sst s10  }
0x35: {  	s10 =	sld [smem:$0x3FB8];
	_ =	sdelay $0x3  }
0x36: {  	p1 =	seq.s32 s10, $0x1;
	s10 =	sld [smem:$0x3FB9];
	_ =	sdelay $0x3  }
0x37: {  	[smem:$0x3FB9] =	sst s10  }
0x38: {  	s10 =	sld [smem:$0x3FBA]  }
0x39: {  	_ = 	snop;
	(pc) =	sbr.ind lr, $3  }
0x3a: {  	_ = 	snop  }
0x3b: {  	_ = 	snop  }
0x3c: {  	p2 =	seq.s32 s10, $0x1;
	s10 =	sld [smem:$0x3FB9]  }
0x3d: {  	_ =	shalt  }
0x3e: {  	_ =	shalt  }
0x3f: {  	_ =	shalt  }
0x40: {  	_ =	shalt  }
0x41: {  	_ =	shalt  }
0x42: {  	_ =	shalt  }
0x43: {  	_ =	shalt  }
0x44: {  	_ =	shalt  }
0x45: {  	_ =	shalt  }
0x46: {  	_ =	shalt  }
0x47: {  	_ =	shalt  }
0x48: {  	_ =	shalt  }
0x49: {  	_ =	shalt  }
0x4a: {  	_ =	shalt  }
0x4b: {  	_ =	shalt  }
0x4c: {  	_ =	shalt  }
0x4d: {  	_ =	shalt  }
0x4e: {  	_ =	shalt  }
0x4f: {  	_ =	shalt  }
0x50: {  	_ =	shalt  }
0x51: {  	_ =	shalt  }
0x52: {  	_ =	shalt  }
0x53: {  	_ =	shalt  }
0x54: {  	_ =	shalt  }
0x55: {  	_ =	shalt  }
0x56: {  	_ =	shalt  }
0x57: {  	_ =	shalt  }
0x58: {  	_ =	shalt  }
0x59: {  	_ =	shalt  }
0x5a: {  	_ =	shalt  }
0x5b: {  	_ =	shalt  }
0x5c: {  	_ =	shalt  }
0x5d: {  	_ =	shalt  }
0x5e: {  	_ =	shalt  }
0x5f: {  	_ =	shalt  }
0x60: {  	_ =	shalt  }
0x61: {  	_ =	shalt  }
0x62: {  	_ =	shalt  }
0x63: {  	_ =	shalt  }
0x64: {  	_ =	shalt  }
0x65: {  	_ =	shalt  }
0x66: {  	_ =	shalt  }
0x67: {  	_ =	shalt  }
0x68: {  	_ =	shalt  }
0x69: {  	_ =	shalt  }
0x6a: {  	_ =	shalt  }
0x6b: {  	_ =	shalt  }
0x6c: {  	_ =	shalt  }
0x6d: {  	_ =	shalt  }
0x6e: {  	_ =	shalt  }
0x6f: {  	_ =	shalt  }
0x70: {  	_ =	shalt  }
0x71: {  	_ =	shalt  }
0x72: {  	_ =	shalt  }
0x73: {  	_ =	shalt  }
0x74: {  	_ =	shalt  }
0x75: {  	_ =	shalt  }
0x76: {  	_ =	shalt  }
0x77: {  	_ =	shalt  }
0x78: {  	_ =	shalt  }
0x79: {  	_ =	shalt  }
0x7a: {  	_ =	shalt  }
0x7b: {  	_ =	shalt  }
0x7c: {  	_ =	shalt  }
0x7d: {  	_ =	shalt  }
0x7e: {  	_ =	shalt  }
0x7f: {  	_ =	shalt  }
0x80: {  	_ =	shalt  }
0x81: {  	_ =	shalt  }
0x82: {  	_ =	shalt  }
0x83: {  	_ =	shalt  }
0x84: {  	_ =	shalt  }
0x85: {  	_ =	shalt  }
0x86: {  	_ =	shalt  }
0x87: {  	_ =	shalt  }
.Lfunc_end0:
.L_simem_size_0:
called_computation_lowered:
.L_overlay_start_0:
0x88: {  	s2 =	sld [smem:$0x3FD9]  }
0x89: {  	s3 =	sld [smem:$0x3FFE];
	_ =	sdelay $0x1  }
0x8a: {  	s1 =	srdreg.scid  }
0x8b: {  	s0 =	sand.u32 $0x1, s1  }
0x8c: {  	s17 =	sshll.u32 s0, $0xA;
	s2 =	sadd.s32 s3, s2  }
0x8d: {  	s2 =	sadd.s32 s2, s17  }
0x8e: {  	[smem:$0x3FC5] =	sst s2  }
0x8f: {  	_ = 	snop  }
0x90: {  	s2 =	sld [smem:$0x3FC9]  }
0x91: {  	s18 =	sld [smem:$0x3FD0];
	(tm) =	ssettm $0x1  }
0x92: {  	s4 =	sld [smem:$0x3FFB];
	_ =	sdelay $0x3  }
0x93: {  	_ =	strace s4  }
0x94: {  	s4 =	sld [smem:$0x3FFC];
	_ =	sdelay $0x3  }
0x95: {  	_ =	strace s4  }
0x96: {  	s4 =	sld [smem:$0x3FFD];
	_ =	sdelay $0x3  }
0x97: {  	_ =	strace s4  }
0x98: {  	_ =	strace $0x8FFFFFFF  }
0x99: {  	s19 =	sld [smem:$0x3FDB];
	_ =	sdelay $0x1  }
0x9a: {  	s5 =	simm.s32 $_scs_section_size  }
0x9b: {  	s6 =	simm.s32 $_size__tile_overlayer_lowered;
	s7 =	simm.s32 $_tile_overlayer_lowered  }
0x9c: {  	s22 =	simm.s32 $0x1BFF;
	s21 =	sshll.u32 s7, $0x1;
	s4 =	sadd.s32 s5, s19  }
0x9d: {  	s8 =	simm.s32 $0x0;
	s20 =	sshll.u32 s6, $0x1;
	s6 =	sadd.s32 s21, s4  }
0x9e: {  	[timem:s8], [sflag:s22] =	dma.local [hbm:s6], s20  }
0x9f: {  	_ =	swait.ge [sflag:s22], s20  }
0xa0: {  	s5 =	ssub.s32 $0x0, s20;
	[sflag:s22] =	ssyncset.done $0x0  }
0xa1: {  	[sflag:s22] =	ssyncadd.s32 s5;
	_ =	sdelay $0x1  }
0xa2: {  	s23 =	simm.s32 $0x1B8B  }
0xa3: {  	_ =	swait.ge [sflag:s23], $0x1  }
0xa4: {  	[sflag:s23] =	ssyncset.done $0x0  }
0xa5: {  	s25 =	simm.s32 $0x1B8E;
	s24 =	sld [smem:$0x3FFE];
	[sflag:s23] =	ssyncadd.s32 $0xFFFFFFFF  }
0xa6: {  	s26 =	simm.s32 $execute0_lowered;
	[smem:$0x3FD2] =	sst s25  }
0xa7: {  	s6 =	sshll.u32 s26, $0x1;
	_ =	strace $0x80000046;
	[dreg:$0x1] =	wrdreg $0xFFFFFFFF  }
0xa8: {  	s28 =	simm.s32 $_size_execute0_lowered;
	s4 =	sadd.s32 s4, s6;
	[dreg:$0x0] =	wrdreg $0x0  }
0xa9: {  	s6 =	sshll.u32 s28, $0x1;
	[dreg:$0x2] =	wrdreg s4  }
0xaa: {  	[dreg:$0x3] =	wrdreg s6  }
0xab: {  	[dreg:$0x4] =	wrdreg $0xC0  }
0xac: {  	_ =	task [dreg:s8], $0x5FFFF  }
0xad: {  	[dreg:$0x1] =	wrdreg $0xFFFFFFFF  }
0xae: {  	[dreg:$0x0] =	wrdreg $0x60  }
0xaf: {  	[dreg:$0x2] =	wrdreg s24  }
0xb0: {  	[dreg:$0x3] =	wrdreg s2  }
0xb1: {  	[dreg:$0x4] =	wrdreg s18  }
0xb2: {  	[dreg:$0x5] =	wrdreg $0x9  }
0xb3: {  	_ =	task.clear_ibuf [dreg:s8], $0x6FFFF;
	_ =	strace $0x90000046  }
0xb4: {  	s29 =	simm.s32 $0x9;
	_ =	strace $0x80000048  }
0xb5: {  	_ =	swait.ge [sflag:s29], $0x1  }
0xb6: {  	[sflag:s29] =	ssyncadd.s32 $0xFFFFFFFF  }
0xb7: {  	_ =	strace $0x90000048  }
0xb8: {  	_ =	sfence  }
0xb9: {  	s30 =	sld [smem:$0x0];
	_ =	sdelay $0x2  }
0xba: {  	s31 =	sshll.u32 s1, $0xD;
	s1 =	sshrl.u32 s1, $0x2  }
0xbb: {  	s3 =	sand.u32 $0x4000, s31;
	s1 =	sadd.s32 s1, s30  }
0xbc: {  	s0 =	sor.u32 s3, s0;
	s1 =	sshll.u32 s1, $0x11  }
0xbd: {  	s0 =	sor.u32 s1, s0  }
0xbe: {  	s0 =	sadd.s32 $0x8F2B, s0  }
0xbf: {  	[sflag:s0] =	ssyncadd.remote.s32 $0x1  }
0xc0: {  	_ =	sfence.sel $0xFFFF  }
0xc1: {  	[dreg:$0x0] =	wrdreg $0xFFFFFFFF;
	(pc) =	sbr.abs _section_cstart, $3  }
0xc2: {  	[dreg:$0x1] =	wrdreg $0xFFFFFFFF  }
0xc3: {  	_ =	task.clear_ibuf [dreg:s8], $0x2FFFF;
	_ =	strace $0x9FFFFFFF  }
0xc4: {  	(tm) =	ssettm $0x7FFFFFFF  }
0xc5: {  	_ =	shalt  }
tec
execute0_lowered:
.L_overlay_start_1:
0x0: {  	(tag) =	ssettag $0x1  }
0x1: {  	s0 =	rddreg [dreg:$0x0]  }
0x2: {  	s3 =	rddreg [dreg:$0x1]  }
0x3: {  	s1 =	rddreg [dreg:$0x2]  }
0x4: {  	s2 =	simm.s32 $0x0;
	s4 =	srdreg.scid;
	s8 =	stileid.u32  }
0x5: {  	[smem:$0x7FF] =	sst s2;
	s5 =	sand.u32 $0x1, s4;
	s4 =	sadd.s32 $0x2400, s0  }
0x6: {  	s8 =	sshll.u32 s8, $0x9;
	s0 =	sadd.s32 $0x400, s0;
	s6 =	ssub.s32 $0x2, s5  }
0x7: {  	_ =	strace $0x80000047;
	s5 =	sshll.u32 s5, $0x8;
	s7 =	sshrl.u32 s6, $0x1  }
0x8: {  	[dreg:$0x4] =	wrdreg s0;
	s15 =	ssub.s32 s6, s7;
	s6 =	sor.u32 s5, s8  }
0x9: {  	s7 =	sadd.s32 $0x400, s1;
	s8 =	sshll.u32 s6, $0xA;
	s0 =	smax.u32 s15, $0x1  }
0xa: {  	s11 =	sadd.s32 $0x800, s1;
	s9 =	sadd.s32 s8, s7;
	[dreg:$0x10] =	wrdreg s0  }
0xb: {  	s12 =	sadd.s32 $0xC00, s1;
	s18 =	sadd.s32 s8, s11;
	[dreg:$0x7] =	wrdreg s9  }
0xc: {  	s13 =	sadd.s32 $0x1000, s1;
	s19 =	sadd.s32 s8, s12;
	[dreg:$0x8] =	wrdreg s18  }
0xd: {  	s17 =	sadd.s32 $0x1400, s1;
	s20 =	sadd.s32 s8, s13;
	[dreg:$0x9] =	wrdreg s19  }
0xe: {  	s21 =	sadd.s32 s8, s17;
	[dreg:$0xa] =	wrdreg s20  }
0xf: {  	s5 =	sshll.u32 s6, $0x4;
	s16 =	sadd.s32 s1, s8;
	[dreg:$0xb] =	wrdreg s21  }
0x10: {  	s3 =	sadd.s32 s3, s5;
	[dreg:$0x6] =	wrdreg s16  }
0x11: {  	s10 =	simm.s32 $0x8000;
	s23 =	sadd.s32 $0x80, s16;
	[dreg:$0x5] =	wrdreg s3  }
0x12: {  	s14 =	simm.s32 $0x80;
	s24 =	sadd.s32 $0x480, s16;
	[dreg:$0xe] =	wrdreg s23  }
0x13: {  	s15 =	simm.s32 $0xC2F0;
	s25 =	sadd.s32 $0x880, s16;
	[dreg:$0xf] =	wrdreg s24  }
0x14: {  	s5 =	simm.s32 $0xA200;
	s26 =	sadd.s32 $0xC80, s16;
	[dreg:$0x11] =	wrdreg s25  }
0x15: {  	s18 =	sadd.s32 $0x1800, s1;
	s28 =	sadd.s32 $0x1080, s16;
	[dreg:$0x12] =	wrdreg s26  }
0x16: {  	s19 =	sadd.s32 $0x1C00, s1;
	s29 =	sadd.s32 $0x1480, s16;
	[dreg:$0x13] =	wrdreg s28  }
0x17: {  	s30 =	sadd.s32 $0x1880, s16;
	s31 =	sadd.s32 $0x1C80, s16;
	[dreg:$0x14] =	wrdreg s29  }
0x18: {  	v0 =	vlaneseq.u32;
	s3 =	sadd.s32 $0x800, s3;
	s16 =	simm.s32 $0xC378;
	[dreg:$0x15] =	wrdreg s30  }
0x19: {  	v0 =	vmul.u32 $0x88, v0;
	s20 =	simm.s32 $0x2;
	s22 =	sadd.s32 s8, s18;
	[dreg:$0x16] =	wrdreg s31  }
0x1a: {  	s9 =	simm.s32 $0x0;
	s8 =	sadd.s32 s8, s19;
	[dreg:$0xc] =	wrdreg s22  }
0x1b: {  	v1 =	vadd.s32 $0x880, v0;
	v2 =	vadd.s32 $0x1100, v0;
	v3 =	vadd.s32 $0x1980, v0;
	s26 =	simm.s32 $0x4000;
	[dreg:$0xd] =	wrdreg s8;
	s8 =	simm.s32 $0x1  }
.LBB2_1:
0x1c: {  	[dreg:$0x17] =	wrdreg s9  }
0x1d: {  	s0 =	rddreg [dreg:$0x5];
	s28 =	simm.s32 $0x3  }
0x1e: {  	[tilespmem:s2], [sflag:$0x3] =	stream.linear.gather [hbm4b:s0+s2], $0x4000, $0x38;
	[tilespmem:$0x1C400] =	vst v63  }
0x1f: {  	_ =	swait.ge [sflag:s28], $0x4000  }
0x20: {  	[sflag:s28] =	ssyncset.done $0x0  }
0x21: {  	s21 =	simm.s32 $0xC400;
	s29 =	rddreg [dreg:$0x4];
	[sflag:s28] =	ssyncadd.s32 $0xFFFFC000  }
0x22: {  	[tilespmem:s21], [sflag:$0x3] =	stream.linear.gather [hbm4b:s29+s2], $0x10000, $0x38;
	[tilespmem:$0x1C400] =	vst v63  }
0x23: {  	_ =	swait.ge [sflag:s28], $0x10000  }
0x24: {  	[sflag:s28] =	ssyncset.done $0x0  }
0x25: {  	s30 =	simm.s32 $0x80;
	[sflag:s28] =	ssyncadd.s32 $0xFFFF0000  }
0x26: {  	[tilespmem:s26], [sflag:$0x1] =	stream.indirect.gather [hbm4b:s4+s30], $0x40, s2, s30, $0xb8;
	[tilespmem:$0x1C400] =	vst v63  }
0x27: {  	_ =	swait.ge [sflag:s8], $0x2000  }
0x28: {  	[sflag:s8] =	ssyncset.done $0x0  }
0x29: {  	s31 =	simm.s32 $0x6000;
	s21 =	simm.s32 $0x4080;
	[sflag:s8] =	ssyncadd.s32 $0xFFFFE000  }
0x2a: {  	[tilespmem:s31], [sflag:$0x1] =	stream.indirect.gather [hbm4b:s4+s30], $0x40, s30, s30, $0xb8;
	[tilespmem:$0x1C400] =	vst v63  }
0x2b: {  	v4 =	vimm.s32 $0x0;
	s22 =	simm.s32 $0xC480;
	v5 =	vld [tilespmem:s21+$0xFFFFFF80]  }
0x2c: {  	v7 =	vand.u32 $0xFFFFFFF8, v4;
	v6 =	vld [tilespmem:s22+$0xFFFFFF80]  }
0x2d: {  	v8 =	vand.u32 $0x4, v4;
	v9 =	vadd.s32 v0, v7  }
0x2e: {  	v10 =	vor.u32 v8, v9;
	_ =	sdelay $0x2  }
0x2f: {  	v5 =	vadd.f32 v6, v5;
	_ =	sdelay $0x1  }
0x30: {  	[tilespmem:v10+s10+$0x0] =	vst.idx.msk $0xffff, v5  }
0x31: {  	v5 =	vld [tilespmem:s22+$0xFFFFFF90]  }
0x32: {  	v6 =	vld [tilespmem:s21+$0xFFFFFF90]  }
0x33: {  	v10 =	vadd.s32 v1, v7  }
0x34: {  	v11 =	vor.u32 v8, v10;
	_ =	sdelay $0x2  }
0x35: {  	v5 =	vadd.f32 v5, v6;
	_ =	sdelay $0x1  }
0x36: {  	[tilespmem:v11+s10+$0x0] =	vst.idx.msk $0xffff, v5  }
0x37: {  	v5 =	vld [tilespmem:s21+$0xFFFFFFA0]  }
0x38: {  	v6 =	vld [tilespmem:s22+$0xFFFFFFA0]  }
0x39: {  	v11 =	vadd.s32 v2, v7  }
0x3a: {  	v12 =	vor.u32 v8, v11;
	_ =	sdelay $0x2  }
0x3b: {  	v5 =	vadd.f32 v6, v5;
	_ =	sdelay $0x1  }
0x3c: {  	[tilespmem:v12+s10+$0x0] =	vst.idx.msk $0xffff, v5  }
0x3d: {  	v5 =	vld [tilespmem:s21+$0xFFFFFFB0]  }
0x3e: {  	v6 =	vld [tilespmem:s22+$0xFFFFFFB0]  }
0x3f: {  	v58 =	vadd.s32 v3, v7  }
0x40: {  	v7 =	vor.u32 v8, v58;
	_ =	sdelay $0x2  }
0x41: {  	v5 =	vadd.f32 v6, v5;
	_ =	sdelay $0x1  }
0x42: {  	[tilespmem:v7+s10+$0x0] =	vst.idx.msk $0xffff, v5  }
0x43: {  	v5 =	vld [tilespmem:s21+$0xFFFFFFC0]  }
0x44: {  	v6 =	vld [tilespmem:s22+$0xFFFFFFC0]  }
0x45: {  	v7 =	vor.u32 $0x1, v8  }
0x46: {  	v13 =	vor.u32 v7, v9;
	_ =	sdelay $0x2  }
0x47: {  	v5 =	vadd.f32 v6, v5;
	_ =	sdelay $0x1  }
0x48: {  	[tilespmem:v13+s10+$0x0] =	vst.idx.msk $0xffff, v5  }
0x49: {  	v5 =	vld [tilespmem:s21+$0xFFFFFFD0]  }
0x4a: {  	v6 =	vld [tilespmem:s22+$0xFFFFFFD0];
	_ =	sdelay $0x1  }
0x4b: {  	v59 =	vor.u32 v7, v10;
	_ =	sdelay $0x2  }
0x4c: {  	v5 =	vadd.f32 v6, v5;
	_ =	sdelay $0x1  }
0x4d: {  	[tilespmem:v59+s10+$0x0] =	vst.idx.msk $0xffff, v5  }
0x4e: {  	v5 =	vld [tilespmem:s21+$0xFFFFFFE0]  }
0x4f: {  	v6 =	vld [tilespmem:s22+$0xFFFFFFE0];
	_ =	sdelay $0x1  }
0x50: {  	v60 =	vor.u32 v7, v11;
	_ =	sdelay $0x2  }
0x51: {  	v5 =	vadd.f32 v6, v5;
	_ =	sdelay $0x1  }
0x52: {  	[tilespmem:v60+s10+$0x0] =	vst.idx.msk $0xffff, v5  }
0x53: {  	v5 =	vld [tilespmem:s21+$0xFFFFFFF0]  }
0x54: {  	v6 =	vld [tilespmem:s22+$0xFFFFFFF0];
	_ =	sdelay $0x1  }
0x55: {  	v7 =	vor.u32 v7, v58;
	_ =	sdelay $0x2  }
0x56: {  	v5 =	vadd.f32 v6, v5;
	_ =	sdelay $0x1  }
0x57: {  	[tilespmem:v7+s10+$0x0] =	vst.idx.msk $0xffff, v5  }
0x58: {  	v5 =	vld [tilespmem:s21+$0x0]  }
0x59: {  	v6 =	vld [tilespmem:s22+$0x0]  }
0x5a: {  	v7 =	vor.u32 $0x2, v8  }
0x5b: {  	v61 =	vor.u32 v7, v9;
	_ =	sdelay $0x2  }
0x5c: {  	v5 =	vadd.f32 v6, v5;
	_ =	sdelay $0x1  }
0x5d: {  	[tilespmem:v61+s10+$0x0] =	vst.idx.msk $0xffff, v5  }
0x5e: {  	v5 =	vld [tilespmem:s21+$0x10]  }
0x5f: {  	v6 =	vld [tilespmem:s22+$0x10];
	_ =	sdelay $0x1  }
0x60: {  	v62 =	vor.u32 v7, v10;
	_ =	sdelay $0x2  }
0x61: {  	v5 =	vadd.f32 v6, v5;
	_ =	sdelay $0x1  }
0x62: {  	[tilespmem:v62+s10+$0x0] =	vst.idx.msk $0xffff, v5  }
0x63: {  	v5 =	vld [tilespmem:s21+$0x20]  }
0x64: {  	v6 =	vld [tilespmem:s22+$0x20];
	_ =	sdelay $0x1  }
0x65: {  	v63 =	vor.u32 v7, v11;
	_ =	sdelay $0x2  }
0x66: {  	v5 =	vadd.f32 v6, v5;
	_ =	sdelay $0x1  }
0x67: {  	[tilespmem:v63+s10+$0x0] =	vst.idx.msk $0xffff, v5  }
0x68: {  	v5 =	vld [tilespmem:s21+$0x30]  }
0x69: {  	v6 =	vld [tilespmem:s22+$0x30];
	_ =	sdelay $0x1  }
0x6a: {  	v7 =	vor.u32 v7, v58;
	_ =	sdelay $0x2  }
0x6b: {  	v5 =	vadd.f32 v6, v5;
	_ =	sdelay $0x1  }
0x6c: {  	[tilespmem:v7+s10+$0x0] =	vst.idx.msk $0xffff, v5  }
0x6d: {  	v5 =	vld [tilespmem:s21+$0x40]  }
0x6e: {  	v6 =	vld [tilespmem:s22+$0x40]  }
0x6f: {  	v8 =	vor.u32 $0x3, v8  }
0x70: {  	v7 =	vor.u32 v8, v9;
	_ =	sdelay $0x2  }
0x71: {  	v5 =	vadd.f32 v6, v5;
	_ =	sdelay $0x1  }
0x72: {  	[tilespmem:v7+s10+$0x0] =	vst.idx.msk $0xffff, v5  }
0x73: {  	v5 =	vld [tilespmem:s21+$0x50]  }
0x74: {  	v6 =	vld [tilespmem:s22+$0x50];
	_ =	sdelay $0x1  }
0x75: {  	v7 =	vor.u32 v8, v10;
	_ =	sdelay $0x2  }
0x76: {  	v5 =	vadd.f32 v6, v5;
	_ =	sdelay $0x1  }
0x77: {  	[tilespmem:v7+s10+$0x0] =	vst.idx.msk $0xffff, v5  }
0x78: {  	v7 =	vld [tilespmem:s21+$0x60]  }
0x79: {  	s23 =	simm.s32 $0x0;
	s24 =	simm.s32 $0x4080;
	s25 =	simm.s32 $0xC480;
	v6 =	vor.u32 v8, v11;
	v5 =	vor.u32 v8, v58;
	v8 =	vld [tilespmem:s22+$0x60]  }
.LBB2_2:
0x7a: {  	s23 =	sadd.s32 $0x4, s23;
	v4 =	vadd.s32 $0x4, v4;
	s21 =	sadd.s32 $0x100, s21;
	s22 =	sadd.s32 $0x100, s22  }
0x7b: {  	p0 =	slt.u32 s23, $0x7C;
	_ =	sdelay $0x2  }
0x7c: {  	v7 =	vadd.f32 v8, v7;
	_ =	sdelay $0x1  }
0x7d: {  	[tilespmem:v6+s10+$0x0] =	vst.idx.msk $0xffff, v7  }
0x7e: {  	v6 =	vld [tilespmem:s24+$0x70];
	s24 =	smov.u32 s21  }
0x7f: {  	v7 =	vld [tilespmem:s25+$0x70];
	s25 =	smov.u32 s22;
	_ =	sdelay $0x4  }
0x80: {  	v6 =	vadd.f32 v7, v6;
	_ =	sdelay $0x1  }
0x81: {  	[tilespmem:v5+s10+$0x0] =	vst.idx.msk $0xffff, v6  }
0x82: {  	v5 =	vld [tilespmem:s21+$0xFFFFFF80]  }
0x83: {  	v9 =	vand.u32 $0x4, v4;
	v7 =	vand.u32 $0xFFFFFFF8, v4;
	v6 =	vld [tilespmem:s22+$0xFFFFFF80]  }
0x84: {  	v10 =	vadd.s32 v0, v7;
	v11 =	vadd.s32 v1, v7;
	v12 =	vadd.s32 v2, v7  }
0x85: {  	v14 =	vadd.s32 v3, v7;
	v7 =	vor.u32 $0x1, v9;
	v13 =	vor.u32 v9, v10  }
0x86: {  	v15 =	vor.u32 v9, v14;
	v16 =	vor.u32 v7, v10;
	v17 =	vor.u32 v7, v11  }
0x87: {  	v20 =	vor.u32 $0x3, v9;
	v18 =	vor.u32 v7, v12;
	v19 =	vor.u32 v7, v14  }
0x88: {  	v8 =	vor.u32 v20, v10;
	v7 =	vor.u32 v20, v11;
	v21 =	vadd.f32 v6, v5  }
0x89: {  	v6 =	vor.u32 v20, v12;
	v5 =	vor.u32 v20, v14  }
0x8a: {  	[tilespmem:v13+s10+$0x0] =	vst.idx.msk $0xffff, v21  }
0x8b: {  	v13 =	vld [tilespmem:s22+$0xFFFFFF90]  }
0x8c: {  	v20 =	vld [tilespmem:s21+$0xFFFFFF90]  }
0x8d: {  	v21 =	vor.u32 v9, v11;
	_ =	sdelay $0x3  }
0x8e: {  	v13 =	vadd.f32 v13, v20;
	_ =	sdelay $0x1  }
0x8f: {  	[tilespmem:v21+s10+$0x0] =	vst.idx.msk $0xffff, v13  }
0x90: {  	v13 =	vld [tilespmem:s21+$0xFFFFFFA0]  }
0x91: {  	v21 =	vor.u32 v9, v12;
	v20 =	vld [tilespmem:s22+$0xFFFFFFA0];
	_ =	sdelay $0x4  }
0x92: {  	v13 =	vadd.f32 v20, v13;
	_ =	sdelay $0x1  }
0x93: {  	[tilespmem:v21+s10+$0x0] =	vst.idx.msk $0xffff, v13  }
0x94: {  	v13 =	vld [tilespmem:s21+$0xFFFFFFB0]  }
0x95: {  	v20 =	vld [tilespmem:s22+$0xFFFFFFB0];
	_ =	sdelay $0x4  }
0x96: {  	v13 =	vadd.f32 v20, v13;
	_ =	sdelay $0x1  }
0x97: {  	[tilespmem:v15+s10+$0x0] =	vst.idx.msk $0xffff, v13  }
0x98: {  	v13 =	vld [tilespmem:s21+$0xFFFFFFC0]  }
0x99: {  	v15 =	vld [tilespmem:s22+$0xFFFFFFC0];
	_ =	sdelay $0x4  }
0x9a: {  	v13 =	vadd.f32 v15, v13;
	_ =	sdelay $0x1  }
0x9b: {  	[tilespmem:v16+s10+$0x0] =	vst.idx.msk $0xffff, v13  }
0x9c: {  	v13 =	vld [tilespmem:s21+$0xFFFFFFD0]  }
0x9d: {  	v15 =	vld [tilespmem:s22+$0xFFFFFFD0];
	_ =	sdelay $0x4  }
0x9e: {  	v13 =	vadd.f32 v15, v13;
	_ =	sdelay $0x1  }
0x9f: {  	[tilespmem:v17+s10+$0x0] =	vst.idx.msk $0xffff, v13  }
0xa0: {  	v13 =	vld [tilespmem:s21+$0xFFFFFFE0]  }
0xa1: {  	v15 =	vld [tilespmem:s22+$0xFFFFFFE0];
	_ =	sdelay $0x4  }
0xa2: {  	v13 =	vadd.f32 v15, v13;
	_ =	sdelay $0x1  }
0xa3: {  	[tilespmem:v18+s10+$0x0] =	vst.idx.msk $0xffff, v13  }
0xa4: {  	v13 =	vld [tilespmem:s21+$0xFFFFFFF0]  }
0xa5: {  	v15 =	vld [tilespmem:s22+$0xFFFFFFF0];
	_ =	sdelay $0x1  }
0xa6: {  	v9 =	vor.u32 $0x2, v9  }
0xa7: {  	v10 =	vor.u32 v9, v10;
	v11 =	vor.u32 v9, v11;
	v12 =	vor.u32 v9, v12  }
0xa8: {  	v9 =	vor.u32 v9, v14  }
0xa9: {  	v13 =	vadd.f32 v15, v13;
	_ =	sdelay $0x1  }
0xaa: {  	[tilespmem:v19+s10+$0x0] =	vst.idx.msk $0xffff, v13  }
0xab: {  	v13 =	vld [tilespmem:s21+$0x0]  }
0xac: {  	v14 =	vld [tilespmem:s22+$0x0];
	_ =	sdelay $0x4  }
0xad: {  	v13 =	vadd.f32 v14, v13;
	_ =	sdelay $0x1  }
0xae: {  	[tilespmem:v10+s10+$0x0] =	vst.idx.msk $0xffff, v13  }
0xaf: {  	v10 =	vld [tilespmem:s21+$0x10]  }
0xb0: {  	v13 =	vld [tilespmem:s22+$0x10];
	_ =	sdelay $0x4  }
0xb1: {  	v10 =	vadd.f32 v13, v10;
	_ =	sdelay $0x1  }
0xb2: {  	[tilespmem:v11+s10+$0x0] =	vst.idx.msk $0xffff, v10  }
0xb3: {  	v10 =	vld [tilespmem:s21+$0x20]  }
0xb4: {  	v11 =	vld [tilespmem:s22+$0x20];
	_ =	sdelay $0x4  }
0xb5: {  	v10 =	vadd.f32 v11, v10;
	_ =	sdelay $0x1  }
0xb6: {  	[tilespmem:v12+s10+$0x0] =	vst.idx.msk $0xffff, v10  }
0xb7: {  	v10 =	vld [tilespmem:s21+$0x30]  }
0xb8: {  	v11 =	vld [tilespmem:s22+$0x30];
	_ =	sdelay $0x4  }
0xb9: {  	v10 =	vadd.f32 v11, v10;
	_ =	sdelay $0x1  }
0xba: {  	[tilespmem:v9+s10+$0x0] =	vst.idx.msk $0xffff, v10  }
0xbb: {  	v9 =	vld [tilespmem:s21+$0x40]  }
0xbc: {  	v10 =	vld [tilespmem:s22+$0x40];
	_ =	sdelay $0x4  }
0xbd: {  	v9 =	vadd.f32 v10, v9;
	_ =	sdelay $0x1  }
0xbe: {  	[tilespmem:v8+s10+$0x0] =	vst.idx.msk $0xffff, v9  }
0xbf: {  	v8 =	vld [tilespmem:s21+$0x50]  }
0xc0: {  	v9 =	vld [tilespmem:s22+$0x50];
	_ =	sdelay $0x4  }
.Ltmp0:
0xc1: {  	v8 =	vadd.f32 v9, v8;
	(pc) =	sbr.rel @p0 .LBB2_2-.Ltmp0, $4  }
0xc2: {  	_ = 	snop  }
0xc3: {  	[tilespmem:v7+s10+$0x0] =	vst.idx.msk $0xffff, v8  }
0xc4: {  	v7 =	vld [tilespmem:s21+$0x60]  }
0xc5: {  	v8 =	vld [tilespmem:s22+$0x60]  }
0xc6: {  	_ =	sdelay $0x3  }
0xc7: {  	v4 =	vadd.f32 v8, v7;
	_ =	sdelay $0x1  }
0xc8: {  	[tilespmem:v6+s10+$0x0] =	vst.idx.msk $0xffff, v4  }
0xc9: {  	v4 =	vld [tilespmem:s24+$0x70]  }
0xca: {  	v6 =	vld [tilespmem:s25+$0x70];
	_ =	sdelay $0x4  }
0xcb: {  	v4 =	vadd.f32 v6, v4;
	_ =	sdelay $0x1  }
0xcc: {  	s9 =	rddreg [dreg:$0x6];
	[tilespmem:v5+s10+$0x0] =	vst.idx.msk $0xffff, v4  }
0xcd: {  	[hbm4b:s9+s2] =	stream.linear.scatter [tilespmem:s10], [sflag:$0x2], $0x80, $0x38;
	[tilespmem:$0x1C400] =	vst v63  }
0xce: {  	s21 =	simm.s32 $0x8088;
	s0 =	sadd.s32 $0x10, s9  }
0xcf: {  	[hbm4b:s0+s2] =	stream.linear.scatter [tilespmem:s21], [sflag:$0x2], $0x80, $0x38;
	[tilespmem:$0x1C400] =	vst v63  }
0xd0: {  	s24 =	sadd.s32 $0x20, s9;
	s25 =	simm.s32 $0x8110  }
0xd1: {  	[hbm4b:s24+s2] =	stream.linear.scatter [tilespmem:s25], [sflag:$0x2], $0x80, $0x38;
	[tilespmem:$0x1C400] =	vst v63  }
0xd2: {  	s29 =	simm.s32 $0x8198;
	s28 =	sadd.s32 $0x30, s9  }
0xd3: {  	[hbm4b:s28+s2] =	stream.linear.scatter [tilespmem:s29], [sflag:$0x2], $0x80, $0x38;
	[tilespmem:$0x1C400] =	vst v63  }
0xd4: {  	s31 =	simm.s32 $0x8220;
	s30 =	sadd.s32 $0x40, s9  }
0xd5: {  	[hbm4b:s30+s2] =	stream.linear.scatter [tilespmem:s31], [sflag:$0x2], $0x80, $0x38;
	[tilespmem:$0x1C400] =	vst v63  }
0xd6: {  	s22 =	simm.s32 $0x82A8;
	s21 =	sadd.s32 $0x50, s9  }
0xd7: {  	[hbm4b:s21+s2] =	stream.linear.scatter [tilespmem:s22], [sflag:$0x2], $0x80, $0x38;
	[tilespmem:$0x1C400] =	vst v63  }
0xd8: {  	s23 =	sadd.s32 $0x60, s9;
	s24 =	simm.s32 $0x8330  }
0xd9: {  	[hbm4b:s23+s2] =	stream.linear.scatter [tilespmem:s24], [sflag:$0x2], $0x80, $0x38;
	[tilespmem:$0x1C400] =	vst v63  }
0xda: {  	s25 =	sadd.s32 $0x70, s9;
	s28 =	simm.s32 $0x83B8  }
0xdb: {  	[hbm4b:s25+s2] =	stream.linear.scatter [tilespmem:s28], [sflag:$0x2], $0x80, $0x38;
	[tilespmem:$0x1C400] =	vst v63  }
0xdc: {  	s9 =	rddreg [dreg:$0x7];
	s29 =	simm.s32 $0x8440  }
0xdd: {  	[hbm4b:s9+s2] =	stream.linear.scatter [tilespmem:s29], [sflag:$0x2], $0x80, $0x38;
	[tilespmem:$0x1C400] =	vst v63  }
0xde: {  	s30 =	sadd.s32 $0x10, s9;
	s31 =	simm.s32 $0x84C8  }
0xdf: {  	[hbm4b:s30+s2] =	stream.linear.scatter [tilespmem:s31], [sflag:$0x2], $0x80, $0x38;
	[tilespmem:$0x1C400] =	vst v63  }
0xe0: {  	s22 =	sadd.s32 $0x20, s9;
	s23 =	simm.s32 $0x8550  }
0xe1: {  	[hbm4b:s22+s2] =	stream.linear.scatter [tilespmem:s23], [sflag:$0x2], $0x80, $0x38;
	[tilespmem:$0x1C400] =	vst v63  }
0xe2: {  	s24 =	sadd.s32 $0x30, s9;
	s25 =	simm.s32 $0x85D8  }
0xe3: {  	[hbm4b:s24+s2] =	stream.linear.scatter [tilespmem:s25], [sflag:$0x2], $0x80, $0x38;
	[tilespmem:$0x1C400] =	vst v63  }
0xe4: {  	s28 =	sadd.s32 $0x40, s9;
	s29 =	simm.s32 $0x8660  }
0xe5: {  	[hbm4b:s28+s2] =	stream.linear.scatter [tilespmem:s29], [sflag:$0x2], $0x80, $0x38;
	[tilespmem:$0x1C400] =	vst v63  }
0xe6: {  	s30 =	sadd.s32 $0x50, s9;
	s31 =	simm.s32 $0x86E8  }
0xe7: {  	[hbm4b:s30+s2] =	stream.linear.scatter [tilespmem:s31], [sflag:$0x2], $0x80, $0x38;
	[tilespmem:$0x1C400] =	vst v63  }
0xe8: {  	s21 =	sadd.s32 $0x60, s9;
	s22 =	simm.s32 $0x8770  }
0xe9: {  	[hbm4b:s21+s2] =	stream.linear.scatter [tilespmem:s22], [sflag:$0x2], $0x80, $0x38;
	[tilespmem:$0x1C400] =	vst v63  }
0xea: {  	s23 =	sadd.s32 $0x70, s9;
	s24 =	simm.s32 $0x87F8  }
0xeb: {  	[hbm4b:s23+s2] =	stream.linear.scatter [tilespmem:s24], [sflag:$0x2], $0x80, $0x38;
	[tilespmem:$0x1C400] =	vst v63  }
0xec: {  	s9 =	rddreg [dreg:$0x8];
	s25 =	simm.s32 $0x8880  }
0xed: {  	[hbm4b:s9+s2] =	stream.linear.scatter [tilespmem:s25], [sflag:$0x2], $0x80, $0x38;
	[tilespmem:$0x1C400] =	vst v63  }
0xee: {  	s28 =	sadd.s32 $0x10, s9;
	s29 =	simm.s32 $0x8908  }
0xef: {  	[hbm4b:s28+s2] =	stream.linear.scatter [tilespmem:s29], [sflag:$0x2], $0x80, $0x38;
	[tilespmem:$0x1C400] =	vst v63  }
0xf0: {  	s30 =	sadd.s32 $0x20, s9;
	s31 =	simm.s32 $0x8990  }
0xf1: {  	[hbm4b:s30+s2] =	stream.linear.scatter [tilespmem:s31], [sflag:$0x2], $0x80, $0x38;
	[tilespmem:$0x1C400] =	vst v63  }
0xf2: {  	s22 =	sadd.s32 $0x30, s9;
	s23 =	simm.s32 $0x8A18  }
0xf3: {  	[hbm4b:s22+s2] =	stream.linear.scatter [tilespmem:s23], [sflag:$0x2], $0x80, $0x38;
	[tilespmem:$0x1C400] =	vst v63  }
0xf4: {  	s24 =	sadd.s32 $0x40, s9;
	s25 =	simm.s32 $0x8AA0  }
0xf5: {  	[hbm4b:s24+s2] =	stream.linear.scatter [tilespmem:s25], [sflag:$0x2], $0x80, $0x38;
	[tilespmem:$0x1C400] =	vst v63  }
0xf6: {  	s28 =	sadd.s32 $0x50, s9;
	s29 =	simm.s32 $0x8B28  }
0xf7: {  	[hbm4b:s28+s2] =	stream.linear.scatter [tilespmem:s29], [sflag:$0x2], $0x80, $0x38;
	[tilespmem:$0x1C400] =	vst v63  }
0xf8: {  	s30 =	sadd.s32 $0x60, s9;
	s31 =	simm.s32 $0x8BB0  }
0xf9: {  	[hbm4b:s30+s2] =	stream.linear.scatter [tilespmem:s31], [sflag:$0x2], $0x80, $0x38;
	[tilespmem:$0x1C400] =	vst v63  }
0xfa: {  	s21 =	sadd.s32 $0x70, s9;
	s22 =	simm.s32 $0x8C38  }
0xfb: {  	[hbm4b:s21+s2] =	stream.linear.scatter [tilespmem:s22], [sflag:$0x2], $0x80, $0x38;
	[tilespmem:$0x1C400] =	vst v63  }
0xfc: {  	s9 =	rddreg [dreg:$0x9];
	s23 =	simm.s32 $0x8CC0  }
0xfd: {  	[hbm4b:s9+s2] =	stream.linear.scatter [tilespmem:s23], [sflag:$0x2], $0x80, $0x38;
	[tilespmem:$0x1C400] =	vst v63  }
0xfe: {  	s24 =	sadd.s32 $0x10, s9;
	s25 =	simm.s32 $0x8D48  }
0xff: {  	[hbm4b:s24+s2] =	stream.linear.scatter [tilespmem:s25], [sflag:$0x2], $0x80, $0x38;
	[tilespmem:$0x1C400] =	vst v63  }
0x100: {  	s28 =	sadd.s32 $0x20, s9;
	s29 =	simm.s32 $0x8DD0  }
0x101: {  	[hbm4b:s28+s2] =	stream.linear.scatter [tilespmem:s29], [sflag:$0x2], $0x80, $0x38;
	[tilespmem:$0x1C400] =	vst v63  }
0x102: {  	s30 =	sadd.s32 $0x30, s9;
	s31 =	simm.s32 $0x8E58  }
0x103: {  	[hbm4b:s30+s2] =	stream.linear.scatter [tilespmem:s31], [sflag:$0x2], $0x80, $0x38;
	[tilespmem:$0x1C400] =	vst v63  }
0x104: {  	s22 =	sadd.s32 $0x40, s9;
	s23 =	simm.s32 $0x8EE0  }
0x105: {  	[hbm4b:s22+s2] =	stream.linear.scatter [tilespmem:s23], [sflag:$0x2], $0x80, $0x38;
	[tilespmem:$0x1C400] =	vst v63  }
0x106: {  	s24 =	sadd.s32 $0x50, s9;
	s25 =	simm.s32 $0x8F68  }
0x107: {  	[hbm4b:s24+s2] =	stream.linear.scatter [tilespmem:s25], [sflag:$0x2], $0x80, $0x38;
	[tilespmem:$0x1C400] =	vst v63  }
0x108: {  	s28 =	sadd.s32 $0x60, s9;
	s29 =	simm.s32 $0x8FF0  }
0x109: {  	[hbm4b:s28+s2] =	stream.linear.scatter [tilespmem:s29], [sflag:$0x2], $0x80, $0x38;
	[tilespmem:$0x1C400] =	vst v63  }
0x10a: {  	s30 =	sadd.s32 $0x70, s9;
	s31 =	simm.s32 $0x9078  }
0x10b: {  	[hbm4b:s30+s2] =	stream.linear.scatter [tilespmem:s31], [sflag:$0x2], $0x80, $0x38;
	[tilespmem:$0x1C400] =	vst v63  }
0x10c: {  	s21 =	simm.s32 $0x9100;
	s9 =	rddreg [dreg:$0xa]  }
0x10d: {  	[hbm4b:s9+s2] =	stream.linear.scatter [tilespmem:s21], [sflag:$0x2], $0x80, $0x38;
	[tilespmem:$0x1C400] =	vst v63  }
0x10e: {  	s22 =	sadd.s32 $0x10, s9;
	s23 =	simm.s32 $0x9188  }
0x10f: {  	[hbm4b:s22+s2] =	stream.linear.scatter [tilespmem:s23], [sflag:$0x2], $0x80, $0x38;
	[tilespmem:$0x1C400] =	vst v63  }
0x110: {  	s24 =	sadd.s32 $0x20, s9;
	s25 =	simm.s32 $0x9210  }
0x111: {  	[hbm4b:s24+s2] =	stream.linear.scatter [tilespmem:s25], [sflag:$0x2], $0x80, $0x38;
	[tilespmem:$0x1C400] =	vst v63  }
0x112: {  	s28 =	sadd.s32 $0x30, s9;
	s29 =	simm.s32 $0x9298  }
0x113: {  	[hbm4b:s28+s2] =	stream.linear.scatter [tilespmem:s29], [sflag:$0x2], $0x80, $0x38;
	[tilespmem:$0x1C400] =	vst v63  }
0x114: {  	s30 =	sadd.s32 $0x40, s9;
	s31 =	simm.s32 $0x9320  }
0x115: {  	[hbm4b:s30+s2] =	stream.linear.scatter [tilespmem:s31], [sflag:$0x2], $0x80, $0x38;
	[tilespmem:$0x1C400] =	vst v63  }
0x116: {  	s21 =	sadd.s32 $0x50, s9;
	s22 =	simm.s32 $0x93A8  }
0x117: {  	[hbm4b:s21+s2] =	stream.linear.scatter [tilespmem:s22], [sflag:$0x2], $0x80, $0x38;
	[tilespmem:$0x1C400] =	vst v63  }
0x118: {  	s23 =	sadd.s32 $0x60, s9;
	s24 =	simm.s32 $0x9430  }
0x119: {  	[hbm4b:s23+s2] =	stream.linear.scatter [tilespmem:s24], [sflag:$0x2], $0x80, $0x38;
	[tilespmem:$0x1C400] =	vst v63  }
0x11a: {  	s25 =	sadd.s32 $0x70, s9;
	s28 =	simm.s32 $0x94B8  }
0x11b: {  	[hbm4b:s25+s2] =	stream.linear.scatter [tilespmem:s28], [sflag:$0x2], $0x80, $0x38;
	[tilespmem:$0x1C400] =	vst v63  }
0x11c: {  	s9 =	rddreg [dreg:$0xb];
	s29 =	simm.s32 $0x9540  }
0x11d: {  	[hbm4b:s9+s2] =	stream.linear.scatter [tilespmem:s29], [sflag:$0x2], $0x80, $0x38;
	[tilespmem:$0x1C400] =	vst v63  }
0x11e: {  	s30 =	sadd.s32 $0x10, s9;
	s31 =	simm.s32 $0x95C8  }
0x11f: {  	[hbm4b:s30+s2] =	stream.linear.scatter [tilespmem:s31], [sflag:$0x2], $0x80, $0x38;
	[tilespmem:$0x1C400] =	vst v63  }
0x120: {  	s22 =	sadd.s32 $0x20, s9;
	s23 =	simm.s32 $0x9650  }
0x121: {  	[hbm4b:s22+s2] =	stream.linear.scatter [tilespmem:s23], [sflag:$0x2], $0x80, $0x38;
	[tilespmem:$0x1C400] =	vst v63  }
0x122: {  	s24 =	sadd.s32 $0x30, s9;
	s25 =	simm.s32 $0x96D8  }
0x123: {  	[hbm4b:s24+s2] =	stream.linear.scatter [tilespmem:s25], [sflag:$0x2], $0x80, $0x38;
	[tilespmem:$0x1C400] =	vst v63  }
0x124: {  	s28 =	sadd.s32 $0x40, s9;
	s29 =	simm.s32 $0x9760  }
0x125: {  	[hbm4b:s28+s2] =	stream.linear.scatter [tilespmem:s29], [sflag:$0x2], $0x80, $0x38;
	[tilespmem:$0x1C400] =	vst v63  }
0x126: {  	s30 =	sadd.s32 $0x50, s9;
	s31 =	simm.s32 $0x97E8  }
0x127: {  	[hbm4b:s30+s2] =	stream.linear.scatter [tilespmem:s31], [sflag:$0x2], $0x80, $0x38;
	[tilespmem:$0x1C400] =	vst v63  }
0x128: {  	s21 =	sadd.s32 $0x60, s9;
	s22 =	simm.s32 $0x9870  }
0x129: {  	[hbm4b:s21+s2] =	stream.linear.scatter [tilespmem:s22], [sflag:$0x2], $0x80, $0x38;
	[tilespmem:$0x1C400] =	vst v63  }
0x12a: {  	s23 =	sadd.s32 $0x70, s9;
	s24 =	simm.s32 $0x98F8  }
0x12b: {  	[hbm4b:s23+s2] =	stream.linear.scatter [tilespmem:s24], [sflag:$0x2], $0x80, $0x38;
	[tilespmem:$0x1C400] =	vst v63  }
0x12c: {  	s9 =	rddreg [dreg:$0xc];
	s25 =	simm.s32 $0x9980  }
0x12d: {  	[hbm4b:s9+s2] =	stream.linear.scatter [tilespmem:s25], [sflag:$0x2], $0x80, $0x38;
	[tilespmem:$0x1C400] =	vst v63  }
0x12e: {  	s28 =	sadd.s32 $0x10, s9;
	s29 =	simm.s32 $0x9A08  }
0x12f: {  	[hbm4b:s28+s2] =	stream.linear.scatter [tilespmem:s29], [sflag:$0x2], $0x80, $0x38;
	[tilespmem:$0x1C400] =	vst v63  }
0x130: {  	s30 =	sadd.s32 $0x20, s9;
	s31 =	simm.s32 $0x9A90  }
0x131: {  	[hbm4b:s30+s2] =	stream.linear.scatter [tilespmem:s31], [sflag:$0x2], $0x80, $0x38;
	[tilespmem:$0x1C400] =	vst v63  }
0x132: {  	s22 =	sadd.s32 $0x30, s9;
	s23 =	simm.s32 $0x9B18  }
0x133: {  	[hbm4b:s22+s2] =	stream.linear.scatter [tilespmem:s23], [sflag:$0x2], $0x80, $0x38;
	[tilespmem:$0x1C400] =	vst v63  }
0x134: {  	s24 =	sadd.s32 $0x40, s9;
	s25 =	simm.s32 $0x9BA0  }
0x135: {  	[hbm4b:s24+s2] =	stream.linear.scatter [tilespmem:s25], [sflag:$0x2], $0x80, $0x38;
	[tilespmem:$0x1C400] =	vst v63  }
0x136: {  	s28 =	sadd.s32 $0x50, s9;
	s29 =	simm.s32 $0x9C28  }
0x137: {  	[hbm4b:s28+s2] =	stream.linear.scatter [tilespmem:s29], [sflag:$0x2], $0x80, $0x38;
	[tilespmem:$0x1C400] =	vst v63  }
0x138: {  	s30 =	sadd.s32 $0x60, s9;
	s31 =	simm.s32 $0x9CB0  }
0x139: {  	[hbm4b:s30+s2] =	stream.linear.scatter [tilespmem:s31], [sflag:$0x2], $0x80, $0x38;
	[tilespmem:$0x1C400] =	vst v63  }
0x13a: {  	s21 =	sadd.s32 $0x70, s9;
	s22 =	simm.s32 $0x9D38  }
0x13b: {  	[hbm4b:s21+s2] =	stream.linear.scatter [tilespmem:s22], [sflag:$0x2], $0x80, $0x38;
	[tilespmem:$0x1C400] =	vst v63  }
0x13c: {  	s9 =	rddreg [dreg:$0xd];
	s23 =	simm.s32 $0x9DC0  }
0x13d: {  	[hbm4b:s9+s2] =	stream.linear.scatter [tilespmem:s23], [sflag:$0x2], $0x80, $0x38;
	[tilespmem:$0x1C400] =	vst v63  }
0x13e: {  	s24 =	sadd.s32 $0x10, s9;
	s25 =	simm.s32 $0x9E48  }
0x13f: {  	[hbm4b:s24+s2] =	stream.linear.scatter [tilespmem:s25], [sflag:$0x2], $0x80, $0x38;
	[tilespmem:$0x1C400] =	vst v63  }
0x140: {  	s28 =	sadd.s32 $0x20, s9;
	s29 =	simm.s32 $0x9ED0  }
0x141: {  	[hbm4b:s28+s2] =	stream.linear.scatter [tilespmem:s29], [sflag:$0x2], $0x80, $0x38;
	[tilespmem:$0x1C400] =	vst v63  }
0x142: {  	s30 =	sadd.s32 $0x30, s9;
	s31 =	simm.s32 $0x9F58  }
0x143: {  	[hbm4b:s30+s2] =	stream.linear.scatter [tilespmem:s31], [sflag:$0x2], $0x80, $0x38;
	[tilespmem:$0x1C400] =	vst v63  }
0x144: {  	s21 =	sadd.s32 $0x40, s9;
	s22 =	simm.s32 $0x9FE0  }
0x145: {  	[hbm4b:s21+s2] =	stream.linear.scatter [tilespmem:s22], [sflag:$0x2], $0x80, $0x38;
	[tilespmem:$0x1C400] =	vst v63  }
0x146: {  	s23 =	sadd.s32 $0x50, s9;
	s24 =	simm.s32 $0xA068  }
0x147: {  	[hbm4b:s23+s2] =	stream.linear.scatter [tilespmem:s24], [sflag:$0x2], $0x80, $0x38;
	[tilespmem:$0x1C400] =	vst v63  }
0x148: {  	s25 =	sadd.s32 $0x60, s9;
	s28 =	simm.s32 $0xA0F0  }
0x149: {  	[hbm4b:s25+s2] =	stream.linear.scatter [tilespmem:s28], [sflag:$0x2], $0x80, $0x38;
	[tilespmem:$0x1C400] =	vst v63  }
0x14a: {  	s29 =	sadd.s32 $0x70, s9;
	s30 =	simm.s32 $0xA178  }
0x14b: {  	[hbm4b:s29+s2] =	stream.linear.scatter [tilespmem:s30], [sflag:$0x2], $0x80, $0x38;
	[tilespmem:$0x1C400] =	vst v63  }
0x14c: {  	_ =	swait.ge [sflag:s8], $0x2000  }
0x14d: {  	[sflag:s8] =	ssyncset.done $0x0  }
0x14e: {  	s31 =	simm.s32 $0x100;
	s21 =	simm.s32 $0x6080;
	[sflag:s8] =	ssyncadd.s32 $0xFFFFE000  }
0x14f: {  	[tilespmem:s26], [sflag:$0x1] =	stream.indirect.gather [hbm4b:s4+s14], $0x40, s31, s14, $0xb8;
	[tilespmem:$0x1C400] =	vst v63  }
0x150: {  	v4 =	vimm.s32 $0x0;
	s22 =	simm.s32 $0xE4F0;
	v5 =	vld [tilespmem:s21+$0xFFFFFF80]  }
0x151: {  	v7 =	vand.u32 $0xFFFFFFF8, v4;
	v6 =	vld [tilespmem:s22+$0xFFFFFF10]  }
0x152: {  	v8 =	vand.u32 $0x4, v4;
	v9 =	vadd.s32 v0, v7  }
0x153: {  	v10 =	vor.u32 v8, v9;
	_ =	sdelay $0x2  }
0x154: {  	v5 =	vadd.f32 v6, v5;
	_ =	sdelay $0x1  }
0x155: {  	[tilespmem:v10+s5+$0x0] =	vst.idx.msk $0xffff, v5  }
0x156: {  	v5 =	vld [tilespmem:s22+$0xFFFFFF20]  }
0x157: {  	v6 =	vld [tilespmem:s21+$0xFFFFFF90]  }
0x158: {  	v10 =	vadd.s32 v1, v7  }
0x159: {  	v11 =	vor.u32 v8, v10;
	_ =	sdelay $0x2  }
0x15a: {  	v5 =	vadd.f32 v5, v6;
	_ =	sdelay $0x1  }
0x15b: {  	[tilespmem:v11+s5+$0x0] =	vst.idx.msk $0xffff, v5  }
0x15c: {  	v5 =	vld [tilespmem:s21+$0xFFFFFFA0]  }
0x15d: {  	v6 =	vld [tilespmem:s22+$0xFFFFFF30]  }
0x15e: {  	v11 =	vadd.s32 v2, v7  }
0x15f: {  	v12 =	vor.u32 v8, v11;
	_ =	sdelay $0x2  }
0x160: {  	v5 =	vadd.f32 v6, v5;
	_ =	sdelay $0x1  }
0x161: {  	[tilespmem:v12+s5+$0x0] =	vst.idx.msk $0xffff, v5  }
0x162: {  	v5 =	vld [tilespmem:s21+$0xFFFFFFB0]  }
0x163: {  	v6 =	vld [tilespmem:s22+$0xFFFFFF40]  }
0x164: {  	v58 =	vadd.s32 v3, v7  }
0x165: {  	v7 =	vor.u32 v8, v58;
	_ =	sdelay $0x2  }
0x166: {  	v5 =	vadd.f32 v6, v5;
	_ =	sdelay $0x1  }
0x167: {  	[tilespmem:v7+s5+$0x0] =	vst.idx.msk $0xffff, v5  }
0x168: {  	v5 =	vld [tilespmem:s21+$0xFFFFFFC0]  }
0x169: {  	v6 =	vld [tilespmem:s22+$0xFFFFFF50]  }
0x16a: {  	v7 =	vor.u32 $0x1, v8  }
0x16b: {  	v13 =	vor.u32 v7, v9;
	_ =	sdelay $0x2  }
0x16c: {  	v5 =	vadd.f32 v6, v5;
	_ =	sdelay $0x1  }
0x16d: {  	[tilespmem:v13+s5+$0x0] =	vst.idx.msk $0xffff, v5  }
0x16e: {  	v5 =	vld [tilespmem:s21+$0xFFFFFFD0]  }
0x16f: {  	v6 =	vld [tilespmem:s22+$0xFFFFFF60];
	_ =	sdelay $0x1  }
0x170: {  	v59 =	vor.u32 v7, v10;
	_ =	sdelay $0x2  }
0x171: {  	v5 =	vadd.f32 v6, v5;
	_ =	sdelay $0x1  }
0x172: {  	[tilespmem:v59+s5+$0x0] =	vst.idx.msk $0xffff, v5  }
0x173: {  	v5 =	vld [tilespmem:s21+$0xFFFFFFE0]  }
0x174: {  	v6 =	vld [tilespmem:s22+$0xFFFFFF70];
	_ =	sdelay $0x1  }
0x175: {  	v60 =	vor.u32 v7, v11;
	_ =	sdelay $0x2  }
0x176: {  	v5 =	vadd.f32 v6, v5;
	_ =	sdelay $0x1  }
0x177: {  	[tilespmem:v60+s5+$0x0] =	vst.idx.msk $0xffff, v5  }
0x178: {  	v5 =	vld [tilespmem:s21+$0xFFFFFFF0]  }
0x179: {  	v6 =	vld [tilespmem:s22+$0xFFFFFF80];
	_ =	sdelay $0x1  }
0x17a: {  	v7 =	vor.u32 v7, v58;
	_ =	sdelay $0x2  }
0x17b: {  	v5 =	vadd.f32 v6, v5;
	_ =	sdelay $0x1  }
0x17c: {  	[tilespmem:v7+s5+$0x0] =	vst.idx.msk $0xffff, v5  }
0x17d: {  	v5 =	vld [tilespmem:s21+$0x0]  }
0x17e: {  	v6 =	vld [tilespmem:s22+$0xFFFFFF90]  }
0x17f: {  	v7 =	vor.u32 $0x2, v8  }
0x180: {  	v61 =	vor.u32 v7, v9;
	_ =	sdelay $0x2  }
0x181: {  	v5 =	vadd.f32 v6, v5;
	_ =	sdelay $0x1  }
0x182: {  	[tilespmem:v61+s5+$0x0] =	vst.idx.msk $0xffff, v5  }
0x183: {  	v5 =	vld [tilespmem:s21+$0x10]  }
0x184: {  	v6 =	vld [tilespmem:s22+$0xFFFFFFA0];
	_ =	sdelay $0x1  }
0x185: {  	v62 =	vor.u32 v7, v10;
	_ =	sdelay $0x2  }
0x186: {  	v5 =	vadd.f32 v6, v5;
	_ =	sdelay $0x1  }
0x187: {  	[tilespmem:v62+s5+$0x0] =	vst.idx.msk $0xffff, v5  }
0x188: {  	v5 =	vld [tilespmem:s21+$0x20]  }
0x189: {  	v6 =	vld [tilespmem:s22+$0xFFFFFFB0];
	_ =	sdelay $0x1  }
0x18a: {  	v63 =	vor.u32 v7, v11;
	_ =	sdelay $0x2  }
0x18b: {  	v5 =	vadd.f32 v6, v5;
	_ =	sdelay $0x1  }
0x18c: {  	[tilespmem:v63+s5+$0x0] =	vst.idx.msk $0xffff, v5  }
0x18d: {  	v5 =	vld [tilespmem:s21+$0x30]  }
0x18e: {  	v6 =	vld [tilespmem:s22+$0xFFFFFFC0];
	_ =	sdelay $0x1  }
0x18f: {  	v7 =	vor.u32 v7, v58;
	_ =	sdelay $0x2  }
0x190: {  	v5 =	vadd.f32 v6, v5;
	_ =	sdelay $0x1  }
0x191: {  	[tilespmem:v7+s5+$0x0] =	vst.idx.msk $0xffff, v5  }
0x192: {  	v5 =	vld [tilespmem:s21+$0x40]  }
0x193: {  	v6 =	vld [tilespmem:s22+$0xFFFFFFD0]  }
0x194: {  	v8 =	vor.u32 $0x3, v8  }
0x195: {  	v7 =	vor.u32 v8, v9;
	_ =	sdelay $0x2  }
0x196: {  	v5 =	vadd.f32 v6, v5;
	_ =	sdelay $0x1  }
0x197: {  	[tilespmem:v7+s5+$0x0] =	vst.idx.msk $0xffff, v5  }
0x198: {  	v5 =	vld [tilespmem:s21+$0x50]  }
0x199: {  	v6 =	vld [tilespmem:s22+$0xFFFFFFE0];
	_ =	sdelay $0x1  }
0x19a: {  	v7 =	vor.u32 v8, v10;
	_ =	sdelay $0x2  }
0x19b: {  	v5 =	vadd.f32 v6, v5;
	_ =	sdelay $0x1  }
0x19c: {  	[tilespmem:v7+s5+$0x0] =	vst.idx.msk $0xffff, v5  }
0x19d: {  	v7 =	vld [tilespmem:s21+$0x60]  }
0x19e: {  	s23 =	simm.s32 $0x0;
	s24 =	simm.s32 $0x6080;
	s25 =	simm.s32 $0xE4F0;
	v6 =	vor.u32 v8, v11;
	v5 =	vor.u32 v8, v58;
	v8 =	vld [tilespmem:s22+$0xFFFFFFF0]  }
.LBB2_4:
0x19f: {  	s23 =	sadd.s32 $0x4, s23;
	v4 =	vadd.s32 $0x4, v4;
	s21 =	sadd.s32 $0x100, s21;
	s22 =	sadd.s32 $0x100, s22  }
0x1a0: {  	p0 =	slt.u32 s23, $0x7C;
	_ =	sdelay $0x2  }
0x1a1: {  	v7 =	vadd.f32 v8, v7;
	_ =	sdelay $0x1  }
0x1a2: {  	[tilespmem:v6+s5+$0x0] =	vst.idx.msk $0xffff, v7  }
0x1a3: {  	v6 =	vld [tilespmem:s24+$0x70];
	s24 =	smov.u32 s21  }
0x1a4: {  	v7 =	vld [tilespmem:s25+$0x0];
	s25 =	smov.u32 s22;
	_ =	sdelay $0x4  }
0x1a5: {  	v6 =	vadd.f32 v7, v6;
	_ =	sdelay $0x1  }
0x1a6: {  	[tilespmem:v5+s5+$0x0] =	vst.idx.msk $0xffff, v6  }
0x1a7: {  	v5 =	vld [tilespmem:s21+$0xFFFFFF80]  }
0x1a8: {  	v9 =	vand.u32 $0x4, v4;
	v7 =	vand.u32 $0xFFFFFFF8, v4;
	v6 =	vld [tilespmem:s22+$0xFFFFFF10]  }
0x1a9: {  	v10 =	vadd.s32 v0, v7;
	v11 =	vadd.s32 v1, v7;
	v12 =	vadd.s32 v2, v7  }
0x1aa: {  	v14 =	vadd.s32 v3, v7;
	v7 =	vor.u32 $0x1, v9;
	v13 =	vor.u32 v9, v10  }
0x1ab: {  	v15 =	vor.u32 v9, v14;
	v16 =	vor.u32 v7, v10;
	v17 =	vor.u32 v7, v11  }
0x1ac: {  	v20 =	vor.u32 $0x3, v9;
	v18 =	vor.u32 v7, v12;
	v19 =	vor.u32 v7, v14  }
0x1ad: {  	v8 =	vor.u32 v20, v10;
	v7 =	vor.u32 v20, v11;
	v21 =	vadd.f32 v6, v5  }
0x1ae: {  	v6 =	vor.u32 v20, v12;
	v5 =	vor.u32 v20, v14  }
0x1af: {  	[tilespmem:v13+s5+$0x0] =	vst.idx.msk $0xffff, v21  }
0x1b0: {  	v13 =	vld [tilespmem:s22+$0xFFFFFF20]  }
0x1b1: {  	v20 =	vld [tilespmem:s21+$0xFFFFFF90]  }
0x1b2: {  	v21 =	vor.u32 v9, v11;
	_ =	sdelay $0x3  }
0x1b3: {  	v13 =	vadd.f32 v13, v20;
	_ =	sdelay $0x1  }
0x1b4: {  	[tilespmem:v21+s5+$0x0] =	vst.idx.msk $0xffff, v13  }
0x1b5: {  	v13 =	vld [tilespmem:s21+$0xFFFFFFA0]  }
0x1b6: {  	v21 =	vor.u32 v9, v12;
	v20 =	vld [tilespmem:s22+$0xFFFFFF30];
	_ =	sdelay $0x4  }
0x1b7: {  	v13 =	vadd.f32 v20, v13;
	_ =	sdelay $0x1  }
0x1b8: {  	[tilespmem:v21+s5+$0x0] =	vst.idx.msk $0xffff, v13  }
0x1b9: {  	v13 =	vld [tilespmem:s21+$0xFFFFFFB0]  }
0x1ba: {  	v20 =	vld [tilespmem:s22+$0xFFFFFF40];
	_ =	sdelay $0x4  }
0x1bb: {  	v13 =	vadd.f32 v20, v13;
	_ =	sdelay $0x1  }
0x1bc: {  	[tilespmem:v15+s5+$0x0] =	vst.idx.msk $0xffff, v13  }
0x1bd: {  	v13 =	vld [tilespmem:s21+$0xFFFFFFC0]  }
0x1be: {  	v15 =	vld [tilespmem:s22+$0xFFFFFF50];
	_ =	sdelay $0x4  }
0x1bf: {  	v13 =	vadd.f32 v15, v13;
	_ =	sdelay $0x1  }
0x1c0: {  	[tilespmem:v16+s5+$0x0] =	vst.idx.msk $0xffff, v13  }
0x1c1: {  	v13 =	vld [tilespmem:s21+$0xFFFFFFD0]  }
0x1c2: {  	v15 =	vld [tilespmem:s22+$0xFFFFFF60];
	_ =	sdelay $0x4  }
0x1c3: {  	v13 =	vadd.f32 v15, v13;
	_ =	sdelay $0x1  }
0x1c4: {  	[tilespmem:v17+s5+$0x0] =	vst.idx.msk $0xffff, v13  }
0x1c5: {  	v13 =	vld [tilespmem:s21+$0xFFFFFFE0]  }
0x1c6: {  	v15 =	vld [tilespmem:s22+$0xFFFFFF70];
	_ =	sdelay $0x4  }
0x1c7: {  	v13 =	vadd.f32 v15, v13;
	_ =	sdelay $0x1  }
0x1c8: {  	[tilespmem:v18+s5+$0x0] =	vst.idx.msk $0xffff, v13  }
0x1c9: {  	v13 =	vld [tilespmem:s21+$0xFFFFFFF0]  }
0x1ca: {  	v15 =	vld [tilespmem:s22+$0xFFFFFF80];
	_ =	sdelay $0x1  }
0x1cb: {  	v9 =	vor.u32 $0x2, v9  }
0x1cc: {  	v10 =	vor.u32 v9, v10;
	v11 =	vor.u32 v9, v11;
	v12 =	vor.u32 v9, v12  }
0x1cd: {  	v9 =	vor.u32 v9, v14  }
0x1ce: {  	v13 =	vadd.f32 v15, v13;
	_ =	sdelay $0x1  }
0x1cf: {  	[tilespmem:v19+s5+$0x0] =	vst.idx.msk $0xffff, v13  }
0x1d0: {  	v13 =	vld [tilespmem:s21+$0x0]  }
0x1d1: {  	v14 =	vld [tilespmem:s22+$0xFFFFFF90];
	_ =	sdelay $0x4  }
0x1d2: {  	v13 =	vadd.f32 v14, v13;
	_ =	sdelay $0x1  }
0x1d3: {  	[tilespmem:v10+s5+$0x0] =	vst.idx.msk $0xffff, v13  }
0x1d4: {  	v10 =	vld [tilespmem:s21+$0x10]  }
0x1d5: {  	v13 =	vld [tilespmem:s22+$0xFFFFFFA0];
	_ =	sdelay $0x4  }
0x1d6: {  	v10 =	vadd.f32 v13, v10;
	_ =	sdelay $0x1  }
0x1d7: {  	[tilespmem:v11+s5+$0x0] =	vst.idx.msk $0xffff, v10  }
0x1d8: {  	v10 =	vld [tilespmem:s21+$0x20]  }
0x1d9: {  	v11 =	vld [tilespmem:s22+$0xFFFFFFB0];
	_ =	sdelay $0x4  }
0x1da: {  	v10 =	vadd.f32 v11, v10;
	_ =	sdelay $0x1  }
0x1db: {  	[tilespmem:v12+s5+$0x0] =	vst.idx.msk $0xffff, v10  }
0x1dc: {  	v10 =	vld [tilespmem:s21+$0x30]  }
0x1dd: {  	v11 =	vld [tilespmem:s22+$0xFFFFFFC0];
	_ =	sdelay $0x4  }
0x1de: {  	v10 =	vadd.f32 v11, v10;
	_ =	sdelay $0x1  }
0x1df: {  	[tilespmem:v9+s5+$0x0] =	vst.idx.msk $0xffff, v10  }
0x1e0: {  	v9 =	vld [tilespmem:s21+$0x40]  }
0x1e1: {  	v10 =	vld [tilespmem:s22+$0xFFFFFFD0];
	_ =	sdelay $0x4  }
0x1e2: {  	v9 =	vadd.f32 v10, v9;
	_ =	sdelay $0x1  }
0x1e3: {  	[tilespmem:v8+s5+$0x0] =	vst.idx.msk $0xffff, v9  }
0x1e4: {  	v8 =	vld [tilespmem:s21+$0x50]  }
0x1e5: {  	v9 =	vld [tilespmem:s22+$0xFFFFFFE0];
	_ =	sdelay $0x4  }
.Ltmp1:
0x1e6: {  	v8 =	vadd.f32 v9, v8;
	(pc) =	sbr.rel @p0 .LBB2_4-.Ltmp1, $4  }
0x1e7: {  	_ = 	snop  }
0x1e8: {  	[tilespmem:v7+s5+$0x0] =	vst.idx.msk $0xffff, v8  }
0x1e9: {  	v7 =	vld [tilespmem:s21+$0x60]  }
0x1ea: {  	v8 =	vld [tilespmem:s22+$0xFFFFFFF0]  }
0x1eb: {  	_ =	sdelay $0x3  }
0x1ec: {  	v4 =	vadd.f32 v8, v7;
	_ =	sdelay $0x1  }
0x1ed: {  	[tilespmem:v6+s5+$0x0] =	vst.idx.msk $0xffff, v4  }
0x1ee: {  	v4 =	vld [tilespmem:s24+$0x70]  }
0x1ef: {  	v6 =	vld [tilespmem:s25+$0x0];
	_ =	sdelay $0x4  }
0x1f0: {  	v4 =	vadd.f32 v6, v4;
	_ =	sdelay $0x1  }
0x1f1: {  	s9 =	rddreg [dreg:$0xe];
	[tilespmem:v5+s5+$0x0] =	vst.idx.msk $0xffff, v4  }
0x1f2: {  	[hbm4b:s9+s2] =	stream.linear.scatter [tilespmem:s5], [sflag:$0x2], $0x80, $0x38;
	[tilespmem:$0x1C400] =	vst v63  }
0x1f3: {  	s21 =	simm.s32 $0xA288;
	s0 =	sadd.s32 $0x10, s9  }
0x1f4: {  	[hbm4b:s0+s2] =	stream.linear.scatter [tilespmem:s21], [sflag:$0x2], $0x80, $0x38;
	[tilespmem:$0x1C400] =	vst v63  }
0x1f5: {  	s26 =	simm.s32 $0xA310;
	s25 =	sadd.s32 $0x20, s9  }
0x1f6: {  	[hbm4b:s25+s2] =	stream.linear.scatter [tilespmem:s26], [sflag:$0x2], $0x80, $0x38;
	[tilespmem:$0x1C400] =	vst v63  }
0x1f7: {  	s29 =	simm.s32 $0xA398;
	s28 =	sadd.s32 $0x30, s9  }
0x1f8: {  	[hbm4b:s28+s2] =	stream.linear.scatter [tilespmem:s29], [sflag:$0x2], $0x80, $0x38;
	[tilespmem:$0x1C400] =	vst v63  }
0x1f9: {  	s31 =	simm.s32 $0xA420;
	s30 =	sadd.s32 $0x40, s9  }
0x1fa: {  	[hbm4b:s30+s2] =	stream.linear.scatter [tilespmem:s31], [sflag:$0x2], $0x80, $0x38;
	[tilespmem:$0x1C400] =	vst v63  }
0x1fb: {  	s23 =	simm.s32 $0xA4A8;
	s22 =	sadd.s32 $0x50, s9  }
0x1fc: {  	[hbm4b:s22+s2] =	stream.linear.scatter [tilespmem:s23], [sflag:$0x2], $0x80, $0x38;
	[tilespmem:$0x1C400] =	vst v63  }
0x1fd: {  	s24 =	sadd.s32 $0x60, s9;
	s25 =	simm.s32 $0xA530  }
0x1fe: {  	[hbm4b:s24+s2] =	stream.linear.scatter [tilespmem:s25], [sflag:$0x2], $0x80, $0x38;
	[tilespmem:$0x1C400] =	vst v63  }
0x1ff: {  	s26 =	sadd.s32 $0x70, s9;
	s28 =	simm.s32 $0xA5B8  }
0x200: {  	[hbm4b:s26+s2] =	stream.linear.scatter [tilespmem:s28], [sflag:$0x2], $0x80, $0x38;
	[tilespmem:$0x1C400] =	vst v63  }
0x201: {  	s9 =	rddreg [dreg:$0xf];
	s29 =	simm.s32 $0xA640  }
0x202: {  	[hbm4b:s9+s2] =	stream.linear.scatter [tilespmem:s29], [sflag:$0x2], $0x80, $0x38;
	[tilespmem:$0x1C400] =	vst v63  }
0x203: {  	s30 =	sadd.s32 $0x10, s9;
	s31 =	simm.s32 $0xA6C8  }
0x204: {  	[hbm4b:s30+s2] =	stream.linear.scatter [tilespmem:s31], [sflag:$0x2], $0x80, $0x38;
	[tilespmem:$0x1C400] =	vst v63  }
0x205: {  	s21 =	sadd.s32 $0x20, s9;
	s22 =	simm.s32 $0xA750  }
0x206: {  	[hbm4b:s21+s2] =	stream.linear.scatter [tilespmem:s22], [sflag:$0x2], $0x80, $0x38;
	[tilespmem:$0x1C400] =	vst v63  }
0x207: {  	s23 =	sadd.s32 $0x30, s9;
	s24 =	simm.s32 $0xA7D8  }
0x208: {  	[hbm4b:s23+s2] =	stream.linear.scatter [tilespmem:s24], [sflag:$0x2], $0x80, $0x38;
	[tilespmem:$0x1C400] =	vst v63  }
0x209: {  	s25 =	sadd.s32 $0x40, s9;
	s26 =	simm.s32 $0xA860  }
0x20a: {  	[hbm4b:s25+s2] =	stream.linear.scatter [tilespmem:s26], [sflag:$0x2], $0x80, $0x38;
	[tilespmem:$0x1C400] =	vst v63  }
0x20b: {  	s28 =	sadd.s32 $0x50, s9;
	s29 =	simm.s32 $0xA8E8  }
0x20c: {  	[hbm4b:s28+s2] =	stream.linear.scatter [tilespmem:s29], [sflag:$0x2], $0x80, $0x38;
	[tilespmem:$0x1C400] =	vst v63  }
0x20d: {  	s30 =	sadd.s32 $0x60, s9;
	s31 =	simm.s32 $0xA970  }
0x20e: {  	[hbm4b:s30+s2] =	stream.linear.scatter [tilespmem:s31], [sflag:$0x2], $0x80, $0x38;
	[tilespmem:$0x1C400] =	vst v63  }
0x20f: {  	s9 =	sadd.s32 $0x70, s9;
	s21 =	simm.s32 $0xA9F8  }
0x210: {  	[hbm4b:s9+s2] =	stream.linear.scatter [tilespmem:s21], [sflag:$0x2], $0x80, $0x38;
	[tilespmem:$0x1C400] =	vst v63  }
0x211: {  	s22 =	simm.s32 $0xAA80;
	s9 =	rddreg [dreg:$0x11]  }
0x212: {  	[hbm4b:s9+s2] =	stream.linear.scatter [tilespmem:s22], [sflag:$0x2], $0x80, $0x38;
	[tilespmem:$0x1C400] =	vst v63  }
0x213: {  	s24 =	simm.s32 $0xAB08;
	s23 =	sadd.s32 $0x10, s9  }
0x214: {  	[hbm4b:s23+s2] =	stream.linear.scatter [tilespmem:s24], [sflag:$0x2], $0x80, $0x38;
	[tilespmem:$0x1C400] =	vst v63  }
0x215: {  	s26 =	simm.s32 $0xAB90;
	s25 =	sadd.s32 $0x20, s9  }
0x216: {  	[hbm4b:s25+s2] =	stream.linear.scatter [tilespmem:s26], [sflag:$0x2], $0x80, $0x38;
	[tilespmem:$0x1C400] =	vst v63  }
0x217: {  	s29 =	simm.s32 $0xAC18;
	s28 =	sadd.s32 $0x30, s9  }
0x218: {  	[hbm4b:s28+s2] =	stream.linear.scatter [tilespmem:s29], [sflag:$0x2], $0x80, $0x38;
	[tilespmem:$0x1C400] =	vst v63  }
0x219: {  	s31 =	simm.s32 $0xACA0;
	s30 =	sadd.s32 $0x40, s9  }
0x21a: {  	[hbm4b:s30+s2] =	stream.linear.scatter [tilespmem:s31], [sflag:$0x2], $0x80, $0x38;
	[tilespmem:$0x1C400] =	vst v63  }
0x21b: {  	s22 =	sadd.s32 $0x50, s9;
	s23 =	simm.s32 $0xAD28  }
0x21c: {  	[hbm4b:s22+s2] =	stream.linear.scatter [tilespmem:s23], [sflag:$0x2], $0x80, $0x38;
	[tilespmem:$0x1C400] =	vst v63  }
0x21d: {  	s24 =	sadd.s32 $0x60, s9;
	s25 =	simm.s32 $0xADB0  }
0x21e: {  	[hbm4b:s24+s2] =	stream.linear.scatter [tilespmem:s25], [sflag:$0x2], $0x80, $0x38;
	[tilespmem:$0x1C400] =	vst v63  }
0x21f: {  	s26 =	sadd.s32 $0x70, s9;
	s28 =	simm.s32 $0xAE38  }
0x220: {  	[hbm4b:s26+s2] =	stream.linear.scatter [tilespmem:s28], [sflag:$0x2], $0x80, $0x38;
	[tilespmem:$0x1C400] =	vst v63  }
0x221: {  	s9 =	rddreg [dreg:$0x12];
	s29 =	simm.s32 $0xAEC0  }
0x222: {  	[hbm4b:s9+s2] =	stream.linear.scatter [tilespmem:s29], [sflag:$0x2], $0x80, $0x38;
	[tilespmem:$0x1C400] =	vst v63  }
0x223: {  	s30 =	sadd.s32 $0x10, s9;
	s31 =	simm.s32 $0xAF48  }
0x224: {  	[hbm4b:s30+s2] =	stream.linear.scatter [tilespmem:s31], [sflag:$0x2], $0x80, $0x38;
	[tilespmem:$0x1C400] =	vst v63  }
0x225: {  	s21 =	sadd.s32 $0x20, s9;
	s22 =	simm.s32 $0xAFD0  }
0x226: {  	[hbm4b:s21+s2] =	stream.linear.scatter [tilespmem:s22], [sflag:$0x2], $0x80, $0x38;
	[tilespmem:$0x1C400] =	vst v63  }
0x227: {  	s23 =	sadd.s32 $0x30, s9;
	s24 =	simm.s32 $0xB058  }
0x228: {  	[hbm4b:s23+s2] =	stream.linear.scatter [tilespmem:s24], [sflag:$0x2], $0x80, $0x38;
	[tilespmem:$0x1C400] =	vst v63  }
0x229: {  	s25 =	sadd.s32 $0x40, s9;
	s26 =	simm.s32 $0xB0E0  }
0x22a: {  	[hbm4b:s25+s2] =	stream.linear.scatter [tilespmem:s26], [sflag:$0x2], $0x80, $0x38;
	[tilespmem:$0x1C400] =	vst v63  }
0x22b: {  	s28 =	sadd.s32 $0x50, s9;
	s29 =	simm.s32 $0xB168  }
0x22c: {  	[hbm4b:s28+s2] =	stream.linear.scatter [tilespmem:s29], [sflag:$0x2], $0x80, $0x38;
	[tilespmem:$0x1C400] =	vst v63  }
0x22d: {  	s30 =	sadd.s32 $0x60, s9;
	s31 =	simm.s32 $0xB1F0  }
0x22e: {  	[hbm4b:s30+s2] =	stream.linear.scatter [tilespmem:s31], [sflag:$0x2], $0x80, $0x38;
	[tilespmem:$0x1C400] =	vst v63  }
0x22f: {  	s9 =	sadd.s32 $0x70, s9;
	s21 =	simm.s32 $0xB278  }
0x230: {  	[hbm4b:s9+s2] =	stream.linear.scatter [tilespmem:s21], [sflag:$0x2], $0x80, $0x38;
	[tilespmem:$0x1C400] =	vst v63  }
0x231: {  	s22 =	simm.s32 $0xB300;
	s9 =	rddreg [dreg:$0x13]  }
0x232: {  	[hbm4b:s9+s2] =	stream.linear.scatter [tilespmem:s22], [sflag:$0x2], $0x80, $0x38;
	[tilespmem:$0x1C400] =	vst v63  }
0x233: {  	s24 =	simm.s32 $0xB388;
	s23 =	sadd.s32 $0x10, s9  }
0x234: {  	[hbm4b:s23+s2] =	stream.linear.scatter [tilespmem:s24], [sflag:$0x2], $0x80, $0x38;
	[tilespmem:$0x1C400] =	vst v63  }
0x235: {  	s26 =	simm.s32 $0xB410;
	s25 =	sadd.s32 $0x20, s9  }
0x236: {  	[hbm4b:s25+s2] =	stream.linear.scatter [tilespmem:s26], [sflag:$0x2], $0x80, $0x38;
	[tilespmem:$0x1C400] =	vst v63  }
0x237: {  	s29 =	simm.s32 $0xB498;
	s28 =	sadd.s32 $0x30, s9  }
0x238: {  	[hbm4b:s28+s2] =	stream.linear.scatter [tilespmem:s29], [sflag:$0x2], $0x80, $0x38;
	[tilespmem:$0x1C400] =	vst v63  }
0x239: {  	s31 =	simm.s32 $0xB520;
	s30 =	sadd.s32 $0x40, s9  }
0x23a: {  	[hbm4b:s30+s2] =	stream.linear.scatter [tilespmem:s31], [sflag:$0x2], $0x80, $0x38;
	[tilespmem:$0x1C400] =	vst v63  }
0x23b: {  	s22 =	sadd.s32 $0x50, s9;
	s23 =	simm.s32 $0xB5A8  }
0x23c: {  	[hbm4b:s22+s2] =	stream.linear.scatter [tilespmem:s23], [sflag:$0x2], $0x80, $0x38;
	[tilespmem:$0x1C400] =	vst v63  }
0x23d: {  	s24 =	sadd.s32 $0x60, s9;
	s25 =	simm.s32 $0xB630  }
0x23e: {  	[hbm4b:s24+s2] =	stream.linear.scatter [tilespmem:s25], [sflag:$0x2], $0x80, $0x38;
	[tilespmem:$0x1C400] =	vst v63  }
0x23f: {  	s26 =	sadd.s32 $0x70, s9;
	s28 =	simm.s32 $0xB6B8  }
0x240: {  	[hbm4b:s26+s2] =	stream.linear.scatter [tilespmem:s28], [sflag:$0x2], $0x80, $0x38;
	[tilespmem:$0x1C400] =	vst v63  }
0x241: {  	s9 =	rddreg [dreg:$0x14];
	s29 =	simm.s32 $0xB740  }
0x242: {  	[hbm4b:s9+s2] =	stream.linear.scatter [tilespmem:s29], [sflag:$0x2], $0x80, $0x38;
	[tilespmem:$0x1C400] =	vst v63  }
0x243: {  	s30 =	sadd.s32 $0x10, s9;
	s31 =	simm.s32 $0xB7C8  }
0x244: {  	[hbm4b:s30+s2] =	stream.linear.scatter [tilespmem:s31], [sflag:$0x2], $0x80, $0x38;
	[tilespmem:$0x1C400] =	vst v63  }
0x245: {  	s21 =	sadd.s32 $0x20, s9;
	s22 =	simm.s32 $0xB850  }
0x246: {  	[hbm4b:s21+s2] =	stream.linear.scatter [tilespmem:s22], [sflag:$0x2], $0x80, $0x38;
	[tilespmem:$0x1C400] =	vst v63  }
0x247: {  	s23 =	sadd.s32 $0x30, s9;
	s24 =	simm.s32 $0xB8D8  }
0x248: {  	[hbm4b:s23+s2] =	stream.linear.scatter [tilespmem:s24], [sflag:$0x2], $0x80, $0x38;
	[tilespmem:$0x1C400] =	vst v63  }
0x249: {  	s25 =	sadd.s32 $0x40, s9;
	s26 =	simm.s32 $0xB960  }
0x24a: {  	[hbm4b:s25+s2] =	stream.linear.scatter [tilespmem:s26], [sflag:$0x2], $0x80, $0x38;
	[tilespmem:$0x1C400] =	vst v63  }
0x24b: {  	s28 =	sadd.s32 $0x50, s9;
	s29 =	simm.s32 $0xB9E8  }
0x24c: {  	[hbm4b:s28+s2] =	stream.linear.scatter [tilespmem:s29], [sflag:$0x2], $0x80, $0x38;
	[tilespmem:$0x1C400] =	vst v63  }
0x24d: {  	s30 =	sadd.s32 $0x60, s9;
	s31 =	simm.s32 $0xBA70  }
0x24e: {  	[hbm4b:s30+s2] =	stream.linear.scatter [tilespmem:s31], [sflag:$0x2], $0x80, $0x38;
	[tilespmem:$0x1C400] =	vst v63  }
0x24f: {  	s9 =	sadd.s32 $0x70, s9;
	s21 =	simm.s32 $0xBAF8  }
0x250: {  	[hbm4b:s9+s2] =	stream.linear.scatter [tilespmem:s21], [sflag:$0x2], $0x80, $0x38;
	[tilespmem:$0x1C400] =	vst v63  }
0x251: {  	s22 =	simm.s32 $0xBB80;
	s9 =	rddreg [dreg:$0x15]  }
0x252: {  	[hbm4b:s9+s2] =	stream.linear.scatter [tilespmem:s22], [sflag:$0x2], $0x80, $0x38;
	[tilespmem:$0x1C400] =	vst v63  }
0x253: {  	s24 =	simm.s32 $0xBC08;
	s23 =	sadd.s32 $0x10, s9  }
0x254: {  	[hbm4b:s23+s2] =	stream.linear.scatter [tilespmem:s24], [sflag:$0x2], $0x80, $0x38;
	[tilespmem:$0x1C400] =	vst v63  }
0x255: {  	s26 =	simm.s32 $0xBC90;
	s25 =	sadd.s32 $0x20, s9  }
0x256: {  	[hbm4b:s25+s2] =	stream.linear.scatter [tilespmem:s26], [sflag:$0x2], $0x80, $0x38;
	[tilespmem:$0x1C400] =	vst v63  }
0x257: {  	s29 =	simm.s32 $0xBD18;
	s28 =	sadd.s32 $0x30, s9  }
0x258: {  	[hbm4b:s28+s2] =	stream.linear.scatter [tilespmem:s29], [sflag:$0x2], $0x80, $0x38;
	[tilespmem:$0x1C400] =	vst v63  }
0x259: {  	s31 =	simm.s32 $0xBDA0;
	s30 =	sadd.s32 $0x40, s9  }
0x25a: {  	[hbm4b:s30+s2] =	stream.linear.scatter [tilespmem:s31], [sflag:$0x2], $0x80, $0x38;
	[tilespmem:$0x1C400] =	vst v63  }
0x25b: {  	s22 =	sadd.s32 $0x50, s9;
	s23 =	simm.s32 $0xBE28  }
0x25c: {  	[hbm4b:s22+s2] =	stream.linear.scatter [tilespmem:s23], [sflag:$0x2], $0x80, $0x38;
	[tilespmem:$0x1C400] =	vst v63  }
0x25d: {  	s24 =	sadd.s32 $0x60, s9;
	s25 =	simm.s32 $0xBEB0  }
0x25e: {  	[hbm4b:s24+s2] =	stream.linear.scatter [tilespmem:s25], [sflag:$0x2], $0x80, $0x38;
	[tilespmem:$0x1C400] =	vst v63  }
0x25f: {  	s26 =	sadd.s32 $0x70, s9;
	s28 =	simm.s32 $0xBF38  }
0x260: {  	[hbm4b:s26+s2] =	stream.linear.scatter [tilespmem:s28], [sflag:$0x2], $0x80, $0x38;
	[tilespmem:$0x1C400] =	vst v63  }
0x261: {  	s9 =	rddreg [dreg:$0x16];
	s29 =	simm.s32 $0xBFC0  }
0x262: {  	[hbm4b:s9+s2] =	stream.linear.scatter [tilespmem:s29], [sflag:$0x2], $0x80, $0x38;
	[tilespmem:$0x1C400] =	vst v63  }
0x263: {  	s30 =	sadd.s32 $0x10, s9;
	s31 =	simm.s32 $0xC048  }
0x264: {  	[hbm4b:s30+s2] =	stream.linear.scatter [tilespmem:s31], [sflag:$0x2], $0x80, $0x38;
	[tilespmem:$0x1C400] =	vst v63  }
0x265: {  	s21 =	sadd.s32 $0x20, s9;
	s22 =	simm.s32 $0xC0D0  }
0x266: {  	[hbm4b:s21+s2] =	stream.linear.scatter [tilespmem:s22], [sflag:$0x2], $0x80, $0x38;
	[tilespmem:$0x1C400] =	vst v63  }
0x267: {  	s23 =	sadd.s32 $0x30, s9;
	s24 =	simm.s32 $0xC158  }
0x268: {  	[hbm4b:s23+s2] =	stream.linear.scatter [tilespmem:s24], [sflag:$0x2], $0x80, $0x38;
	[tilespmem:$0x1C400] =	vst v63  }
0x269: {  	s25 =	sadd.s32 $0x40, s9;
	s26 =	simm.s32 $0xC1E0  }
0x26a: {  	[hbm4b:s25+s2] =	stream.linear.scatter [tilespmem:s26], [sflag:$0x2], $0x80, $0x38;
	[tilespmem:$0x1C400] =	vst v63  }
0x26b: {  	s28 =	sadd.s32 $0x50, s9;
	s29 =	simm.s32 $0xC268  }
0x26c: {  	[hbm4b:s28+s2] =	stream.linear.scatter [tilespmem:s29], [sflag:$0x2], $0x80, $0x38;
	[tilespmem:$0x1C400] =	vst v63  }
0x26d: {  	s30 =	sadd.s32 $0x60, s9;
	s31 =	sadd.s32 $0x70, s9  }
0x26e: {  	[hbm4b:s30+s2] =	stream.linear.scatter [tilespmem:s15], [sflag:$0x2], $0x80, $0x38;
	[tilespmem:$0x1C400] =	vst v63  }
0x26f: {  	s21 =	simm.s32 $0x1;
	s22 =	simm.s32 $0x2;
	s23 =	simm.s32 $0x1  }
0x270: {  	[hbm4b:s31+s2] =	stream.linear.scatter [tilespmem:s16], [sflag:$0x2], $0x80, $0x38;
	[tilespmem:$0x1C400] =	vst v63  }
.LBB2_6:
0x271: {  	_ =	swait.ge [sflag:s8], $0x2000  }
0x272: {  	[sflag:s8] =	ssyncset.done $0x0  }
0x273: {  	[sflag:s8] =	ssyncadd.s32 $0xFFFFE000  }
0x274: {  	_ =	swait.ge [sflag:s20], $0x400  }
0x275: {  	[sflag:s20] =	ssyncset.done $0x0  }
0x276: {  	[sflag:s20] =	ssyncadd.s32 $0xFFFFFC00  }
0x277: {  	_ =	swait.ge [sflag:s20], $0x400  }
0x278: {  	[sflag:s20] =	ssyncset.done $0x0  }
0x279: {  	[sflag:s20] =	ssyncadd.s32 $0xFFFFFC00  }
0x27a: {  	_ =	swait.ge [sflag:s20], $0x400  }
0x27b: {  	[sflag:s20] =	ssyncset.done $0x0  }
0x27c: {  	[sflag:s20] =	ssyncadd.s32 $0xFFFFFC00  }
0x27d: {  	_ =	swait.ge [sflag:s20], $0x400  }
0x27e: {  	[sflag:s20] =	ssyncset.done $0x0  }
0x27f: {  	[sflag:s20] =	ssyncadd.s32 $0xFFFFFC00  }
0x280: {  	_ =	swait.ge [sflag:s20], $0x400  }
0x281: {  	[sflag:s20] =	ssyncset.done $0x0  }
0x282: {  	[sflag:s20] =	ssyncadd.s32 $0xFFFFFC00  }
0x283: {  	_ =	swait.ge [sflag:s20], $0x400  }
0x284: {  	[sflag:s20] =	ssyncset.done $0x0  }
0x285: {  	[sflag:s20] =	ssyncadd.s32 $0xFFFFFC00  }
0x286: {  	_ =	swait.ge [sflag:s20], $0x400  }
0x287: {  	[sflag:s20] =	ssyncset.done $0x0  }
0x288: {  	s26 =	sshllo.u32 s23, $0x1;
	[sflag:s20] =	ssyncadd.s32 $0xFFFFFC00  }
0x289: {  	s9 =	sand.u32 $0x3, s21;
	s24 =	simm.s32 $0x6000;
	_ =	swait.ge [sflag:s20], $0x400  }
0x28a: {  	s25 =	simm.s32 $0x4080;
	s0 =	sshll.u32 s26, $0x7;
	[sflag:s20] =	ssyncset.done $0x0  }
0x28b: {  	s9 =	sshll.u32 s9, $0xE;
	s0 =	sand.u32 $0x3F80, s0;
	[sflag:s20] =	ssyncadd.s32 $0xFFFFFC00  }
0x28c: {  	[tilespmem:s24], [sflag:$0x1] =	stream.indirect.gather [hbm4b:s4+s14], $0x40, s0, s14, $0xb8;
	[tilespmem:$0x1C400] =	vst v63  }
0x28d: {  	v4 =	vimm.s32 $0x0;
	s28 =	sadd.s32 $0xC480, s9;
	v5 =	vld [tilespmem:s25+$0xFFFFFF80]  }
0x28e: {  	v7 =	vand.u32 $0xFFFFFFF8, v4;
	v6 =	vld [tilespmem:s28+$0xFFFFFF80]  }
0x28f: {  	v8 =	vand.u32 $0x4, v4;
	v9 =	vadd.s32 v0, v7  }
0x290: {  	v10 =	vor.u32 v8, v9;
	_ =	sdelay $0x2  }
0x291: {  	v5 =	vadd.f32 v6, v5;
	_ =	sdelay $0x1  }
0x292: {  	[tilespmem:v10+s10+$0x0] =	vst.idx.msk $0xffff, v5  }
0x293: {  	v5 =	vld [tilespmem:s28+$0xFFFFFF90]  }
0x294: {  	v6 =	vld [tilespmem:s25+$0xFFFFFF90]  }
0x295: {  	v10 =	vadd.s32 v1, v7  }
0x296: {  	v11 =	vor.u32 v8, v10;
	_ =	sdelay $0x2  }
0x297: {  	v5 =	vadd.f32 v5, v6;
	_ =	sdelay $0x1  }
0x298: {  	[tilespmem:v11+s10+$0x0] =	vst.idx.msk $0xffff, v5  }
0x299: {  	v5 =	vld [tilespmem:s25+$0xFFFFFFA0]  }
0x29a: {  	v6 =	vld [tilespmem:s28+$0xFFFFFFA0]  }
0x29b: {  	v11 =	vadd.s32 v2, v7  }
0x29c: {  	v12 =	vor.u32 v8, v11;
	_ =	sdelay $0x2  }
0x29d: {  	v5 =	vadd.f32 v6, v5;
	_ =	sdelay $0x1  }
0x29e: {  	[tilespmem:v12+s10+$0x0] =	vst.idx.msk $0xffff, v5  }
0x29f: {  	v5 =	vld [tilespmem:s25+$0xFFFFFFB0]  }
0x2a0: {  	v6 =	vld [tilespmem:s28+$0xFFFFFFB0]  }
0x2a1: {  	v58 =	vadd.s32 v3, v7  }
0x2a2: {  	v7 =	vor.u32 v8, v58;
	_ =	sdelay $0x2  }
0x2a3: {  	v5 =	vadd.f32 v6, v5;
	_ =	sdelay $0x1  }
0x2a4: {  	[tilespmem:v7+s10+$0x0] =	vst.idx.msk $0xffff, v5  }
0x2a5: {  	v5 =	vld [tilespmem:s25+$0xFFFFFFC0]  }
0x2a6: {  	v6 =	vld [tilespmem:s28+$0xFFFFFFC0]  }
0x2a7: {  	v7 =	vor.u32 $0x1, v8  }
0x2a8: {  	v13 =	vor.u32 v7, v9;
	_ =	sdelay $0x2  }
0x2a9: {  	v5 =	vadd.f32 v6, v5;
	_ =	sdelay $0x1  }
0x2aa: {  	[tilespmem:v13+s10+$0x0] =	vst.idx.msk $0xffff, v5  }
0x2ab: {  	v5 =	vld [tilespmem:s25+$0xFFFFFFD0]  }
0x2ac: {  	v6 =	vld [tilespmem:s28+$0xFFFFFFD0];
	_ =	sdelay $0x1  }
0x2ad: {  	v59 =	vor.u32 v7, v10;
	_ =	sdelay $0x2  }
0x2ae: {  	v5 =	vadd.f32 v6, v5;
	_ =	sdelay $0x1  }
0x2af: {  	[tilespmem:v59+s10+$0x0] =	vst.idx.msk $0xffff, v5  }
0x2b0: {  	v5 =	vld [tilespmem:s25+$0xFFFFFFE0]  }
0x2b1: {  	v6 =	vld [tilespmem:s28+$0xFFFFFFE0];
	_ =	sdelay $0x1  }
0x2b2: {  	v60 =	vor.u32 v7, v11;
	_ =	sdelay $0x2  }
0x2b3: {  	v5 =	vadd.f32 v6, v5;
	_ =	sdelay $0x1  }
0x2b4: {  	[tilespmem:v60+s10+$0x0] =	vst.idx.msk $0xffff, v5  }
0x2b5: {  	v5 =	vld [tilespmem:s25+$0xFFFFFFF0]  }
0x2b6: {  	v6 =	vld [tilespmem:s28+$0xFFFFFFF0];
	_ =	sdelay $0x1  }
0x2b7: {  	v7 =	vor.u32 v7, v58;
	_ =	sdelay $0x2  }
0x2b8: {  	v5 =	vadd.f32 v6, v5;
	_ =	sdelay $0x1  }
0x2b9: {  	[tilespmem:v7+s10+$0x0] =	vst.idx.msk $0xffff, v5  }
0x2ba: {  	v5 =	vld [tilespmem:s25+$0x0]  }
0x2bb: {  	v6 =	vld [tilespmem:s28+$0x0]  }
0x2bc: {  	v7 =	vor.u32 $0x2, v8  }
0x2bd: {  	v61 =	vor.u32 v7, v9;
	_ =	sdelay $0x2  }
0x2be: {  	v5 =	vadd.f32 v6, v5;
	_ =	sdelay $0x1  }
0x2bf: {  	[tilespmem:v61+s10+$0x0] =	vst.idx.msk $0xffff, v5  }
0x2c0: {  	v5 =	vld [tilespmem:s25+$0x10]  }
0x2c1: {  	v6 =	vld [tilespmem:s28+$0x10];
	_ =	sdelay $0x1  }
0x2c2: {  	v62 =	vor.u32 v7, v10;
	_ =	sdelay $0x2  }
0x2c3: {  	v5 =	vadd.f32 v6, v5;
	_ =	sdelay $0x1  }
0x2c4: {  	[tilespmem:v62+s10+$0x0] =	vst.idx.msk $0xffff, v5  }
0x2c5: {  	v5 =	vld [tilespmem:s25+$0x20]  }
0x2c6: {  	v6 =	vld [tilespmem:s28+$0x20];
	_ =	sdelay $0x1  }
0x2c7: {  	v63 =	vor.u32 v7, v11;
	_ =	sdelay $0x2  }
0x2c8: {  	v5 =	vadd.f32 v6, v5;
	_ =	sdelay $0x1  }
0x2c9: {  	[tilespmem:v63+s10+$0x0] =	vst.idx.msk $0xffff, v5  }
0x2ca: {  	v5 =	vld [tilespmem:s25+$0x30]  }
0x2cb: {  	v6 =	vld [tilespmem:s28+$0x30];
	_ =	sdelay $0x1  }
0x2cc: {  	v7 =	vor.u32 v7, v58;
	_ =	sdelay $0x2  }
0x2cd: {  	v5 =	vadd.f32 v6, v5;
	_ =	sdelay $0x1  }
0x2ce: {  	[tilespmem:v7+s10+$0x0] =	vst.idx.msk $0xffff, v5  }
0x2cf: {  	v5 =	vld [tilespmem:s25+$0x40]  }
0x2d0: {  	v6 =	vld [tilespmem:s28+$0x40]  }
0x2d1: {  	v8 =	vor.u32 $0x3, v8  }
0x2d2: {  	v7 =	vor.u32 v8, v9;
	_ =	sdelay $0x2  }
0x2d3: {  	v5 =	vadd.f32 v6, v5;
	_ =	sdelay $0x1  }
0x2d4: {  	[tilespmem:v7+s10+$0x0] =	vst.idx.msk $0xffff, v5  }
0x2d5: {  	v5 =	vld [tilespmem:s25+$0x50]  }
0x2d6: {  	v6 =	vld [tilespmem:s28+$0x50];
	_ =	sdelay $0x1  }
0x2d7: {  	v7 =	vor.u32 v8, v10;
	_ =	sdelay $0x2  }
0x2d8: {  	v5 =	vadd.f32 v6, v5;
	_ =	sdelay $0x1  }
0x2d9: {  	s30 =	sshll.u32 s23, $0x1;
	s24 =	sand.u32 $0x7, s22;
	[tilespmem:v7+s10+$0x0] =	vst.idx.msk $0xffff, v5  }
0x2da: {  	s31 =	simm.s32 $0x0;
	s29 =	sand.u32 $0x6, s30;
	s0 =	sshll.u32 s24, $0xD;
	v7 =	vld [tilespmem:s25+$0x60]  }
0x2db: {  	s9 =	smov.u32 s28;
	s24 =	sadd.s32 $0xE4F0, s0;
	s0 =	simm.s32 $0x4080;
	v6 =	vor.u32 v8, v11;
	v5 =	vor.u32 v8, v58;
	v8 =	vld [tilespmem:s28+$0x60]  }
.LBB2_7:
0x2dc: {  	s31 =	sadd.s32 $0x4, s31;
	v4 =	vadd.s32 $0x4, v4;
	s25 =	sadd.s32 $0x100, s25;
	s28 =	sadd.s32 $0x100, s28  }
0x2dd: {  	p0 =	slt.u32 s31, $0x7C;
	_ =	sdelay $0x2  }
0x2de: {  	v7 =	vadd.f32 v8, v7;
	_ =	sdelay $0x1  }
0x2df: {  	[tilespmem:v6+s10+$0x0] =	vst.idx.msk $0xffff, v7  }
0x2e0: {  	v6 =	vld [tilespmem:s0+$0x70];
	s0 =	smov.u32 s25  }
0x2e1: {  	v7 =	vld [tilespmem:s9+$0x70];
	s9 =	smov.u32 s28;
	_ =	sdelay $0x4  }
0x2e2: {  	v6 =	vadd.f32 v7, v6;
	_ =	sdelay $0x1  }
0x2e3: {  	[tilespmem:v5+s10+$0x0] =	vst.idx.msk $0xffff, v6  }
0x2e4: {  	v5 =	vld [tilespmem:s25+$0xFFFFFF80]  }
0x2e5: {  	v9 =	vand.u32 $0x4, v4;
	v7 =	vand.u32 $0xFFFFFFF8, v4;
	v6 =	vld [tilespmem:s28+$0xFFFFFF80]  }
0x2e6: {  	v10 =	vadd.s32 v0, v7;
	v11 =	vadd.s32 v1, v7;
	v12 =	vadd.s32 v2, v7  }
0x2e7: {  	v14 =	vadd.s32 v3, v7;
	v7 =	vor.u32 $0x1, v9;
	v13 =	vor.u32 v9, v10  }
0x2e8: {  	v15 =	vor.u32 v9, v14;
	v16 =	vor.u32 v7, v10;
	v17 =	vor.u32 v7, v11  }
0x2e9: {  	v20 =	vor.u32 $0x3, v9;
	v18 =	vor.u32 v7, v12;
	v19 =	vor.u32 v7, v14  }
0x2ea: {  	v8 =	vor.u32 v20, v10;
	v7 =	vor.u32 v20, v11;
	v21 =	vadd.f32 v6, v5  }
0x2eb: {  	v6 =	vor.u32 v20, v12;
	v5 =	vor.u32 v20, v14  }
0x2ec: {  	[tilespmem:v13+s10+$0x0] =	vst.idx.msk $0xffff, v21  }
0x2ed: {  	v13 =	vld [tilespmem:s28+$0xFFFFFF90]  }
0x2ee: {  	v20 =	vld [tilespmem:s25+$0xFFFFFF90]  }
0x2ef: {  	v21 =	vor.u32 v9, v11;
	_ =	sdelay $0x3  }
0x2f0: {  	v13 =	vadd.f32 v13, v20;
	_ =	sdelay $0x1  }
0x2f1: {  	[tilespmem:v21+s10+$0x0] =	vst.idx.msk $0xffff, v13  }
0x2f2: {  	v13 =	vld [tilespmem:s25+$0xFFFFFFA0]  }
0x2f3: {  	v21 =	vor.u32 v9, v12;
	v20 =	vld [tilespmem:s28+$0xFFFFFFA0];
	_ =	sdelay $0x4  }
0x2f4: {  	v13 =	vadd.f32 v20, v13;
	_ =	sdelay $0x1  }
0x2f5: {  	[tilespmem:v21+s10+$0x0] =	vst.idx.msk $0xffff, v13  }
0x2f6: {  	v13 =	vld [tilespmem:s25+$0xFFFFFFB0]  }
0x2f7: {  	v20 =	vld [tilespmem:s28+$0xFFFFFFB0];
	_ =	sdelay $0x4  }
0x2f8: {  	v13 =	vadd.f32 v20, v13;
	_ =	sdelay $0x1  }
0x2f9: {  	[tilespmem:v15+s10+$0x0] =	vst.idx.msk $0xffff, v13  }
0x2fa: {  	v13 =	vld [tilespmem:s25+$0xFFFFFFC0]  }
0x2fb: {  	v15 =	vld [tilespmem:s28+$0xFFFFFFC0];
	_ =	sdelay $0x4  }
0x2fc: {  	v13 =	vadd.f32 v15, v13;
	_ =	sdelay $0x1  }
0x2fd: {  	[tilespmem:v16+s10+$0x0] =	vst.idx.msk $0xffff, v13  }
0x2fe: {  	v13 =	vld [tilespmem:s25+$0xFFFFFFD0]  }
0x2ff: {  	v15 =	vld [tilespmem:s28+$0xFFFFFFD0];
	_ =	sdelay $0x4  }
0x300: {  	v13 =	vadd.f32 v15, v13;
	_ =	sdelay $0x1  }
0x301: {  	[tilespmem:v17+s10+$0x0] =	vst.idx.msk $0xffff, v13  }
0x302: {  	v13 =	vld [tilespmem:s25+$0xFFFFFFE0]  }
0x303: {  	v15 =	vld [tilespmem:s28+$0xFFFFFFE0];
	_ =	sdelay $0x4  }
0x304: {  	v13 =	vadd.f32 v15, v13;
	_ =	sdelay $0x1  }
0x305: {  	[tilespmem:v18+s10+$0x0] =	vst.idx.msk $0xffff, v13  }
0x306: {  	v13 =	vld [tilespmem:s25+$0xFFFFFFF0]  }
0x307: {  	v15 =	vld [tilespmem:s28+$0xFFFFFFF0];
	_ =	sdelay $0x1  }
0x308: {  	v9 =	vor.u32 $0x2, v9  }
0x309: {  	v10 =	vor.u32 v9, v10;
	v11 =	vor.u32 v9, v11;
	v12 =	vor.u32 v9, v12  }
0x30a: {  	v9 =	vor.u32 v9, v14  }
0x30b: {  	v13 =	vadd.f32 v15, v13;
	_ =	sdelay $0x1  }
0x30c: {  	[tilespmem:v19+s10+$0x0] =	vst.idx.msk $0xffff, v13  }
0x30d: {  	v13 =	vld [tilespmem:s25+$0x0]  }
0x30e: {  	v14 =	vld [tilespmem:s28+$0x0];
	_ =	sdelay $0x4  }
0x30f: {  	v13 =	vadd.f32 v14, v13;
	_ =	sdelay $0x1  }
0x310: {  	[tilespmem:v10+s10+$0x0] =	vst.idx.msk $0xffff, v13  }
0x311: {  	v10 =	vld [tilespmem:s25+$0x10]  }
0x312: {  	v13 =	vld [tilespmem:s28+$0x10];
	_ =	sdelay $0x4  }
0x313: {  	v10 =	vadd.f32 v13, v10;
	_ =	sdelay $0x1  }
0x314: {  	[tilespmem:v11+s10+$0x0] =	vst.idx.msk $0xffff, v10  }
0x315: {  	v10 =	vld [tilespmem:s25+$0x20]  }
0x316: {  	v11 =	vld [tilespmem:s28+$0x20];
	_ =	sdelay $0x4  }
0x317: {  	v10 =	vadd.f32 v11, v10;
	_ =	sdelay $0x1  }
0x318: {  	[tilespmem:v12+s10+$0x0] =	vst.idx.msk $0xffff, v10  }
0x319: {  	v10 =	vld [tilespmem:s25+$0x30]  }
0x31a: {  	v11 =	vld [tilespmem:s28+$0x30];
	_ =	sdelay $0x4  }
0x31b: {  	v10 =	vadd.f32 v11, v10;
	_ =	sdelay $0x1  }
0x31c: {  	[tilespmem:v9+s10+$0x0] =	vst.idx.msk $0xffff, v10  }
0x31d: {  	v9 =	vld [tilespmem:s25+$0x40]  }
0x31e: {  	v10 =	vld [tilespmem:s28+$0x40];
	_ =	sdelay $0x4  }
0x31f: {  	v9 =	vadd.f32 v10, v9;
	_ =	sdelay $0x1  }
0x320: {  	[tilespmem:v8+s10+$0x0] =	vst.idx.msk $0xffff, v9  }
0x321: {  	v8 =	vld [tilespmem:s25+$0x50]  }
0x322: {  	v9 =	vld [tilespmem:s28+$0x50];
	_ =	sdelay $0x4  }
.Ltmp2:
0x323: {  	v8 =	vadd.f32 v9, v8;
	(pc) =	sbr.rel @p0 .LBB2_7-.Ltmp2, $4  }
0x324: {  	_ = 	snop  }
0x325: {  	[tilespmem:v7+s10+$0x0] =	vst.idx.msk $0xffff, v8  }
0x326: {  	v7 =	vld [tilespmem:s25+$0x60]  }
0x327: {  	v8 =	vld [tilespmem:s28+$0x60]  }
0x328: {  	_ =	sdelay $0x3  }
0x329: {  	v4 =	vadd.f32 v8, v7;
	_ =	sdelay $0x1  }
0x32a: {  	[tilespmem:v6+s10+$0x0] =	vst.idx.msk $0xffff, v4  }
0x32b: {  	v4 =	vld [tilespmem:s0+$0x70]  }
0x32c: {  	v6 =	vld [tilespmem:s9+$0x70];
	_ =	sdelay $0x1  }
0x32d: {  	s25 =	sadd.s32 s6, s30  }
0x32e: {  	s0 =	sshll.u32 s25, $0xD  }
0x32f: {  	s30 =	sshll.u32 s29, $0xA;
	s25 =	sand.u32 $0x3FF0000, s0  }
0x330: {  	s0 =	sor.u32 s30, s25;
	v4 =	vadd.f32 v6, v4  }
0x331: {  	s0 =	sshrl.u32 s0, $0x3  }
0x332: {  	s31 =	sadd.s32 s1, s0;
	[tilespmem:v5+s10+$0x0] =	vst.idx.msk $0xffff, v4  }
0x333: {  	[hbm4b:s31+s2] =	stream.linear.scatter [tilespmem:s10], [sflag:$0x2], $0x80, $0x38;
	[tilespmem:$0x1C400] =	vst v63  }
0x334: {  	s29 =	simm.s32 $0x8088;
	s28 =	sadd.s32 $0x10, s31  }
0x335: {  	[hbm4b:s28+s2] =	stream.linear.scatter [tilespmem:s29], [sflag:$0x2], $0x80, $0x38;
	[tilespmem:$0x1C400] =	vst v63  }
0x336: {  	s28 =	sadd.s32 $0x20, s31;
	s29 =	simm.s32 $0x8110  }
0x337: {  	[hbm4b:s28+s2] =	stream.linear.scatter [tilespmem:s29], [sflag:$0x2], $0x80, $0x38;
	[tilespmem:$0x1C400] =	vst v63  }
0x338: {  	s28 =	sadd.s32 $0x30, s31;
	s29 =	simm.s32 $0x8198  }
0x339: {  	[hbm4b:s28+s2] =	stream.linear.scatter [tilespmem:s29], [sflag:$0x2], $0x80, $0x38;
	[tilespmem:$0x1C400] =	vst v63  }
0x33a: {  	s28 =	sadd.s32 $0x40, s31;
	s29 =	simm.s32 $0x8220  }
0x33b: {  	[hbm4b:s28+s2] =	stream.linear.scatter [tilespmem:s29], [sflag:$0x2], $0x80, $0x38;
	[tilespmem:$0x1C400] =	vst v63  }
0x33c: {  	s28 =	sadd.s32 $0x50, s31;
	s29 =	simm.s32 $0x82A8  }
0x33d: {  	[hbm4b:s28+s2] =	stream.linear.scatter [tilespmem:s29], [sflag:$0x2], $0x80, $0x38;
	[tilespmem:$0x1C400] =	vst v63  }
0x33e: {  	s28 =	sadd.s32 $0x60, s31;
	s29 =	simm.s32 $0x8330  }
0x33f: {  	[hbm4b:s28+s2] =	stream.linear.scatter [tilespmem:s29], [sflag:$0x2], $0x80, $0x38;
	[tilespmem:$0x1C400] =	vst v63  }
0x340: {  	s9 =	sadd.s32 $0x70, s31;
	s28 =	simm.s32 $0x83B8  }
0x341: {  	[hbm4b:s9+s2] =	stream.linear.scatter [tilespmem:s28], [sflag:$0x2], $0x80, $0x38;
	[tilespmem:$0x1C400] =	vst v63  }
0x342: {  	s30 =	sadd.s32 s0, s7;
	s28 =	simm.s32 $0x8440  }
0x343: {  	[hbm4b:s30+s2] =	stream.linear.scatter [tilespmem:s28], [sflag:$0x2], $0x80, $0x38;
	[tilespmem:$0x1C400] =	vst v63  }
0x344: {  	s29 =	simm.s32 $0x84C8;
	s28 =	sadd.s32 $0x10, s30  }
0x345: {  	[hbm4b:s28+s2] =	stream.linear.scatter [tilespmem:s29], [sflag:$0x2], $0x80, $0x38;
	[tilespmem:$0x1C400] =	vst v63  }
0x346: {  	s28 =	sadd.s32 $0x20, s30;
	s29 =	simm.s32 $0x8550  }
0x347: {  	[hbm4b:s28+s2] =	stream.linear.scatter [tilespmem:s29], [sflag:$0x2], $0x80, $0x38;
	[tilespmem:$0x1C400] =	vst v63  }
0x348: {  	s28 =	sadd.s32 $0x30, s30;
	s29 =	simm.s32 $0x85D8  }
0x349: {  	[hbm4b:s28+s2] =	stream.linear.scatter [tilespmem:s29], [sflag:$0x2], $0x80, $0x38;
	[tilespmem:$0x1C400] =	vst v63  }
0x34a: {  	s28 =	sadd.s32 $0x40, s30;
	s29 =	simm.s32 $0x8660  }
0x34b: {  	[hbm4b:s28+s2] =	stream.linear.scatter [tilespmem:s29], [sflag:$0x2], $0x80, $0x38;
	[tilespmem:$0x1C400] =	vst v63  }
0x34c: {  	s28 =	sadd.s32 $0x50, s30;
	s29 =	simm.s32 $0x86E8  }
0x34d: {  	[hbm4b:s28+s2] =	stream.linear.scatter [tilespmem:s29], [sflag:$0x2], $0x80, $0x38;
	[tilespmem:$0x1C400] =	vst v63  }
0x34e: {  	s28 =	sadd.s32 $0x60, s30;
	s29 =	simm.s32 $0x8770  }
0x34f: {  	[hbm4b:s28+s2] =	stream.linear.scatter [tilespmem:s29], [sflag:$0x2], $0x80, $0x38;
	[tilespmem:$0x1C400] =	vst v63  }
0x350: {  	s9 =	sadd.s32 $0x70, s30;
	s28 =	simm.s32 $0x87F8  }
0x351: {  	[hbm4b:s9+s2] =	stream.linear.scatter [tilespmem:s28], [sflag:$0x2], $0x80, $0x38;
	[tilespmem:$0x1C400] =	vst v63  }
0x352: {  	s31 =	sadd.s32 s0, s11;
	s28 =	simm.s32 $0x8880  }
0x353: {  	[hbm4b:s31+s2] =	stream.linear.scatter [tilespmem:s28], [sflag:$0x2], $0x80, $0x38;
	[tilespmem:$0x1C400] =	vst v63  }
0x354: {  	s29 =	simm.s32 $0x8908;
	s28 =	sadd.s32 $0x10, s31  }
0x355: {  	[hbm4b:s28+s2] =	stream.linear.scatter [tilespmem:s29], [sflag:$0x2], $0x80, $0x38;
	[tilespmem:$0x1C400] =	vst v63  }
0x356: {  	s28 =	sadd.s32 $0x20, s31;
	s29 =	simm.s32 $0x8990  }
0x357: {  	[hbm4b:s28+s2] =	stream.linear.scatter [tilespmem:s29], [sflag:$0x2], $0x80, $0x38;
	[tilespmem:$0x1C400] =	vst v63  }
0x358: {  	s28 =	sadd.s32 $0x30, s31;
	s29 =	simm.s32 $0x8A18  }
0x359: {  	[hbm4b:s28+s2] =	stream.linear.scatter [tilespmem:s29], [sflag:$0x2], $0x80, $0x38;
	[tilespmem:$0x1C400] =	vst v63  }
0x35a: {  	s28 =	sadd.s32 $0x40, s31;
	s29 =	simm.s32 $0x8AA0  }
0x35b: {  	[hbm4b:s28+s2] =	stream.linear.scatter [tilespmem:s29], [sflag:$0x2], $0x80, $0x38;
	[tilespmem:$0x1C400] =	vst v63  }
0x35c: {  	s28 =	sadd.s32 $0x50, s31;
	s29 =	simm.s32 $0x8B28  }
0x35d: {  	[hbm4b:s28+s2] =	stream.linear.scatter [tilespmem:s29], [sflag:$0x2], $0x80, $0x38;
	[tilespmem:$0x1C400] =	vst v63  }
0x35e: {  	s28 =	sadd.s32 $0x60, s31;
	s29 =	simm.s32 $0x8BB0  }
0x35f: {  	[hbm4b:s28+s2] =	stream.linear.scatter [tilespmem:s29], [sflag:$0x2], $0x80, $0x38;
	[tilespmem:$0x1C400] =	vst v63  }
0x360: {  	s9 =	sadd.s32 $0x70, s31;
	s28 =	simm.s32 $0x8C38  }
0x361: {  	[hbm4b:s9+s2] =	stream.linear.scatter [tilespmem:s28], [sflag:$0x2], $0x80, $0x38;
	[tilespmem:$0x1C400] =	vst v63  }
0x362: {  	s30 =	sadd.s32 s0, s12;
	s28 =	simm.s32 $0x8CC0  }
0x363: {  	[hbm4b:s30+s2] =	stream.linear.scatter [tilespmem:s28], [sflag:$0x2], $0x80, $0x38;
	[tilespmem:$0x1C400] =	vst v63  }
0x364: {  	s29 =	simm.s32 $0x8D48;
	s28 =	sadd.s32 $0x10, s30  }
0x365: {  	[hbm4b:s28+s2] =	stream.linear.scatter [tilespmem:s29], [sflag:$0x2], $0x80, $0x38;
	[tilespmem:$0x1C400] =	vst v63  }
0x366: {  	s28 =	sadd.s32 $0x20, s30;
	s29 =	simm.s32 $0x8DD0  }
0x367: {  	[hbm4b:s28+s2] =	stream.linear.scatter [tilespmem:s29], [sflag:$0x2], $0x80, $0x38;
	[tilespmem:$0x1C400] =	vst v63  }
0x368: {  	s28 =	sadd.s32 $0x30, s30;
	s29 =	simm.s32 $0x8E58  }
0x369: {  	[hbm4b:s28+s2] =	stream.linear.scatter [tilespmem:s29], [sflag:$0x2], $0x80, $0x38;
	[tilespmem:$0x1C400] =	vst v63  }
0x36a: {  	s28 =	sadd.s32 $0x40, s30;
	s29 =	simm.s32 $0x8EE0  }
0x36b: {  	[hbm4b:s28+s2] =	stream.linear.scatter [tilespmem:s29], [sflag:$0x2], $0x80, $0x38;
	[tilespmem:$0x1C400] =	vst v63  }
0x36c: {  	s28 =	sadd.s32 $0x50, s30;
	s29 =	simm.s32 $0x8F68  }
0x36d: {  	[hbm4b:s28+s2] =	stream.linear.scatter [tilespmem:s29], [sflag:$0x2], $0x80, $0x38;
	[tilespmem:$0x1C400] =	vst v63  }
0x36e: {  	s28 =	sadd.s32 $0x60, s30;
	s29 =	simm.s32 $0x8FF0  }
0x36f: {  	[hbm4b:s28+s2] =	stream.linear.scatter [tilespmem:s29], [sflag:$0x2], $0x80, $0x38;
	[tilespmem:$0x1C400] =	vst v63  }
0x370: {  	s9 =	sadd.s32 $0x70, s30;
	s28 =	simm.s32 $0x9078  }
0x371: {  	[hbm4b:s9+s2] =	stream.linear.scatter [tilespmem:s28], [sflag:$0x2], $0x80, $0x38;
	[tilespmem:$0x1C400] =	vst v63  }
0x372: {  	s31 =	sadd.s32 s0, s13;
	s28 =	simm.s32 $0x9100  }
0x373: {  	[hbm4b:s31+s2] =	stream.linear.scatter [tilespmem:s28], [sflag:$0x2], $0x80, $0x38;
	[tilespmem:$0x1C400] =	vst v63  }
0x374: {  	s29 =	simm.s32 $0x9188;
	s28 =	sadd.s32 $0x10, s31  }
0x375: {  	[hbm4b:s28+s2] =	stream.linear.scatter [tilespmem:s29], [sflag:$0x2], $0x80, $0x38;
	[tilespmem:$0x1C400] =	vst v63  }
0x376: {  	s28 =	sadd.s32 $0x20, s31;
	s29 =	simm.s32 $0x9210  }
0x377: {  	[hbm4b:s28+s2] =	stream.linear.scatter [tilespmem:s29], [sflag:$0x2], $0x80, $0x38;
	[tilespmem:$0x1C400] =	vst v63  }
0x378: {  	s28 =	sadd.s32 $0x30, s31;
	s29 =	simm.s32 $0x9298  }
0x379: {  	[hbm4b:s28+s2] =	stream.linear.scatter [tilespmem:s29], [sflag:$0x2], $0x80, $0x38;
	[tilespmem:$0x1C400] =	vst v63  }
0x37a: {  	s28 =	sadd.s32 $0x40, s31;
	s29 =	simm.s32 $0x9320  }
0x37b: {  	[hbm4b:s28+s2] =	stream.linear.scatter [tilespmem:s29], [sflag:$0x2], $0x80, $0x38;
	[tilespmem:$0x1C400] =	vst v63  }
0x37c: {  	s28 =	sadd.s32 $0x50, s31;
	s29 =	simm.s32 $0x93A8  }
0x37d: {  	[hbm4b:s28+s2] =	stream.linear.scatter [tilespmem:s29], [sflag:$0x2], $0x80, $0x38;
	[tilespmem:$0x1C400] =	vst v63  }
0x37e: {  	s28 =	sadd.s32 $0x60, s31;
	s29 =	simm.s32 $0x9430  }
0x37f: {  	[hbm4b:s28+s2] =	stream.linear.scatter [tilespmem:s29], [sflag:$0x2], $0x80, $0x38;
	[tilespmem:$0x1C400] =	vst v63  }
0x380: {  	s9 =	sadd.s32 $0x70, s31;
	s28 =	simm.s32 $0x94B8  }
0x381: {  	[hbm4b:s9+s2] =	stream.linear.scatter [tilespmem:s28], [sflag:$0x2], $0x80, $0x38;
	[tilespmem:$0x1C400] =	vst v63  }
0x382: {  	s30 =	sadd.s32 s0, s17;
	s28 =	simm.s32 $0x9540  }
0x383: {  	[hbm4b:s30+s2] =	stream.linear.scatter [tilespmem:s28], [sflag:$0x2], $0x80, $0x38;
	[tilespmem:$0x1C400] =	vst v63  }
0x384: {  	s29 =	simm.s32 $0x95C8;
	s28 =	sadd.s32 $0x10, s30  }
0x385: {  	[hbm4b:s28+s2] =	stream.linear.scatter [tilespmem:s29], [sflag:$0x2], $0x80, $0x38;
	[tilespmem:$0x1C400] =	vst v63  }
0x386: {  	s28 =	sadd.s32 $0x20, s30;
	s29 =	simm.s32 $0x9650  }
0x387: {  	[hbm4b:s28+s2] =	stream.linear.scatter [tilespmem:s29], [sflag:$0x2], $0x80, $0x38;
	[tilespmem:$0x1C400] =	vst v63  }
0x388: {  	s28 =	sadd.s32 $0x30, s30;
	s29 =	simm.s32 $0x96D8  }
0x389: {  	[hbm4b:s28+s2] =	stream.linear.scatter [tilespmem:s29], [sflag:$0x2], $0x80, $0x38;
	[tilespmem:$0x1C400] =	vst v63  }
0x38a: {  	s28 =	sadd.s32 $0x40, s30;
	s29 =	simm.s32 $0x9760  }
0x38b: {  	[hbm4b:s28+s2] =	stream.linear.scatter [tilespmem:s29], [sflag:$0x2], $0x80, $0x38;
	[tilespmem:$0x1C400] =	vst v63  }
0x38c: {  	s28 =	sadd.s32 $0x50, s30;
	s29 =	simm.s32 $0x97E8  }
0x38d: {  	[hbm4b:s28+s2] =	stream.linear.scatter [tilespmem:s29], [sflag:$0x2], $0x80, $0x38;
	[tilespmem:$0x1C400] =	vst v63  }
0x38e: {  	s28 =	sadd.s32 $0x60, s30;
	s29 =	simm.s32 $0x9870  }
0x38f: {  	[hbm4b:s28+s2] =	stream.linear.scatter [tilespmem:s29], [sflag:$0x2], $0x80, $0x38;
	[tilespmem:$0x1C400] =	vst v63  }
0x390: {  	s9 =	sadd.s32 $0x70, s30;
	s28 =	simm.s32 $0x98F8  }
0x391: {  	[hbm4b:s9+s2] =	stream.linear.scatter [tilespmem:s28], [sflag:$0x2], $0x80, $0x38;
	[tilespmem:$0x1C400] =	vst v63  }
0x392: {  	s31 =	sadd.s32 s0, s18;
	s28 =	simm.s32 $0x9980  }
0x393: {  	[hbm4b:s31+s2] =	stream.linear.scatter [tilespmem:s28], [sflag:$0x2], $0x80, $0x38;
	[tilespmem:$0x1C400] =	vst v63  }
0x394: {  	s29 =	simm.s32 $0x9A08;
	s28 =	sadd.s32 $0x10, s31  }
0x395: {  	[hbm4b:s28+s2] =	stream.linear.scatter [tilespmem:s29], [sflag:$0x2], $0x80, $0x38;
	[tilespmem:$0x1C400] =	vst v63  }
0x396: {  	s28 =	sadd.s32 $0x20, s31;
	s29 =	simm.s32 $0x9A90  }
0x397: {  	[hbm4b:s28+s2] =	stream.linear.scatter [tilespmem:s29], [sflag:$0x2], $0x80, $0x38;
	[tilespmem:$0x1C400] =	vst v63  }
0x398: {  	s28 =	sadd.s32 $0x30, s31;
	s29 =	simm.s32 $0x9B18  }
0x399: {  	[hbm4b:s28+s2] =	stream.linear.scatter [tilespmem:s29], [sflag:$0x2], $0x80, $0x38;
	[tilespmem:$0x1C400] =	vst v63  }
0x39a: {  	s28 =	sadd.s32 $0x40, s31;
	s29 =	simm.s32 $0x9BA0  }
0x39b: {  	[hbm4b:s28+s2] =	stream.linear.scatter [tilespmem:s29], [sflag:$0x2], $0x80, $0x38;
	[tilespmem:$0x1C400] =	vst v63  }
0x39c: {  	s28 =	sadd.s32 $0x50, s31;
	s29 =	simm.s32 $0x9C28  }
0x39d: {  	[hbm4b:s28+s2] =	stream.linear.scatter [tilespmem:s29], [sflag:$0x2], $0x80, $0x38;
	[tilespmem:$0x1C400] =	vst v63  }
0x39e: {  	s28 =	sadd.s32 $0x60, s31;
	s29 =	simm.s32 $0x9CB0  }
0x39f: {  	[hbm4b:s28+s2] =	stream.linear.scatter [tilespmem:s29], [sflag:$0x2], $0x80, $0x38;
	[tilespmem:$0x1C400] =	vst v63  }
0x3a0: {  	s9 =	sadd.s32 $0x70, s31;
	s28 =	simm.s32 $0x9D38  }
0x3a1: {  	[hbm4b:s9+s2] =	stream.linear.scatter [tilespmem:s28], [sflag:$0x2], $0x80, $0x38;
	[tilespmem:$0x1C400] =	vst v63  }
0x3a2: {  	s0 =	sadd.s32 s0, s19;
	s30 =	simm.s32 $0x9DC0  }
0x3a3: {  	[hbm4b:s0+s2] =	stream.linear.scatter [tilespmem:s30], [sflag:$0x2], $0x80, $0x38;
	[tilespmem:$0x1C400] =	vst v63  }
0x3a4: {  	s31 =	sadd.s32 $0x10, s0;
	s28 =	simm.s32 $0x9E48  }
0x3a5: {  	[hbm4b:s31+s2] =	stream.linear.scatter [tilespmem:s28], [sflag:$0x2], $0x80, $0x38;
	[tilespmem:$0x1C400] =	vst v63  }
0x3a6: {  	s30 =	sadd.s32 $0x20, s0;
	s28 =	simm.s32 $0x9ED0  }
0x3a7: {  	[hbm4b:s30+s2] =	stream.linear.scatter [tilespmem:s28], [sflag:$0x2], $0x80, $0x38;
	[tilespmem:$0x1C400] =	vst v63  }
0x3a8: {  	s31 =	sadd.s32 $0x30, s0;
	s28 =	simm.s32 $0x9F58  }
0x3a9: {  	[hbm4b:s31+s2] =	stream.linear.scatter [tilespmem:s28], [sflag:$0x2], $0x80, $0x38;
	[tilespmem:$0x1C400] =	vst v63  }
0x3aa: {  	s30 =	sadd.s32 $0x40, s0;
	s28 =	simm.s32 $0x9FE0  }
0x3ab: {  	[hbm4b:s30+s2] =	stream.linear.scatter [tilespmem:s28], [sflag:$0x2], $0x80, $0x38;
	[tilespmem:$0x1C400] =	vst v63  }
0x3ac: {  	s31 =	sadd.s32 $0x50, s0;
	s28 =	simm.s32 $0xA068  }
0x3ad: {  	[hbm4b:s31+s2] =	stream.linear.scatter [tilespmem:s28], [sflag:$0x2], $0x80, $0x38;
	[tilespmem:$0x1C400] =	vst v63  }
0x3ae: {  	s30 =	sadd.s32 $0x60, s0;
	s28 =	simm.s32 $0xA0F0  }
0x3af: {  	[hbm4b:s30+s2] =	stream.linear.scatter [tilespmem:s28], [sflag:$0x2], $0x80, $0x38;
	[tilespmem:$0x1C400] =	vst v63  }
0x3b0: {  	s0 =	sadd.s32 $0x70, s0;
	s31 =	simm.s32 $0xA178  }
0x3b1: {  	[hbm4b:s0+s2] =	stream.linear.scatter [tilespmem:s31], [sflag:$0x2], $0x80, $0x38;
	[tilespmem:$0x1C400] =	vst v63  }
0x3b2: {  	_ =	swait.ge [sflag:s8], $0x2000  }
0x3b3: {  	[sflag:s8] =	ssyncset.done $0x0  }
0x3b4: {  	[sflag:s8] =	ssyncadd.s32 $0xFFFFE000  }
0x3b5: {  	_ =	swait.ge [sflag:s20], $0x400  }
0x3b6: {  	[sflag:s20] =	ssyncset.done $0x0  }
0x3b7: {  	[sflag:s20] =	ssyncadd.s32 $0xFFFFFC00  }
0x3b8: {  	_ =	swait.ge [sflag:s20], $0x400  }
0x3b9: {  	[sflag:s20] =	ssyncset.done $0x0  }
0x3ba: {  	[sflag:s20] =	ssyncadd.s32 $0xFFFFFC00  }
0x3bb: {  	_ =	swait.ge [sflag:s20], $0x400  }
0x3bc: {  	[sflag:s20] =	ssyncset.done $0x0  }
0x3bd: {  	[sflag:s20] =	ssyncadd.s32 $0xFFFFFC00  }
0x3be: {  	_ =	swait.ge [sflag:s20], $0x400  }
0x3bf: {  	[sflag:s20] =	ssyncset.done $0x0  }
0x3c0: {  	[sflag:s20] =	ssyncadd.s32 $0xFFFFFC00  }
0x3c1: {  	_ =	swait.ge [sflag:s20], $0x400  }
0x3c2: {  	[sflag:s20] =	ssyncset.done $0x0  }
0x3c3: {  	[sflag:s20] =	ssyncadd.s32 $0xFFFFFC00  }
0x3c4: {  	_ =	swait.ge [sflag:s20], $0x400  }
0x3c5: {  	[sflag:s20] =	ssyncset.done $0x0  }
0x3c6: {  	[sflag:s20] =	ssyncadd.s32 $0xFFFFFC00  }
0x3c7: {  	_ =	swait.ge [sflag:s20], $0x400  }
0x3c8: {  	[sflag:s20] =	ssyncset.done $0x0  }
0x3c9: {  	p0 =	seq.s32 s23, $0x7F;
	[sflag:s20] =	ssyncadd.s32 $0xFFFFFC00  }
0x3ca: {  	p1 =	sne.s32 @!p0 s23, $0x3F;
	_ =	swait.ge [sflag:s20], $0x400  }
0x3cb: {  	p1 =	por p1, p0;
	[sflag:s20] =	ssyncset.done $0x0  }
0x3cc: {  	s0 =	simm.s32 @!p1 $0x0;
	[sflag:s20] =	ssyncadd.s32 $0xFFFFFC00  }
0x3cd: {  	[tilespmem:s0], [sflag:$0x3] =	stream.linear.gather @!p1 [hbm4b:s3+s0], $0x4000, $0x38;
	[tilespmem:$0x1C400] =	vst v63  }
0x3ce: {  	s0 =	simm.s32 @!p1 $0x3  }
0x3cf: {  	s9 =	sshll.u32 @!p0 s23, $0xA;
	_ =	swait.ge @!p1 [sflag:s0], $0x4000  }
0x3d0: {  	s9 =	sadd.s32 @!p0 $0x400, s9;
	[sflag:s0] =	ssyncset.done @!p1 $0x0  }
0x3d1: {  	[sflag:s0] =	ssyncadd.s32 @!p1 $0xFFFFC000;
	s0 =	sand.u32 @!p0 $0xFC00, s9  }
0x3d2: {  	s28 =	simm.s32 @!p0 $0x4000;
	s9 =	simm.s32 @!p0 $0x80;
	s0 =	sshrl.u32 @!p0 s0, $0x2  }
0x3d3: {  	[tilespmem:s28], [sflag:$0x1] =	stream.indirect.gather @!p0 [hbm4b:s4+s9], $0x40, s0, s9, $0xb8;
	[tilespmem:$0x1C400] =	vst v63  }
0x3d4: {  	s28 =	simm.s32 $0x6080  }
0x3d5: {  	v4 =	vimm.s32 $0x0;
	v5 =	vld [tilespmem:s28+$0xFFFFFF80]  }
0x3d6: {  	v7 =	vand.u32 $0xFFFFFFF8, v4;
	v6 =	vld [tilespmem:s24+$0xFFFFFF10]  }
0x3d7: {  	v8 =	vand.u32 $0x4, v4;
	v9 =	vadd.s32 v0, v7  }
0x3d8: {  	v10 =	vor.u32 v8, v9;
	_ =	sdelay $0x2  }
0x3d9: {  	v5 =	vadd.f32 v6, v5;
	_ =	sdelay $0x1  }
0x3da: {  	[tilespmem:v10+s5+$0x0] =	vst.idx.msk $0xffff, v5  }
0x3db: {  	v5 =	vld [tilespmem:s24+$0xFFFFFF20]  }
0x3dc: {  	v6 =	vld [tilespmem:s28+$0xFFFFFF90]  }
0x3dd: {  	v10 =	vadd.s32 v1, v7  }
0x3de: {  	v11 =	vor.u32 v8, v10;
	_ =	sdelay $0x2  }
0x3df: {  	v5 =	vadd.f32 v5, v6;
	_ =	sdelay $0x1  }
0x3e0: {  	[tilespmem:v11+s5+$0x0] =	vst.idx.msk $0xffff, v5  }
0x3e1: {  	v5 =	vld [tilespmem:s28+$0xFFFFFFA0]  }
0x3e2: {  	v6 =	vld [tilespmem:s24+$0xFFFFFF30]  }
0x3e3: {  	v11 =	vadd.s32 v2, v7  }
0x3e4: {  	v12 =	vor.u32 v8, v11;
	_ =	sdelay $0x2  }
0x3e5: {  	v5 =	vadd.f32 v6, v5;
	_ =	sdelay $0x1  }
0x3e6: {  	[tilespmem:v12+s5+$0x0] =	vst.idx.msk $0xffff, v5  }
0x3e7: {  	v5 =	vld [tilespmem:s28+$0xFFFFFFB0]  }
0x3e8: {  	v6 =	vld [tilespmem:s24+$0xFFFFFF40]  }
0x3e9: {  	v58 =	vadd.s32 v3, v7  }
0x3ea: {  	v7 =	vor.u32 v8, v58;
	_ =	sdelay $0x2  }
0x3eb: {  	v5 =	vadd.f32 v6, v5;
	_ =	sdelay $0x1  }
0x3ec: {  	[tilespmem:v7+s5+$0x0] =	vst.idx.msk $0xffff, v5  }
0x3ed: {  	v5 =	vld [tilespmem:s28+$0xFFFFFFC0]  }
0x3ee: {  	v6 =	vld [tilespmem:s24+$0xFFFFFF50]  }
0x3ef: {  	v7 =	vor.u32 $0x1, v8  }
0x3f0: {  	v13 =	vor.u32 v7, v9;
	_ =	sdelay $0x2  }
0x3f1: {  	v5 =	vadd.f32 v6, v5;
	_ =	sdelay $0x1  }
0x3f2: {  	[tilespmem:v13+s5+$0x0] =	vst.idx.msk $0xffff, v5  }
0x3f3: {  	v5 =	vld [tilespmem:s28+$0xFFFFFFD0]  }
0x3f4: {  	v6 =	vld [tilespmem:s24+$0xFFFFFF60];
	_ =	sdelay $0x1  }
0x3f5: {  	v59 =	vor.u32 v7, v10;
	_ =	sdelay $0x2  }
0x3f6: {  	v5 =	vadd.f32 v6, v5;
	_ =	sdelay $0x1  }
0x3f7: {  	[tilespmem:v59+s5+$0x0] =	vst.idx.msk $0xffff, v5  }
0x3f8: {  	v5 =	vld [tilespmem:s28+$0xFFFFFFE0]  }
0x3f9: {  	v6 =	vld [tilespmem:s24+$0xFFFFFF70];
	_ =	sdelay $0x1  }
0x3fa: {  	v60 =	vor.u32 v7, v11;
	_ =	sdelay $0x2  }
0x3fb: {  	v5 =	vadd.f32 v6, v5;
	_ =	sdelay $0x1  }
0x3fc: {  	[tilespmem:v60+s5+$0x0] =	vst.idx.msk $0xffff, v5  }
0x3fd: {  	v5 =	vld [tilespmem:s28+$0xFFFFFFF0]  }
0x3fe: {  	v6 =	vld [tilespmem:s24+$0xFFFFFF80];
	_ =	sdelay $0x1  }
0x3ff: {  	v7 =	vor.u32 v7, v58;
	_ =	sdelay $0x2  }
0x400: {  	v5 =	vadd.f32 v6, v5;
	_ =	sdelay $0x1  }
0x401: {  	[tilespmem:v7+s5+$0x0] =	vst.idx.msk $0xffff, v5  }
0x402: {  	v5 =	vld [tilespmem:s28+$0x0]  }
0x403: {  	v6 =	vld [tilespmem:s24+$0xFFFFFF90]  }
0x404: {  	v7 =	vor.u32 $0x2, v8  }
0x405: {  	v61 =	vor.u32 v7, v9;
	_ =	sdelay $0x2  }
0x406: {  	v5 =	vadd.f32 v6, v5;
	_ =	sdelay $0x1  }
0x407: {  	[tilespmem:v61+s5+$0x0] =	vst.idx.msk $0xffff, v5  }
0x408: {  	v5 =	vld [tilespmem:s28+$0x10]  }
0x409: {  	v6 =	vld [tilespmem:s24+$0xFFFFFFA0];
	_ =	sdelay $0x1  }
0x40a: {  	v62 =	vor.u32 v7, v10;
	_ =	sdelay $0x2  }
0x40b: {  	v5 =	vadd.f32 v6, v5;
	_ =	sdelay $0x1  }
0x40c: {  	[tilespmem:v62+s5+$0x0] =	vst.idx.msk $0xffff, v5  }
0x40d: {  	v5 =	vld [tilespmem:s28+$0x20]  }
0x40e: {  	v6 =	vld [tilespmem:s24+$0xFFFFFFB0];
	_ =	sdelay $0x1  }
0x40f: {  	v63 =	vor.u32 v7, v11;
	_ =	sdelay $0x2  }
0x410: {  	v5 =	vadd.f32 v6, v5;
	_ =	sdelay $0x1  }
0x411: {  	[tilespmem:v63+s5+$0x0] =	vst.idx.msk $0xffff, v5  }
0x412: {  	v5 =	vld [tilespmem:s28+$0x30]  }
0x413: {  	v6 =	vld [tilespmem:s24+$0xFFFFFFC0];
	_ =	sdelay $0x1  }
0x414: {  	v7 =	vor.u32 v7, v58;
	_ =	sdelay $0x2  }
0x415: {  	v5 =	vadd.f32 v6, v5;
	_ =	sdelay $0x1  }
0x416: {  	[tilespmem:v7+s5+$0x0] =	vst.idx.msk $0xffff, v5  }
0x417: {  	v5 =	vld [tilespmem:s28+$0x40]  }
0x418: {  	v6 =	vld [tilespmem:s24+$0xFFFFFFD0]  }
0x419: {  	v8 =	vor.u32 $0x3, v8  }
0x41a: {  	v7 =	vor.u32 v8, v9;
	_ =	sdelay $0x2  }
0x41b: {  	v5 =	vadd.f32 v6, v5;
	_ =	sdelay $0x1  }
0x41c: {  	[tilespmem:v7+s5+$0x0] =	vst.idx.msk $0xffff, v5  }
0x41d: {  	v5 =	vld [tilespmem:s28+$0x50]  }
0x41e: {  	v6 =	vld [tilespmem:s24+$0xFFFFFFE0];
	_ =	sdelay $0x1  }
0x41f: {  	v7 =	vor.u32 v8, v10;
	_ =	sdelay $0x2  }
0x420: {  	v5 =	vadd.f32 v6, v5;
	_ =	sdelay $0x1  }
0x421: {  	[tilespmem:v7+s5+$0x0] =	vst.idx.msk $0xffff, v5  }
0x422: {  	s26 =	sand.u32 $0x7, s26;
	v7 =	vld [tilespmem:s28+$0x60]  }
0x423: {  	s29 =	simm.s32 $0x0;
	s0 =	simm.s32 $0x6080;
	s9 =	smov.u32 s24;
	v6 =	vor.u32 v8, v11;
	v5 =	vor.u32 v8, v58;
	v8 =	vld [tilespmem:s24+$0xFFFFFFF0]  }
.LBB2_9:
0x424: {  	s29 =	sadd.s32 $0x4, s29;
	v4 =	vadd.s32 $0x4, v4;
	s28 =	sadd.s32 $0x100, s28;
	s24 =	sadd.s32 $0x100, s24  }
0x425: {  	p0 =	slt.u32 s29, $0x7C;
	_ =	sdelay $0x2  }
0x426: {  	v7 =	vadd.f32 v8, v7;
	_ =	sdelay $0x1  }
0x427: {  	[tilespmem:v6+s5+$0x0] =	vst.idx.msk $0xffff, v7  }
0x428: {  	v6 =	vld [tilespmem:s0+$0x70];
	s0 =	smov.u32 s28  }
0x429: {  	v7 =	vld [tilespmem:s9+$0x0];
	s9 =	smov.u32 s24;
	_ =	sdelay $0x4  }
0x42a: {  	v6 =	vadd.f32 v7, v6;
	_ =	sdelay $0x1  }
0x42b: {  	[tilespmem:v5+s5+$0x0] =	vst.idx.msk $0xffff, v6  }
0x42c: {  	v5 =	vld [tilespmem:s28+$0xFFFFFF80]  }
0x42d: {  	v9 =	vand.u32 $0x4, v4;
	v7 =	vand.u32 $0xFFFFFFF8, v4;
	v6 =	vld [tilespmem:s24+$0xFFFFFF10]  }
0x42e: {  	v10 =	vadd.s32 v0, v7;
	v11 =	vadd.s32 v1, v7;
	v12 =	vadd.s32 v2, v7  }
0x42f: {  	v14 =	vadd.s32 v3, v7;
	v7 =	vor.u32 $0x1, v9;
	v13 =	vor.u32 v9, v10  }
0x430: {  	v15 =	vor.u32 v9, v14;
	v16 =	vor.u32 v7, v10;
	v17 =	vor.u32 v7, v11  }
0x431: {  	v20 =	vor.u32 $0x3, v9;
	v18 =	vor.u32 v7, v12;
	v19 =	vor.u32 v7, v14  }
0x432: {  	v8 =	vor.u32 v20, v10;
	v7 =	vor.u32 v20, v11;
	v21 =	vadd.f32 v6, v5  }
0x433: {  	v6 =	vor.u32 v20, v12;
	v5 =	vor.u32 v20, v14  }
0x434: {  	[tilespmem:v13+s5+$0x0] =	vst.idx.msk $0xffff, v21  }
0x435: {  	v13 =	vld [tilespmem:s24+$0xFFFFFF20]  }
0x436: {  	v20 =	vld [tilespmem:s28+$0xFFFFFF90]  }
0x437: {  	v21 =	vor.u32 v9, v11;
	_ =	sdelay $0x3  }
0x438: {  	v13 =	vadd.f32 v13, v20;
	_ =	sdelay $0x1  }
0x439: {  	[tilespmem:v21+s5+$0x0] =	vst.idx.msk $0xffff, v13  }
0x43a: {  	v13 =	vld [tilespmem:s28+$0xFFFFFFA0]  }
0x43b: {  	v21 =	vor.u32 v9, v12;
	v20 =	vld [tilespmem:s24+$0xFFFFFF30];
	_ =	sdelay $0x4  }
0x43c: {  	v13 =	vadd.f32 v20, v13;
	_ =	sdelay $0x1  }
0x43d: {  	[tilespmem:v21+s5+$0x0] =	vst.idx.msk $0xffff, v13  }
0x43e: {  	v13 =	vld [tilespmem:s28+$0xFFFFFFB0]  }
0x43f: {  	v20 =	vld [tilespmem:s24+$0xFFFFFF40];
	_ =	sdelay $0x4  }
0x440: {  	v13 =	vadd.f32 v20, v13;
	_ =	sdelay $0x1  }
0x441: {  	[tilespmem:v15+s5+$0x0] =	vst.idx.msk $0xffff, v13  }
0x442: {  	v13 =	vld [tilespmem:s28+$0xFFFFFFC0]  }
0x443: {  	v15 =	vld [tilespmem:s24+$0xFFFFFF50];
	_ =	sdelay $0x4  }
0x444: {  	v13 =	vadd.f32 v15, v13;
	_ =	sdelay $0x1  }
0x445: {  	[tilespmem:v16+s5+$0x0] =	vst.idx.msk $0xffff, v13  }
0x446: {  	v13 =	vld [tilespmem:s28+$0xFFFFFFD0]  }
0x447: {  	v15 =	vld [tilespmem:s24+$0xFFFFFF60];
	_ =	sdelay $0x4  }
0x448: {  	v13 =	vadd.f32 v15, v13;
	_ =	sdelay $0x1  }
0x449: {  	[tilespmem:v17+s5+$0x0] =	vst.idx.msk $0xffff, v13  }
0x44a: {  	v13 =	vld [tilespmem:s28+$0xFFFFFFE0]  }
0x44b: {  	v15 =	vld [tilespmem:s24+$0xFFFFFF70];
	_ =	sdelay $0x4  }
0x44c: {  	v13 =	vadd.f32 v15, v13;
	_ =	sdelay $0x1  }
0x44d: {  	[tilespmem:v18+s5+$0x0] =	vst.idx.msk $0xffff, v13  }
0x44e: {  	v13 =	vld [tilespmem:s28+$0xFFFFFFF0]  }
0x44f: {  	v15 =	vld [tilespmem:s24+$0xFFFFFF80];
	_ =	sdelay $0x1  }
0x450: {  	v9 =	vor.u32 $0x2, v9  }
0x451: {  	v10 =	vor.u32 v9, v10;
	v11 =	vor.u32 v9, v11;
	v12 =	vor.u32 v9, v12  }
0x452: {  	v9 =	vor.u32 v9, v14  }
0x453: {  	v13 =	vadd.f32 v15, v13;
	_ =	sdelay $0x1  }
0x454: {  	[tilespmem:v19+s5+$0x0] =	vst.idx.msk $0xffff, v13  }
0x455: {  	v13 =	vld [tilespmem:s28+$0x0]  }
0x456: {  	v14 =	vld [tilespmem:s24+$0xFFFFFF90];
	_ =	sdelay $0x4  }
0x457: {  	v13 =	vadd.f32 v14, v13;
	_ =	sdelay $0x1  }
0x458: {  	[tilespmem:v10+s5+$0x0] =	vst.idx.msk $0xffff, v13  }
0x459: {  	v10 =	vld [tilespmem:s28+$0x10]  }
0x45a: {  	v13 =	vld [tilespmem:s24+$0xFFFFFFA0];
	_ =	sdelay $0x4  }
0x45b: {  	v10 =	vadd.f32 v13, v10;
	_ =	sdelay $0x1  }
0x45c: {  	[tilespmem:v11+s5+$0x0] =	vst.idx.msk $0xffff, v10  }
0x45d: {  	v10 =	vld [tilespmem:s28+$0x20]  }
0x45e: {  	v11 =	vld [tilespmem:s24+$0xFFFFFFB0];
	_ =	sdelay $0x4  }
0x45f: {  	v10 =	vadd.f32 v11, v10;
	_ =	sdelay $0x1  }
0x460: {  	[tilespmem:v12+s5+$0x0] =	vst.idx.msk $0xffff, v10  }
0x461: {  	v10 =	vld [tilespmem:s28+$0x30]  }
0x462: {  	v11 =	vld [tilespmem:s24+$0xFFFFFFC0];
	_ =	sdelay $0x4  }
0x463: {  	v10 =	vadd.f32 v11, v10;
	_ =	sdelay $0x1  }
0x464: {  	[tilespmem:v9+s5+$0x0] =	vst.idx.msk $0xffff, v10  }
0x465: {  	v9 =	vld [tilespmem:s28+$0x40]  }
0x466: {  	v10 =	vld [tilespmem:s24+$0xFFFFFFD0];
	_ =	sdelay $0x4  }
0x467: {  	v9 =	vadd.f32 v10, v9;
	_ =	sdelay $0x1  }
0x468: {  	[tilespmem:v8+s5+$0x0] =	vst.idx.msk $0xffff, v9  }
0x469: {  	v8 =	vld [tilespmem:s28+$0x50]  }
0x46a: {  	v9 =	vld [tilespmem:s24+$0xFFFFFFE0];
	_ =	sdelay $0x4  }
.Ltmp3:
0x46b: {  	v8 =	vadd.f32 v9, v8;
	(pc) =	sbr.rel @p0 .LBB2_9-.Ltmp3, $4  }
0x46c: {  	_ = 	snop  }
0x46d: {  	[tilespmem:v7+s5+$0x0] =	vst.idx.msk $0xffff, v8  }
0x46e: {  	v7 =	vld [tilespmem:s28+$0x60]  }
0x46f: {  	v8 =	vld [tilespmem:s24+$0xFFFFFFF0]  }
0x470: {  	_ =	sdelay $0x3  }
0x471: {  	v4 =	vadd.f32 v8, v7;
	_ =	sdelay $0x1  }
0x472: {  	[tilespmem:v6+s5+$0x0] =	vst.idx.msk $0xffff, v4  }
0x473: {  	v4 =	vld [tilespmem:s0+$0x70]  }
0x474: {  	v6 =	vld [tilespmem:s9+$0x0];
	_ =	sdelay $0x3  }
0x475: {  	s24 =	sshll.u32 s26, $0xA  }
0x476: {  	s0 =	sor.u32 s24, s25;
	v4 =	vadd.f32 v6, v4  }
0x477: {  	s0 =	sshrl.u32 s0, $0x3  }
0x478: {  	s9 =	sadd.s32 s1, s0;
	[tilespmem:v5+s5+$0x0] =	vst.idx.msk $0xffff, v4  }
0x479: {  	[hbm4b:s9+s2] =	stream.linear.scatter [tilespmem:s5], [sflag:$0x2], $0x80, $0x38;
	[tilespmem:$0x1C400] =	vst v63  }
0x47a: {  	s26 =	simm.s32 $0xA288;
	s24 =	sadd.s32 $0x10, s9  }
0x47b: {  	[hbm4b:s24+s2] =	stream.linear.scatter [tilespmem:s26], [sflag:$0x2], $0x80, $0x38;
	[tilespmem:$0x1C400] =	vst v63  }
0x47c: {  	s29 =	simm.s32 $0xA310;
	s28 =	sadd.s32 $0x20, s9  }
0x47d: {  	[hbm4b:s28+s2] =	stream.linear.scatter [tilespmem:s29], [sflag:$0x2], $0x80, $0x38;
	[tilespmem:$0x1C400] =	vst v63  }
0x47e: {  	s31 =	simm.s32 $0xA398;
	s30 =	sadd.s32 $0x30, s9  }
0x47f: {  	[hbm4b:s30+s2] =	stream.linear.scatter [tilespmem:s31], [sflag:$0x2], $0x80, $0x38;
	[tilespmem:$0x1C400] =	vst v63  }
0x480: {  	s25 =	sadd.s32 $0x40, s9;
	s26 =	simm.s32 $0xA420  }
0x481: {  	[hbm4b:s25+s2] =	stream.linear.scatter [tilespmem:s26], [sflag:$0x2], $0x80, $0x38;
	[tilespmem:$0x1C400] =	vst v63  }
0x482: {  	s28 =	sadd.s32 $0x50, s9;
	s29 =	simm.s32 $0xA4A8  }
0x483: {  	[hbm4b:s28+s2] =	stream.linear.scatter [tilespmem:s29], [sflag:$0x2], $0x80, $0x38;
	[tilespmem:$0x1C400] =	vst v63  }
0x484: {  	s30 =	sadd.s32 $0x60, s9;
	s31 =	simm.s32 $0xA530  }
0x485: {  	[hbm4b:s30+s2] =	stream.linear.scatter [tilespmem:s31], [sflag:$0x2], $0x80, $0x38;
	[tilespmem:$0x1C400] =	vst v63  }
0x486: {  	s9 =	sadd.s32 $0x70, s9;
	s25 =	simm.s32 $0xA5B8  }
0x487: {  	[hbm4b:s9+s2] =	stream.linear.scatter [tilespmem:s25], [sflag:$0x2], $0x80, $0x38;
	[tilespmem:$0x1C400] =	vst v63  }
0x488: {  	s26 =	simm.s32 $0xA640;
	s9 =	sadd.s32 s0, s7  }
0x489: {  	[hbm4b:s9+s2] =	stream.linear.scatter [tilespmem:s26], [sflag:$0x2], $0x80, $0x38;
	[tilespmem:$0x1C400] =	vst v63  }
0x48a: {  	s29 =	simm.s32 $0xA6C8;
	s28 =	sadd.s32 $0x10, s9  }
0x48b: {  	[hbm4b:s28+s2] =	stream.linear.scatter [tilespmem:s29], [sflag:$0x2], $0x80, $0x38;
	[tilespmem:$0x1C400] =	vst v63  }
0x48c: {  	s31 =	simm.s32 $0xA750;
	s30 =	sadd.s32 $0x20, s9  }
0x48d: {  	[hbm4b:s30+s2] =	stream.linear.scatter [tilespmem:s31], [sflag:$0x2], $0x80, $0x38;
	[tilespmem:$0x1C400] =	vst v63  }
0x48e: {  	s25 =	sadd.s32 $0x30, s9;
	s26 =	simm.s32 $0xA7D8  }
0x48f: {  	[hbm4b:s25+s2] =	stream.linear.scatter [tilespmem:s26], [sflag:$0x2], $0x80, $0x38;
	[tilespmem:$0x1C400] =	vst v63  }
0x490: {  	s28 =	sadd.s32 $0x40, s9;
	s29 =	simm.s32 $0xA860  }
0x491: {  	[hbm4b:s28+s2] =	stream.linear.scatter [tilespmem:s29], [sflag:$0x2], $0x80, $0x38;
	[tilespmem:$0x1C400] =	vst v63  }
0x492: {  	s30 =	sadd.s32 $0x50, s9;
	s31 =	simm.s32 $0xA8E8  }
0x493: {  	[hbm4b:s30+s2] =	stream.linear.scatter [tilespmem:s31], [sflag:$0x2], $0x80, $0x38;
	[tilespmem:$0x1C400] =	vst v63  }
0x494: {  	s25 =	sadd.s32 $0x60, s9;
	s26 =	simm.s32 $0xA970  }
0x495: {  	[hbm4b:s25+s2] =	stream.linear.scatter [tilespmem:s26], [sflag:$0x2], $0x80, $0x38;
	[tilespmem:$0x1C400] =	vst v63  }
0x496: {  	s9 =	sadd.s32 $0x70, s9;
	s28 =	simm.s32 $0xA9F8  }
0x497: {  	[hbm4b:s9+s2] =	stream.linear.scatter [tilespmem:s28], [sflag:$0x2], $0x80, $0x38;
	[tilespmem:$0x1C400] =	vst v63  }
0x498: {  	s29 =	simm.s32 $0xAA80;
	s9 =	sadd.s32 s0, s11  }
0x499: {  	[hbm4b:s9+s2] =	stream.linear.scatter [tilespmem:s29], [sflag:$0x2], $0x80, $0x38;
	[tilespmem:$0x1C400] =	vst v63  }
0x49a: {  	s31 =	simm.s32 $0xAB08;
	s30 =	sadd.s32 $0x10, s9  }
0x49b: {  	[hbm4b:s30+s2] =	stream.linear.scatter [tilespmem:s31], [sflag:$0x2], $0x80, $0x38;
	[tilespmem:$0x1C400] =	vst v63  }
0x49c: {  	s26 =	simm.s32 $0xAB90;
	s25 =	sadd.s32 $0x20, s9  }
0x49d: {  	[hbm4b:s25+s2] =	stream.linear.scatter [tilespmem:s26], [sflag:$0x2], $0x80, $0x38;
	[tilespmem:$0x1C400] =	vst v63  }
0x49e: {  	s28 =	sadd.s32 $0x30, s9;
	s29 =	simm.s32 $0xAC18  }
0x49f: {  	[hbm4b:s28+s2] =	stream.linear.scatter [tilespmem:s29], [sflag:$0x2], $0x80, $0x38;
	[tilespmem:$0x1C400] =	vst v63  }
0x4a0: {  	s30 =	sadd.s32 $0x40, s9;
	s31 =	simm.s32 $0xACA0  }
0x4a1: {  	[hbm4b:s30+s2] =	stream.linear.scatter [tilespmem:s31], [sflag:$0x2], $0x80, $0x38;
	[tilespmem:$0x1C400] =	vst v63  }
0x4a2: {  	s25 =	sadd.s32 $0x50, s9;
	s26 =	simm.s32 $0xAD28  }
0x4a3: {  	[hbm4b:s25+s2] =	stream.linear.scatter [tilespmem:s26], [sflag:$0x2], $0x80, $0x38;
	[tilespmem:$0x1C400] =	vst v63  }
0x4a4: {  	s28 =	sadd.s32 $0x60, s9;
	s29 =	simm.s32 $0xADB0  }
0x4a5: {  	[hbm4b:s28+s2] =	stream.linear.scatter [tilespmem:s29], [sflag:$0x2], $0x80, $0x38;
	[tilespmem:$0x1C400] =	vst v63  }
0x4a6: {  	s9 =	sadd.s32 $0x70, s9;
	s30 =	simm.s32 $0xAE38  }
0x4a7: {  	[hbm4b:s9+s2] =	stream.linear.scatter [tilespmem:s30], [sflag:$0x2], $0x80, $0x38;
	[tilespmem:$0x1C400] =	vst v63  }
0x4a8: {  	s31 =	simm.s32 $0xAEC0;
	s9 =	sadd.s32 s0, s12  }
0x4a9: {  	[hbm4b:s9+s2] =	stream.linear.scatter [tilespmem:s31], [sflag:$0x2], $0x80, $0x38;
	[tilespmem:$0x1C400] =	vst v63  }
0x4aa: {  	s26 =	simm.s32 $0xAF48;
	s25 =	sadd.s32 $0x10, s9  }
0x4ab: {  	[hbm4b:s25+s2] =	stream.linear.scatter [tilespmem:s26], [sflag:$0x2], $0x80, $0x38;
	[tilespmem:$0x1C400] =	vst v63  }
0x4ac: {  	s29 =	simm.s32 $0xAFD0;
	s28 =	sadd.s32 $0x20, s9  }
0x4ad: {  	[hbm4b:s28+s2] =	stream.linear.scatter [tilespmem:s29], [sflag:$0x2], $0x80, $0x38;
	[tilespmem:$0x1C400] =	vst v63  }
0x4ae: {  	s30 =	sadd.s32 $0x30, s9;
	s31 =	simm.s32 $0xB058  }
0x4af: {  	[hbm4b:s30+s2] =	stream.linear.scatter [tilespmem:s31], [sflag:$0x2], $0x80, $0x38;
	[tilespmem:$0x1C400] =	vst v63  }
0x4b0: {  	s25 =	sadd.s32 $0x40, s9;
	s26 =	simm.s32 $0xB0E0  }
0x4b1: {  	[hbm4b:s25+s2] =	stream.linear.scatter [tilespmem:s26], [sflag:$0x2], $0x80, $0x38;
	[tilespmem:$0x1C400] =	vst v63  }
0x4b2: {  	s28 =	sadd.s32 $0x50, s9;
	s29 =	simm.s32 $0xB168  }
0x4b3: {  	[hbm4b:s28+s2] =	stream.linear.scatter [tilespmem:s29], [sflag:$0x2], $0x80, $0x38;
	[tilespmem:$0x1C400] =	vst v63  }
0x4b4: {  	s30 =	sadd.s32 $0x60, s9;
	s31 =	simm.s32 $0xB1F0  }
0x4b5: {  	[hbm4b:s30+s2] =	stream.linear.scatter [tilespmem:s31], [sflag:$0x2], $0x80, $0x38;
	[tilespmem:$0x1C400] =	vst v63  }
0x4b6: {  	s9 =	sadd.s32 $0x70, s9;
	s25 =	simm.s32 $0xB278  }
0x4b7: {  	[hbm4b:s9+s2] =	stream.linear.scatter [tilespmem:s25], [sflag:$0x2], $0x80, $0x38;
	[tilespmem:$0x1C400] =	vst v63  }
0x4b8: {  	s26 =	simm.s32 $0xB300;
	s9 =	sadd.s32 s0, s13  }
0x4b9: {  	[hbm4b:s9+s2] =	stream.linear.scatter [tilespmem:s26], [sflag:$0x2], $0x80, $0x38;
	[tilespmem:$0x1C400] =	vst v63  }
0x4ba: {  	s29 =	simm.s32 $0xB388;
	s28 =	sadd.s32 $0x10, s9  }
0x4bb: {  	[hbm4b:s28+s2] =	stream.linear.scatter [tilespmem:s29], [sflag:$0x2], $0x80, $0x38;
	[tilespmem:$0x1C400] =	vst v63  }
0x4bc: {  	s31 =	simm.s32 $0xB410;
	s30 =	sadd.s32 $0x20, s9  }
0x4bd: {  	[hbm4b:s30+s2] =	stream.linear.scatter [tilespmem:s31], [sflag:$0x2], $0x80, $0x38;
	[tilespmem:$0x1C400] =	vst v63  }
0x4be: {  	s25 =	sadd.s32 $0x30, s9;
	s26 =	simm.s32 $0xB498  }
0x4bf: {  	[hbm4b:s25+s2] =	stream.linear.scatter [tilespmem:s26], [sflag:$0x2], $0x80, $0x38;
	[tilespmem:$0x1C400] =	vst v63  }
0x4c0: {  	s28 =	sadd.s32 $0x40, s9;
	s29 =	simm.s32 $0xB520  }
0x4c1: {  	[hbm4b:s28+s2] =	stream.linear.scatter [tilespmem:s29], [sflag:$0x2], $0x80, $0x38;
	[tilespmem:$0x1C400] =	vst v63  }
0x4c2: {  	s30 =	sadd.s32 $0x50, s9;
	s31 =	simm.s32 $0xB5A8  }
0x4c3: {  	[hbm4b:s30+s2] =	stream.linear.scatter [tilespmem:s31], [sflag:$0x2], $0x80, $0x38;
	[tilespmem:$0x1C400] =	vst v63  }
0x4c4: {  	s25 =	sadd.s32 $0x60, s9;
	s26 =	simm.s32 $0xB630  }
0x4c5: {  	[hbm4b:s25+s2] =	stream.linear.scatter [tilespmem:s26], [sflag:$0x2], $0x80, $0x38;
	[tilespmem:$0x1C400] =	vst v63  }
0x4c6: {  	s9 =	sadd.s32 $0x70, s9;
	s28 =	simm.s32 $0xB6B8  }
0x4c7: {  	[hbm4b:s9+s2] =	stream.linear.scatter [tilespmem:s28], [sflag:$0x2], $0x80, $0x38;
	[tilespmem:$0x1C400] =	vst v63  }
0x4c8: {  	s29 =	simm.s32 $0xB740;
	s9 =	sadd.s32 s0, s17  }
0x4c9: {  	[hbm4b:s9+s2] =	stream.linear.scatter [tilespmem:s29], [sflag:$0x2], $0x80, $0x38;
	[tilespmem:$0x1C400] =	vst v63  }
0x4ca: {  	s31 =	simm.s32 $0xB7C8;
	s30 =	sadd.s32 $0x10, s9  }
0x4cb: {  	[hbm4b:s30+s2] =	stream.linear.scatter [tilespmem:s31], [sflag:$0x2], $0x80, $0x38;
	[tilespmem:$0x1C400] =	vst v63  }
0x4cc: {  	s26 =	simm.s32 $0xB850;
	s25 =	sadd.s32 $0x20, s9  }
0x4cd: {  	[hbm4b:s25+s2] =	stream.linear.scatter [tilespmem:s26], [sflag:$0x2], $0x80, $0x38;
	[tilespmem:$0x1C400] =	vst v63  }
0x4ce: {  	s28 =	sadd.s32 $0x30, s9;
	s29 =	simm.s32 $0xB8D8  }
0x4cf: {  	[hbm4b:s28+s2] =	stream.linear.scatter [tilespmem:s29], [sflag:$0x2], $0x80, $0x38;
	[tilespmem:$0x1C400] =	vst v63  }
0x4d0: {  	s30 =	sadd.s32 $0x40, s9;
	s31 =	simm.s32 $0xB960  }
0x4d1: {  	[hbm4b:s30+s2] =	stream.linear.scatter [tilespmem:s31], [sflag:$0x2], $0x80, $0x38;
	[tilespmem:$0x1C400] =	vst v63  }
0x4d2: {  	s25 =	sadd.s32 $0x50, s9;
	s26 =	simm.s32 $0xB9E8  }
0x4d3: {  	[hbm4b:s25+s2] =	stream.linear.scatter [tilespmem:s26], [sflag:$0x2], $0x80, $0x38;
	[tilespmem:$0x1C400] =	vst v63  }
0x4d4: {  	s28 =	sadd.s32 $0x60, s9;
	s29 =	simm.s32 $0xBA70  }
0x4d5: {  	[hbm4b:s28+s2] =	stream.linear.scatter [tilespmem:s29], [sflag:$0x2], $0x80, $0x38;
	[tilespmem:$0x1C400] =	vst v63  }
0x4d6: {  	s9 =	sadd.s32 $0x70, s9;
	s30 =	simm.s32 $0xBAF8  }
0x4d7: {  	[hbm4b:s9+s2] =	stream.linear.scatter [tilespmem:s30], [sflag:$0x2], $0x80, $0x38;
	[tilespmem:$0x1C400] =	vst v63  }
0x4d8: {  	s31 =	simm.s32 $0xBB80;
	s9 =	sadd.s32 s0, s18  }
0x4d9: {  	[hbm4b:s9+s2] =	stream.linear.scatter [tilespmem:s31], [sflag:$0x2], $0x80, $0x38;
	[tilespmem:$0x1C400] =	vst v63  }
0x4da: {  	s26 =	simm.s32 $0xBC08;
	s25 =	sadd.s32 $0x10, s9  }
0x4db: {  	[hbm4b:s25+s2] =	stream.linear.scatter [tilespmem:s26], [sflag:$0x2], $0x80, $0x38;
	[tilespmem:$0x1C400] =	vst v63  }
0x4dc: {  	s29 =	simm.s32 $0xBC90;
	s28 =	sadd.s32 $0x20, s9  }
0x4dd: {  	[hbm4b:s28+s2] =	stream.linear.scatter [tilespmem:s29], [sflag:$0x2], $0x80, $0x38;
	[tilespmem:$0x1C400] =	vst v63  }
0x4de: {  	s30 =	sadd.s32 $0x30, s9;
	s31 =	simm.s32 $0xBD18  }
0x4df: {  	[hbm4b:s30+s2] =	stream.linear.scatter [tilespmem:s31], [sflag:$0x2], $0x80, $0x38;
	[tilespmem:$0x1C400] =	vst v63  }
0x4e0: {  	s25 =	sadd.s32 $0x40, s9;
	s26 =	simm.s32 $0xBDA0  }
0x4e1: {  	[hbm4b:s25+s2] =	stream.linear.scatter [tilespmem:s26], [sflag:$0x2], $0x80, $0x38;
	[tilespmem:$0x1C400] =	vst v63  }
0x4e2: {  	s28 =	sadd.s32 $0x50, s9;
	s29 =	simm.s32 $0xBE28  }
0x4e3: {  	[hbm4b:s28+s2] =	stream.linear.scatter [tilespmem:s29], [sflag:$0x2], $0x80, $0x38;
	[tilespmem:$0x1C400] =	vst v63  }
0x4e4: {  	s30 =	sadd.s32 $0x60, s9;
	s31 =	simm.s32 $0xBEB0  }
0x4e5: {  	[hbm4b:s30+s2] =	stream.linear.scatter [tilespmem:s31], [sflag:$0x2], $0x80, $0x38;
	[tilespmem:$0x1C400] =	vst v63  }
0x4e6: {  	s9 =	sadd.s32 $0x70, s9;
	s25 =	simm.s32 $0xBF38  }
0x4e7: {  	[hbm4b:s9+s2] =	stream.linear.scatter [tilespmem:s25], [sflag:$0x2], $0x80, $0x38;
	[tilespmem:$0x1C400] =	vst v63  }
0x4e8: {  	s0 =	sadd.s32 s0, s19;
	s26 =	simm.s32 $0xBFC0  }
0x4e9: {  	[hbm4b:s0+s2] =	stream.linear.scatter [tilespmem:s26], [sflag:$0x2], $0x80, $0x38;
	[tilespmem:$0x1C400] =	vst v63  }
0x4ea: {  	s28 =	sadd.s32 $0x10, s0;
	s29 =	simm.s32 $0xC048  }
0x4eb: {  	[hbm4b:s28+s2] =	stream.linear.scatter [tilespmem:s29], [sflag:$0x2], $0x80, $0x38;
	[tilespmem:$0x1C400] =	vst v63  }
0x4ec: {  	s30 =	sadd.s32 $0x20, s0;
	s31 =	simm.s32 $0xC0D0  }
0x4ed: {  	[hbm4b:s30+s2] =	stream.linear.scatter [tilespmem:s31], [sflag:$0x2], $0x80, $0x38;
	[tilespmem:$0x1C400] =	vst v63  }
0x4ee: {  	s24 =	sadd.s32 $0x30, s0;
	s25 =	simm.s32 $0xC158  }
0x4ef: {  	[hbm4b:s24+s2] =	stream.linear.scatter [tilespmem:s25], [sflag:$0x2], $0x80, $0x38;
	[tilespmem:$0x1C400] =	vst v63  }
0x4f0: {  	s23 =	sadd.s32 $0x1, s23;
	s26 =	sadd.s32 $0x40, s0;
	s28 =	simm.s32 $0xC1E0  }
0x4f1: {  	[hbm4b:s26+s2] =	stream.linear.scatter [tilespmem:s28], [sflag:$0x2], $0x80, $0x38;
	[tilespmem:$0x1C400] =	vst v63  }
0x4f2: {  	p0 =	sne.s32 s23, $0x80;
	s29 =	sadd.s32 $0x50, s0;
	s30 =	simm.s32 $0xC268  }
0x4f3: {  	[hbm4b:s29+s2] =	stream.linear.scatter [tilespmem:s30], [sflag:$0x2], $0x80, $0x38;
	[tilespmem:$0x1C400] =	vst v63  }
.Ltmp4:
0x4f4: {  	_ = 	snop;
	(pc) =	sbr.rel @p0 .LBB2_6-.Ltmp4, $4  }
0x4f5: {  	s31 =	sadd.s32 $0x60, s0  }
0x4f6: {  	[hbm4b:s31+s2] =	stream.linear.scatter [tilespmem:s15], [sflag:$0x2], $0x80, $0x38;
	[tilespmem:$0x1C400] =	vst v63  }
0x4f7: {  	s21 =	sadd.s32 $0x1, s21;
	s22 =	sadd.s32 $0x2, s22;
	s0 =	sadd.s32 $0x70, s0  }
0x4f8: {  	[hbm4b:s0+s2] =	stream.linear.scatter [tilespmem:s16], [sflag:$0x2], $0x80, $0x38;
	[tilespmem:$0x1C400] =	vst v63  }
0x4f9: {  	_ =	swait.ge [sflag:s20], $0x400  }
0x4fa: {  	[sflag:s20] =	ssyncset.done $0x0  }
0x4fb: {  	[sflag:s20] =	ssyncadd.s32 $0xFFFFFC00  }
0x4fc: {  	_ =	swait.ge [sflag:s20], $0x400  }
0x4fd: {  	[sflag:s20] =	ssyncset.done $0x0  }
0x4fe: {  	[sflag:s20] =	ssyncadd.s32 $0xFFFFFC00  }
0x4ff: {  	_ =	swait.ge [sflag:s20], $0x400  }
0x500: {  	[sflag:s20] =	ssyncset.done $0x0  }
0x501: {  	[sflag:s20] =	ssyncadd.s32 $0xFFFFFC00  }
0x502: {  	_ =	swait.ge [sflag:s20], $0x400  }
0x503: {  	[sflag:s20] =	ssyncset.done $0x0  }
0x504: {  	[sflag:s20] =	ssyncadd.s32 $0xFFFFFC00  }
0x505: {  	_ =	swait.ge [sflag:s20], $0x400  }
0x506: {  	[sflag:s20] =	ssyncset.done $0x0  }
0x507: {  	[sflag:s20] =	ssyncadd.s32 $0xFFFFFC00  }
0x508: {  	_ =	swait.ge [sflag:s20], $0x400  }
0x509: {  	[sflag:s20] =	ssyncset.done $0x0  }
0x50a: {  	[sflag:s20] =	ssyncadd.s32 $0xFFFFFC00  }
0x50b: {  	_ =	swait.ge [sflag:s20], $0x400  }
0x50c: {  	[sflag:s20] =	ssyncset.done $0x0  }
0x50d: {  	[sflag:s20] =	ssyncadd.s32 $0xFFFFFC00  }
0x50e: {  	_ =	swait.ge [sflag:s20], $0x400  }
0x50f: {  	[sflag:s20] =	ssyncset.done $0x0  }
0x510: {  	[sflag:s20] =	ssyncadd.s32 $0xFFFFFC00  }
0x511: {  	_ =	swait.ge [sflag:s20], $0x400  }
0x512: {  	[sflag:s20] =	ssyncset.done $0x0  }
0x513: {  	[sflag:s20] =	ssyncadd.s32 $0xFFFFFC00  }
0x514: {  	_ =	swait.ge [sflag:s20], $0x400  }
0x515: {  	[sflag:s20] =	ssyncset.done $0x0  }
0x516: {  	[sflag:s20] =	ssyncadd.s32 $0xFFFFFC00  }
0x517: {  	_ =	swait.ge [sflag:s20], $0x400  }
0x518: {  	[sflag:s20] =	ssyncset.done $0x0  }
0x519: {  	[sflag:s20] =	ssyncadd.s32 $0xFFFFFC00  }
0x51a: {  	_ =	swait.ge [sflag:s20], $0x400  }
0x51b: {  	[sflag:s20] =	ssyncset.done $0x0  }
0x51c: {  	[sflag:s20] =	ssyncadd.s32 $0xFFFFFC00  }
0x51d: {  	_ =	swait.ge [sflag:s20], $0x400  }
0x51e: {  	[sflag:s20] =	ssyncset.done $0x0  }
0x51f: {  	[sflag:s20] =	ssyncadd.s32 $0xFFFFFC00  }
0x520: {  	_ =	swait.ge [sflag:s20], $0x400  }
0x521: {  	[sflag:s20] =	ssyncset.done $0x0  }
0x522: {  	[sflag:s20] =	ssyncadd.s32 $0xFFFFFC00  }
0x523: {  	_ =	swait.ge [sflag:s20], $0x400  }
0x524: {  	[sflag:s20] =	ssyncset.done $0x0  }
0x525: {  	[sflag:s20] =	ssyncadd.s32 $0xFFFFFC00  }
0x526: {  	_ =	swait.ge [sflag:s20], $0x400  }
0x527: {  	s9 =	rddreg [dreg:$0x17]  }
0x528: {  	s0 =	rddreg [dreg:$0x10];
	s9 =	sadd.s32 $0x1, s9  }
0x529: {  	p0 =	sne.s32 s9, s0  }
.Ltmp5:
0x52a: {  	_ = 	snop;
	(pc) =	sbr.rel @p0 .LBB2_1-.Ltmp5, $3  }
0x52b: {  	_ =	sdelay $0x1  }
0x52c: {  	[sflag:s20] =	ssyncset.done $0x0  }
0x52d: {  	s26 =	simm.s32 $0x4000;
	[sflag:s20] =	ssyncadd.s32 $0xFFFFFC00  }
0x52e: {  	_ =	sfence.sel $0x180000  }
0x52f: {  	[bflag:$0x0] =	sbarrier.arrive $0xFFFF  }
0x530: {  	_ =	strace $0x90000047  }
0x531: {  	s0 =	stileid.u32;
	[bflag:$0x2] =	sbarrier.arrive $0xFFFF  }
0x532: {  	p0 =	sne.s32 s0, $0x0;
	s0 =	rddreg [dreg:$0x3]  }
0x533: {  	s0 =	sadd.s32 @!p0 $0x100000, s0  }
0x534: {  	[sflag:s0] =	ssyncadd.tile.s32 @!p0 $0x1;
	_ =	shalt  }
.Lfunc_end2:
_tile_overlayer_lowered:
.L_overlay_start_2:
0x535: {  	(tag) =	ssettag $0x2  }
0x536: {  	s0 =	rddreg [dreg:$0x0];
	s2 =	stileid.u32  }
0x537: {  	s1 =	rddreg [dreg:$0x1];
	p0 =	sne.s32 s2, $0x0  }
0x538: {  	s3 =	rddreg [dreg:$0x2];
	[bflag:$0x3] =	sbarrier.arrive $0xFFFF;
	s2 =	simm.s32 @!p0 $0x1C03  }
0x539: {  	[timem:s3], [sflag:s2] =	dma.local @!p0 [hbm:s0], s1  }
0x53a: {  	s0 =	simm.s32 @!p0 $0x3  }
0x53b: {  	_ =	swait.ge @!p0 [sflag:s0], s1  }
0x53c: {  	s1 =	ssub.s32 @!p0 $0x0, s1;
	[sflag:s0] =	ssyncset.done @!p0 $0x0  }
0x53d: {  	[sflag:s0] =	ssyncadd.s32 @!p0 s1  }
0x53e: {  	[bflag:$0x3] =	sbarrier.arrive $0xFFFF  }
0x53f: {  	_ =	shalt  }

</sc_bundles>
